<compile_context>
chip_gen: v7x
topology: tpu7x:2x2x1
jax: 0.10.2.dev20260603
libtpu: 0.0.44.dev20260713+nightly
codegen_flags: <defaults>
</compile_context>

<pallas_src>
import functools

import jax
import jax.numpy as jnp
from jax import lax
from jax.experimental import pallas as pl
from jax.experimental.pallas import tpu as pltpu
from jax.experimental.pallas import tpu_sc as plsc

U = 5000
D = 128
E = 320000
P = 32768
NLAYER = 3

NT = 16
NP = 5120
ROWS = NP // NT
EC = 112
NCH = 180
EPT = NCH * EC
EBLK = 32
SEC = 128

_mesh = plsc.VectorSubcoreMesh(core_axis_name="c", subcore_axis_name="s")


@functools.partial(
    pl.kernel,
    out_type=jax.ShapeDtypeStruct((2 * NP,), jnp.float32),
    mesh=_mesh,
    scratch_types=[
        pltpu.VMEM((NCH, EC), jnp.int32),
        pltpu.VMEM((EC,), jnp.float32),
        pltpu.VMEM((ROWS,), jnp.float32),
        pltpu.VMEM_SHARED((NP,), jnp.float32),
    ],
)
def _degree_kernel(idx_hbm, deg_hbm, idx_v, ones_v, stage_v, acc_sh):
    c = lax.axis_index("c")
    s = lax.axis_index("s")

    def fill(i, _):
        ones_v[pl.ds(i * 16, 16)] = jnp.ones((16,), jnp.float32)
        return 0
    lax.fori_loop(0, EC // 16, fill, 0)

    def zfill(i, _):
        stage_v[pl.ds(i * 16, 16)] = jnp.zeros((16,), jnp.float32)
        return 0
    lax.fori_loop(0, ROWS // 16, zfill, 0)
    pltpu.sync_copy(stage_v, acc_sh.at[pl.ds(s * ROWS, ROWS)])
    pltpu.sync_copy(idx_hbm.at[c, s], idx_v)
    plsc.subcore_barrier()

    def body(j, _):
        pltpu.sync_copy(ones_v, acc_sh.at[idx_v.at[j]], add=True)
        return 0
    lax.fori_loop(0, NCH, body, 0)

    plsc.subcore_barrier()
    pltpu.sync_copy(acc_sh.at[pl.ds(s * ROWS, ROWS)], stage_v)
    pltpu.sync_copy(stage_v, deg_hbm.at[pl.ds(c * NP + s * ROWS, ROWS)])


@functools.partial(
    pl.kernel,
    out_type=(jax.ShapeDtypeStruct((2, NP, D), jnp.float32),
              jax.ShapeDtypeStruct((2, NP, D), jnp.float32)),
    mesh=_mesh,
    scratch_types=[
        pltpu.VMEM((NCH, EC), jnp.int32),
        pltpu.VMEM((NCH, EC), jnp.int32),
        pltpu.VMEM((EC, D), jnp.float32),
        pltpu.VMEM((EC, D), jnp.float32),
        pltpu.VMEM((EC, D), jnp.float32),
        pltpu.VMEM_SHARED((NP, D), jnp.float32),
        pltpu.SemaphoreType.DMA,
        pltpu.SemaphoreType.DMA,
        pltpu.SemaphoreType.DMA,
        pltpu.SemaphoreType.DMA,
        pltpu.SemaphoreType.DMA,
        pltpu.SemaphoreType.DMA,
    ],
)
def _layer_kernel(g_hbm, hsum_hbm, idx_hbm, nsqb_hbm, nb_hbm, zeros_hbm,
                  gnext_hbm, hout_hbm,
                  gidx_v, sidx_v, bufa, bufb, bufc, acc_sh,
                  gsa, gsb, gsc, ssa, ssb, ssc):
    c = lax.axis_index("c")
    s = lax.axis_index("s")
    d = 1 - c

    pltpu.sync_copy(zeros_hbm.at[pl.ds(0, EBLK)], bufa.at[pl.ds(0, EBLK)])

    def zblk(b, _):
        pltpu.sync_copy(bufa.at[pl.ds(0, EBLK)],
                        acc_sh.at[pl.ds(s * ROWS + b * EBLK, EBLK)])
        return 0
    lax.fori_loop(0, ROWS // EBLK, zblk, 0)
    pltpu.sync_copy(idx_hbm.at[c, s], gidx_v)
    pltpu.sync_copy(idx_hbm.at[d, s], sidx_v)
    plsc.subcore_barrier()

    table = g_hbm.at[c]

    def g_of(kk):
        return gidx_v.at[jnp.where(kk < NCH, kk, 0)]

    pltpu.async_copy(table.at[gidx_v.at[0]], bufa, gsa)
    pltpu.async_copy(table.at[gidx_v.at[1]], bufb, gsb)

    def body(j, _):
        k0 = 3 * j
        pltpu.make_async_copy(table.at[g_of(k0)], bufa, gsa).wait()
        pltpu.async_copy(bufa, acc_sh.at[sidx_v.at[k0]], ssa, add=True)

        @pl.when(j >= 1)
        def _():
            pltpu.make_async_copy(bufc, acc_sh.at[sidx_v.at[k0 - 1]],
                                  ssc).wait()
        pltpu.async_copy(table.at[g_of(k0 + 2)], bufc, gsc)
        pltpu.make_async_copy(table.at[g_of(k0 + 1)], bufb, gsb).wait()
        pltpu.async_copy(bufb, acc_sh.at[sidx_v.at[k0 + 1]], ssb, add=True)
        pltpu.make_async_copy(bufa, acc_sh.at[sidx_v.at[k0]], ssa).wait()
        pltpu.async_copy(table.at[g_of(k0 + 3)], bufa, gsa)
        pltpu.make_async_copy(table.at[g_of(k0 + 2)], bufc, gsc).wait()
        pltpu.async_copy(bufc, acc_sh.at[sidx_v.at[k0 + 2]], ssc, add=True)
        pltpu.make_async_copy(bufb, acc_sh.at[sidx_v.at[k0 + 1]], ssb).wait()
        pltpu.async_copy(table.at[g_of(k0 + 4)], bufb, gsb)
        return 0
    lax.fori_loop(0, NCH // 3, body, 0)
    pltpu.make_async_copy(table.at[gidx_v.at[0]], bufa, gsa).wait()
    pltpu.make_async_copy(table.at[gidx_v.at[0]], bufb, gsb).wait()
    pltpu.make_async_copy(bufc, acc_sh.at[sidx_v.at[NCH - 1]], ssc).wait()

    plsc.subcore_barrier()

    eacc = bufa.at[pl.ds(0, EBLK)]
    escl = bufb.at[pl.ds(0, EBLK)]
    eres = bufc.at[pl.ds(0, EBLK)]

    def eblock(blk, _):
        r0 = s * ROWS + blk * EBLK
        pltpu.sync_copy(acc_sh.at[pl.ds(r0, EBLK)], eacc)
        pltpu.sync_copy(nsqb_hbm.at[d, pl.ds(r0, EBLK)], escl)

        def rows_g(r, _):
            for q in range(D // 16):
                sl = pl.ds(q * 16, 16)
                bufb[r, sl] = bufa[r, sl] * bufb[r, sl]
            return 0
        lax.fori_loop(0, EBLK, rows_g, 0)
        pltpu.sync_copy(escl, gnext_hbm.at[d, pl.ds(r0, EBLK)])

        pltpu.sync_copy(nb_hbm.at[d, pl.ds(r0, EBLK)], escl)
        pltpu.sync_copy(hsum_hbm.at[d, pl.ds(r0, EBLK)], eres)

        def rows_h(r, _):
            for q in range(D // 16):
                sl = pl.ds(q * 16, 16)
                bufc[r, sl] = bufc[r, sl] + bufa[r, sl] * bufb[r, sl]
            return 0
        lax.fori_loop(0, EBLK, rows_h, 0)
        pltpu.sync_copy(eres, hout_hbm.at[d, pl.ds(r0, EBLK)])
        return 0
    lax.fori_loop(0, ROWS // EBLK, eblock, 0)


@functools.partial(
    pl.kernel,
    out_type=jax.ShapeDtypeStruct((2, 2, P, D), jnp.float32),
    mesh=_mesh,
    scratch_types=[
        pltpu.VMEM((2 * (P // NT // SEC), SEC), jnp.int32),
        pltpu.VMEM((SEC, D), jnp.float32),
        pltpu.VMEM((SEC, D), jnp.float32),
        pltpu.VMEM((SEC, D), jnp.float32),
        pltpu.VMEM((SEC, D), jnp.float32),
        pltpu.SemaphoreType.DMA,
        pltpu.SemaphoreType.DMA,
        pltpu.SemaphoreType.DMA,
        pltpu.SemaphoreType.DMA,
        pltpu.SemaphoreType.DMA,
        pltpu.SemaphoreType.DMA,
        pltpu.SemaphoreType.DMA,
        pltpu.SemaphoreType.DMA,
    ],
)
def _score_gather_kernel(hsum_hbm, pidx_hbm, out_hbm, cidx_v, ba, bb, bc, bd,
                         ga, gb, gc, gd, wa, wb, wc, wd):
    c = lax.axis_index("c")
    s = lax.axis_index("s")
    ept = P // NT
    nch = ept // SEC
    tot = 2 * nch

    pltpu.sync_copy(pidx_hbm.at[c, 0, s], cidx_v.at[pl.ds(0, nch)])
    pltpu.sync_copy(pidx_hbm.at[c, 1, s], cidx_v.at[pl.ds(nch, nch)])

    def src(kk):
        kk = jnp.where(kk < tot, kk, 0)
        return hsum_hbm.at[kk // nch].at[cidx_v.at[kk]]

    def dst(kk):
        return out_hbm.at[c, kk // nch,
                          pl.ds(s * ept + lax.rem(kk, nch) * SEC, SEC)]

    pltpu.async_copy(src(0), ba, ga)
    pltpu.async_copy(src(1), bb, gb)
    pltpu.async_copy(src(2), bc, gc)

    def body(j, _):
        k0 = 4 * j
        pltpu.make_async_copy(src(k0), ba, ga).wait()
        pltpu.async_copy(ba, dst(k0), wa)

        @pl.when(j >= 1)
        def _():
            pltpu.make_async_copy(bd, dst(k0 - 1), wd).wait()
        pltpu.async_copy(src(k0 + 3), bd, gd)
        pltpu.make_async_copy(src(k0 + 1), bb, gb).wait()
        pltpu.async_copy(bb, dst(k0 + 1), wb)
        pltpu.make_async_copy(ba, dst(k0), wa).wait()
        pltpu.async_copy(src(k0 + 4), ba, ga)
        pltpu.make_async_copy(src(k0 + 2), bc, gc).wait()
        pltpu.async_copy(bc, dst(k0 + 2), wc)
        pltpu.make_async_copy(bb, dst(k0 + 1), wb).wait()
        pltpu.async_copy(src(k0 + 5), bb, gb)
        pltpu.make_async_copy(src(k0 + 3), bd, gd).wait()
        pltpu.async_copy(bd, dst(k0 + 3), wd)
        pltpu.make_async_copy(bc, dst(k0 + 2), wc).wait()
        pltpu.async_copy(src(k0 + 6), bc, gc)
        return 0
    lax.fori_loop(0, tot // 4, body, 0)
    pltpu.make_async_copy(src(0), ba, ga).wait()
    pltpu.make_async_copy(src(0), bb, gb).wait()
    pltpu.make_async_copy(src(0), bc, gc).wait()
    pltpu.make_async_copy(bd, dst(tot - 1), wd).wait()


def _prep_body(deg_ref, emb_ref, g0_ref, nsqb_ref, nb_ref):
    dg = jnp.maximum(deg_ref[0], 1.0)
    norm = lax.rsqrt(dg)
    nsq = 1.0 / dg
    g0_ref[0] = emb_ref[0] * norm
    nsqb_ref[0] = jnp.broadcast_to(nsq, nsqb_ref.shape[1:])
    nb_ref[0] = jnp.broadcast_to(norm, nb_ref.shape[1:])


_BR = 512


def _prep(deg3, empad):
    return pl.pallas_call(
        _prep_body,
        grid=(2, NP // _BR),
        in_specs=[
            pl.BlockSpec((1, _BR, 1), lambda i, j: (i, j, 0)),
            pl.BlockSpec((1, _BR, D), lambda i, j: (i, j, 0)),
        ],
        out_specs=[
            pl.BlockSpec((1, _BR, D), lambda i, j: (i, j, 0)),
            pl.BlockSpec((1, _BR, D), lambda i, j: (i, j, 0)),
            pl.BlockSpec((1, _BR, D), lambda i, j: (i, j, 0)),
        ],
        out_shape=[
            jax.ShapeDtypeStruct((2, NP, D), jnp.float32),
            jax.ShapeDtypeStruct((2, NP, D), jnp.float32),
            jax.ShapeDtypeStruct((2, NP, D), jnp.float32),
        ],
    )(deg3, empad)


def _dot_body(a_ref, b_ref, out_ref):
    out_ref[0] = (float(NLAYER) * float(NLAYER)) * jnp.sum(
        a_ref[0, 0] * b_ref[0, 0], axis=-1, keepdims=True)


_BP = 1024


def _dots(ab):
    return pl.pallas_call(
        _dot_body,
        grid=(2, P // _BP),
        in_specs=[
            pl.BlockSpec((1, 1, _BP, D), lambda i, j: (i, 0, j, 0)),
            pl.BlockSpec((1, 1, _BP, D), lambda i, j: (i, 1, j, 0)),
        ],
        out_specs=pl.BlockSpec((1, _BP, 1), lambda i, j: (i, j, 0)),
        out_shape=jax.ShapeDtypeStruct((2, P, 1), jnp.float32),
    )(ab, ab)


def kernel(msg_edges, pos_edges, neg_edges, user_emb, item_emb):
    pad_n = NT * NCH * EC - E
    pad_idx = U + (jnp.arange(pad_n, dtype=jnp.int32) % (NP - U))
    idx = jnp.concatenate(
        [msg_edges.astype(jnp.int32),
         jnp.broadcast_to(pad_idx, (2, pad_n))], axis=1)
    idx = idx.reshape(2, NT, NCH, EC)

    deg = _degree_kernel(idx)

    empad = jnp.stack([
        jnp.pad(user_emb, ((0, NP - U), (0, 0))),
        jnp.pad(item_emb, ((0, NP - U), (0, 0))),
    ])
    g0, nsqb, nb = _prep(deg.reshape(2, NP, 1), empad)

    zeros = jnp.zeros((NP, D), jnp.float32)
    g, hsum = g0, empad
    for _ in range(NLAYER):
        g, hsum = _layer_kernel(g, hsum, idx, nsqb, nb, zeros)

    pidx = jnp.stack([pos_edges, neg_edges]).astype(jnp.int32)
    pidx = pidx.reshape(2, 2, NT, P // NT // SEC, SEC)
    ab = _score_gather_kernel(hsum, pidx)
    scores = _dots(ab)
    return scores[0], scores[1]

# --- scband reference (transcript-rebuilt; emitter-appended) ---
"""Pipeline reference for scband-light-gcnmodel-21354577396097 (READ-ONLY COPY).

The authoritative reference and input builder live on the scoring server;
editing this copy changes nothing except your own understanding.
"""

import jax, jax.numpy as jnp
import numpy as np

U = 5000   # user_num
I = 5000   # item_num
D = 128    # embedding_size
E = 320000 # message edges (user->item 'rate'; reverse used for 'rated-by')
P = 32768  # pos/neg prediction edges
L = 3      # gcn_layer_num


def setup_inputs(seed: int = 0) -> dict:
    key = jax.random.key(seed)
    k1, k2, k3, k4, k5 = jax.random.split(key, 5)
    msg_edges = jax.random.randint(k1, (2, E), 0, U)   # row0: user ids < U, row1: item ids < I
    pos_edges = jax.random.randint(k2, (2, P), 0, U)   # row0: user ids, row1: item ids
    neg_edges = jax.random.randint(k3, (2, P), 0, U)
    user_emb = jax.random.normal(k4, (U, D), dtype=jnp.float32) * 0.1  # HeteroEmbedding 'user' table
    item_emb = jax.random.normal(k5, (I, D), dtype=jnp.float32) * 0.1  # HeteroEmbedding 'item' table
    return {"msg_edges": msg_edges, "pos_edges": pos_edges, "neg_edges": neg_edges,
            "user_emb": user_emb, "item_emb": item_emb}


def reference(msg_edges, pos_edges, neg_edges, user_emb, item_emb):
    u = msg_edges[0]  # src users of 'rate' edges
    v = msg_edges[1]  # dst items of 'rate' edges ('rated-by' is the reverse relation)

    # GraphConv(norm='both', weight=False, bias=False): symmetric degree normalization,
    # degrees clamped to min 1 (as in DGL)
    deg_u = jnp.clip(jnp.bincount(u, length=U).astype(jnp.float32), 1.0, None)
    deg_i = jnp.clip(jnp.bincount(v, length=I).astype(jnp.float32), 1.0, None)
    norm_u = deg_u ** -0.5
    norm_i = deg_i ** -0.5

    def hetero_conv(hu, hi):
        # relation 'rate' (user -> item): items aggregate from users
        m_i = hu[u] * norm_u[u][:, None]
        new_i = jax.ops.segment_sum(m_i, v, num_segments=I) * norm_i[:, None]
        # relation 'rated-by' (item -> user): users aggregate from items
        m_u = hi[v] * norm_i[v][:, None]
        new_u = jax.ops.segment_sum(m_u, u, num_segments=U) * norm_u[:, None]
        return new_u, new_i

    # LightGCN residual accumulation over layers
    res_u, res_i = user_emb, item_emb
    hu, hi = user_emb, item_emb
    for _ in range(L):
        hu, hi = hetero_conv(hu, hi)
        res_u = res_u + hu
        res_i = res_i + hi
    # faithful to original: res /= 1/len(layers)  (i.e. multiply by L)
    res_u = res_u / (1.0 / L)
    res_i = res_i / (1.0 / L)

    # HeteroDotProductPredictor: u_dot_v over 'rate' edges -> score shape [n_edges, 1]
    pos_score = jnp.sum(res_u[pos_edges[0]] * res_i[pos_edges[1]], axis=-1, keepdims=True)
    neg_score = jnp.sum(res_u[neg_edges[0]] * res_i[neg_edges[1]], axis=-1, keepdims=True)
    return (pos_score, neg_score)

if __name__ == "__main__":
    import jax
    _d = setup_inputs()
    print(jax.jit(kernel)(*tuple(_d.values())))

</pallas_src>

<mosaic_0001>
#map = affine_map<(d0, d1) -> (0, 0, 0)>
#map1 = affine_map<(d0, d1) -> (0, 0, 0, 0)>
#map2 = affine_map<(d0, d1) -> (0, 0)>
module attributes {stable_mosaic.version = 14 : i64} {
  func.func @_layer_kernel(%arg0: i32, %arg1: i32, %arg2: memref<2x5120x128xf32, #tpu.memory_space<hbm>>, %arg3: memref<2x5120x128xf32, #tpu.memory_space<hbm>>, %arg4: memref<2x16x180x112xi32, #tpu.memory_space<hbm>>, %arg5: memref<2x5120x128xf32, #tpu.memory_space<hbm>>, %arg6: memref<2x5120x128xf32, #tpu.memory_space<hbm>>, %arg7: memref<5120x128xf32, #tpu.memory_space<hbm>>, %arg8: memref<2x5120x128xf32, #tpu.memory_space<hbm>>, %arg9: memref<2x5120x128xf32, #tpu.memory_space<hbm>>, %arg10: memref<180x112xi32, #tpu.memory_space<vmem>>, %arg11: memref<180x112xi32, #tpu.memory_space<vmem>>, %arg12: memref<112x128xf32, #tpu.memory_space<vmem>>, %arg13: memref<112x128xf32, #tpu.memory_space<vmem>>, %arg14: memref<112x128xf32, #tpu.memory_space<vmem>>, %arg15: memref<5120x128xf32, #tpu.memory_space<vmem_shared>>, %arg16: memref<!tpu.dma_semaphore, #tpu.memory_space<semaphore_mem>>, %arg17: memref<!tpu.dma_semaphore, #tpu.memory_space<semaphore_mem>>, %arg18: memref<!tpu.dma_semaphore, #tpu.memory_space<semaphore_mem>>, %arg19: memref<!tpu.dma_semaphore, #tpu.memory_space<semaphore_mem>>, %arg20: memref<!tpu.dma_semaphore, #tpu.memory_space<semaphore_mem>>, %arg21: memref<!tpu.dma_semaphore, #tpu.memory_space<semaphore_mem>>) attributes {dimension_semantics = [#tpu.dimension_semantics<core_parallel>, #tpu.dimension_semantics<subcore_parallel>], iteration_bounds = array<i64: 2, 16>, scalar_prefetch = 0 : i64, scratch_operands = 12 : i64, tpu.core_type = #tpu.core_type<sc_vector_subcore>, window_params = [{transform_indices = #map}, {transform_indices = #map}, {transform_indices = #map1}, {transform_indices = #map}, {transform_indices = #map}, {transform_indices = #map2}, {transform_indices = #map}, {transform_indices = #map}]} {
    %sub3A = arith.constant 1 : i32
    %sub3A_0 = arith.subi %sub3A, %arg0 : i32
    "tpu.region"() ({
      %run_scoped3A = tpu.sem_alloc : memref<!tpu.dma_semaphore, #tpu.memory_space<semaphore_mem>>
      %dma_start3A_71 = arith.constant 0 : i32
      %dma_start3A_72 = arith.constant 0 : i32
      %dma_start3A_73 = tpu.memref_slice %arg12[%dma_start3A_71, %dma_start3A_72] : memref<112x128xf32, #tpu.memory_space<vmem>> -> memref<32x128xf32, #tpu.memory_space<vmem>>
      %dma_start3A_74 = arith.constant 0 : i32
      %dma_start3A_75 = arith.constant 0 : i32
      %dma_start3A_76 = tpu.memref_slice %arg7[%dma_start3A_74, %dma_start3A_75] : memref<5120x128xf32, #tpu.memory_space<hbm>> -> memref<32x128xf32, #tpu.memory_space<hbm>>
      %dma_start3A_77 = arith.constant 0 : i32
      %dma_start3A_78 = arith.constant 0 : i32
      %dma_start3A_79 = tpu.memref_slice %arg12[%dma_start3A_77, %dma_start3A_78] : memref<112x128xf32, #tpu.memory_space<vmem>> -> memref<32x128xf32, #tpu.memory_space<vmem>>
      %dma_start3A_80 = arith.constant 0 : i32
      %dma_start3A_81 = arith.constant 0 : i32
      %dma_start3A_82 = tpu.memref_slice %arg7[%dma_start3A_80, %dma_start3A_81] : memref<5120x128xf32, #tpu.memory_space<hbm>> -> memref<32x128xf32, #tpu.memory_space<hbm>>
      tpu.enqueue_dma source(%dma_start3A_82 : memref<32x128xf32, #tpu.memory_space<hbm>>) target(%dma_start3A_79 : memref<32x128xf32, #tpu.memory_space<vmem>>) target_semaphore(%run_scoped3A : memref<!tpu.dma_semaphore, #tpu.memory_space<semaphore_mem>>)
      %dma_wait3A_83 = arith.constant 0 : i32
      %dma_wait3A_84 = arith.constant 0 : i32
      %dma_wait3A_85 = tpu.memref_slice %arg12[%dma_wait3A_83, %dma_wait3A_84] : memref<112x128xf32, #tpu.memory_space<vmem>> -> memref<32x128xf32, #tpu.memory_space<vmem>>
      %dma_wait3A_86 = arith.constant 0 : i32
      %dma_wait3A_87 = arith.constant 0 : i32
      %dma_wait3A_88 = tpu.memref_slice %arg7[%dma_wait3A_86, %dma_wait3A_87] : memref<5120x128xf32, #tpu.memory_space<hbm>> -> memref<32x128xf32, #tpu.memory_space<hbm>>
      %dma_wait3A_89 = arith.constant 0 : i32
      %dma_wait3A_90 = arith.constant 0 : i32
      %dma_wait3A_91 = tpu.memref_slice %arg12[%dma_wait3A_89, %dma_wait3A_90] : memref<112x128xf32, #tpu.memory_space<vmem>> -> memref<32x128xf32, #tpu.memory_space<vmem>>
      %dma_wait3A_92 = arith.constant 0 : i32
      %dma_wait3A_93 = arith.constant 0 : i32
      %dma_wait3A_94 = tpu.memref_slice %arg7[%dma_wait3A_92, %dma_wait3A_93] : memref<5120x128xf32, #tpu.memory_space<hbm>> -> memref<32x128xf32, #tpu.memory_space<hbm>>
      tpu.wait_dma2 semaphore(%run_scoped3A : memref<!tpu.dma_semaphore, #tpu.memory_space<semaphore_mem>>) src(%dma_wait3A_94 : memref<32x128xf32, #tpu.memory_space<hbm>>) dst(%dma_wait3A_91 : memref<32x128xf32, #tpu.memory_space<vmem>>)
      tpu.yield
    }) : () -> ()
    %scan3A = arith.constant 0 : i32
    %scan3A_1 = arith.constant 0 : i32
    %scan3A_2 = arith.constant 10 : i32
    %scan3A_3 = arith.addi %scan3A_1, %scan3A_2 : i32
    %scan3A_4 = arith.constant 1 : i32
    %scan3A_5 = scf.for %scan3A_71 = %scan3A_1 to %scan3A_3 step %scan3A_4 iter_args(%scan3A_72 = %scan3A) -> (i32)  : i32 {
      %mul3A = arith.constant 320 : i32
      %mul3A_73 = arith.muli %arg1, %mul3A : i32
      %mul3A_74 = arith.constant 32 : i32
      %mul3A_75 = arith.muli %scan3A_71, %mul3A_74 : i32
      %add3A = arith.addi %mul3A_73, %mul3A_75 : i32
      "tpu.region"() ({
        %run_scoped3A = tpu.sem_alloc : memref<!tpu.dma_semaphore, #tpu.memory_space<semaphore_mem>>
        %dma_start3A_77 = arith.constant 0 : i32
        %dma_start3A_78 = arith.constant 0 : i32
        %dma_start3A_79 = tpu.memref_slice %arg12[%dma_start3A_77, %dma_start3A_78] : memref<112x128xf32, #tpu.memory_space<vmem>> -> memref<32x128xf32, #tpu.memory_space<vmem>>
        %dma_start3A_80 = arith.constant 0 : i32
        %dma_start3A_81 = tpu.memref_slice %arg15[%add3A, %dma_start3A_80] : memref<5120x128xf32, #tpu.memory_space<vmem_shared>> -> memref<32x128xf32, #tpu.memory_space<vmem_shared>>
        %dma_start3A_82 = arith.constant 0 : i32
        %dma_start3A_83 = tpu.memref_slice %arg15[%add3A, %dma_start3A_82] : memref<5120x128xf32, #tpu.memory_space<vmem_shared>> -> memref<32x128xf32, #tpu.memory_space<vmem_shared>>
        %dma_start3A_84 = arith.constant 0 : i32
        %dma_start3A_85 = arith.constant 0 : i32
        %dma_start3A_86 = tpu.memref_slice %arg12[%dma_start3A_84, %dma_start3A_85] : memref<112x128xf32, #tpu.memory_space<vmem>> -> memref<32x128xf32, #tpu.memory_space<vmem>>
        tpu.enqueue_dma source(%dma_start3A_86 : memref<32x128xf32, #tpu.memory_space<vmem>>) target(%dma_start3A_83 : memref<32x128xf32, #tpu.memory_space<vmem_shared>>) target_semaphore(%run_scoped3A : memref<!tpu.dma_semaphore, #tpu.memory_space<semaphore_mem>>)
        %dma_wait3A_87 = arith.constant 0 : i32
        %dma_wait3A_88 = arith.constant 0 : i32
        %dma_wait3A_89 = tpu.memref_slice %arg12[%dma_wait3A_87, %dma_wait3A_88] : memref<112x128xf32, #tpu.memory_space<vmem>> -> memref<32x128xf32, #tpu.memory_space<vmem>>
        %dma_wait3A_90 = arith.constant 0 : i32
        %dma_wait3A_91 = tpu.memref_slice %arg15[%add3A, %dma_wait3A_90] : memref<5120x128xf32, #tpu.memory_space<vmem_shared>> -> memref<32x128xf32, #tpu.memory_space<vmem_shared>>
        %dma_wait3A_92 = arith.constant 0 : i32
        %dma_wait3A_93 = tpu.memref_slice %arg15[%add3A, %dma_wait3A_92] : memref<5120x128xf32, #tpu.memory_space<vmem_shared>> -> memref<32x128xf32, #tpu.memory_space<vmem_shared>>
        %dma_wait3A_94 = arith.constant 0 : i32
        %dma_wait3A_95 = arith.constant 0 : i32
        %dma_wait3A_96 = tpu.memref_slice %arg12[%dma_wait3A_94, %dma_wait3A_95] : memref<112x128xf32, #tpu.memory_space<vmem>> -> memref<32x128xf32, #tpu.memory_space<vmem>>
        tpu.wait_dma2 semaphore(%run_scoped3A : memref<!tpu.dma_semaphore, #tpu.memory_space<semaphore_mem>>) src(%dma_wait3A_96 : memref<32x128xf32, #tpu.memory_space<vmem>>) dst(%dma_wait3A_93 : memref<32x128xf32, #tpu.memory_space<vmem_shared>>)
        tpu.yield
      }) : () -> ()
      %scan3A_76 = arith.constant 0 : i32
      scf.yield %scan3A_76 : i32
    }
    %scan3A_6 = arith.constant 10 : i32
    "tpu.region"() ({
      %run_scoped3A = tpu.sem_alloc : memref<!tpu.dma_semaphore, #tpu.memory_space<semaphore_mem>>
      %dma_start3A_71 = arith.constant 0 : i32
      %dma_start3A_72 = arith.constant 0 : i32
      %dma_start3A_73 = tpu.memref_slice %arg4[%arg0, %arg1, %dma_start3A_71, %dma_start3A_72] : memref<2x16x180x112xi32, #tpu.memory_space<hbm>> -> memref<1x1x180x112xi32, #tpu.memory_space<hbm>>
      %dma_start3A_74 = tpu.memref_squeeze %dma_start3A_73 : memref<1x1x180x112xi32, #tpu.memory_space<hbm>> -> memref<180x112xi32, #tpu.memory_space<hbm>>
      %dma_start3A_75 = arith.constant 0 : i32
      %dma_start3A_76 = arith.constant 0 : i32
      %dma_start3A_77 = tpu.memref_slice %arg4[%arg0, %arg1, %dma_start3A_75, %dma_start3A_76] : memref<2x16x180x112xi32, #tpu.memory_space<hbm>> -> memref<1x1x180x112xi32, #tpu.memory_space<hbm>>
      %dma_start3A_78 = tpu.memref_squeeze %dma_start3A_77 : memref<1x1x180x112xi32, #tpu.memory_space<hbm>> -> memref<180x112xi32, #tpu.memory_space<hbm>>
      tpu.enqueue_dma source(%dma_start3A_78 : memref<180x112xi32, #tpu.memory_space<hbm>>) target(%arg10 : memref<180x112xi32, #tpu.memory_space<vmem>>) target_semaphore(%run_scoped3A : memref<!tpu.dma_semaphore, #tpu.memory_space<semaphore_mem>>)
      %dma_wait3A_79 = arith.constant 0 : i32
      %dma_wait3A_80 = arith.constant 0 : i32
      %dma_wait3A_81 = tpu.memref_slice %arg4[%arg0, %arg1, %dma_wait3A_79, %dma_wait3A_80] : memref<2x16x180x112xi32, #tpu.memory_space<hbm>> -> memref<1x1x180x112xi32, #tpu.memory_space<hbm>>
      %dma_wait3A_82 = tpu.memref_squeeze %dma_wait3A_81 : memref<1x1x180x112xi32, #tpu.memory_space<hbm>> -> memref<180x112xi32, #tpu.memory_space<hbm>>
      %dma_wait3A_83 = arith.constant 0 : i32
      %dma_wait3A_84 = arith.constant 0 : i32
      %dma_wait3A_85 = tpu.memref_slice %arg4[%arg0, %arg1, %dma_wait3A_83, %dma_wait3A_84] : memref<2x16x180x112xi32, #tpu.memory_space<hbm>> -> memref<1x1x180x112xi32, #tpu.memory_space<hbm>>
      %dma_wait3A_86 = tpu.memref_squeeze %dma_wait3A_85 : memref<1x1x180x112xi32, #tpu.memory_space<hbm>> -> memref<180x112xi32, #tpu.memory_space<hbm>>
      tpu.wait_dma2 semaphore(%run_scoped3A : memref<!tpu.dma_semaphore, #tpu.memory_space<semaphore_mem>>) src(%dma_wait3A_86 : memref<180x112xi32, #tpu.memory_space<hbm>>) dst(%arg10 : memref<180x112xi32, #tpu.memory_space<vmem>>)
      tpu.yield
    }) : () -> ()
    "tpu.region"() ({
      %run_scoped3A = tpu.sem_alloc : memref<!tpu.dma_semaphore, #tpu.memory_space<semaphore_mem>>
      %dma_start3A_71 = arith.constant 0 : i32
      %dma_start3A_72 = arith.constant 0 : i32
      %dma_start3A_73 = tpu.memref_slice %arg4[%sub3A_0, %arg1, %dma_start3A_71, %dma_start3A_72] : memref<2x16x180x112xi32, #tpu.memory_space<hbm>> -> memref<1x1x180x112xi32, #tpu.memory_space<hbm>>
      %dma_start3A_74 = tpu.memref_squeeze %dma_start3A_73 : memref<1x1x180x112xi32, #tpu.memory_space<hbm>> -> memref<180x112xi32, #tpu.memory_space<hbm>>
      %dma_start3A_75 = arith.constant 0 : i32
      %dma_start3A_76 = arith.constant 0 : i32
      %dma_start3A_77 = tpu.memref_slice %arg4[%sub3A_0, %arg1, %dma_start3A_75, %dma_start3A_76] : memref<2x16x180x112xi32, #tpu.memory_space<hbm>> -> memref<1x1x180x112xi32, #tpu.memory_space<hbm>>
      %dma_start3A_78 = tpu.memref_squeeze %dma_start3A_77 : memref<1x1x180x112xi32, #tpu.memory_space<hbm>> -> memref<180x112xi32, #tpu.memory_space<hbm>>
      tpu.enqueue_dma source(%dma_start3A_78 : memref<180x112xi32, #tpu.memory_space<hbm>>) target(%arg11 : memref<180x112xi32, #tpu.memory_space<vmem>>) target_semaphore(%run_scoped3A : memref<!tpu.dma_semaphore, #tpu.memory_space<semaphore_mem>>)
      %dma_wait3A_79 = arith.constant 0 : i32
      %dma_wait3A_80 = arith.constant 0 : i32
      %dma_wait3A_81 = tpu.memref_slice %arg4[%sub3A_0, %arg1, %dma_wait3A_79, %dma_wait3A_80] : memref<2x16x180x112xi32, #tpu.memory_space<hbm>> -> memref<1x1x180x112xi32, #tpu.memory_space<hbm>>
      %dma_wait3A_82 = tpu.memref_squeeze %dma_wait3A_81 : memref<1x1x180x112xi32, #tpu.memory_space<hbm>> -> memref<180x112xi32, #tpu.memory_space<hbm>>
      %dma_wait3A_83 = arith.constant 0 : i32
      %dma_wait3A_84 = arith.constant 0 : i32
      %dma_wait3A_85 = tpu.memref_slice %arg4[%sub3A_0, %arg1, %dma_wait3A_83, %dma_wait3A_84] : memref<2x16x180x112xi32, #tpu.memory_space<hbm>> -> memref<1x1x180x112xi32, #tpu.memory_space<hbm>>
      %dma_wait3A_86 = tpu.memref_squeeze %dma_wait3A_85 : memref<1x1x180x112xi32, #tpu.memory_space<hbm>> -> memref<180x112xi32, #tpu.memory_space<hbm>>
      tpu.wait_dma2 semaphore(%run_scoped3A : memref<!tpu.dma_semaphore, #tpu.memory_space<semaphore_mem>>) src(%dma_wait3A_86 : memref<180x112xi32, #tpu.memory_space<hbm>>) dst(%arg11 : memref<180x112xi32, #tpu.memory_space<vmem>>)
      tpu.yield
    }) : () -> ()
    %barrier3A = arith.constant 0 : index
    tpu.barrier barrier_id(%barrier3A)
    %dma_start3A = arith.constant 0 : i32
    %dma_start3A_7 = arith.constant 0 : i32
    %dma_start3A_8 = tpu.memref_slice %arg10[%dma_start3A, %dma_start3A_7] : memref<180x112xi32, #tpu.memory_space<vmem>> -> memref<1x112xi32, #tpu.memory_space<vmem>>
    %dma_start3A_9 = tpu.memref_squeeze %dma_start3A_8 : memref<1x112xi32, #tpu.memory_space<vmem>> -> memref<112xi32, #tpu.memory_space<vmem>>
    %dma_start3A_10 = arith.constant 0 : i32
    %dma_start3A_11 = arith.constant 0 : i32
    %dma_start3A_12 = tpu.memref_slice %arg2[%arg0, %dma_start3A_10, %dma_start3A_11] : memref<2x5120x128xf32, #tpu.memory_space<hbm>> -> memref<1x5120x128xf32, #tpu.memory_space<hbm>>
    %dma_start3A_13 = tpu.memref_squeeze %dma_start3A_12 : memref<1x5120x128xf32, #tpu.memory_space<hbm>> -> memref<5120x128xf32, #tpu.memory_space<hbm>>
    %dma_start3A_14 = arith.constant 0 : i32
    %dma_start3A_15 = arith.constant 0 : i32
    %dma_start3A_16 = tpu.memref_slice %dma_start3A_13[%dma_start3A_14, %dma_start3A_15] : memref<5120x128xf32, #tpu.memory_space<hbm>> -> memref<5120x128xf32, #tpu.memory_space<hbm>>
    tpu.enqueue_indirect_dma source(%dma_start3A_16 : memref<5120x128xf32, #tpu.memory_space<hbm>>) target(%arg12 : memref<112x128xf32, #tpu.memory_space<vmem>>) offsets(%dma_start3A_9 : memref<112xi32, #tpu.memory_space<vmem>>) semaphore(%arg16 : memref<!tpu.dma_semaphore, #tpu.memory_space<semaphore_mem>>)
    %dma_start3A_17 = arith.constant 1 : i32
    %dma_start3A_18 = arith.constant 0 : i32
    %dma_start3A_19 = tpu.memref_slice %arg10[%dma_start3A_17, %dma_start3A_18] : memref<180x112xi32, #tpu.memory_space<vmem>> -> memref<1x112xi32, #tpu.memory_space<vmem>>
    %dma_start3A_20 = tpu.memref_squeeze %dma_start3A_19 : memref<1x112xi32, #tpu.memory_space<vmem>> -> memref<112xi32, #tpu.memory_space<vmem>>
    %dma_start3A_21 = arith.constant 0 : i32
    %dma_start3A_22 = arith.constant 0 : i32
    %dma_start3A_23 = tpu.memref_slice %arg2[%arg0, %dma_start3A_21, %dma_start3A_22] : memref<2x5120x128xf32, #tpu.memory_space<hbm>> -> memref<1x5120x128xf32, #tpu.memory_space<hbm>>
    %dma_start3A_24 = tpu.memref_squeeze %dma_start3A_23 : memref<1x5120x128xf32, #tpu.memory_space<hbm>> -> memref<5120x128xf32, #tpu.memory_space<hbm>>
    %dma_start3A_25 = arith.constant 0 : i32
    %dma_start3A_26 = arith.constant 0 : i32
    %dma_start3A_27 = tpu.memref_slice %dma_start3A_24[%dma_start3A_25, %dma_start3A_26] : memref<5120x128xf32, #tpu.memory_space<hbm>> -> memref<5120x128xf32, #tpu.memory_space<hbm>>
    tpu.enqueue_indirect_dma source(%dma_start3A_27 : memref<5120x128xf32, #tpu.memory_space<hbm>>) target(%arg13 : memref<112x128xf32, #tpu.memory_space<vmem>>) offsets(%dma_start3A_20 : memref<112xi32, #tpu.memory_space<vmem>>) semaphore(%arg17 : memref<!tpu.dma_semaphore, #tpu.memory_space<semaphore_mem>>)
    %scan3A_28 = arith.constant 0 : i32
    %scan3A_29 = arith.constant 0 : i32
    %scan3A_30 = arith.constant 60 : i32
    %scan3A_31 = arith.addi %scan3A_29, %scan3A_30 : i32
    %scan3A_32 = arith.constant 1 : i32
    %scan3A_33 = scf.for %scan3A_71 = %scan3A_29 to %scan3A_31 step %scan3A_32 iter_args(%scan3A_72 = %scan3A_28) -> (i32)  : i32 {
      %mul3A = arith.constant 3 : i32
      %mul3A_73 = arith.muli %mul3A, %scan3A_71 : i32
      %lt3A = arith.constant 180 : i32
      %lt3A_74 = arith.cmpi slt, %mul3A_73, %lt3A : i32
      %jit3A = arith.constant 0 : i32
      %select_n3A = arith.select %lt3A_74, %mul3A_73, %jit3A : i32
      %dma_wait3A_75 = arith.constant 0 : i32
      %dma_wait3A_76 = tpu.memref_slice %arg10[%select_n3A, %dma_wait3A_75] : memref<180x112xi32, #tpu.memory_space<vmem>> -> memref<1x112xi32, #tpu.memory_space<vmem>>
      %dma_wait3A_77 = tpu.memref_squeeze %dma_wait3A_76 : memref<1x112xi32, #tpu.memory_space<vmem>> -> memref<112xi32, #tpu.memory_space<vmem>>
      %dma_wait3A_78 = arith.constant 0 : i32
      %dma_wait3A_79 = arith.constant 0 : i32
      %dma_wait3A_80 = tpu.memref_slice %arg2[%arg0, %dma_wait3A_78, %dma_wait3A_79] : memref<2x5120x128xf32, #tpu.memory_space<hbm>> -> memref<1x5120x128xf32, #tpu.memory_space<hbm>>
      %dma_wait3A_81 = tpu.memref_squeeze %dma_wait3A_80 : memref<1x5120x128xf32, #tpu.memory_space<hbm>> -> memref<5120x128xf32, #tpu.memory_space<hbm>>
      %dma_wait3A_82 = arith.constant 0 : i32
      %dma_wait3A_83 = arith.constant 0 : i32
      %dma_wait3A_84 = tpu.memref_slice %dma_wait3A_81[%dma_wait3A_82, %dma_wait3A_83] : memref<5120x128xf32, #tpu.memory_space<hbm>> -> memref<5120x128xf32, #tpu.memory_space<hbm>>
      tpu.wait_indirect_dma semaphore(%arg16 : memref<!tpu.dma_semaphore, #tpu.memory_space<semaphore_mem>>) src(%dma_wait3A_84 : memref<5120x128xf32, #tpu.memory_space<hbm>>) dst(%arg12 : memref<112x128xf32, #tpu.memory_space<vmem>>)
      %dma_start3A_85 = arith.constant 0 : i32
      %dma_start3A_86 = tpu.memref_slice %arg11[%mul3A_73, %dma_start3A_85] : memref<180x112xi32, #tpu.memory_space<vmem>> -> memref<1x112xi32, #tpu.memory_space<vmem>>
      %dma_start3A_87 = tpu.memref_squeeze %dma_start3A_86 : memref<1x112xi32, #tpu.memory_space<vmem>> -> memref<112xi32, #tpu.memory_space<vmem>>
      %dma_start3A_88 = arith.constant 0 : i32
      %dma_start3A_89 = arith.constant 0 : i32
      %dma_start3A_90 = tpu.memref_slice %arg15[%dma_start3A_88, %dma_start3A_89] : memref<5120x128xf32, #tpu.memory_space<vmem_shared>> -> memref<5120x128xf32, #tpu.memory_space<vmem_shared>>
      tpu.enqueue_indirect_dma source(%arg12 : memref<112x128xf32, #tpu.memory_space<vmem>>) target(%dma_start3A_90 : memref<5120x128xf32, #tpu.memory_space<vmem_shared>>) offsets(%dma_start3A_87 : memref<112xi32, #tpu.memory_space<vmem>>) semaphore(%arg19 : memref<!tpu.dma_semaphore, #tpu.memory_space<semaphore_mem>>) {add = true}
      %ge3A = arith.constant 1 : i32
      %ge3A_91 = arith.cmpi sge, %scan3A_71, %ge3A : i32
      %convert_element_type3A = arith.extui %ge3A_91 : i1 to i32
      %cond3A = arith.constant 0 : i32
      %cond3A_92 = arith.cmpi ne, %convert_element_type3A, %cond3A : i32
      scf.if %cond3A_92 {
        %sub3A_203 = arith.constant 1 : i32
        %sub3A_204 = arith.subi %mul3A_73, %sub3A_203 : i32
        %dma_wait3A_205 = arith.constant 0 : i32
        %dma_wait3A_206 = tpu.memref_slice %arg11[%sub3A_204, %dma_wait3A_205] : memref<180x112xi32, #tpu.memory_space<vmem>> -> memref<1x112xi32, #tpu.memory_space<vmem>>
        %dma_wait3A_207 = tpu.memref_squeeze %dma_wait3A_206 : memref<1x112xi32, #tpu.memory_space<vmem>> -> memref<112xi32, #tpu.memory_space<vmem>>
        %dma_wait3A_208 = arith.constant 0 : i32
        %dma_wait3A_209 = arith.constant 0 : i32
        %dma_wait3A_210 = tpu.memref_slice %arg15[%dma_wait3A_208, %dma_wait3A_209] : memref<5120x128xf32, #tpu.memory_space<vmem_shared>> -> memref<5120x128xf32, #tpu.memory_space<vmem_shared>>
        tpu.wait_indirect_dma semaphore(%arg21 : memref<!tpu.dma_semaphore, #tpu.memory_space<semaphore_mem>>) src(%arg14 : memref<112x128xf32, #tpu.memory_space<vmem>>) dst(%dma_wait3A_210 : memref<5120x128xf32, #tpu.memory_space<vmem_shared>>)
      } else {
      }
      %add3A = arith.constant 2 : i32
      %add3A_93 = arith.addi %mul3A_73, %add3A : i32
      %lt3A_94 = arith.constant 180 : i32
      %lt3A_95 = arith.cmpi slt, %add3A_93, %lt3A_94 : i32
      %jit3A_96 = arith.constant 0 : i32
      %select_n3A_97 = arith.select %lt3A_95, %add3A_93, %jit3A_96 : i32
      %dma_start3A_98 = arith.constant 0 : i32
      %dma_start3A_99 = tpu.memref_slice %arg10[%select_n3A_97, %dma_start3A_98] : memref<180x112xi32, #tpu.memory_space<vmem>> -> memref<1x112xi32, #tpu.memory_space<vmem>>
      %dma_start3A_100 = tpu.memref_squeeze %dma_start3A_99 : memref<1x112xi32, #tpu.memory_space<vmem>> -> memref<112xi32, #tpu.memory_space<vmem>>
      %dma_start3A_101 = arith.constant 0 : i32
      %dma_start3A_102 = arith.constant 0 : i32
      %dma_start3A_103 = tpu.memref_slice %arg2[%arg0, %dma_start3A_101, %dma_start3A_102] : memref<2x5120x128xf32, #tpu.memory_space<hbm>> -> memref<1x5120x128xf32, #tpu.memory_space<hbm>>
      %dma_start3A_104 = tpu.memref_squeeze %dma_start3A_103 : memref<1x5120x128xf32, #tpu.memory_space<hbm>> -> memref<5120x128xf32, #tpu.memory_space<hbm>>
      %dma_start3A_105 = arith.constant 0 : i32
      %dma_start3A_106 = arith.constant 0 : i32
      %dma_start3A_107 = tpu.memref_slice %dma_start3A_104[%dma_start3A_105, %dma_start3A_106] : memref<5120x128xf32, #tpu.memory_space<hbm>> -> memref<5120x128xf32, #tpu.memory_space<hbm>>
      tpu.enqueue_indirect_dma source(%dma_start3A_107 : memref<5120x128xf32, #tpu.memory_space<hbm>>) target(%arg14 : memref<112x128xf32, #tpu.memory_space<vmem>>) offsets(%dma_start3A_100 : memref<112xi32, #tpu.memory_space<vmem>>) semaphore(%arg18 : memref<!tpu.dma_semaphore, #tpu.memory_space<semaphore_mem>>)
      %add3A_108 = arith.constant 1 : i32
      %add3A_109 = arith.addi %mul3A_73, %add3A_108 : i32
      %lt3A_110 = arith.constant 180 : i32
      %lt3A_111 = arith.cmpi slt, %add3A_109, %lt3A_110 : i32
      %jit3A_112 = arith.constant 0 : i32
      %select_n3A_113 = arith.select %lt3A_111, %add3A_109, %jit3A_112 : i32
      %dma_wait3A_114 = arith.constant 0 : i32
      %dma_wait3A_115 = tpu.memref_slice %arg10[%select_n3A_113, %dma_wait3A_114] : memref<180x112xi32, #tpu.memory_space<vmem>> -> memref<1x112xi32, #tpu.memory_space<vmem>>
      %dma_wait3A_116 = tpu.memref_squeeze %dma_wait3A_115 : memref<1x112xi32, #tpu.memory_space<vmem>> -> memref<112xi32, #tpu.memory_space<vmem>>
      %dma_wait3A_117 = arith.constant 0 : i32
      %dma_wait3A_118 = arith.constant 0 : i32
      %dma_wait3A_119 = tpu.memref_slice %arg2[%arg0, %dma_wait3A_117, %dma_wait3A_118] : memref<2x5120x128xf32, #tpu.memory_space<hbm>> -> memref<1x5120x128xf32, #tpu.memory_space<hbm>>
      %dma_wait3A_120 = tpu.memref_squeeze %dma_wait3A_119 : memref<1x5120x128xf32, #tpu.memory_space<hbm>> -> memref<5120x128xf32, #tpu.memory_space<hbm>>
      %dma_wait3A_121 = arith.constant 0 : i32
      %dma_wait3A_122 = arith.constant 0 : i32
      %dma_wait3A_123 = tpu.memref_slice %dma_wait3A_120[%dma_wait3A_121, %dma_wait3A_122] : memref<5120x128xf32, #tpu.memory_space<hbm>> -> memref<5120x128xf32, #tpu.memory_space<hbm>>
      tpu.wait_indirect_dma semaphore(%arg17 : memref<!tpu.dma_semaphore, #tpu.memory_space<semaphore_mem>>) src(%dma_wait3A_123 : memref<5120x128xf32, #tpu.memory_space<hbm>>) dst(%arg13 : memref<112x128xf32, #tpu.memory_space<vmem>>)
      %add3A_124 = arith.constant 1 : i32
      %add3A_125 = arith.addi %mul3A_73, %add3A_124 : i32
      %dma_start3A_126 = arith.constant 0 : i32
      %dma_start3A_127 = tpu.memref_slice %arg11[%add3A_125, %dma_start3A_126] : memref<180x112xi32, #tpu.memory_space<vmem>> -> memref<1x112xi32, #tpu.memory_space<vmem>>
      %dma_start3A_128 = tpu.memref_squeeze %dma_start3A_127 : memref<1x112xi32, #tpu.memory_space<vmem>> -> memref<112xi32, #tpu.memory_space<vmem>>
      %dma_start3A_129 = arith.constant 0 : i32
      %dma_start3A_130 = arith.constant 0 : i32
      %dma_start3A_131 = tpu.memref_slice %arg15[%dma_start3A_129, %dma_start3A_130] : memref<5120x128xf32, #tpu.memory_space<vmem_shared>> -> memref<5120x128xf32, #tpu.memory_space<vmem_shared>>
      tpu.enqueue_indirect_dma source(%arg13 : memref<112x128xf32, #tpu.memory_space<vmem>>) target(%dma_start3A_131 : memref<5120x128xf32, #tpu.memory_space<vmem_shared>>) offsets(%dma_start3A_128 : memref<112xi32, #tpu.memory_space<vmem>>) semaphore(%arg20 : memref<!tpu.dma_semaphore, #tpu.memory_space<semaphore_mem>>) {add = true}
      %dma_wait3A_132 = arith.constant 0 : i32
      %dma_wait3A_133 = tpu.memref_slice %arg11[%mul3A_73, %dma_wait3A_132] : memref<180x112xi32, #tpu.memory_space<vmem>> -> memref<1x112xi32, #tpu.memory_space<vmem>>
      %dma_wait3A_134 = tpu.memref_squeeze %dma_wait3A_133 : memref<1x112xi32, #tpu.memory_space<vmem>> -> memref<112xi32, #tpu.memory_space<vmem>>
      %dma_wait3A_135 = arith.constant 0 : i32
      %dma_wait3A_136 = arith.constant 0 : i32
      %dma_wait3A_137 = tpu.memref_slice %arg15[%dma_wait3A_135, %dma_wait3A_136] : memref<5120x128xf32, #tpu.memory_space<vmem_shared>> -> memref<5120x128xf32, #tpu.memory_space<vmem_shared>>
      tpu.wait_indirect_dma semaphore(%arg19 : memref<!tpu.dma_semaphore, #tpu.memory_space<semaphore_mem>>) src(%arg12 : memref<112x128xf32, #tpu.memory_space<vmem>>) dst(%dma_wait3A_137 : memref<5120x128xf32, #tpu.memory_space<vmem_shared>>)
      %add3A_138 = arith.constant 3 : i32
      %add3A_139 = arith.addi %mul3A_73, %add3A_138 : i32
      %lt3A_140 = arith.constant 180 : i32
      %lt3A_141 = arith.cmpi slt, %add3A_139, %lt3A_140 : i32
      %jit3A_142 = arith.constant 0 : i32
      %select_n3A_143 = arith.select %lt3A_141, %add3A_139, %jit3A_142 : i32
      %dma_start3A_144 = arith.constant 0 : i32
      %dma_start3A_145 = tpu.memref_slice %arg10[%select_n3A_143, %dma_start3A_144] : memref<180x112xi32, #tpu.memory_space<vmem>> -> memref<1x112xi32, #tpu.memory_space<vmem>>
      %dma_start3A_146 = tpu.memref_squeeze %dma_start3A_145 : memref<1x112xi32, #tpu.memory_space<vmem>> -> memref<112xi32, #tpu.memory_space<vmem>>
      %dma_start3A_147 = arith.constant 0 : i32
      %dma_start3A_148 = arith.constant 0 : i32
      %dma_start3A_149 = tpu.memref_slice %arg2[%arg0, %dma_start3A_147, %dma_start3A_148] : memref<2x5120x128xf32, #tpu.memory_space<hbm>> -> memref<1x5120x128xf32, #tpu.memory_space<hbm>>
      %dma_start3A_150 = tpu.memref_squeeze %dma_start3A_149 : memref<1x5120x128xf32, #tpu.memory_space<hbm>> -> memref<5120x128xf32, #tpu.memory_space<hbm>>
      %dma_start3A_151 = arith.constant 0 : i32
      %dma_start3A_152 = arith.constant 0 : i32
      %dma_start3A_153 = tpu.memref_slice %dma_start3A_150[%dma_start3A_151, %dma_start3A_152] : memref<5120x128xf32, #tpu.memory_space<hbm>> -> memref<5120x128xf32, #tpu.memory_space<hbm>>
      tpu.enqueue_indirect_dma source(%dma_start3A_153 : memref<5120x128xf32, #tpu.memory_space<hbm>>) target(%arg12 : memref<112x128xf32, #tpu.memory_space<vmem>>) offsets(%dma_start3A_146 : memref<112xi32, #tpu.memory_space<vmem>>) semaphore(%arg16 : memref<!tpu.dma_semaphore, #tpu.memory_space<semaphore_mem>>)
      %add3A_154 = arith.constant 2 : i32
      %add3A_155 = arith.addi %mul3A_73, %add3A_154 : i32
      %lt3A_156 = arith.constant 180 : i32
      %lt3A_157 = arith.cmpi slt, %add3A_155, %lt3A_156 : i32
      %jit3A_158 = arith.constant 0 : i32
      %select_n3A_159 = arith.select %lt3A_157, %add3A_155, %jit3A_158 : i32
      %dma_wait3A_160 = arith.constant 0 : i32
      %dma_wait3A_161 = tpu.memref_slice %arg10[%select_n3A_159, %dma_wait3A_160] : memref<180x112xi32, #tpu.memory_space<vmem>> -> memref<1x112xi32, #tpu.memory_space<vmem>>
      %dma_wait3A_162 = tpu.memref_squeeze %dma_wait3A_161 : memref<1x112xi32, #tpu.memory_space<vmem>> -> memref<112xi32, #tpu.memory_space<vmem>>
      %dma_wait3A_163 = arith.constant 0 : i32
      %dma_wait3A_164 = arith.constant 0 : i32
      %dma_wait3A_165 = tpu.memref_slice %arg2[%arg0, %dma_wait3A_163, %dma_wait3A_164] : memref<2x5120x128xf32, #tpu.memory_space<hbm>> -> memref<1x5120x128xf32, #tpu.memory_space<hbm>>
      %dma_wait3A_166 = tpu.memref_squeeze %dma_wait3A_165 : memref<1x5120x128xf32, #tpu.memory_space<hbm>> -> memref<5120x128xf32, #tpu.memory_space<hbm>>
      %dma_wait3A_167 = arith.constant 0 : i32
      %dma_wait3A_168 = arith.constant 0 : i32
      %dma_wait3A_169 = tpu.memref_slice %dma_wait3A_166[%dma_wait3A_167, %dma_wait3A_168] : memref<5120x128xf32, #tpu.memory_space<hbm>> -> memref<5120x128xf32, #tpu.memory_space<hbm>>
      tpu.wait_indirect_dma semaphore(%arg18 : memref<!tpu.dma_semaphore, #tpu.memory_space<semaphore_mem>>) src(%dma_wait3A_169 : memref<5120x128xf32, #tpu.memory_space<hbm>>) dst(%arg14 : memref<112x128xf32, #tpu.memory_space<vmem>>)
      %add3A_170 = arith.constant 2 : i32
      %add3A_171 = arith.addi %mul3A_73, %add3A_170 : i32
      %dma_start3A_172 = arith.constant 0 : i32
      %dma_start3A_173 = tpu.memref_slice %arg11[%add3A_171, %dma_start3A_172] : memref<180x112xi32, #tpu.memory_space<vmem>> -> memref<1x112xi32, #tpu.memory_space<vmem>>
      %dma_start3A_174 = tpu.memref_squeeze %dma_start3A_173 : memref<1x112xi32, #tpu.memory_space<vmem>> -> memref<112xi32, #tpu.memory_space<vmem>>
      %dma_start3A_175 = arith.constant 0 : i32
      %dma_start3A_176 = arith.constant 0 : i32
      %dma_start3A_177 = tpu.memref_slice %arg15[%dma_start3A_175, %dma_start3A_176] : memref<5120x128xf32, #tpu.memory_space<vmem_shared>> -> memref<5120x128xf32, #tpu.memory_space<vmem_shared>>
      tpu.enqueue_indirect_dma source(%arg14 : memref<112x128xf32, #tpu.memory_space<vmem>>) target(%dma_start3A_177 : memref<5120x128xf32, #tpu.memory_space<vmem_shared>>) offsets(%dma_start3A_174 : memref<112xi32, #tpu.memory_space<vmem>>) semaphore(%arg21 : memref<!tpu.dma_semaphore, #tpu.memory_space<semaphore_mem>>) {add = true}
      %add3A_178 = arith.constant 1 : i32
      %add3A_179 = arith.addi %mul3A_73, %add3A_178 : i32
      %dma_wait3A_180 = arith.constant 0 : i32
      %dma_wait3A_181 = tpu.memref_slice %arg11[%add3A_179, %dma_wait3A_180] : memref<180x112xi32, #tpu.memory_space<vmem>> -> memref<1x112xi32, #tpu.memory_space<vmem>>
      %dma_wait3A_182 = tpu.memref_squeeze %dma_wait3A_181 : memref<1x112xi32, #tpu.memory_space<vmem>> -> memref<112xi32, #tpu.memory_space<vmem>>
      %dma_wait3A_183 = arith.constant 0 : i32
      %dma_wait3A_184 = arith.constant 0 : i32
      %dma_wait3A_185 = tpu.memref_slice %arg15[%dma_wait3A_183, %dma_wait3A_184] : memref<5120x128xf32, #tpu.memory_space<vmem_shared>> -> memref<5120x128xf32, #tpu.memory_space<vmem_shared>>
      tpu.wait_indirect_dma semaphore(%arg20 : memref<!tpu.dma_semaphore, #tpu.memory_space<semaphore_mem>>) src(%arg13 : memref<112x128xf32, #tpu.memory_space<vmem>>) dst(%dma_wait3A_185 : memref<5120x128xf32, #tpu.memory_space<vmem_shared>>)
      %add3A_186 = arith.constant 4 : i32
      %add3A_187 = arith.addi %mul3A_73, %add3A_186 : i32
      %lt3A_188 = arith.constant 180 : i32
      %lt3A_189 = arith.cmpi slt, %add3A_187, %lt3A_188 : i32
      %jit3A_190 = arith.constant 0 : i32
      %select_n3A_191 = arith.select %lt3A_189, %add3A_187, %jit3A_190 : i32
      %dma_start3A_192 = arith.constant 0 : i32
      %dma_start3A_193 = tpu.memref_slice %arg10[%select_n3A_191, %dma_start3A_192] : memref<180x112xi32, #tpu.memory_space<vmem>> -> memref<1x112xi32, #tpu.memory_space<vmem>>
      %dma_start3A_194 = tpu.memref_squeeze %dma_start3A_193 : memref<1x112xi32, #tpu.memory_space<vmem>> -> memref<112xi32, #tpu.memory_space<vmem>>
      %dma_start3A_195 = arith.constant 0 : i32
      %dma_start3A_196 = arith.constant 0 : i32
      %dma_start3A_197 = tpu.memref_slice %arg2[%arg0, %dma_start3A_195, %dma_start3A_196] : memref<2x5120x128xf32, #tpu.memory_space<hbm>> -> memref<1x5120x128xf32, #tpu.memory_space<hbm>>
      %dma_start3A_198 = tpu.memref_squeeze %dma_start3A_197 : memref<1x5120x128xf32, #tpu.memory_space<hbm>> -> memref<5120x128xf32, #tpu.memory_space<hbm>>
      %dma_start3A_199 = arith.constant 0 : i32
      %dma_start3A_200 = arith.constant 0 : i32
      %dma_start3A_201 = tpu.memref_slice %dma_start3A_198[%dma_start3A_199, %dma_start3A_200] : memref<5120x128xf32, #tpu.memory_space<hbm>> -> memref<5120x128xf32, #tpu.memory_space<hbm>>
      tpu.enqueue_indirect_dma source(%dma_start3A_201 : memref<5120x128xf32, #tpu.memory_space<hbm>>) target(%arg13 : memref<112x128xf32, #tpu.memory_space<vmem>>) offsets(%dma_start3A_194 : memref<112xi32, #tpu.memory_space<vmem>>) semaphore(%arg17 : memref<!tpu.dma_semaphore, #tpu.memory_space<semaphore_mem>>)
      %scan3A_202 = arith.constant 0 : i32
      scf.yield %scan3A_202 : i32
    }
    %scan3A_34 = arith.constant 60 : i32
    %dma_wait3A = arith.constant 0 : i32
    %dma_wait3A_35 = arith.constant 0 : i32
    %dma_wait3A_36 = tpu.memref_slice %arg10[%dma_wait3A, %dma_wait3A_35] : memref<180x112xi32, #tpu.memory_space<vmem>> -> memref<1x112xi32, #tpu.memory_space<vmem>>
    %dma_wait3A_37 = tpu.memref_squeeze %dma_wait3A_36 : memref<1x112xi32, #tpu.memory_space<vmem>> -> memref<112xi32, #tpu.memory_space<vmem>>
    %dma_wait3A_38 = arith.constant 0 : i32
    %dma_wait3A_39 = arith.constant 0 : i32
    %dma_wait3A_40 = tpu.memref_slice %arg2[%arg0, %dma_wait3A_38, %dma_wait3A_39] : memref<2x5120x128xf32, #tpu.memory_space<hbm>> -> memref<1x5120x128xf32, #tpu.memory_space<hbm>>
    %dma_wait3A_41 = tpu.memref_squeeze %dma_wait3A_40 : memref<1x5120x128xf32, #tpu.memory_space<hbm>> -> memref<5120x128xf32, #tpu.memory_space<hbm>>
    %dma_wait3A_42 = arith.constant 0 : i32
    %dma_wait3A_43 = arith.constant 0 : i32
    %dma_wait3A_44 = tpu.memref_slice %dma_wait3A_41[%dma_wait3A_42, %dma_wait3A_43] : memref<5120x128xf32, #tpu.memory_space<hbm>> -> memref<5120x128xf32, #tpu.memory_space<hbm>>
    tpu.wait_indirect_dma semaphore(%arg16 : memref<!tpu.dma_semaphore, #tpu.memory_space<semaphore_mem>>) src(%dma_wait3A_44 : memref<5120x128xf32, #tpu.memory_space<hbm>>) dst(%arg12 : memref<112x128xf32, #tpu.memory_space<vmem>>)
    %dma_wait3A_45 = arith.constant 0 : i32
    %dma_wait3A_46 = arith.constant 0 : i32
    %dma_wait3A_47 = tpu.memref_slice %arg10[%dma_wait3A_45, %dma_wait3A_46] : memref<180x112xi32, #tpu.memory_space<vmem>> -> memref<1x112xi32, #tpu.memory_space<vmem>>
    %dma_wait3A_48 = tpu.memref_squeeze %dma_wait3A_47 : memref<1x112xi32, #tpu.memory_space<vmem>> -> memref<112xi32, #tpu.memory_space<vmem>>
    %dma_wait3A_49 = arith.constant 0 : i32
    %dma_wait3A_50 = arith.constant 0 : i32
    %dma_wait3A_51 = tpu.memref_slice %arg2[%arg0, %dma_wait3A_49, %dma_wait3A_50] : memref<2x5120x128xf32, #tpu.memory_space<hbm>> -> memref<1x5120x128xf32, #tpu.memory_space<hbm>>
    %dma_wait3A_52 = tpu.memref_squeeze %dma_wait3A_51 : memref<1x5120x128xf32, #tpu.memory_space<hbm>> -> memref<5120x128xf32, #tpu.memory_space<hbm>>
    %dma_wait3A_53 = arith.constant 0 : i32
    %dma_wait3A_54 = arith.constant 0 : i32
    %dma_wait3A_55 = tpu.memref_slice %dma_wait3A_52[%dma_wait3A_53, %dma_wait3A_54] : memref<5120x128xf32, #tpu.memory_space<hbm>> -> memref<5120x128xf32, #tpu.memory_space<hbm>>
    tpu.wait_indirect_dma semaphore(%arg17 : memref<!tpu.dma_semaphore, #tpu.memory_space<semaphore_mem>>) src(%dma_wait3A_55 : memref<5120x128xf32, #tpu.memory_space<hbm>>) dst(%arg13 : memref<112x128xf32, #tpu.memory_space<vmem>>)
    %dma_wait3A_56 = arith.constant 179 : i32
    %dma_wait3A_57 = arith.constant 0 : i32
    %dma_wait3A_58 = tpu.memref_slice %arg11[%dma_wait3A_56, %dma_wait3A_57] : memref<180x112xi32, #tpu.memory_space<vmem>> -> memref<1x112xi32, #tpu.memory_space<vmem>>
    %dma_wait3A_59 = tpu.memref_squeeze %dma_wait3A_58 : memref<1x112xi32, #tpu.memory_space<vmem>> -> memref<112xi32, #tpu.memory_space<vmem>>
    %dma_wait3A_60 = arith.constant 0 : i32
    %dma_wait3A_61 = arith.constant 0 : i32
    %dma_wait3A_62 = tpu.memref_slice %arg15[%dma_wait3A_60, %dma_wait3A_61] : memref<5120x128xf32, #tpu.memory_space<vmem_shared>> -> memref<5120x128xf32, #tpu.memory_space<vmem_shared>>
    tpu.wait_indirect_dma semaphore(%arg21 : memref<!tpu.dma_semaphore, #tpu.memory_space<semaphore_mem>>) src(%arg14 : memref<112x128xf32, #tpu.memory_space<vmem>>) dst(%dma_wait3A_62 : memref<5120x128xf32, #tpu.memory_space<vmem_shared>>)
    %barrier3A_63 = arith.constant 0 : index
    tpu.barrier barrier_id(%barrier3A_63)
    %scan3A_64 = arith.constant 0 : i32
    %scan3A_65 = arith.constant 0 : i32
    %scan3A_66 = arith.constant 10 : i32
    %scan3A_67 = arith.addi %scan3A_65, %scan3A_66 : i32
    %scan3A_68 = arith.constant 1 : i32
    %scan3A_69 = scf.for %scan3A_71 = %scan3A_65 to %scan3A_67 step %scan3A_68 iter_args(%scan3A_72 = %scan3A_64) -> (i32)  : i32 {
      %mul3A = arith.constant 320 : i32
      %mul3A_73 = arith.muli %arg1, %mul3A : i32
      %mul3A_74 = arith.constant 32 : i32
      %mul3A_75 = arith.muli %scan3A_71, %mul3A_74 : i32
      %add3A = arith.addi %mul3A_73, %mul3A_75 : i32
      "tpu.region"() ({
        %run_scoped3A = tpu.sem_alloc : memref<!tpu.dma_semaphore, #tpu.memory_space<semaphore_mem>>
        %dma_start3A_91 = arith.constant 0 : i32
        %dma_start3A_92 = arith.constant 0 : i32
        %dma_start3A_93 = tpu.memref_slice %arg12[%dma_start3A_91, %dma_start3A_92] : memref<112x128xf32, #tpu.memory_space<vmem>> -> memref<32x128xf32, #tpu.memory_space<vmem>>
        %dma_start3A_94 = arith.constant 0 : i32
        %dma_start3A_95 = tpu.memref_slice %arg15[%add3A, %dma_start3A_94] : memref<5120x128xf32, #tpu.memory_space<vmem_shared>> -> memref<32x128xf32, #tpu.memory_space<vmem_shared>>
        %dma_start3A_96 = arith.constant 0 : i32
        %dma_start3A_97 = arith.constant 0 : i32
        %dma_start3A_98 = tpu.memref_slice %arg12[%dma_start3A_96, %dma_start3A_97] : memref<112x128xf32, #tpu.memory_space<vmem>> -> memref<32x128xf32, #tpu.memory_space<vmem>>
        %dma_start3A_99 = arith.constant 0 : i32
        %dma_start3A_100 = tpu.memref_slice %arg15[%add3A, %dma_start3A_99] : memref<5120x128xf32, #tpu.memory_space<vmem_shared>> -> memref<32x128xf32, #tpu.memory_space<vmem_shared>>
        tpu.enqueue_dma source(%dma_start3A_100 : memref<32x128xf32, #tpu.memory_space<vmem_shared>>) target(%dma_start3A_98 : memref<32x128xf32, #tpu.memory_space<vmem>>) target_semaphore(%run_scoped3A : memref<!tpu.dma_semaphore, #tpu.memory_space<semaphore_mem>>)
        %dma_wait3A_101 = arith.constant 0 : i32
        %dma_wait3A_102 = arith.constant 0 : i32
        %dma_wait3A_103 = tpu.memref_slice %arg12[%dma_wait3A_101, %dma_wait3A_102] : memref<112x128xf32, #tpu.memory_space<vmem>> -> memref<32x128xf32, #tpu.memory_space<vmem>>
        %dma_wait3A_104 = arith.constant 0 : i32
        %dma_wait3A_105 = tpu.memref_slice %arg15[%add3A, %dma_wait3A_104] : memref<5120x128xf32, #tpu.memory_space<vmem_shared>> -> memref<32x128xf32, #tpu.memory_space<vmem_shared>>
        %dma_wait3A_106 = arith.constant 0 : i32
        %dma_wait3A_107 = arith.constant 0 : i32
        %dma_wait3A_108 = tpu.memref_slice %arg12[%dma_wait3A_106, %dma_wait3A_107] : memref<112x128xf32, #tpu.memory_space<vmem>> -> memref<32x128xf32, #tpu.memory_space<vmem>>
        %dma_wait3A_109 = arith.constant 0 : i32
        %dma_wait3A_110 = tpu.memref_slice %arg15[%add3A, %dma_wait3A_109] : memref<5120x128xf32, #tpu.memory_space<vmem_shared>> -> memref<32x128xf32, #tpu.memory_space<vmem_shared>>
        tpu.wait_dma2 semaphore(%run_scoped3A : memref<!tpu.dma_semaphore, #tpu.memory_space<semaphore_mem>>) src(%dma_wait3A_110 : memref<32x128xf32, #tpu.memory_space<vmem_shared>>) dst(%dma_wait3A_108 : memref<32x128xf32, #tpu.memory_space<vmem>>)
        tpu.yield
      }) : () -> ()
      "tpu.region"() ({
        %run_scoped3A = tpu.sem_alloc : memref<!tpu.dma_semaphore, #tpu.memory_space<semaphore_mem>>
        %dma_start3A_91 = arith.constant 0 : i32
        %dma_start3A_92 = arith.constant 0 : i32
        %dma_start3A_93 = tpu.memref_slice %arg13[%dma_start3A_91, %dma_start3A_92] : memref<112x128xf32, #tpu.memory_space<vmem>> -> memref<32x128xf32, #tpu.memory_space<vmem>>
        %dma_start3A_94 = arith.constant 0 : i32
        %dma_start3A_95 = tpu.memref_slice %arg5[%sub3A_0, %add3A, %dma_start3A_94] : memref<2x5120x128xf32, #tpu.memory_space<hbm>> -> memref<1x32x128xf32, #tpu.memory_space<hbm>>
        %dma_start3A_96 = tpu.memref_squeeze %dma_start3A_95 : memref<1x32x128xf32, #tpu.memory_space<hbm>> -> memref<32x128xf32, #tpu.memory_space<hbm>>
        %dma_start3A_97 = arith.constant 0 : i32
        %dma_start3A_98 = arith.constant 0 : i32
        %dma_start3A_99 = tpu.memref_slice %arg13[%dma_start3A_97, %dma_start3A_98] : memref<112x128xf32, #tpu.memory_space<vmem>> -> memref<32x128xf32, #tpu.memory_space<vmem>>
        %dma_start3A_100 = arith.constant 0 : i32
        %dma_start3A_101 = tpu.memref_slice %arg5[%sub3A_0, %add3A, %dma_start3A_100] : memref<2x5120x128xf32, #tpu.memory_space<hbm>> -> memref<1x32x128xf32, #tpu.memory_space<hbm>>
        %dma_start3A_102 = tpu.memref_squeeze %dma_start3A_101 : memref<1x32x128xf32, #tpu.memory_space<hbm>> -> memref<32x128xf32, #tpu.memory_space<hbm>>
        tpu.enqueue_dma source(%dma_start3A_102 : memref<32x128xf32, #tpu.memory_space<hbm>>) target(%dma_start3A_99 : memref<32x128xf32, #tpu.memory_space<vmem>>) target_semaphore(%run_scoped3A : memref<!tpu.dma_semaphore, #tpu.memory_space<semaphore_mem>>)
        %dma_wait3A_103 = arith.constant 0 : i32
        %dma_wait3A_104 = arith.constant 0 : i32
        %dma_wait3A_105 = tpu.memref_slice %arg13[%dma_wait3A_103, %dma_wait3A_104] : memref<112x128xf32, #tpu.memory_space<vmem>> -> memref<32x128xf32, #tpu.memory_space<vmem>>
        %dma_wait3A_106 = arith.constant 0 : i32
        %dma_wait3A_107 = tpu.memref_slice %arg5[%sub3A_0, %add3A, %dma_wait3A_106] : memref<2x5120x128xf32, #tpu.memory_space<hbm>> -> memref<1x32x128xf32, #tpu.memory_space<hbm>>
        %dma_wait3A_108 = tpu.memref_squeeze %dma_wait3A_107 : memref<1x32x128xf32, #tpu.memory_space<hbm>> -> memref<32x128xf32, #tpu.memory_space<hbm>>
        %dma_wait3A_109 = arith.constant 0 : i32
        %dma_wait3A_110 = arith.constant 0 : i32
        %dma_wait3A_111 = tpu.memref_slice %arg13[%dma_wait3A_109, %dma_wait3A_110] : memref<112x128xf32, #tpu.memory_space<vmem>> -> memref<32x128xf32, #tpu.memory_space<vmem>>
        %dma_wait3A_112 = arith.constant 0 : i32
        %dma_wait3A_113 = tpu.memref_slice %arg5[%sub3A_0, %add3A, %dma_wait3A_112] : memref<2x5120x128xf32, #tpu.memory_space<hbm>> -> memref<1x32x128xf32, #tpu.memory_space<hbm>>
        %dma_wait3A_114 = tpu.memref_squeeze %dma_wait3A_113 : memref<1x32x128xf32, #tpu.memory_space<hbm>> -> memref<32x128xf32, #tpu.memory_space<hbm>>
        tpu.wait_dma2 semaphore(%run_scoped3A : memref<!tpu.dma_semaphore, #tpu.memory_space<semaphore_mem>>) src(%dma_wait3A_114 : memref<32x128xf32, #tpu.memory_space<hbm>>) dst(%dma_wait3A_111 : memref<32x128xf32, #tpu.memory_space<vmem>>)
        tpu.yield
      }) : () -> ()
      %scan3A_76 = arith.constant 0 : i32
      %scan3A_77 = arith.constant 0 : i32
      %scan3A_78 = arith.constant 32 : i32
      %scan3A_79 = arith.addi %scan3A_77, %scan3A_78 : i32
      %scan3A_80 = arith.constant 1 : i32
      %scan3A_81 = scf.for %scan3A_91 = %scan3A_77 to %scan3A_79 step %scan3A_80 iter_args(%scan3A_92 = %scan3A_76) -> (i32)  : i32 {
        %get3A = arith.index_cast %scan3A_91 : i32 to index
        %get3A_93 = arith.constant 0 : index
        %get3A_94 = tpu.vector_load %arg12[%get3A, %get3A_93] {strides = array<i32>} : memref<112x128xf32, #tpu.memory_space<vmem>>, vector<1x16xf32>,
        %get3A_95 = vector.shape_cast %get3A_94 : vector<1x16xf32> to vector<16xf32>
        %get3A_96 = arith.index_cast %scan3A_91 : i32 to index
        %get3A_97 = arith.constant 0 : index
        %get3A_98 = tpu.vector_load %arg13[%get3A_96, %get3A_97] {strides = array<i32>} : memref<112x128xf32, #tpu.memory_space<vmem>>, vector<1x16xf32>,
        %get3A_99 = vector.shape_cast %get3A_98 : vector<1x16xf32> to vector<16xf32>
        %mul3A_100 = arith.mulf %get3A_95, %get3A_99 : vector<16xf32>
        %swap3A = arith.index_cast %scan3A_91 : i32 to index
        %swap3A_101 = arith.constant 0 : index
        %swap3A_102 = tpu.vector_load %arg13[%swap3A, %swap3A_101] {strides = array<i32>} : memref<112x128xf32, #tpu.memory_space<vmem>>, vector<1x16xf32>,
        %swap3A_103 = vector.shape_cast %swap3A_102 : vector<1x16xf32> to vector<16xf32>
        %swap3A_104 = vector.shape_cast %mul3A_100 : vector<16xf32> to vector<1x16xf32>
        tpu.vector_store %arg13[%swap3A, %swap3A_101], %swap3A_104 {strides = array<i32>} : memref<112x128xf32, #tpu.memory_space<vmem>>, vector<1x16xf32>,
        %get3A_105 = arith.index_cast %scan3A_91 : i32 to index
        %get3A_106 = arith.constant 16 : index
        %get3A_107 = tpu.vector_load %arg12[%get3A_105, %get3A_106] {strides = array<i32>} : memref<112x128xf32, #tpu.memory_space<vmem>>, vector<1x16xf32>,
        %get3A_108 = vector.shape_cast %get3A_107 : vector<1x16xf32> to vector<16xf32>
        %get3A_109 = arith.index_cast %scan3A_91 : i32 to index
        %get3A_110 = arith.constant 16 : index
        %get3A_111 = tpu.vector_load %arg13[%get3A_109, %get3A_110] {strides = array<i32>} : memref<112x128xf32, #tpu.memory_space<vmem>>, vector<1x16xf32>,
        %get3A_112 = vector.shape_cast %get3A_111 : vector<1x16xf32> to vector<16xf32>
        %mul3A_113 = arith.mulf %get3A_108, %get3A_112 : vector<16xf32>
        %swap3A_114 = arith.index_cast %scan3A_91 : i32 to index
        %swap3A_115 = arith.constant 16 : index
        %swap3A_116 = tpu.vector_load %arg13[%swap3A_114, %swap3A_115] {strides = array<i32>} : memref<112x128xf32, #tpu.memory_space<vmem>>, vector<1x16xf32>,
        %swap3A_117 = vector.shape_cast %swap3A_116 : vector<1x16xf32> to vector<16xf32>
        %swap3A_118 = vector.shape_cast %mul3A_113 : vector<16xf32> to vector<1x16xf32>
        tpu.vector_store %arg13[%swap3A_114, %swap3A_115], %swap3A_118 {strides = array<i32>} : memref<112x128xf32, #tpu.memory_space<vmem>>, vector<1x16xf32>,
        %get3A_119 = arith.index_cast %scan3A_91 : i32 to index
        %get3A_120 = arith.constant 32 : index
        %get3A_121 = tpu.vector_load %arg12[%get3A_119, %get3A_120] {strides = array<i32>} : memref<112x128xf32, #tpu.memory_space<vmem>>, vector<1x16xf32>,
        %get3A_122 = vector.shape_cast %get3A_121 : vector<1x16xf32> to vector<16xf32>
        %get3A_123 = arith.index_cast %scan3A_91 : i32 to index
        %get3A_124 = arith.constant 32 : index
        %get3A_125 = tpu.vector_load %arg13[%get3A_123, %get3A_124] {strides = array<i32>} : memref<112x128xf32, #tpu.memory_space<vmem>>, vector<1x16xf32>,
        %get3A_126 = vector.shape_cast %get3A_125 : vector<1x16xf32> to vector<16xf32>
        %mul3A_127 = arith.mulf %get3A_122, %get3A_126 : vector<16xf32>
        %swap3A_128 = arith.index_cast %scan3A_91 : i32 to index
        %swap3A_129 = arith.constant 32 : index
        %swap3A_130 = tpu.vector_load %arg13[%swap3A_128, %swap3A_129] {strides = array<i32>} : memref<112x128xf32, #tpu.memory_space<vmem>>, vector<1x16xf32>,
        %swap3A_131 = vector.shape_cast %swap3A_130 : vector<1x16xf32> to vector<16xf32>
        %swap3A_132 = vector.shape_cast %mul3A_127 : vector<16xf32> to vector<1x16xf32>
        tpu.vector_store %arg13[%swap3A_128, %swap3A_129], %swap3A_132 {strides = array<i32>} : memref<112x128xf32, #tpu.memory_space<vmem>>, vector<1x16xf32>,
        %get3A_133 = arith.index_cast %scan3A_91 : i32 to index
        %get3A_134 = arith.constant 48 : index
        %get3A_135 = tpu.vector_load %arg12[%get3A_133, %get3A_134] {strides = array<i32>} : memref<112x128xf32, #tpu.memory_space<vmem>>, vector<1x16xf32>,
        %get3A_136 = vector.shape_cast %get3A_135 : vector<1x16xf32> to vector<16xf32>
        %get3A_137 = arith.index_cast %scan3A_91 : i32 to index
        %get3A_138 = arith.constant 48 : index
        %get3A_139 = tpu.vector_load %arg13[%get3A_137, %get3A_138] {strides = array<i32>} : memref<112x128xf32, #tpu.memory_space<vmem>>, vector<1x16xf32>,
        %get3A_140 = vector.shape_cast %get3A_139 : vector<1x16xf32> to vector<16xf32>
        %mul3A_141 = arith.mulf %get3A_136, %get3A_140 : vector<16xf32>
        %swap3A_142 = arith.index_cast %scan3A_91 : i32 to index
        %swap3A_143 = arith.constant 48 : index
        %swap3A_144 = tpu.vector_load %arg13[%swap3A_142, %swap3A_143] {strides = array<i32>} : memref<112x128xf32, #tpu.memory_space<vmem>>, vector<1x16xf32>,
        %swap3A_145 = vector.shape_cast %swap3A_144 : vector<1x16xf32> to vector<16xf32>
        %swap3A_146 = vector.shape_cast %mul3A_141 : vector<16xf32> to vector<1x16xf32>
        tpu.vector_store %arg13[%swap3A_142, %swap3A_143], %swap3A_146 {strides = array<i32>} : memref<112x128xf32, #tpu.memory_space<vmem>>, vector<1x16xf32>,
        %get3A_147 = arith.index_cast %scan3A_91 : i32 to index
        %get3A_148 = arith.constant 64 : index
        %get3A_149 = tpu.vector_load %arg12[%get3A_147, %get3A_148] {strides = array<i32>} : memref<112x128xf32, #tpu.memory_space<vmem>>, vector<1x16xf32>,
        %get3A_150 = vector.shape_cast %get3A_149 : vector<1x16xf32> to vector<16xf32>
        %get3A_151 = arith.index_cast %scan3A_91 : i32 to index
        %get3A_152 = arith.constant 64 : index
        %get3A_153 = tpu.vector_load %arg13[%get3A_151, %get3A_152] {strides = array<i32>} : memref<112x128xf32, #tpu.memory_space<vmem>>, vector<1x16xf32>,
        %get3A_154 = vector.shape_cast %get3A_153 : vector<1x16xf32> to vector<16xf32>
        %mul3A_155 = arith.mulf %get3A_150, %get3A_154 : vector<16xf32>
        %swap3A_156 = arith.index_cast %scan3A_91 : i32 to index
        %swap3A_157 = arith.constant 64 : index
        %swap3A_158 = tpu.vector_load %arg13[%swap3A_156, %swap3A_157] {strides = array<i32>} : memref<112x128xf32, #tpu.memory_space<vmem>>, vector<1x16xf32>,
        %swap3A_159 = vector.shape_cast %swap3A_158 : vector<1x16xf32> to vector<16xf32>
        %swap3A_160 = vector.shape_cast %mul3A_155 : vector<16xf32> to vector<1x16xf32>
        tpu.vector_store %arg13[%swap3A_156, %swap3A_157], %swap3A_160 {strides = array<i32>} : memref<112x128xf32, #tpu.memory_space<vmem>>, vector<1x16xf32>,
        %get3A_161 = arith.index_cast %scan3A_91 : i32 to index
        %get3A_162 = arith.constant 80 : index
        %get3A_163 = tpu.vector_load %arg12[%get3A_161, %get3A_162] {strides = array<i32>} : memref<112x128xf32, #tpu.memory_space<vmem>>, vector<1x16xf32>,
        %get3A_164 = vector.shape_cast %get3A_163 : vector<1x16xf32> to vector<16xf32>
        %get3A_165 = arith.index_cast %scan3A_91 : i32 to index
        %get3A_166 = arith.constant 80 : index
        %get3A_167 = tpu.vector_load %arg13[%get3A_165, %get3A_166] {strides = array<i32>} : memref<112x128xf32, #tpu.memory_space<vmem>>, vector<1x16xf32>,
        %get3A_168 = vector.shape_cast %get3A_167 : vector<1x16xf32> to vector<16xf32>
        %mul3A_169 = arith.mulf %get3A_164, %get3A_168 : vector<16xf32>
        %swap3A_170 = arith.index_cast %scan3A_91 : i32 to index
        %swap3A_171 = arith.constant 80 : index
        %swap3A_172 = tpu.vector_load %arg13[%swap3A_170, %swap3A_171] {strides = array<i32>} : memref<112x128xf32, #tpu.memory_space<vmem>>, vector<1x16xf32>,
        %swap3A_173 = vector.shape_cast %swap3A_172 : vector<1x16xf32> to vector<16xf32>
        %swap3A_174 = vector.shape_cast %mul3A_169 : vector<16xf32> to vector<1x16xf32>
        tpu.vector_store %arg13[%swap3A_170, %swap3A_171], %swap3A_174 {strides = array<i32>} : memref<112x128xf32, #tpu.memory_space<vmem>>, vector<1x16xf32>,
        %get3A_175 = arith.index_cast %scan3A_91 : i32 to index
        %get3A_176 = arith.constant 96 : index
        %get3A_177 = tpu.vector_load %arg12[%get3A_175, %get3A_176] {strides = array<i32>} : memref<112x128xf32, #tpu.memory_space<vmem>>, vector<1x16xf32>,
        %get3A_178 = vector.shape_cast %get3A_177 : vector<1x16xf32> to vector<16xf32>
        %get3A_179 = arith.index_cast %scan3A_91 : i32 to index
        %get3A_180 = arith.constant 96 : index
        %get3A_181 = tpu.vector_load %arg13[%get3A_179, %get3A_180] {strides = array<i32>} : memref<112x128xf32, #tpu.memory_space<vmem>>, vector<1x16xf32>,
        %get3A_182 = vector.shape_cast %get3A_181 : vector<1x16xf32> to vector<16xf32>
        %mul3A_183 = arith.mulf %get3A_178, %get3A_182 : vector<16xf32>
        %swap3A_184 = arith.index_cast %scan3A_91 : i32 to index
        %swap3A_185 = arith.constant 96 : index
        %swap3A_186 = tpu.vector_load %arg13[%swap3A_184, %swap3A_185] {strides = array<i32>} : memref<112x128xf32, #tpu.memory_space<vmem>>, vector<1x16xf32>,
        %swap3A_187 = vector.shape_cast %swap3A_186 : vector<1x16xf32> to vector<16xf32>
        %swap3A_188 = vector.shape_cast %mul3A_183 : vector<16xf32> to vector<1x16xf32>
        tpu.vector_store %arg13[%swap3A_184, %swap3A_185], %swap3A_188 {strides = array<i32>} : memref<112x128xf32, #tpu.memory_space<vmem>>, vector<1x16xf32>,
        %get3A_189 = arith.index_cast %scan3A_91 : i32 to index
        %get3A_190 = arith.constant 112 : index
        %get3A_191 = tpu.vector_load %arg12[%get3A_189, %get3A_190] {strides = array<i32>} : memref<112x128xf32, #tpu.memory_space<vmem>>, vector<1x16xf32>,
        %get3A_192 = vector.shape_cast %get3A_191 : vector<1x16xf32> to vector<16xf32>
        %get3A_193 = arith.index_cast %scan3A_91 : i32 to index
        %get3A_194 = arith.constant 112 : index
        %get3A_195 = tpu.vector_load %arg13[%get3A_193, %get3A_194] {strides = array<i32>} : memref<112x128xf32, #tpu.memory_space<vmem>>, vector<1x16xf32>,
        %get3A_196 = vector.shape_cast %get3A_195 : vector<1x16xf32> to vector<16xf32>
        %mul3A_197 = arith.mulf %get3A_192, %get3A_196 : vector<16xf32>
        %swap3A_198 = arith.index_cast %scan3A_91 : i32 to index
        %swap3A_199 = arith.constant 112 : index
        %swap3A_200 = tpu.vector_load %arg13[%swap3A_198, %swap3A_199] {strides = array<i32>} : memref<112x128xf32, #tpu.memory_space<vmem>>, vector<1x16xf32>,
        %swap3A_201 = vector.shape_cast %swap3A_200 : vector<1x16xf32> to vector<16xf32>
        %swap3A_202 = vector.shape_cast %mul3A_197 : vector<16xf32> to vector<1x16xf32>
        tpu.vector_store %arg13[%swap3A_198, %swap3A_199], %swap3A_202 {strides = array<i32>} : memref<112x128xf32, #tpu.memory_space<vmem>>, vector<1x16xf32>,
        %scan3A_203 = arith.constant 0 : i32
        scf.yield %scan3A_203 : i32
      }
      %scan3A_82 = arith.constant 32 : i32
      "tpu.region"() ({
        %run_scoped3A = tpu.sem_alloc : memref<!tpu.dma_semaphore, #tpu.memory_space<semaphore_mem>>
        %dma_start3A_91 = arith.constant 0 : i32
        %dma_start3A_92 = arith.constant 0 : i32
        %dma_start3A_93 = tpu.memref_slice %arg13[%dma_start3A_91, %dma_start3A_92] : memref<112x128xf32, #tpu.memory_space<vmem>> -> memref<32x128xf32, #tpu.memory_space<vmem>>
        %dma_start3A_94 = arith.constant 0 : i32
        %dma_start3A_95 = tpu.memref_slice %arg8[%sub3A_0, %add3A, %dma_start3A_94] : memref<2x5120x128xf32, #tpu.memory_space<hbm>> -> memref<1x32x128xf32, #tpu.memory_space<hbm>>
        %dma_start3A_96 = tpu.memref_squeeze %dma_start3A_95 : memref<1x32x128xf32, #tpu.memory_space<hbm>> -> memref<32x128xf32, #tpu.memory_space<hbm>>
        %dma_start3A_97 = arith.constant 0 : i32
        %dma_start3A_98 = tpu.memref_slice %arg8[%sub3A_0, %add3A, %dma_start3A_97] : memref<2x5120x128xf32, #tpu.memory_space<hbm>> -> memref<1x32x128xf32, #tpu.memory_space<hbm>>
        %dma_start3A_99 = tpu.memref_squeeze %dma_start3A_98 : memref<1x32x128xf32, #tpu.memory_space<hbm>> -> memref<32x128xf32, #tpu.memory_space<hbm>>
        %dma_start3A_100 = arith.constant 0 : i32
        %dma_start3A_101 = arith.constant 0 : i32
        %dma_start3A_102 = tpu.memref_slice %arg13[%dma_start3A_100, %dma_start3A_101] : memref<112x128xf32, #tpu.memory_space<vmem>> -> memref<32x128xf32, #tpu.memory_space<vmem>>
        tpu.enqueue_dma source(%dma_start3A_102 : memref<32x128xf32, #tpu.memory_space<vmem>>) target(%dma_start3A_99 : memref<32x128xf32, #tpu.memory_space<hbm>>) target_semaphore(%run_scoped3A : memref<!tpu.dma_semaphore, #tpu.memory_space<semaphore_mem>>)
        %dma_wait3A_103 = arith.constant 0 : i32
        %dma_wait3A_104 = arith.constant 0 : i32
        %dma_wait3A_105 = tpu.memref_slice %arg13[%dma_wait3A_103, %dma_wait3A_104] : memref<112x128xf32, #tpu.memory_space<vmem>> -> memref<32x128xf32, #tpu.memory_space<vmem>>
        %dma_wait3A_106 = arith.constant 0 : i32
        %dma_wait3A_107 = tpu.memref_slice %arg8[%sub3A_0, %add3A, %dma_wait3A_106] : memref<2x5120x128xf32, #tpu.memory_space<hbm>> -> memref<1x32x128xf32, #tpu.memory_space<hbm>>
        %dma_wait3A_108 = tpu.memref_squeeze %dma_wait3A_107 : memref<1x32x128xf32, #tpu.memory_space<hbm>> -> memref<32x128xf32, #tpu.memory_space<hbm>>
        %dma_wait3A_109 = arith.constant 0 : i32
        %dma_wait3A_110 = tpu.memref_slice %arg8[%sub3A_0, %add3A, %dma_wait3A_109] : memref<2x5120x128xf32, #tpu.memory_space<hbm>> -> memref<1x32x128xf32, #tpu.memory_space<hbm>>
        %dma_wait3A_111 = tpu.memref_squeeze %dma_wait3A_110 : memref<1x32x128xf32, #tpu.memory_space<hbm>> -> memref<32x128xf32, #tpu.memory_space<hbm>>
        %dma_wait3A_112 = arith.constant 0 : i32
        %dma_wait3A_113 = arith.constant 0 : i32
        %dma_wait3A_114 = tpu.memref_slice %arg13[%dma_wait3A_112, %dma_wait3A_113] : memref<112x128xf32, #tpu.memory_space<vmem>> -> memref<32x128xf32, #tpu.memory_space<vmem>>
        tpu.wait_dma2 semaphore(%run_scoped3A : memref<!tpu.dma_semaphore, #tpu.memory_space<semaphore_mem>>) src(%dma_wait3A_114 : memref<32x128xf32, #tpu.memory_space<vmem>>) dst(%dma_wait3A_111 : memref<32x128xf32, #tpu.memory_space<hbm>>)
        tpu.yield
      }) : () -> ()
      "tpu.region"() ({
        %run_scoped3A = tpu.sem_alloc : memref<!tpu.dma_semaphore, #tpu.memory_space<semaphore_mem>>
        %dma_start3A_91 = arith.constant 0 : i32
        %dma_start3A_92 = arith.constant 0 : i32
        %dma_start3A_93 = tpu.memref_slice %arg13[%dma_start3A_91, %dma_start3A_92] : memref<112x128xf32, #tpu.memory_space<vmem>> -> memref<32x128xf32, #tpu.memory_space<vmem>>
        %dma_start3A_94 = arith.constant 0 : i32
        %dma_start3A_95 = tpu.memref_slice %arg6[%sub3A_0, %add3A, %dma_start3A_94] : memref<2x5120x128xf32, #tpu.memory_space<hbm>> -> memref<1x32x128xf32, #tpu.memory_space<hbm>>
        %dma_start3A_96 = tpu.memref_squeeze %dma_start3A_95 : memref<1x32x128xf32, #tpu.memory_space<hbm>> -> memref<32x128xf32, #tpu.memory_space<hbm>>
        %dma_start3A_97 = arith.constant 0 : i32
        %dma_start3A_98 = arith.constant 0 : i32
        %dma_start3A_99 = tpu.memref_slice %arg13[%dma_start3A_97, %dma_start3A_98] : memref<112x128xf32, #tpu.memory_space<vmem>> -> memref<32x128xf32, #tpu.memory_space<vmem>>
        %dma_start3A_100 = arith.constant 0 : i32
        %dma_start3A_101 = tpu.memref_slice %arg6[%sub3A_0, %add3A, %dma_start3A_100] : memref<2x5120x128xf32, #tpu.memory_space<hbm>> -> memref<1x32x128xf32, #tpu.memory_space<hbm>>
        %dma_start3A_102 = tpu.memref_squeeze %dma_start3A_101 : memref<1x32x128xf32, #tpu.memory_space<hbm>> -> memref<32x128xf32, #tpu.memory_space<hbm>>
        tpu.enqueue_dma source(%dma_start3A_102 : memref<32x128xf32, #tpu.memory_space<hbm>>) target(%dma_start3A_99 : memref<32x128xf32, #tpu.memory_space<vmem>>) target_semaphore(%run_scoped3A : memref<!tpu.dma_semaphore, #tpu.memory_space<semaphore_mem>>)
        %dma_wait3A_103 = arith.constant 0 : i32
        %dma_wait3A_104 = arith.constant 0 : i32
        %dma_wait3A_105 = tpu.memref_slice %arg13[%dma_wait3A_103, %dma_wait3A_104] : memref<112x128xf32, #tpu.memory_space<vmem>> -> memref<32x128xf32, #tpu.memory_space<vmem>>
        %dma_wait3A_106 = arith.constant 0 : i32
        %dma_wait3A_107 = tpu.memref_slice %arg6[%sub3A_0, %add3A, %dma_wait3A_106] : memref<2x5120x128xf32, #tpu.memory_space<hbm>> -> memref<1x32x128xf32, #tpu.memory_space<hbm>>
        %dma_wait3A_108 = tpu.memref_squeeze %dma_wait3A_107 : memref<1x32x128xf32, #tpu.memory_space<hbm>> -> memref<32x128xf32, #tpu.memory_space<hbm>>
        %dma_wait3A_109 = arith.constant 0 : i32
        %dma_wait3A_110 = arith.constant 0 : i32
        %dma_wait3A_111 = tpu.memref_slice %arg13[%dma_wait3A_109, %dma_wait3A_110] : memref<112x128xf32, #tpu.memory_space<vmem>> -> memref<32x128xf32, #tpu.memory_space<vmem>>
        %dma_wait3A_112 = arith.constant 0 : i32
        %dma_wait3A_113 = tpu.memref_slice %arg6[%sub3A_0, %add3A, %dma_wait3A_112] : memref<2x5120x128xf32, #tpu.memory_space<hbm>> -> memref<1x32x128xf32, #tpu.memory_space<hbm>>
        %dma_wait3A_114 = tpu.memref_squeeze %dma_wait3A_113 : memref<1x32x128xf32, #tpu.memory_space<hbm>> -> memref<32x128xf32, #tpu.memory_space<hbm>>
        tpu.wait_dma2 semaphore(%run_scoped3A : memref<!tpu.dma_semaphore, #tpu.memory_space<semaphore_mem>>) src(%dma_wait3A_114 : memref<32x128xf32, #tpu.memory_space<hbm>>) dst(%dma_wait3A_111 : memref<32x128xf32, #tpu.memory_space<vmem>>)
        tpu.yield
      }) : () -> ()
      "tpu.region"() ({
        %run_scoped3A = tpu.sem_alloc : memref<!tpu.dma_semaphore, #tpu.memory_space<semaphore_mem>>
        %dma_start3A_91 = arith.constant 0 : i32
        %dma_start3A_92 = arith.constant 0 : i32
        %dma_start3A_93 = tpu.memref_slice %arg14[%dma_start3A_91, %dma_start3A_92] : memref<112x128xf32, #tpu.memory_space<vmem>> -> memref<32x128xf32, #tpu.memory_space<vmem>>
        %dma_start3A_94 = arith.constant 0 : i32
        %dma_start3A_95 = tpu.memref_slice %arg3[%sub3A_0, %add3A, %dma_start3A_94] : memref<2x5120x128xf32, #tpu.memory_space<hbm>> -> memref<1x32x128xf32, #tpu.memory_space<hbm>>
        %dma_start3A_96 = tpu.memref_squeeze %dma_start3A_95 : memref<1x32x128xf32, #tpu.memory_space<hbm>> -> memref<32x128xf32, #tpu.memory_space<hbm>>
        %dma_start3A_97 = arith.constant 0 : i32
        %dma_start3A_98 = arith.constant 0 : i32
        %dma_start3A_99 = tpu.memref_slice %arg14[%dma_start3A_97, %dma_start3A_98] : memref<112x128xf32, #tpu.memory_space<vmem>> -> memref<32x128xf32, #tpu.memory_space<vmem>>
        %dma_start3A_100 = arith.constant 0 : i32
        %dma_start3A_101 = tpu.memref_slice %arg3[%sub3A_0, %add3A, %dma_start3A_100] : memref<2x5120x128xf32, #tpu.memory_space<hbm>> -> memref<1x32x128xf32, #tpu.memory_space<hbm>>
        %dma_start3A_102 = tpu.memref_squeeze %dma_start3A_101 : memref<1x32x128xf32, #tpu.memory_space<hbm>> -> memref<32x128xf32, #tpu.memory_space<hbm>>
        tpu.enqueue_dma source(%dma_start3A_102 : memref<32x128xf32, #tpu.memory_space<hbm>>) target(%dma_start3A_99 : memref<32x128xf32, #tpu.memory_space<vmem>>) target_semaphore(%run_scoped3A : memref<!tpu.dma_semaphore, #tpu.memory_space<semaphore_mem>>)
        %dma_wait3A_103 = arith.constant 0 : i32
        %dma_wait3A_104 = arith.constant 0 : i32
        %dma_wait3A_105 = tpu.memref_slice %arg14[%dma_wait3A_103, %dma_wait3A_104] : memref<112x128xf32, #tpu.memory_space<vmem>> -> memref<32x128xf32, #tpu.memory_space<vmem>>
        %dma_wait3A_106 = arith.constant 0 : i32
        %dma_wait3A_107 = tpu.memref_slice %arg3[%sub3A_0, %add3A, %dma_wait3A_106] : memref<2x5120x128xf32, #tpu.memory_space<hbm>> -> memref<1x32x128xf32, #tpu.memory_space<hbm>>
        %dma_wait3A_108 = tpu.memref_squeeze %dma_wait3A_107 : memref<1x32x128xf32, #tpu.memory_space<hbm>> -> memref<32x128xf32, #tpu.memory_space<hbm>>
        %dma_wait3A_109 = arith.constant 0 : i32
        %dma_wait3A_110 = arith.constant 0 : i32
        %dma_wait3A_111 = tpu.memref_slice %arg14[%dma_wait3A_109, %dma_wait3A_110] : memref<112x128xf32, #tpu.memory_space<vmem>> -> memref<32x128xf32, #tpu.memory_space<vmem>>
        %dma_wait3A_112 = arith.constant 0 : i32
        %dma_wait3A_113 = tpu.memref_slice %arg3[%sub3A_0, %add3A, %dma_wait3A_112] : memref<2x5120x128xf32, #tpu.memory_space<hbm>> -> memref<1x32x128xf32, #tpu.memory_space<hbm>>
        %dma_wait3A_114 = tpu.memref_squeeze %dma_wait3A_113 : memref<1x32x128xf32, #tpu.memory_space<hbm>> -> memref<32x128xf32, #tpu.memory_space<hbm>>
        tpu.wait_dma2 semaphore(%run_scoped3A : memref<!tpu.dma_semaphore, #tpu.memory_space<semaphore_mem>>) src(%dma_wait3A_114 : memref<32x128xf32, #tpu.memory_space<hbm>>) dst(%dma_wait3A_111 : memref<32x128xf32, #tpu.memory_space<vmem>>)
        tpu.yield
      }) : () -> ()
      %scan3A_83 = arith.constant 0 : i32
      %scan3A_84 = arith.constant 0 : i32
      %scan3A_85 = arith.constant 32 : i32
      %scan3A_86 = arith.addi %scan3A_84, %scan3A_85 : i32
      %scan3A_87 = arith.constant 1 : i32
      %scan3A_88 = scf.for %scan3A_91 = %scan3A_84 to %scan3A_86 step %scan3A_87 iter_args(%scan3A_92 = %scan3A_83) -> (i32)  : i32 {
        %get3A = arith.index_cast %scan3A_91 : i32 to index
        %get3A_93 = arith.constant 0 : index
        %get3A_94 = tpu.vector_load %arg14[%get3A, %get3A_93] {strides = array<i32>} : memref<112x128xf32, #tpu.memory_space<vmem>>, vector<1x16xf32>,
        %get3A_95 = vector.shape_cast %get3A_94 : vector<1x16xf32> to vector<16xf32>
        %get3A_96 = arith.index_cast %scan3A_91 : i32 to index
        %get3A_97 = arith.constant 0 : index
        %get3A_98 = tpu.vector_load %arg12[%get3A_96, %get3A_97] {strides = array<i32>} : memref<112x128xf32, #tpu.memory_space<vmem>>, vector<1x16xf32>,
        %get3A_99 = vector.shape_cast %get3A_98 : vector<1x16xf32> to vector<16xf32>
        %get3A_100 = arith.index_cast %scan3A_91 : i32 to index
        %get3A_101 = arith.constant 0 : index
        %get3A_102 = tpu.vector_load %arg13[%get3A_100, %get3A_101] {strides = array<i32>} : memref<112x128xf32, #tpu.memory_space<vmem>>, vector<1x16xf32>,
        %get3A_103 = vector.shape_cast %get3A_102 : vector<1x16xf32> to vector<16xf32>
        %mul3A_104 = arith.mulf %get3A_99, %get3A_103 : vector<16xf32>
        %add3A_105 = arith.addf %get3A_95, %mul3A_104 : vector<16xf32>
        %swap3A = arith.index_cast %scan3A_91 : i32 to index
        %swap3A_106 = arith.constant 0 : index
        %swap3A_107 = tpu.vector_load %arg14[%swap3A, %swap3A_106] {strides = array<i32>} : memref<112x128xf32, #tpu.memory_space<vmem>>, vector<1x16xf32>,
        %swap3A_108 = vector.shape_cast %swap3A_107 : vector<1x16xf32> to vector<16xf32>
        %swap3A_109 = vector.shape_cast %add3A_105 : vector<16xf32> to vector<1x16xf32>
        tpu.vector_store %arg14[%swap3A, %swap3A_106], %swap3A_109 {strides = array<i32>} : memref<112x128xf32, #tpu.memory_space<vmem>>, vector<1x16xf32>,
        %get3A_110 = arith.index_cast %scan3A_91 : i32 to index
        %get3A_111 = arith.constant 16 : index
        %get3A_112 = tpu.vector_load %arg14[%get3A_110, %get3A_111] {strides = array<i32>} : memref<112x128xf32, #tpu.memory_space<vmem>>, vector<1x16xf32>,
        %get3A_113 = vector.shape_cast %get3A_112 : vector<1x16xf32> to vector<16xf32>
        %get3A_114 = arith.index_cast %scan3A_91 : i32 to index
        %get3A_115 = arith.constant 16 : index
        %get3A_116 = tpu.vector_load %arg12[%get3A_114, %get3A_115] {strides = array<i32>} : memref<112x128xf32, #tpu.memory_space<vmem>>, vector<1x16xf32>,
        %get3A_117 = vector.shape_cast %get3A_116 : vector<1x16xf32> to vector<16xf32>
        %get3A_118 = arith.index_cast %scan3A_91 : i32 to index
        %get3A_119 = arith.constant 16 : index
        %get3A_120 = tpu.vector_load %arg13[%get3A_118, %get3A_119] {strides = array<i32>} : memref<112x128xf32, #tpu.memory_space<vmem>>, vector<1x16xf32>,
        %get3A_121 = vector.shape_cast %get3A_120 : vector<1x16xf32> to vector<16xf32>
        %mul3A_122 = arith.mulf %get3A_117, %get3A_121 : vector<16xf32>
        %add3A_123 = arith.addf %get3A_113, %mul3A_122 : vector<16xf32>
        %swap3A_124 = arith.index_cast %scan3A_91 : i32 to index
        %swap3A_125 = arith.constant 16 : index
        %swap3A_126 = tpu.vector_load %arg14[%swap3A_124, %swap3A_125] {strides = array<i32>} : memref<112x128xf32, #tpu.memory_space<vmem>>, vector<1x16xf32>,
        %swap3A_127 = vector.shape_cast %swap3A_126 : vector<1x16xf32> to vector<16xf32>
        %swap3A_128 = vector.shape_cast %add3A_123 : vector<16xf32> to vector<1x16xf32>
        tpu.vector_store %arg14[%swap3A_124, %swap3A_125], %swap3A_128 {strides = array<i32>} : memref<112x128xf32, #tpu.memory_space<vmem>>, vector<1x16xf32>,
        %get3A_129 = arith.index_cast %scan3A_91 : i32 to index
        %get3A_130 = arith.constant 32 : index
        %get3A_131 = tpu.vector_load %arg14[%get3A_129, %get3A_130] {strides = array<i32>} : memref<112x128xf32, #tpu.memory_space<vmem>>, vector<1x16xf32>,
        %get3A_132 = vector.shape_cast %get3A_131 : vector<1x16xf32> to vector<16xf32>
        %get3A_133 = arith.index_cast %scan3A_91 : i32 to index
        %get3A_134 = arith.constant 32 : index
        %get3A_135 = tpu.vector_load %arg12[%get3A_133, %get3A_134] {strides = array<i32>} : memref<112x128xf32, #tpu.memory_space<vmem>>, vector<1x16xf32>,
        %get3A_136 = vector.shape_cast %get3A_135 : vector<1x16xf32> to vector<16xf32>
        %get3A_137 = arith.index_cast %scan3A_91 : i32 to index
        %get3A_138 = arith.constant 32 : index
        %get3A_139 = tpu.vector_load %arg13[%get3A_137, %get3A_138] {strides = array<i32>} : memref<112x128xf32, #tpu.memory_space<vmem>>, vector<1x16xf32>,
        %get3A_140 = vector.shape_cast %get3A_139 : vector<1x16xf32> to vector<16xf32>
        %mul3A_141 = arith.mulf %get3A_136, %get3A_140 : vector<16xf32>
        %add3A_142 = arith.addf %get3A_132, %mul3A_141 : vector<16xf32>
        %swap3A_143 = arith.index_cast %scan3A_91 : i32 to index
        %swap3A_144 = arith.constant 32 : index
        %swap3A_145 = tpu.vector_load %arg14[%swap3A_143, %swap3A_144] {strides = array<i32>} : memref<112x128xf32, #tpu.memory_space<vmem>>, vector<1x16xf32>,
        %swap3A_146 = vector.shape_cast %swap3A_145 : vector<1x16xf32> to vector<16xf32>
        %swap3A_147 = vector.shape_cast %add3A_142 : vector<16xf32> to vector<1x16xf32>
        tpu.vector_store %arg14[%swap3A_143, %swap3A_144], %swap3A_147 {strides = array<i32>} : memref<112x128xf32, #tpu.memory_space<vmem>>, vector<1x16xf32>,
        %get3A_148 = arith.index_cast %scan3A_91 : i32 to index
        %get3A_149 = arith.constant 48 : index
        %get3A_150 = tpu.vector_load %arg14[%get3A_148, %get3A_149] {strides = array<i32>} : memref<112x128xf32, #tpu.memory_space<vmem>>, vector<1x16xf32>,
        %get3A_151 = vector.shape_cast %get3A_150 : vector<1x16xf32> to vector<16xf32>
        %get3A_152 = arith.index_cast %scan3A_91 : i32 to index
        %get3A_153 = arith.constant 48 : index
        %get3A_154 = tpu.vector_load %arg12[%get3A_152, %get3A_153] {strides = array<i32>} : memref<112x128xf32, #tpu.memory_space<vmem>>, vector<1x16xf32>,
        %get3A_155 = vector.shape_cast %get3A_154 : vector<1x16xf32> to vector<16xf32>
        %get3A_156 = arith.index_cast %scan3A_91 : i32 to index
        %get3A_157 = arith.constant 48 : index
        %get3A_158 = tpu.vector_load %arg13[%get3A_156, %get3A_157] {strides = array<i32>} : memref<112x128xf32, #tpu.memory_space<vmem>>, vector<1x16xf32>,
        %get3A_159 = vector.shape_cast %get3A_158 : vector<1x16xf32> to vector<16xf32>
        %mul3A_160 = arith.mulf %get3A_155, %get3A_159 : vector<16xf32>
        %add3A_161 = arith.addf %get3A_151, %mul3A_160 : vector<16xf32>
        %swap3A_162 = arith.index_cast %scan3A_91 : i32 to index
        %swap3A_163 = arith.constant 48 : index
        %swap3A_164 = tpu.vector_load %arg14[%swap3A_162, %swap3A_163] {strides = array<i32>} : memref<112x128xf32, #tpu.memory_space<vmem>>, vector<1x16xf32>,
        %swap3A_165 = vector.shape_cast %swap3A_164 : vector<1x16xf32> to vector<16xf32>
        %swap3A_166 = vector.shape_cast %add3A_161 : vector<16xf32> to vector<1x16xf32>
        tpu.vector_store %arg14[%swap3A_162, %swap3A_163], %swap3A_166 {strides = array<i32>} : memref<112x128xf32, #tpu.memory_space<vmem>>, vector<1x16xf32>,
        %get3A_167 = arith.index_cast %scan3A_91 : i32 to index
        %get3A_168 = arith.constant 64 : index
        %get3A_169 = tpu.vector_load %arg14[%get3A_167, %get3A_168] {strides = array<i32>} : memref<112x128xf32, #tpu.memory_space<vmem>>, vector<1x16xf32>,
        %get3A_170 = vector.shape_cast %get3A_169 : vector<1x16xf32> to vector<16xf32>
        %get3A_171 = arith.index_cast %scan3A_91 : i32 to index
        %get3A_172 = arith.constant 64 : index
        %get3A_173 = tpu.vector_load %arg12[%get3A_171, %get3A_172] {strides = array<i32>} : memref<112x128xf32, #tpu.memory_space<vmem>>, vector<1x16xf32>,
        %get3A_174 = vector.shape_cast %get3A_173 : vector<1x16xf32> to vector<16xf32>
        %get3A_175 = arith.index_cast %scan3A_91 : i32 to index
        %get3A_176 = arith.constant 64 : index
        %get3A_177 = tpu.vector_load %arg13[%get3A_175, %get3A_176] {strides = array<i32>} : memref<112x128xf32, #tpu.memory_space<vmem>>, vector<1x16xf32>,
        %get3A_178 = vector.shape_cast %get3A_177 : vector<1x16xf32> to vector<16xf32>
        %mul3A_179 = arith.mulf %get3A_174, %get3A_178 : vector<16xf32>
        %add3A_180 = arith.addf %get3A_170, %mul3A_179 : vector<16xf32>
        %swap3A_181 = arith.index_cast %scan3A_91 : i32 to index
        %swap3A_182 = arith.constant 64 : index
        %swap3A_183 = tpu.vector_load %arg14[%swap3A_181, %swap3A_182] {strides = array<i32>} : memref<112x128xf32, #tpu.memory_space<vmem>>, vector<1x16xf32>,
        %swap3A_184 = vector.shape_cast %swap3A_183 : vector<1x16xf32> to vector<16xf32>
        %swap3A_185 = vector.shape_cast %add3A_180 : vector<16xf32> to vector<1x16xf32>
        tpu.vector_store %arg14[%swap3A_181, %swap3A_182], %swap3A_185 {strides = array<i32>} : memref<112x128xf32, #tpu.memory_space<vmem>>, vector<1x16xf32>,
        %get3A_186 = arith.index_cast %scan3A_91 : i32 to index
        %get3A_187 = arith.constant 80 : index
        %get3A_188 = tpu.vector_load %arg14[%get3A_186, %get3A_187] {strides = array<i32>} : memref<112x128xf32, #tpu.memory_space<vmem>>, vector<1x16xf32>,
        %get3A_189 = vector.shape_cast %get3A_188 : vector<1x16xf32> to vector<16xf32>
        %get3A_190 = arith.index_cast %scan3A_91 : i32 to index
        %get3A_191 = arith.constant 80 : index
        %get3A_192 = tpu.vector_load %arg12[%get3A_190, %get3A_191] {strides = array<i32>} : memref<112x128xf32, #tpu.memory_space<vmem>>, vector<1x16xf32>,
        %get3A_193 = vector.shape_cast %get3A_192 : vector<1x16xf32> to vector<16xf32>
        %get3A_194 = arith.index_cast %scan3A_91 : i32 to index
        %get3A_195 = arith.constant 80 : index
        %get3A_196 = tpu.vector_load %arg13[%get3A_194, %get3A_195] {strides = array<i32>} : memref<112x128xf32, #tpu.memory_space<vmem>>, vector<1x16xf32>,
        %get3A_197 = vector.shape_cast %get3A_196 : vector<1x16xf32> to vector<16xf32>
        %mul3A_198 = arith.mulf %get3A_193, %get3A_197 : vector<16xf32>
        %add3A_199 = arith.addf %get3A_189, %mul3A_198 : vector<16xf32>
        %swap3A_200 = arith.index_cast %scan3A_91 : i32 to index
        %swap3A_201 = arith.constant 80 : index
        %swap3A_202 = tpu.vector_load %arg14[%swap3A_200, %swap3A_201] {strides = array<i32>} : memref<112x128xf32, #tpu.memory_space<vmem>>, vector<1x16xf32>,
        %swap3A_203 = vector.shape_cast %swap3A_202 : vector<1x16xf32> to vector<16xf32>
        %swap3A_204 = vector.shape_cast %add3A_199 : vector<16xf32> to vector<1x16xf32>
        tpu.vector_store %arg14[%swap3A_200, %swap3A_201], %swap3A_204 {strides = array<i32>} : memref<112x128xf32, #tpu.memory_space<vmem>>, vector<1x16xf32>,
        %get3A_205 = arith.index_cast %scan3A_91 : i32 to index
        %get3A_206 = arith.constant 96 : index
        %get3A_207 = tpu.vector_load %arg14[%get3A_205, %get3A_206] {strides = array<i32>} : memref<112x128xf32, #tpu.memory_space<vmem>>, vector<1x16xf32>,
        %get3A_208 = vector.shape_cast %get3A_207 : vector<1x16xf32> to vector<16xf32>
        %get3A_209 = arith.index_cast %scan3A_91 : i32 to index
        %get3A_210 = arith.constant 96 : index
        %get3A_211 = tpu.vector_load %arg12[%get3A_209, %get3A_210] {strides = array<i32>} : memref<112x128xf32, #tpu.memory_space<vmem>>, vector<1x16xf32>,
        %get3A_212 = vector.shape_cast %get3A_211 : vector<1x16xf32> to vector<16xf32>
        %get3A_213 = arith.index_cast %scan3A_91 : i32 to index
        %get3A_214 = arith.constant 96 : index
        %get3A_215 = tpu.vector_load %arg13[%get3A_213, %get3A_214] {strides = array<i32>} : memref<112x128xf32, #tpu.memory_space<vmem>>, vector<1x16xf32>,
        %get3A_216 = vector.shape_cast %get3A_215 : vector<1x16xf32> to vector<16xf32>
        %mul3A_217 = arith.mulf %get3A_212, %get3A_216 : vector<16xf32>
        %add3A_218 = arith.addf %get3A_208, %mul3A_217 : vector<16xf32>
        %swap3A_219 = arith.index_cast %scan3A_91 : i32 to index
        %swap3A_220 = arith.constant 96 : index
        %swap3A_221 = tpu.vector_load %arg14[%swap3A_219, %swap3A_220] {strides = array<i32>} : memref<112x128xf32, #tpu.memory_space<vmem>>, vector<1x16xf32>,
        %swap3A_222 = vector.shape_cast %swap3A_221 : vector<1x16xf32> to vector<16xf32>
        %swap3A_223 = vector.shape_cast %add3A_218 : vector<16xf32> to vector<1x16xf32>
        tpu.vector_store %arg14[%swap3A_219, %swap3A_220], %swap3A_223 {strides = array<i32>} : memref<112x128xf32, #tpu.memory_space<vmem>>, vector<1x16xf32>,
        %get3A_224 = arith.index_cast %scan3A_91 : i32 to index
        %get3A_225 = arith.constant 112 : index
        %get3A_226 = tpu.vector_load %arg14[%get3A_224, %get3A_225] {strides = array<i32>} : memref<112x128xf32, #tpu.memory_space<vmem>>, vector<1x16xf32>,
        %get3A_227 = vector.shape_cast %get3A_226 : vector<1x16xf32> to vector<16xf32>
        %get3A_228 = arith.index_cast %scan3A_91 : i32 to index
        %get3A_229 = arith.constant 112 : index
        %get3A_230 = tpu.vector_load %arg12[%get3A_228, %get3A_229] {strides = array<i32>} : memref<112x128xf32, #tpu.memory_space<vmem>>, vector<1x16xf32>,
        %get3A_231 = vector.shape_cast %get3A_230 : vector<1x16xf32> to vector<16xf32>
        %get3A_232 = arith.index_cast %scan3A_91 : i32 to index
        %get3A_233 = arith.constant 112 : index
        %get3A_234 = tpu.vector_load %arg13[%get3A_232, %get3A_233] {strides = array<i32>} : memref<112x128xf32, #tpu.memory_space<vmem>>, vector<1x16xf32>,
        %get3A_235 = vector.shape_cast %get3A_234 : vector<1x16xf32> to vector<16xf32>
        %mul3A_236 = arith.mulf %get3A_231, %get3A_235 : vector<16xf32>
        %add3A_237 = arith.addf %get3A_227, %mul3A_236 : vector<16xf32>
        %swap3A_238 = arith.index_cast %scan3A_91 : i32 to index
        %swap3A_239 = arith.constant 112 : index
        %swap3A_240 = tpu.vector_load %arg14[%swap3A_238, %swap3A_239] {strides = array<i32>} : memref<112x128xf32, #tpu.memory_space<vmem>>, vector<1x16xf32>,
        %swap3A_241 = vector.shape_cast %swap3A_240 : vector<1x16xf32> to vector<16xf32>
        %swap3A_242 = vector.shape_cast %add3A_237 : vector<16xf32> to vector<1x16xf32>
        tpu.vector_store %arg14[%swap3A_238, %swap3A_239], %swap3A_242 {strides = array<i32>} : memref<112x128xf32, #tpu.memory_space<vmem>>, vector<1x16xf32>,
        %scan3A_243 = arith.constant 0 : i32
        scf.yield %scan3A_243 : i32
      }
      %scan3A_89 = arith.constant 32 : i32
      "tpu.region"() ({
        %run_scoped3A = tpu.sem_alloc : memref<!tpu.dma_semaphore, #tpu.memory_space<semaphore_mem>>
        %dma_start3A_91 = arith.constant 0 : i32
        %dma_start3A_92 = arith.constant 0 : i32
        %dma_start3A_93 = tpu.memref_slice %arg14[%dma_start3A_91, %dma_start3A_92] : memref<112x128xf32, #tpu.memory_space<vmem>> -> memref<32x128xf32, #tpu.memory_space<vmem>>
        %dma_start3A_94 = arith.constant 0 : i32
        %dma_start3A_95 = tpu.memref_slice %arg9[%sub3A_0, %add3A, %dma_start3A_94] : memref<2x5120x128xf32, #tpu.memory_space<hbm>> -> memref<1x32x128xf32, #tpu.memory_space<hbm>>
        %dma_start3A_96 = tpu.memref_squeeze %dma_start3A_95 : memref<1x32x128xf32, #tpu.memory_space<hbm>> -> memref<32x128xf32, #tpu.memory_space<hbm>>
        %dma_start3A_97 = arith.constant 0 : i32
        %dma_start3A_98 = tpu.memref_slice %arg9[%sub3A_0, %add3A, %dma_start3A_97] : memref<2x5120x128xf32, #tpu.memory_space<hbm>> -> memref<1x32x128xf32, #tpu.memory_space<hbm>>
        %dma_start3A_99 = tpu.memref_squeeze %dma_start3A_98 : memref<1x32x128xf32, #tpu.memory_space<hbm>> -> memref<32x128xf32, #tpu.memory_space<hbm>>
        %dma_start3A_100 = arith.constant 0 : i32
        %dma_start3A_101 = arith.constant 0 : i32
        %dma_start3A_102 = tpu.memref_slice %arg14[%dma_start3A_100, %dma_start3A_101] : memref<112x128xf32, #tpu.memory_space<vmem>> -> memref<32x128xf32, #tpu.memory_space<vmem>>
        tpu.enqueue_dma source(%dma_start3A_102 : memref<32x128xf32, #tpu.memory_space<vmem>>) target(%dma_start3A_99 : memref<32x128xf32, #tpu.memory_space<hbm>>) target_semaphore(%run_scoped3A : memref<!tpu.dma_semaphore, #tpu.memory_space<semaphore_mem>>)
        %dma_wait3A_103 = arith.constant 0 : i32
        %dma_wait3A_104 = arith.constant 0 : i32
        %dma_wait3A_105 = tpu.memref_slice %arg14[%dma_wait3A_103, %dma_wait3A_104] : memref<112x128xf32, #tpu.memory_space<vmem>> -> memref<32x128xf32, #tpu.memory_space<vmem>>
        %dma_wait3A_106 = arith.constant 0 : i32
        %dma_wait3A_107 = tpu.memref_slice %arg9[%sub3A_0, %add3A, %dma_wait3A_106] : memref<2x5120x128xf32, #tpu.memory_space<hbm>> -> memref<1x32x128xf32, #tpu.memory_space<hbm>>
        %dma_wait3A_108 = tpu.memref_squeeze %dma_wait3A_107 : memref<1x32x128xf32, #tpu.memory_space<hbm>> -> memref<32x128xf32, #tpu.memory_space<hbm>>
        %dma_wait3A_109 = arith.constant 0 : i32
        %dma_wait3A_110 = tpu.memref_slice %arg9[%sub3A_0, %add3A, %dma_wait3A_109] : memref<2x5120x128xf32, #tpu.memory_space<hbm>> -> memref<1x32x128xf32, #tpu.memory_space<hbm>>
        %dma_wait3A_111 = tpu.memref_squeeze %dma_wait3A_110 : memref<1x32x128xf32, #tpu.memory_space<hbm>> -> memref<32x128xf32, #tpu.memory_space<hbm>>
        %dma_wait3A_112 = arith.constant 0 : i32
        %dma_wait3A_113 = arith.constant 0 : i32
        %dma_wait3A_114 = tpu.memref_slice %arg14[%dma_wait3A_112, %dma_wait3A_113] : memref<112x128xf32, #tpu.memory_space<vmem>> -> memref<32x128xf32, #tpu.memory_space<vmem>>
        tpu.wait_dma2 semaphore(%run_scoped3A : memref<!tpu.dma_semaphore, #tpu.memory_space<semaphore_mem>>) src(%dma_wait3A_114 : memref<32x128xf32, #tpu.memory_space<vmem>>) dst(%dma_wait3A_111 : memref<32x128xf32, #tpu.memory_space<hbm>>)
        tpu.yield
      }) : () -> ()
      %scan3A_90 = arith.constant 0 : i32
      scf.yield %scan3A_90 : i32
    }
    %scan3A_70 = arith.constant 10 : i32
    return
  }
}

#map = affine_map<(d0, d1) -> (0, 0, 0)>
#map1 = affine_map<(d0, d1) -> (0, 0, 0, 0)>
#map2 = affine_map<(d0, d1) -> (0, 0)>
module attributes {stable_mosaic.version = 14 : i64} {
  func.func @_layer_kernel(%arg0: i32, %arg1: i32, %arg2: memref<2x5120x128xf32, #tpu.memory_space<hbm>>, %arg3: memref<2x5120x128xf32, #tpu.memory_space<hbm>>, %arg4: memref<2x16x180x112xi32, #tpu.memory_space<hbm>>, %arg5: memref<2x5120x128xf32, #tpu.memory_space<hbm>>, %arg6: memref<2x5120x128xf32, #tpu.memory_space<hbm>>, %arg7: memref<5120x128xf32, #tpu.memory_space<hbm>>, %arg8: memref<2x5120x128xf32, #tpu.memory_space<hbm>>, %arg9: memref<2x5120x128xf32, #tpu.memory_space<hbm>>, %arg10: memref<180x112xi32, #tpu.memory_space<vmem>>, %arg11: memref<180x112xi32, #tpu.memory_space<vmem>>, %arg12: memref<112x128xf32, #tpu.memory_space<vmem>>, %arg13: memref<112x128xf32, #tpu.memory_space<vmem>>, %arg14: memref<112x128xf32, #tpu.memory_space<vmem>>, %arg15: memref<5120x128xf32, #tpu.memory_space<vmem_shared>>, %arg16: memref<!tpu.dma_semaphore, #tpu.memory_space<semaphore_mem>>, %arg17: memref<!tpu.dma_semaphore, #tpu.memory_space<semaphore_mem>>, %arg18: memref<!tpu.dma_semaphore, #tpu.memory_space<semaphore_mem>>, %arg19: memref<!tpu.dma_semaphore, #tpu.memory_space<semaphore_mem>>, %arg20: memref<!tpu.dma_semaphore, #tpu.memory_space<semaphore_mem>>, %arg21: memref<!tpu.dma_semaphore, #tpu.memory_space<semaphore_mem>>) attributes {dimension_semantics = [#tpu.dimension_semantics<core_parallel>, #tpu.dimension_semantics<subcore_parallel>], iteration_bounds = array<i64: 2, 16>, scalar_prefetch = 0 : i64, scratch_operands = 12 : i64, tpu.core_type = #tpu.core_type<sc_vector_subcore>, window_params = [{transform_indices = #map}, {transform_indices = #map}, {transform_indices = #map1}, {transform_indices = #map}, {transform_indices = #map}, {transform_indices = #map2}, {transform_indices = #map}, {transform_indices = #map}]} {
    %sub3A = arith.constant 1 : i32
    %sub3A_0 = arith.subi %sub3A, %arg0 : i32
    "tpu.region"() ({
      %run_scoped3A = tpu.sem_alloc : memref<!tpu.dma_semaphore, #tpu.memory_space<semaphore_mem>>
      %dma_start3A_71 = arith.constant 0 : i32
      %dma_start3A_72 = arith.constant 0 : i32
      %dma_start3A_73 = tpu.memref_slice %arg12[%dma_start3A_71, %dma_start3A_72] : memref<112x128xf32, #tpu.memory_space<vmem>> -> memref<32x128xf32, #tpu.memory_space<vmem>>
      %dma_start3A_74 = arith.constant 0 : i32
      %dma_start3A_75 = arith.constant 0 : i32
      %dma_start3A_76 = tpu.memref_slice %arg7[%dma_start3A_74, %dma_start3A_75] : memref<5120x128xf32, #tpu.memory_space<hbm>> -> memref<32x128xf32, #tpu.memory_space<hbm>>
      %dma_start3A_77 = arith.constant 0 : i32
      %dma_start3A_78 = arith.constant 0 : i32
      %dma_start3A_79 = tpu.memref_slice %arg12[%dma_start3A_77, %dma_start3A_78] : memref<112x128xf32, #tpu.memory_space<vmem>> -> memref<32x128xf32, #tpu.memory_space<vmem>>
      %dma_start3A_80 = arith.constant 0 : i32
      %dma_start3A_81 = arith.constant 0 : i32
      %dma_start3A_82 = tpu.memref_slice %arg7[%dma_start3A_80, %dma_start3A_81] : memref<5120x128xf32, #tpu.memory_space<hbm>> -> memref<32x128xf32, #tpu.memory_space<hbm>>
      tpu.enqueue_dma source(%dma_start3A_82 : memref<32x128xf32, #tpu.memory_space<hbm>>) target(%dma_start3A_79 : memref<32x128xf32, #tpu.memory_space<vmem>>) target_semaphore(%run_scoped3A : memref<!tpu.dma_semaphore, #tpu.memory_space<semaphore_mem>>)
      %dma_wait3A_83 = arith.constant 0 : i32
      %dma_wait3A_84 = arith.constant 0 : i32
      %dma_wait3A_85 = tpu.memref_slice %arg12[%dma_wait3A_83, %dma_wait3A_84] : memref<112x128xf32, #tpu.memory_space<vmem>> -> memref<32x128xf32, #tpu.memory_space<vmem>>
      %dma_wait3A_86 = arith.constant 0 : i32
      %dma_wait3A_87 = arith.constant 0 : i32
      %dma_wait3A_88 = tpu.memref_slice %arg7[%dma_wait3A_86, %dma_wait3A_87] : memref<5120x128xf32, #tpu.memory_space<hbm>> -> memref<32x128xf32, #tpu.memory_space<hbm>>
      %dma_wait3A_89 = arith.constant 0 : i32
      %dma_wait3A_90 = arith.constant 0 : i32
      %dma_wait3A_91 = tpu.memref_slice %arg12[%dma_wait3A_89, %dma_wait3A_90] : memref<112x128xf32, #tpu.memory_space<vmem>> -> memref<32x128xf32, #tpu.memory_space<vmem>>
      %dma_wait3A_92 = arith.constant 0 : i32
      %dma_wait3A_93 = arith.constant 0 : i32
      %dma_wait3A_94 = tpu.memref_slice %arg7[%dma_wait3A_92, %dma_wait3A_93] : memref<5120x128xf32, #tpu.memory_space<hbm>> -> memref<32x128xf32, #tpu.memory_space<hbm>>
      tpu.wait_dma2 semaphore(%run_scoped3A : memref<!tpu.dma_semaphore, #tpu.memory_space<semaphore_mem>>) src(%dma_wait3A_94 : memref<32x128xf32, #tpu.memory_space<hbm>>) dst(%dma_wait3A_91 : memref<32x128xf32, #tpu.memory_space<vmem>>)
      tpu.yield
    }) : () -> ()
    %scan3A = arith.constant 0 : i32
    %scan3A_1 = arith.constant 0 : i32
    %scan3A_2 = arith.constant 10 : i32
    %scan3A_3 = arith.addi %scan3A_1, %scan3A_2 : i32
    %scan3A_4 = arith.constant 1 : i32
    %scan3A_5 = scf.for %scan3A_71 = %scan3A_1 to %scan3A_3 step %scan3A_4 iter_args(%scan3A_72 = %scan3A) -> (i32)  : i32 {
      %mul3A = arith.constant 320 : i32
      %mul3A_73 = arith.muli %arg1, %mul3A : i32
      %mul3A_74 = arith.constant 32 : i32
      %mul3A_75 = arith.muli %scan3A_71, %mul3A_74 : i32
      %add3A = arith.addi %mul3A_73, %mul3A_75 : i32
      "tpu.region"() ({
        %run_scoped3A = tpu.sem_alloc : memref<!tpu.dma_semaphore, #tpu.memory_space<semaphore_mem>>
        %dma_start3A_77 = arith.constant 0 : i32
        %dma_start3A_78 = arith.constant 0 : i32
        %dma_start3A_79 = tpu.memref_slice %arg12[%dma_start3A_77, %dma_start3A_78] : memref<112x128xf32, #tpu.memory_space<vmem>> -> memref<32x128xf32, #tpu.memory_space<vmem>>
        %dma_start3A_80 = arith.constant 0 : i32
        %dma_start3A_81 = tpu.memref_slice %arg15[%add3A, %dma_start3A_80] : memref<5120x128xf32, #tpu.memory_space<vmem_shared>> -> memref<32x128xf32, #tpu.memory_space<vmem_shared>>
        %dma_start3A_82 = arith.constant 0 : i32
        %dma_start3A_83 = tpu.memref_slice %arg15[%add3A, %dma_start3A_82] : memref<5120x128xf32, #tpu.memory_space<vmem_shared>> -> memref<32x128xf32, #tpu.memory_space<vmem_shared>>
        %dma_start3A_84 = arith.constant 0 : i32
        %dma_start3A_85 = arith.constant 0 : i32
        %dma_start3A_86 = tpu.memref_slice %arg12[%dma_start3A_84, %dma_start3A_85] : memref<112x128xf32, #tpu.memory_space<vmem>> -> memref<32x128xf32, #tpu.memory_space<vmem>>
        tpu.enqueue_dma source(%dma_start3A_86 : memref<32x128xf32, #tpu.memory_space<vmem>>) target(%dma_start3A_83 : memref<32x128xf32, #tpu.memory_space<vmem_shared>>) target_semaphore(%run_scoped3A : memref<!tpu.dma_semaphore, #tpu.memory_space<semaphore_mem>>)
        %dma_wait3A_87 = arith.constant 0 : i32
        %dma_wait3A_88 = arith.constant 0 : i32
        %dma_wait3A_89 = tpu.memref_slice %arg12[%dma_wait3A_87, %dma_wait3A_88] : memref<112x128xf32, #tpu.memory_space<vmem>> -> memref<32x128xf32, #tpu.memory_space<vmem>>
        %dma_wait3A_90 = arith.constant 0 : i32
        %dma_wait3A_91 = tpu.memref_slice %arg15[%add3A, %dma_wait3A_90] : memref<5120x128xf32, #tpu.memory_space<vmem_shared>> -> memref<32x128xf32, #tpu.memory_space<vmem_shared>>
        %dma_wait3A_92 = arith.constant 0 : i32
        %dma_wait3A_93 = tpu.memref_slice %arg15[%add3A, %dma_wait3A_92] : memref<5120x128xf32, #tpu.memory_space<vmem_shared>> -> memref<32x128xf32, #tpu.memory_space<vmem_shared>>
        %dma_wait3A_94 = arith.constant 0 : i32
        %dma_wait3A_95 = arith.constant 0 : i32
        %dma_wait3A_96 = tpu.memref_slice %arg12[%dma_wait3A_94, %dma_wait3A_95] : memref<112x128xf32, #tpu.memory_space<vmem>> -> memref<32x128xf32, #tpu.memory_space<vmem>>
        tpu.wait_dma2 semaphore(%run_scoped3A : memref<!tpu.dma_semaphore, #tpu.memory_space<semaphore_mem>>) src(%dma_wait3A_96 : memref<32x128xf32, #tpu.memory_space<vmem>>) dst(%dma_wait3A_93 : memref<32x128xf32, #tpu.memory_space<vmem_shared>>)
        tpu.yield
      }) : () -> ()
      %scan3A_76 = arith.constant 0 : i32
      scf.yield %scan3A_76 : i32
    }
    %scan3A_6 = arith.constant 10 : i32
    "tpu.region"() ({
      %run_scoped3A = tpu.sem_alloc : memref<!tpu.dma_semaphore, #tpu.memory_space<semaphore_mem>>
      %dma_start3A_71 = arith.constant 0 : i32
      %dma_start3A_72 = arith.constant 0 : i32
      %dma_start3A_73 = tpu.memref_slice %arg4[%arg0, %arg1, %dma_start3A_71, %dma_start3A_72] : memref<2x16x180x112xi32, #tpu.memory_space<hbm>> -> memref<1x1x180x112xi32, #tpu.memory_space<hbm>>
      %dma_start3A_74 = tpu.memref_squeeze %dma_start3A_73 : memref<1x1x180x112xi32, #tpu.memory_space<hbm>> -> memref<180x112xi32, #tpu.memory_space<hbm>>
      %dma_start3A_75 = arith.constant 0 : i32
      %dma_start3A_76 = arith.constant 0 : i32
      %dma_start3A_77 = tpu.memref_slice %arg4[%arg0, %arg1, %dma_start3A_75, %dma_start3A_76] : memref<2x16x180x112xi32, #tpu.memory_space<hbm>> -> memref<1x1x180x112xi32, #tpu.memory_space<hbm>>
      %dma_start3A_78 = tpu.memref_squeeze %dma_start3A_77 : memref<1x1x180x112xi32, #tpu.memory_space<hbm>> -> memref<180x112xi32, #tpu.memory_space<hbm>>
      tpu.enqueue_dma source(%dma_start3A_78 : memref<180x112xi32, #tpu.memory_space<hbm>>) target(%arg10 : memref<180x112xi32, #tpu.memory_space<vmem>>) target_semaphore(%run_scoped3A : memref<!tpu.dma_semaphore, #tpu.memory_space<semaphore_mem>>)
      %dma_wait3A_79 = arith.constant 0 : i32
      %dma_wait3A_80 = arith.constant 0 : i32
      %dma_wait3A_81 = tpu.memref_slice %arg4[%arg0, %arg1, %dma_wait3A_79, %dma_wait3A_80] : memref<2x16x180x112xi32, #tpu.memory_space<hbm>> -> memref<1x1x180x112xi32, #tpu.memory_space<hbm>>
      %dma_wait3A_82 = tpu.memref_squeeze %dma_wait3A_81 : memref<1x1x180x112xi32, #tpu.memory_space<hbm>> -> memref<180x112xi32, #tpu.memory_space<hbm>>
      %dma_wait3A_83 = arith.constant 0 : i32
      %dma_wait3A_84 = arith.constant 0 : i32
      %dma_wait3A_85 = tpu.memref_slice %arg4[%arg0, %arg1, %dma_wait3A_83, %dma_wait3A_84] : memref<2x16x180x112xi32, #tpu.memory_space<hbm>> -> memref<1x1x180x112xi32, #tpu.memory_space<hbm>>
      %dma_wait3A_86 = tpu.memref_squeeze %dma_wait3A_85 : memref<1x1x180x112xi32, #tpu.memory_space<hbm>> -> memref<180x112xi32, #tpu.memory_space<hbm>>
      tpu.wait_dma2 semaphore(%run_scoped3A : memref<!tpu.dma_semaphore, #tpu.memory_space<semaphore_mem>>) src(%dma_wait3A_86 : memref<180x112xi32, #tpu.memory_space<hbm>>) dst(%arg10 : memref<180x112xi32, #tpu.memory_space<vmem>>)
      tpu.yield
    }) : () -> ()
    "tpu.region"() ({
      %run_scoped3A = tpu.sem_alloc : memref<!tpu.dma_semaphore, #tpu.memory_space<semaphore_mem>>
      %dma_start3A_71 = arith.constant 0 : i32
      %dma_start3A_72 = arith.constant 0 : i32
      %dma_start3A_73 = tpu.memref_slice %arg4[%sub3A_0, %arg1, %dma_start3A_71, %dma_start3A_72] : memref<2x16x180x112xi32, #tpu.memory_space<hbm>> -> memref<1x1x180x112xi32, #tpu.memory_space<hbm>>
      %dma_start3A_74 = tpu.memref_squeeze %dma_start3A_73 : memref<1x1x180x112xi32, #tpu.memory_space<hbm>> -> memref<180x112xi32, #tpu.memory_space<hbm>>
      %dma_start3A_75 = arith.constant 0 : i32
      %dma_start3A_76 = arith.constant 0 : i32
      %dma_start3A_77 = tpu.memref_slice %arg4[%sub3A_0, %arg1, %dma_start3A_75, %dma_start3A_76] : memref<2x16x180x112xi32, #tpu.memory_space<hbm>> -> memref<1x1x180x112xi32, #tpu.memory_space<hbm>>
      %dma_start3A_78 = tpu.memref_squeeze %dma_start3A_77 : memref<1x1x180x112xi32, #tpu.memory_space<hbm>> -> memref<180x112xi32, #tpu.memory_space<hbm>>
      tpu.enqueue_dma source(%dma_start3A_78 : memref<180x112xi32, #tpu.memory_space<hbm>>) target(%arg11 : memref<180x112xi32, #tpu.memory_space<vmem>>) target_semaphore(%run_scoped3A : memref<!tpu.dma_semaphore, #tpu.memory_space<semaphore_mem>>)
      %dma_wait3A_79 = arith.constant 0 : i32
      %dma_wait3A_80 = arith.constant 0 : i32
      %dma_wait3A_81 = tpu.memref_slice %arg4[%sub3A_0, %arg1, %dma_wait3A_79, %dma_wait3A_80] : memref<2x16x180x112xi32, #tpu.memory_space<hbm>> -> memref<1x1x180x112xi32, #tpu.memory_space<hbm>>
      %dma_wait3A_82 = tpu.memref_squeeze %dma_wait3A_81 : memref<1x1x180x112xi32, #tpu.memory_space<hbm>> -> memref<180x112xi32, #tpu.memory_space<hbm>>
      %dma_wait3A_83 = arith.constant 0 : i32
      %dma_wait3A_84 = arith.constant 0 : i32
      %dma_wait3A_85 = tpu.memref_slice %arg4[%sub3A_0, %arg1, %dma_wait3A_83, %dma_wait3A_84] : memref<2x16x180x112xi32, #tpu.memory_space<hbm>> -> memref<1x1x180x112xi32, #tpu.memory_space<hbm>>
      %dma_wait3A_86 = tpu.memref_squeeze %dma_wait3A_85 : memref<1x1x180x112xi32, #tpu.memory_space<hbm>> -> memref<180x112xi32, #tpu.memory_space<hbm>>
      tpu.wait_dma2 semaphore(%run_scoped3A : memref<!tpu.dma_semaphore, #tpu.memory_space<semaphore_mem>>) src(%dma_wait3A_86 : memref<180x112xi32, #tpu.memory_space<hbm>>) dst(%arg11 : memref<180x112xi32, #tpu.memory_space<vmem>>)
      tpu.yield
    }) : () -> ()
    %barrier3A = arith.constant 0 : index
    tpu.barrier barrier_id(%barrier3A)
    %dma_start3A = arith.constant 0 : i32
    %dma_start3A_7 = arith.constant 0 : i32
    %dma_start3A_8 = tpu.memref_slice %arg10[%dma_start3A, %dma_start3A_7] : memref<180x112xi32, #tpu.memory_space<vmem>> -> memref<1x112xi32, #tpu.memory_space<vmem>>
    %dma_start3A_9 = tpu.memref_squeeze %dma_start3A_8 : memref<1x112xi32, #tpu.memory_space<vmem>> -> memref<112xi32, #tpu.memory_space<vmem>>
    %dma_start3A_10 = arith.constant 0 : i32
    %dma_start3A_11 = arith.constant 0 : i32
    %dma_start3A_12 = tpu.memref_slice %arg2[%arg0, %dma_start3A_10, %dma_start3A_11] : memref<2x5120x128xf32, #tpu.memory_space<hbm>> -> memref<1x5120x128xf32, #tpu.memory_space<hbm>>
    %dma_start3A_13 = tpu.memref_squeeze %dma_start3A_12 : memref<1x5120x128xf32, #tpu.memory_space<hbm>> -> memref<5120x128xf32, #tpu.memory_space<hbm>>
    %dma_start3A_14 = arith.constant 0 : i32
    %dma_start3A_15 = arith.constant 0 : i32
    %dma_start3A_16 = tpu.memref_slice %dma_start3A_13[%dma_start3A_14, %dma_start3A_15] : memref<5120x128xf32, #tpu.memory_space<hbm>> -> memref<5120x128xf32, #tpu.memory_space<hbm>>
    tpu.enqueue_indirect_dma source(%dma_start3A_16 : memref<5120x128xf32, #tpu.memory_space<hbm>>) target(%arg12 : memref<112x128xf32, #tpu.memory_space<vmem>>) offsets(%dma_start3A_9 : memref<112xi32, #tpu.memory_space<vmem>>) semaphore(%arg16 : memref<!tpu.dma_semaphore, #tpu.memory_space<semaphore_mem>>)
    %dma_start3A_17 = arith.constant 1 : i32
    %dma_start3A_18 = arith.constant 0 : i32
    %dma_start3A_19 = tpu.memref_slice %arg10[%dma_start3A_17, %dma_start3A_18] : memref<180x112xi32, #tpu.memory_space<vmem>> -> memref<1x112xi32, #tpu.memory_space<vmem>>
    %dma_start3A_20 = tpu.memref_squeeze %dma_start3A_19 : memref<1x112xi32, #tpu.memory_space<vmem>> -> memref<112xi32, #tpu.memory_space<vmem>>
    %dma_start3A_21 = arith.constant 0 : i32
    %dma_start3A_22 = arith.constant 0 : i32
    %dma_start3A_23 = tpu.memref_slice %arg2[%arg0, %dma_start3A_21, %dma_start3A_22] : memref<2x5120x128xf32, #tpu.memory_space<hbm>> -> memref<1x5120x128xf32, #tpu.memory_space<hbm>>
    %dma_start3A_24 = tpu.memref_squeeze %dma_start3A_23 : memref<1x5120x128xf32, #tpu.memory_space<hbm>> -> memref<5120x128xf32, #tpu.memory_space<hbm>>
    %dma_start3A_25 = arith.constant 0 : i32
    %dma_start3A_26 = arith.constant 0 : i32
    %dma_start3A_27 = tpu.memref_slice %dma_start3A_24[%dma_start3A_25, %dma_start3A_26] : memref<5120x128xf32, #tpu.memory_space<hbm>> -> memref<5120x128xf32, #tpu.memory_space<hbm>>
    tpu.enqueue_indirect_dma source(%dma_start3A_27 : memref<5120x128xf32, #tpu.memory_space<hbm>>) target(%arg13 : memref<112x128xf32, #tpu.memory_space<vmem>>) offsets(%dma_start3A_20 : memref<112xi32, #tpu.memory_space<vmem>>) semaphore(%arg17 : memref<!tpu.dma_semaphore, #tpu.memory_space<semaphore_mem>>)
    %scan3A_28 = arith.constant 0 : i32
    %scan3A_29 = arith.constant 0 : i32
    %scan3A_30 = arith.constant 60 : i32
    %scan3A_31 = arith.addi %scan3A_29, %scan3A_30 : i32
    %scan3A_32 = arith.constant 1 : i32
    %scan3A_33 = scf.for %scan3A_71 = %scan3A_29 to %scan3A_31 step %scan3A_32 iter_args(%scan3A_72 = %scan3A_28) -> (i32)  : i32 {
      %mul3A = arith.constant 3 : i32
      %mul3A_73 = arith.muli %mul3A, %scan3A_71 : i32
      %lt3A = arith.constant 180 : i32
      %lt3A_74 = arith.cmpi slt, %mul3A_73, %lt3A : i32
      %jit3A = arith.constant 0 : i32
      %select_n3A = arith.select %lt3A_74, %mul3A_73, %jit3A : i32
      %dma_wait3A_75 = arith.constant 0 : i32
      %dma_wait3A_76 = tpu.memref_slice %arg10[%select_n3A, %dma_wait3A_75] : memref<180x112xi32, #tpu.memory_space<vmem>> -> memref<1x112xi32, #tpu.memory_space<vmem>>
      %dma_wait3A_77 = tpu.memref_squeeze %dma_wait3A_76 : memref<1x112xi32, #tpu.memory_space<vmem>> -> memref<112xi32, #tpu.memory_space<vmem>>
      %dma_wait3A_78 = arith.constant 0 : i32
      %dma_wait3A_79 = arith.constant 0 : i32
      %dma_wait3A_80 = tpu.memref_slice %arg2[%arg0, %dma_wait3A_78, %dma_wait3A_79] : memref<2x5120x128xf32, #tpu.memory_space<hbm>> -> memref<1x5120x128xf32, #tpu.memory_space<hbm>>
      %dma_wait3A_81 = tpu.memref_squeeze %dma_wait3A_80 : memref<1x5120x128xf32, #tpu.memory_space<hbm>> -> memref<5120x128xf32, #tpu.memory_space<hbm>>
      %dma_wait3A_82 = arith.constant 0 : i32
      %dma_wait3A_83 = arith.constant 0 : i32
      %dma_wait3A_84 = tpu.memref_slice %dma_wait3A_81[%dma_wait3A_82, %dma_wait3A_83] : memref<5120x128xf32, #tpu.memory_space<hbm>> -> memref<5120x128xf32, #tpu.memory_space<hbm>>
      tpu.wait_indirect_dma semaphore(%arg16 : memref<!tpu.dma_semaphore, #tpu.memory_space<semaphore_mem>>) src(%dma_wait3A_84 : memref<5120x128xf32, #tpu.memory_space<hbm>>) dst(%arg12 : memref<112x128xf32, #tpu.memory_space<vmem>>)
      %dma_start3A_85 = arith.constant 0 : i32
      %dma_start3A_86 = tpu.memref_slice %arg11[%mul3A_73, %dma_start3A_85] : memref<180x112xi32, #tpu.memory_space<vmem>> -> memref<1x112xi32, #tpu.memory_space<vmem>>
      %dma_start3A_87 = tpu.memref_squeeze %dma_start3A_86 : memref<1x112xi32, #tpu.memory_space<vmem>> -> memref<112xi32, #tpu.memory_space<vmem>>
      %dma_start3A_88 = arith.constant 0 : i32
      %dma_start3A_89 = arith.constant 0 : i32
      %dma_start3A_90 = tpu.memref_slice %arg15[%dma_start3A_88, %dma_start3A_89] : memref<5120x128xf32, #tpu.memory_space<vmem_shared>> -> memref<5120x128xf32, #tpu.memory_space<vmem_shared>>
      tpu.enqueue_indirect_dma source(%arg12 : memref<112x128xf32, #tpu.memory_space<vmem>>) target(%dma_start3A_90 : memref<5120x128xf32, #tpu.memory_space<vmem_shared>>) offsets(%dma_start3A_87 : memref<112xi32, #tpu.memory_space<vmem>>) semaphore(%arg19 : memref<!tpu.dma_semaphore, #tpu.memory_space<semaphore_mem>>) {add = true}
      %ge3A = arith.constant 1 : i32
      %ge3A_91 = arith.cmpi sge, %scan3A_71, %ge3A : i32
      %convert_element_type3A = arith.extui %ge3A_91 : i1 to i32
      %cond3A = arith.constant 0 : i32
      %cond3A_92 = arith.cmpi ne, %convert_element_type3A, %cond3A : i32
      scf.if %cond3A_92 {
        %sub3A_203 = arith.constant 1 : i32
        %sub3A_204 = arith.subi %mul3A_73, %sub3A_203 : i32
        %dma_wait3A_205 = arith.constant 0 : i32
        %dma_wait3A_206 = tpu.memref_slice %arg11[%sub3A_204, %dma_wait3A_205] : memref<180x112xi32, #tpu.memory_space<vmem>> -> memref<1x112xi32, #tpu.memory_space<vmem>>
        %dma_wait3A_207 = tpu.memref_squeeze %dma_wait3A_206 : memref<1x112xi32, #tpu.memory_space<vmem>> -> memref<112xi32, #tpu.memory_space<vmem>>
        %dma_wait3A_208 = arith.constant 0 : i32
        %dma_wait3A_209 = arith.constant 0 : i32
        %dma_wait3A_210 = tpu.memref_slice %arg15[%dma_wait3A_208, %dma_wait3A_209] : memref<5120x128xf32, #tpu.memory_space<vmem_shared>> -> memref<5120x128xf32, #tpu.memory_space<vmem_shared>>
        tpu.wait_indirect_dma semaphore(%arg21 : memref<!tpu.dma_semaphore, #tpu.memory_space<semaphore_mem>>) src(%arg14 : memref<112x128xf32, #tpu.memory_space<vmem>>) dst(%dma_wait3A_210 : memref<5120x128xf32, #tpu.memory_space<vmem_shared>>)
      } else {
      }
      %add3A = arith.constant 2 : i32
      %add3A_93 = arith.addi %mul3A_73, %add3A : i32
      %lt3A_94 = arith.constant 180 : i32
      %lt3A_95 = arith.cmpi slt, %add3A_93, %lt3A_94 : i32
      %jit3A_96 = arith.constant 0 : i32
      %select_n3A_97 = arith.select %lt3A_95, %add3A_93, %jit3A_96 : i32
      %dma_start3A_98 = arith.constant 0 : i32
      %dma_start3A_99 = tpu.memref_slice %arg10[%select_n3A_97, %dma_start3A_98] : memref<180x112xi32, #tpu.memory_space<vmem>> -> memref<1x112xi32, #tpu.memory_space<vmem>>
      %dma_start3A_100 = tpu.memref_squeeze %dma_start3A_99 : memref<1x112xi32, #tpu.memory_space<vmem>> -> memref<112xi32, #tpu.memory_space<vmem>>
      %dma_start3A_101 = arith.constant 0 : i32
      %dma_start3A_102 = arith.constant 0 : i32
      %dma_start3A_103 = tpu.memref_slice %arg2[%arg0, %dma_start3A_101, %dma_start3A_102] : memref<2x5120x128xf32, #tpu.memory_space<hbm>> -> memref<1x5120x128xf32, #tpu.memory_space<hbm>>
      %dma_start3A_104 = tpu.memref_squeeze %dma_start3A_103 : memref<1x5120x128xf32, #tpu.memory_space<hbm>> -> memref<5120x128xf32, #tpu.memory_space<hbm>>
      %dma_start3A_105 = arith.constant 0 : i32
      %dma_start3A_106 = arith.constant 0 : i32
      %dma_start3A_107 = tpu.memref_slice %dma_start3A_104[%dma_start3A_105, %dma_start3A_106] : memref<5120x128xf32, #tpu.memory_space<hbm>> -> memref<5120x128xf32, #tpu.memory_space<hbm>>
      tpu.enqueue_indirect_dma source(%dma_start3A_107 : memref<5120x128xf32, #tpu.memory_space<hbm>>) target(%arg14 : memref<112x128xf32, #tpu.memory_space<vmem>>) offsets(%dma_start3A_100 : memref<112xi32, #tpu.memory_space<vmem>>) semaphore(%arg18 : memref<!tpu.dma_semaphore, #tpu.memory_space<semaphore_mem>>)
      %add3A_108 = arith.constant 1 : i32
      %add3A_109 = arith.addi %mul3A_73, %add3A_108 : i32
      %lt3A_110 = arith.constant 180 : i32
      %lt3A_111 = arith.cmpi slt, %add3A_109, %lt3A_110 : i32
      %jit3A_112 = arith.constant 0 : i32
      %select_n3A_113 = arith.select %lt3A_111, %add3A_109, %jit3A_112 : i32
      %dma_wait3A_114 = arith.constant 0 : i32
      %dma_wait3A_115 = tpu.memref_slice %arg10[%select_n3A_113, %dma_wait3A_114] : memref<180x112xi32, #tpu.memory_space<vmem>> -> memref<1x112xi32, #tpu.memory_space<vmem>>
      %dma_wait3A_116 = tpu.memref_squeeze %dma_wait3A_115 : memref<1x112xi32, #tpu.memory_space<vmem>> -> memref<112xi32, #tpu.memory_space<vmem>>
      %dma_wait3A_117 = arith.constant 0 : i32
      %dma_wait3A_118 = arith.constant 0 : i32
      %dma_wait3A_119 = tpu.memref_slice %arg2[%arg0, %dma_wait3A_117, %dma_wait3A_118] : memref<2x5120x128xf32, #tpu.memory_space<hbm>> -> memref<1x5120x128xf32, #tpu.memory_space<hbm>>
      %dma_wait3A_120 = tpu.memref_squeeze %dma_wait3A_119 : memref<1x5120x128xf32, #tpu.memory_space<hbm>> -> memref<5120x128xf32, #tpu.memory_space<hbm>>
      %dma_wait3A_121 = arith.constant 0 : i32
      %dma_wait3A_122 = arith.constant 0 : i32
      %dma_wait3A_123 = tpu.memref_slice %dma_wait3A_120[%dma_wait3A_121, %dma_wait3A_122] : memref<5120x128xf32, #tpu.memory_space<hbm>> -> memref<5120x128xf32, #tpu.memory_space<hbm>>
      tpu.wait_indirect_dma semaphore(%arg17 : memref<!tpu.dma_semaphore, #tpu.memory_space<semaphore_mem>>) src(%dma_wait3A_123 : memref<5120x128xf32, #tpu.memory_space<hbm>>) dst(%arg13 : memref<112x128xf32, #tpu.memory_space<vmem>>)
      %add3A_124 = arith.constant 1 : i32
      %add3A_125 = arith.addi %mul3A_73, %add3A_124 : i32
      %dma_start3A_126 = arith.constant 0 : i32
      %dma_start3A_127 = tpu.memref_slice %arg11[%add3A_125, %dma_start3A_126] : memref<180x112xi32, #tpu.memory_space<vmem>> -> memref<1x112xi32, #tpu.memory_space<vmem>>
      %dma_start3A_128 = tpu.memref_squeeze %dma_start3A_127 : memref<1x112xi32, #tpu.memory_space<vmem>> -> memref<112xi32, #tpu.memory_space<vmem>>
      %dma_start3A_129 = arith.constant 0 : i32
      %dma_start3A_130 = arith.constant 0 : i32
      %dma_start3A_131 = tpu.memref_slice %arg15[%dma_start3A_129, %dma_start3A_130] : memref<5120x128xf32, #tpu.memory_space<vmem_shared>> -> memref<5120x128xf32, #tpu.memory_space<vmem_shared>>
      tpu.enqueue_indirect_dma source(%arg13 : memref<112x128xf32, #tpu.memory_space<vmem>>) target(%dma_start3A_131 : memref<5120x128xf32, #tpu.memory_space<vmem_shared>>) offsets(%dma_start3A_128 : memref<112xi32, #tpu.memory_space<vmem>>) semaphore(%arg20 : memref<!tpu.dma_semaphore, #tpu.memory_space<semaphore_mem>>) {add = true}
      %dma_wait3A_132 = arith.constant 0 : i32
      %dma_wait3A_133 = tpu.memref_slice %arg11[%mul3A_73, %dma_wait3A_132] : memref<180x112xi32, #tpu.memory_space<vmem>> -> memref<1x112xi32, #tpu.memory_space<vmem>>
      %dma_wait3A_134 = tpu.memref_squeeze %dma_wait3A_133 : memref<1x112xi32, #tpu.memory_space<vmem>> -> memref<112xi32, #tpu.memory_space<vmem>>
      %dma_wait3A_135 = arith.constant 0 : i32
      %dma_wait3A_136 = arith.constant 0 : i32
      %dma_wait3A_137 = tpu.memref_slice %arg15[%dma_wait3A_135, %dma_wait3A_136] : memref<5120x128xf32, #tpu.memory_space<vmem_shared>> -> memref<5120x128xf32, #tpu.memory_space<vmem_shared>>
      tpu.wait_indirect_dma semaphore(%arg19 : memref<!tpu.dma_semaphore, #tpu.memory_space<semaphore_mem>>) src(%arg12 : memref<112x128xf32, #tpu.memory_space<vmem>>) dst(%dma_wait3A_137 : memref<5120x128xf32, #tpu.memory_space<vmem_shared>>)
      %add3A_138 = arith.constant 3 : i32
      %add3A_139 = arith.addi %mul3A_73, %add3A_138 : i32
      %lt3A_140 = arith.constant 180 : i32
      %lt3A_141 = arith.cmpi slt, %add3A_139, %lt3A_140 : i32
      %jit3A_142 = arith.constant 0 : i32
      %select_n3A_143 = arith.select %lt3A_141, %add3A_139, %jit3A_142 : i32
      %dma_start3A_144 = arith.constant 0 : i32
      %dma_start3A_145 = tpu.memref_slice %arg10[%select_n3A_143, %dma_start3A_144] : memref<180x112xi32, #tpu.memory_space<vmem>> -> memref<1x112xi32, #tpu.memory_space<vmem>>
      %dma_start3A_146 = tpu.memref_squeeze %dma_start3A_145 : memref<1x112xi32, #tpu.memory_space<vmem>> -> memref<112xi32, #tpu.memory_space<vmem>>
      %dma_start3A_147 = arith.constant 0 : i32
      %dma_start3A_148 = arith.constant 0 : i32
      %dma_start3A_149 = tpu.memref_slice %arg2[%arg0, %dma_start3A_147, %dma_start3A_148] : memref<2x5120x128xf32, #tpu.memory_space<hbm>> -> memref<1x5120x128xf32, #tpu.memory_space<hbm>>
      %dma_start3A_150 = tpu.memref_squeeze %dma_start3A_149 : memref<1x5120x128xf32, #tpu.memory_space<hbm>> -> memref<5120x128xf32, #tpu.memory_space<hbm>>
      %dma_start3A_151 = arith.constant 0 : i32
      %dma_start3A_152 = arith.constant 0 : i32
      %dma_start3A_153 = tpu.memref_slice %dma_start3A_150[%dma_start3A_151, %dma_start3A_152] : memref<5120x128xf32, #tpu.memory_space<hbm>> -> memref<5120x128xf32, #tpu.memory_space<hbm>>
      tpu.enqueue_indirect_dma source(%dma_start3A_153 : memref<5120x128xf32, #tpu.memory_space<hbm>>) target(%arg12 : memref<112x128xf32, #tpu.memory_space<vmem>>) offsets(%dma_start3A_146 : memref<112xi32, #tpu.memory_space<vmem>>) semaphore(%arg16 : memref<!tpu.dma_semaphore, #tpu.memory_space<semaphore_mem>>)
      %add3A_154 = arith.constant 2 : i32
      %add3A_155 = arith.addi %mul3A_73, %add3A_154 : i32
      %lt3A_156 = arith.constant 180 : i32
      %lt3A_157 = arith.cmpi slt, %add3A_155, %lt3A_156 : i32
      %jit3A_158 = arith.constant 0 : i32
      %select_n3A_159 = arith.select %lt3A_157, %add3A_155, %jit3A_158 : i32
      %dma_wait3A_160 = arith.constant 0 : i32
      %dma_wait3A_161 = tpu.memref_slice %arg10[%select_n3A_159, %dma_wait3A_160] : memref<180x112xi32, #tpu.memory_space<vmem>> -> memref<1x112xi32, #tpu.memory_space<vmem>>
      %dma_wait3A_162 = tpu.memref_squeeze %dma_wait3A_161 : memref<1x112xi32, #tpu.memory_space<vmem>> -> memref<112xi32, #tpu.memory_space<vmem>>
      %dma_wait3A_163 = arith.constant 0 : i32
      %dma_wait3A_164 = arith.constant 0 : i32
      %dma_wait3A_165 = tpu.memref_slice %arg2[%arg0, %dma_wait3A_163, %dma_wait3A_164] : memref<2x5120x128xf32, #tpu.memory_space<hbm>> -> memref<1x5120x128xf32, #tpu.memory_space<hbm>>
      %dma_wait3A_166 = tpu.memref_squeeze %dma_wait3A_165 : memref<1x5120x128xf32, #tpu.memory_space<hbm>> -> memref<5120x128xf32, #tpu.memory_space<hbm>>
      %dma_wait3A_167 = arith.constant 0 : i32
      %dma_wait3A_168 = arith.constant 0 : i32
      %dma_wait3A_169 = tpu.memref_slice %dma_wait3A_166[%dma_wait3A_167, %dma_wait3A_168] : memref<5120x128xf32, #tpu.memory_space<hbm>> -> memref<5120x128xf32, #tpu.memory_space<hbm>>
      tpu.wait_indirect_dma semaphore(%arg18 : memref<!tpu.dma_semaphore, #tpu.memory_space<semaphore_mem>>) src(%dma_wait3A_169 : memref<5120x128xf32, #tpu.memory_space<hbm>>) dst(%arg14 : memref<112x128xf32, #tpu.memory_space<vmem>>)
      %add3A_170 = arith.constant 2 : i32
      %add3A_171 = arith.addi %mul3A_73, %add3A_170 : i32
      %dma_start3A_172 = arith.constant 0 : i32
      %dma_start3A_173 = tpu.memref_slice %arg11[%add3A_171, %dma_start3A_172] : memref<180x112xi32, #tpu.memory_space<vmem>> -> memref<1x112xi32, #tpu.memory_space<vmem>>
      %dma_start3A_174 = tpu.memref_squeeze %dma_start3A_173 : memref<1x112xi32, #tpu.memory_space<vmem>> -> memref<112xi32, #tpu.memory_space<vmem>>
      %dma_start3A_175 = arith.constant 0 : i32
      %dma_start3A_176 = arith.constant 0 : i32
      %dma_start3A_177 = tpu.memref_slice %arg15[%dma_start3A_175, %dma_start3A_176] : memref<5120x128xf32, #tpu.memory_space<vmem_shared>> -> memref<5120x128xf32, #tpu.memory_space<vmem_shared>>
      tpu.enqueue_indirect_dma source(%arg14 : memref<112x128xf32, #tpu.memory_space<vmem>>) target(%dma_start3A_177 : memref<5120x128xf32, #tpu.memory_space<vmem_shared>>) offsets(%dma_start3A_174 : memref<112xi32, #tpu.memory_space<vmem>>) semaphore(%arg21 : memref<!tpu.dma_semaphore, #tpu.memory_space<semaphore_mem>>) {add = true}
      %add3A_178 = arith.constant 1 : i32
      %add3A_179 = arith.addi %mul3A_73, %add3A_178 : i32
      %dma_wait3A_180 = arith.constant 0 : i32
      %dma_wait3A_181 = tpu.memref_slice %arg11[%add3A_179, %dma_wait3A_180] : memref<180x112xi32, #tpu.memory_space<vmem>> -> memref<1x112xi32, #tpu.memory_space<vmem>>
      %dma_wait3A_182 = tpu.memref_squeeze %dma_wait3A_181 : memref<1x112xi32, #tpu.memory_space<vmem>> -> memref<112xi32, #tpu.memory_space<vmem>>
      %dma_wait3A_183 = arith.constant 0 : i32
      %dma_wait3A_184 = arith.constant 0 : i32
      %dma_wait3A_185 = tpu.memref_slice %arg15[%dma_wait3A_183, %dma_wait3A_184] : memref<5120x128xf32, #tpu.memory_space<vmem_shared>> -> memref<5120x128xf32, #tpu.memory_space<vmem_shared>>
      tpu.wait_indirect_dma semaphore(%arg20 : memref<!tpu.dma_semaphore, #tpu.memory_space<semaphore_mem>>) src(%arg13 : memref<112x128xf32, #tpu.memory_space<vmem>>) dst(%dma_wait3A_185 : memref<5120x128xf32, #tpu.memory_space<vmem_shared>>)
      %add3A_186 = arith.constant 4 : i32
      %add3A_187 = arith.addi %mul3A_73, %add3A_186 : i32
      %lt3A_188 = arith.constant 180 : i32
      %lt3A_189 = arith.cmpi slt, %add3A_187, %lt3A_188 : i32
      %jit3A_190 = arith.constant 0 : i32
      %select_n3A_191 = arith.select %lt3A_189, %add3A_187, %jit3A_190 : i32
      %dma_start3A_192 = arith.constant 0 : i32
      %dma_start3A_193 = tpu.memref_slice %arg10[%select_n3A_191, %dma_start3A_192] : memref<180x112xi32, #tpu.memory_space<vmem>> -> memref<1x112xi32, #tpu.memory_space<vmem>>
      %dma_start3A_194 = tpu.memref_squeeze %dma_start3A_193 : memref<1x112xi32, #tpu.memory_space<vmem>> -> memref<112xi32, #tpu.memory_space<vmem>>
      %dma_start3A_195 = arith.constant 0 : i32
      %dma_start3A_196 = arith.constant 0 : i32
      %dma_start3A_197 = tpu.memref_slice %arg2[%arg0, %dma_start3A_195, %dma_start3A_196] : memref<2x5120x128xf32, #tpu.memory_space<hbm>> -> memref<1x5120x128xf32, #tpu.memory_space<hbm>>
      %dma_start3A_198 = tpu.memref_squeeze %dma_start3A_197 : memref<1x5120x128xf32, #tpu.memory_space<hbm>> -> memref<5120x128xf32, #tpu.memory_space<hbm>>
      %dma_start3A_199 = arith.constant 0 : i32
      %dma_start3A_200 = arith.constant 0 : i32
      %dma_start3A_201 = tpu.memref_slice %dma_start3A_198[%dma_start3A_199, %dma_start3A_200] : memref<5120x128xf32, #tpu.memory_space<hbm>> -> memref<5120x128xf32, #tpu.memory_space<hbm>>
      tpu.enqueue_indirect_dma source(%dma_start3A_201 : memref<5120x128xf32, #tpu.memory_space<hbm>>) target(%arg13 : memref<112x128xf32, #tpu.memory_space<vmem>>) offsets(%dma_start3A_194 : memref<112xi32, #tpu.memory_space<vmem>>) semaphore(%arg17 : memref<!tpu.dma_semaphore, #tpu.memory_space<semaphore_mem>>)
      %scan3A_202 = arith.constant 0 : i32
      scf.yield %scan3A_202 : i32
    }
    %scan3A_34 = arith.constant 60 : i32
    %dma_wait3A = arith.constant 0 : i32
    %dma_wait3A_35 = arith.constant 0 : i32
    %dma_wait3A_36 = tpu.memref_slice %arg10[%dma_wait3A, %dma_wait3A_35] : memref<180x112xi32, #tpu.memory_space<vmem>> -> memref<1x112xi32, #tpu.memory_space<vmem>>
    %dma_wait3A_37 = tpu.memref_squeeze %dma_wait3A_36 : memref<1x112xi32, #tpu.memory_space<vmem>> -> memref<112xi32, #tpu.memory_space<vmem>>
    %dma_wait3A_38 = arith.constant 0 : i32
    %dma_wait3A_39 = arith.constant 0 : i32
    %dma_wait3A_40 = tpu.memref_slice %arg2[%arg0, %dma_wait3A_38, %dma_wait3A_39] : memref<2x5120x128xf32, #tpu.memory_space<hbm>> -> memref<1x5120x128xf32, #tpu.memory_space<hbm>>
    %dma_wait3A_41 = tpu.memref_squeeze %dma_wait3A_40 : memref<1x5120x128xf32, #tpu.memory_space<hbm>> -> memref<5120x128xf32, #tpu.memory_space<hbm>>
    %dma_wait3A_42 = arith.constant 0 : i32
    %dma_wait3A_43 = arith.constant 0 : i32
    %dma_wait3A_44 = tpu.memref_slice %dma_wait3A_41[%dma_wait3A_42, %dma_wait3A_43] : memref<5120x128xf32, #tpu.memory_space<hbm>> -> memref<5120x128xf32, #tpu.memory_space<hbm>>
    tpu.wait_indirect_dma semaphore(%arg16 : memref<!tpu.dma_semaphore, #tpu.memory_space<semaphore_mem>>) src(%dma_wait3A_44 : memref<5120x128xf32, #tpu.memory_space<hbm>>) dst(%arg12 : memref<112x128xf32, #tpu.memory_space<vmem>>)
    %dma_wait3A_45 = arith.constant 0 : i32
    %dma_wait3A_46 = arith.constant 0 : i32
    %dma_wait3A_47 = tpu.memref_slice %arg10[%dma_wait3A_45, %dma_wait3A_46] : memref<180x112xi32, #tpu.memory_space<vmem>> -> memref<1x112xi32, #tpu.memory_space<vmem>>
    %dma_wait3A_48 = tpu.memref_squeeze %dma_wait3A_47 : memref<1x112xi32, #tpu.memory_space<vmem>> -> memref<112xi32, #tpu.memory_space<vmem>>
    %dma_wait3A_49 = arith.constant 0 : i32
    %dma_wait3A_50 = arith.constant 0 : i32
    %dma_wait3A_51 = tpu.memref_slice %arg2[%arg0, %dma_wait3A_49, %dma_wait3A_50] : memref<2x5120x128xf32, #tpu.memory_space<hbm>> -> memref<1x5120x128xf32, #tpu.memory_space<hbm>>
    %dma_wait3A_52 = tpu.memref_squeeze %dma_wait3A_51 : memref<1x5120x128xf32, #tpu.memory_space<hbm>> -> memref<5120x128xf32, #tpu.memory_space<hbm>>
    %dma_wait3A_53 = arith.constant 0 : i32
    %dma_wait3A_54 = arith.constant 0 : i32
    %dma_wait3A_55 = tpu.memref_slice %dma_wait3A_52[%dma_wait3A_53, %dma_wait3A_54] : memref<5120x128xf32, #tpu.memory_space<hbm>> -> memref<5120x128xf32, #tpu.memory_space<hbm>>
    tpu.wait_indirect_dma semaphore(%arg17 : memref<!tpu.dma_semaphore, #tpu.memory_space<semaphore_mem>>) src(%dma_wait3A_55 : memref<5120x128xf32, #tpu.memory_space<hbm>>) dst(%arg13 : memref<112x128xf32, #tpu.memory_space<vmem>>)
    %dma_wait3A_56 = arith.constant 179 : i32
    %dma_wait3A_57 = arith.constant 0 : i32
    %dma_wait3A_58 = tpu.memref_slice %arg11[%dma_wait3A_56, %dma_wait3A_57] : memref<180x112xi32, #tpu.memory_space<vmem>> -> memref<1x112xi32, #tpu.memory_space<vmem>>
    %dma_wait3A_59 = tpu.memref_squeeze %dma_wait3A_58 : memref<1x112xi32, #tpu.memory_space<vmem>> -> memref<112xi32, #tpu.memory_space<vmem>>
    %dma_wait3A_60 = arith.constant 0 : i32
    %dma_wait3A_61 = arith.constant 0 : i32
    %dma_wait3A_62 = tpu.memref_slice %arg15[%dma_wait3A_60, %dma_wait3A_61] : memref<5120x128xf32, #tpu.memory_space<vmem_shared>> -> memref<5120x128xf32, #tpu.memory_space<vmem_shared>>
    tpu.wait_indirect_dma semaphore(%arg21 : memref<!tpu.dma_semaphore, #tpu.memory_space<semaphore_mem>>) src(%arg14 : memref<112x128xf32, #tpu.memory_space<vmem>>) dst(%dma_wait3A_62 : memref<5120x128xf32, #tpu.memory_space<vmem_shared>>)
    %barrier3A_63 = arith.constant 0 : index
    tpu.barrier barrier_id(%barrier3A_63)
    %scan3A_64 = arith.constant 0 : i32
    %scan3A_65 = arith.constant 0 : i32
    %scan3A_66 = arith.constant 10 : i32
    %scan3A_67 = arith.addi %scan3A_65, %scan3A_66 : i32
    %scan3A_68 = arith.constant 1 : i32
    %scan3A_69 = scf.for %scan3A_71 = %scan3A_65 to %scan3A_67 step %scan3A_68 iter_args(%scan3A_72 = %scan3A_64) -> (i32)  : i32 {
      %mul3A = arith.constant 320 : i32
      %mul3A_73 = arith.muli %arg1, %mul3A : i32
      %mul3A_74 = arith.constant 32 : i32
      %mul3A_75 = arith.muli %scan3A_71, %mul3A_74 : i32
      %add3A = arith.addi %mul3A_73, %mul3A_75 : i32
      "tpu.region"() ({
        %run_scoped3A = tpu.sem_alloc : memref<!tpu.dma_semaphore, #tpu.memory_space<semaphore_mem>>
        %dma_start3A_91 = arith.constant 0 : i32
        %dma_start3A_92 = arith.constant 0 : i32
        %dma_start3A_93 = tpu.memref_slice %arg12[%dma_start3A_91, %dma_start3A_92] : memref<112x128xf32, #tpu.memory_space<vmem>> -> memref<32x128xf32, #tpu.memory_space<vmem>>
        %dma_start3A_94 = arith.constant 0 : i32
        %dma_start3A_95 = tpu.memref_slice %arg15[%add3A, %dma_start3A_94] : memref<5120x128xf32, #tpu.memory_space<vmem_shared>> -> memref<32x128xf32, #tpu.memory_space<vmem_shared>>
        %dma_start3A_96 = arith.constant 0 : i32
        %dma_start3A_97 = arith.constant 0 : i32
        %dma_start3A_98 = tpu.memref_slice %arg12[%dma_start3A_96, %dma_start3A_97] : memref<112x128xf32, #tpu.memory_space<vmem>> -> memref<32x128xf32, #tpu.memory_space<vmem>>
        %dma_start3A_99 = arith.constant 0 : i32
        %dma_start3A_100 = tpu.memref_slice %arg15[%add3A, %dma_start3A_99] : memref<5120x128xf32, #tpu.memory_space<vmem_shared>> -> memref<32x128xf32, #tpu.memory_space<vmem_shared>>
        tpu.enqueue_dma source(%dma_start3A_100 : memref<32x128xf32, #tpu.memory_space<vmem_shared>>) target(%dma_start3A_98 : memref<32x128xf32, #tpu.memory_space<vmem>>) target_semaphore(%run_scoped3A : memref<!tpu.dma_semaphore, #tpu.memory_space<semaphore_mem>>)
        %dma_wait3A_101 = arith.constant 0 : i32
        %dma_wait3A_102 = arith.constant 0 : i32
        %dma_wait3A_103 = tpu.memref_slice %arg12[%dma_wait3A_101, %dma_wait3A_102] : memref<112x128xf32, #tpu.memory_space<vmem>> -> memref<32x128xf32, #tpu.memory_space<vmem>>
        %dma_wait3A_104 = arith.constant 0 : i32
        %dma_wait3A_105 = tpu.memref_slice %arg15[%add3A, %dma_wait3A_104] : memref<5120x128xf32, #tpu.memory_space<vmem_shared>> -> memref<32x128xf32, #tpu.memory_space<vmem_shared>>
        %dma_wait3A_106 = arith.constant 0 : i32
        %dma_wait3A_107 = arith.constant 0 : i32
        %dma_wait3A_108 = tpu.memref_slice %arg12[%dma_wait3A_106, %dma_wait3A_107] : memref<112x128xf32, #tpu.memory_space<vmem>> -> memref<32x128xf32, #tpu.memory_space<vmem>>
        %dma_wait3A_109 = arith.constant 0 : i32
        %dma_wait3A_110 = tpu.memref_slice %arg15[%add3A, %dma_wait3A_109] : memref<5120x128xf32, #tpu.memory_space<vmem_shared>> -> memref<32x128xf32, #tpu.memory_space<vmem_shared>>
        tpu.wait_dma2 semaphore(%run_scoped3A : memref<!tpu.dma_semaphore, #tpu.memory_space<semaphore_mem>>) src(%dma_wait3A_110 : memref<32x128xf32, #tpu.memory_space<vmem_shared>>) dst(%dma_wait3A_108 : memref<32x128xf32, #tpu.memory_space<vmem>>)
        tpu.yield
      }) : () -> ()
      "tpu.region"() ({
        %run_scoped3A = tpu.sem_alloc : memref<!tpu.dma_semaphore, #tpu.memory_space<semaphore_mem>>
        %dma_start3A_91 = arith.constant 0 : i32
        %dma_start3A_92 = arith.constant 0 : i32
        %dma_start3A_93 = tpu.memref_slice %arg13[%dma_start3A_91, %dma_start3A_92] : memref<112x128xf32, #tpu.memory_space<vmem>> -> memref<32x128xf32, #tpu.memory_space<vmem>>
        %dma_start3A_94 = arith.constant 0 : i32
        %dma_start3A_95 = tpu.memref_slice %arg5[%sub3A_0, %add3A, %dma_start3A_94] : memref<2x5120x128xf32, #tpu.memory_space<hbm>> -> memref<1x32x128xf32, #tpu.memory_space<hbm>>
        %dma_start3A_96 = tpu.memref_squeeze %dma_start3A_95 : memref<1x32x128xf32, #tpu.memory_space<hbm>> -> memref<32x128xf32, #tpu.memory_space<hbm>>
        %dma_start3A_97 = arith.constant 0 : i32
        %dma_start3A_98 = arith.constant 0 : i32
        %dma_start3A_99 = tpu.memref_slice %arg13[%dma_start3A_97, %dma_start3A_98] : memref<112x128xf32, #tpu.memory_space<vmem>> -> memref<32x128xf32, #tpu.memory_space<vmem>>
        %dma_start3A_100 = arith.constant 0 : i32
        %dma_start3A_101 = tpu.memref_slice %arg5[%sub3A_0, %add3A, %dma_start3A_100] : memref<2x5120x128xf32, #tpu.memory_space<hbm>> -> memref<1x32x128xf32, #tpu.memory_space<hbm>>
        %dma_start3A_102 = tpu.memref_squeeze %dma_start3A_101 : memref<1x32x128xf32, #tpu.memory_space<hbm>> -> memref<32x128xf32, #tpu.memory_space<hbm>>
        tpu.enqueue_dma source(%dma_start3A_102 : memref<32x128xf32, #tpu.memory_space<hbm>>) target(%dma_start3A_99 : memref<32x128xf32, #tpu.memory_space<vmem>>) target_semaphore(%run_scoped3A : memref<!tpu.dma_semaphore, #tpu.memory_space<semaphore_mem>>)
        %dma_wait3A_103 = arith.constant 0 : i32
        %dma_wait3A_104 = arith.constant 0 : i32
        %dma_wait3A_105 = tpu.memref_slice %arg13[%dma_wait3A_103, %dma_wait3A_104] : memref<112x128xf32, #tpu.memory_space<vmem>> -> memref<32x128xf32, #tpu.memory_space<vmem>>
        %dma_wait3A_106 = arith.constant 0 : i32
        %dma_wait3A_107 = tpu.memref_slice %arg5[%sub3A_0, %add3A, %dma_wait3A_106] : memref<2x5120x128xf32, #tpu.memory_space<hbm>> -> memref<1x32x128xf32, #tpu.memory_space<hbm>>
        %dma_wait3A_108 = tpu.memref_squeeze %dma_wait3A_107 : memref<1x32x128xf32, #tpu.memory_space<hbm>> -> memref<32x128xf32, #tpu.memory_space<hbm>>
        %dma_wait3A_109 = arith.constant 0 : i32
        %dma_wait3A_110 = arith.constant 0 : i32
        %dma_wait3A_111 = tpu.memref_slice %arg13[%dma_wait3A_109, %dma_wait3A_110] : memref<112x128xf32, #tpu.memory_space<vmem>> -> memref<32x128xf32, #tpu.memory_space<vmem>>
        %dma_wait3A_112 = arith.constant 0 : i32
        %dma_wait3A_113 = tpu.memref_slice %arg5[%sub3A_0, %add3A, %dma_wait3A_112] : memref<2x5120x128xf32, #tpu.memory_space<hbm>> -> memref<1x32x128xf32, #tpu.memory_space<hbm>>
        %dma_wait3A_114 = tpu.memref_squeeze %dma_wait3A_113 : memref<1x32x128xf32, #tpu.memory_space<hbm>> -> memref<32x128xf32, #tpu.memory_space<hbm>>
        tpu.wait_dma2 semaphore(%run_scoped3A : memref<!tpu.dma_semaphore, #tpu.memory_space<semaphore_mem>>) src(%dma_wait3A_114 : memref<32x128xf32, #tpu.memory_space<hbm>>) dst(%dma_wait3A_111 : memref<32x128xf32, #tpu.memory_space<vmem>>)
        tpu.yield
      }) : () -> ()
      %scan3A_76 = arith.constant 0 : i32
      %scan3A_77 = arith.constant 0 : i32
      %scan3A_78 = arith.constant 32 : i32
      %scan3A_79 = arith.addi %scan3A_77, %scan3A_78 : i32
      %scan3A_80 = arith.constant 1 : i32
      %scan3A_81 = scf.for %scan3A_91 = %scan3A_77 to %scan3A_79 step %scan3A_80 iter_args(%scan3A_92 = %scan3A_76) -> (i32)  : i32 {
        %get3A = arith.index_cast %scan3A_91 : i32 to index
        %get3A_93 = arith.constant 0 : index
        %get3A_94 = tpu.vector_load %arg12[%get3A, %get3A_93] {strides = array<i32>} : memref<112x128xf32, #tpu.memory_space<vmem>>, vector<1x16xf32>,
        %get3A_95 = vector.shape_cast %get3A_94 : vector<1x16xf32> to vector<16xf32>
        %get3A_96 = arith.index_cast %scan3A_91 : i32 to index
        %get3A_97 = arith.constant 0 : index
        %get3A_98 = tpu.vector_load %arg13[%get3A_96, %get3A_97] {strides = array<i32>} : memref<112x128xf32, #tpu.memory_space<vmem>>, vector<1x16xf32>,
        %get3A_99 = vector.shape_cast %get3A_98 : vector<1x16xf32> to vector<16xf32>
        %mul3A_100 = arith.mulf %get3A_95, %get3A_99 : vector<16xf32>
        %swap3A = arith.index_cast %scan3A_91 : i32 to index
        %swap3A_101 = arith.constant 0 : index
        %swap3A_102 = tpu.vector_load %arg13[%swap3A, %swap3A_101] {strides = array<i32>} : memref<112x128xf32, #tpu.memory_space<vmem>>, vector<1x16xf32>,
        %swap3A_103 = vector.shape_cast %swap3A_102 : vector<1x16xf32> to vector<16xf32>
        %swap3A_104 = vector.shape_cast %mul3A_100 : vector<16xf32> to vector<1x16xf32>
        tpu.vector_store %arg13[%swap3A, %swap3A_101], %swap3A_104 {strides = array<i32>} : memref<112x128xf32, #tpu.memory_space<vmem>>, vector<1x16xf32>,
        %get3A_105 = arith.index_cast %scan3A_91 : i32 to index
        %get3A_106 = arith.constant 16 : index
        %get3A_107 = tpu.vector_load %arg12[%get3A_105, %get3A_106] {strides = array<i32>} : memref<112x128xf32, #tpu.memory_space<vmem>>, vector<1x16xf32>,
        %get3A_108 = vector.shape_cast %get3A_107 : vector<1x16xf32> to vector<16xf32>
        %get3A_109 = arith.index_cast %scan3A_91 : i32 to index
        %get3A_110 = arith.constant 16 : index
        %get3A_111 = tpu.vector_load %arg13[%get3A_109, %get3A_110] {strides = array<i32>} : memref<112x128xf32, #tpu.memory_space<vmem>>, vector<1x16xf32>,
        %get3A_112 = vector.shape_cast %get3A_111 : vector<1x16xf32> to vector<16xf32>
        %mul3A_113 = arith.mulf %get3A_108, %get3A_112 : vector<16xf32>
        %swap3A_114 = arith.index_cast %scan3A_91 : i32 to index
        %swap3A_115 = arith.constant 16 : index
        %swap3A_116 = tpu.vector_load %arg13[%swap3A_114, %swap3A_115] {strides = array<i32>} : memref<112x128xf32, #tpu.memory_space<vmem>>, vector<1x16xf32>,
        %swap3A_117 = vector.shape_cast %swap3A_116 : vector<1x16xf32> to vector<16xf32>
        %swap3A_118 = vector.shape_cast %mul3A_113 : vector<16xf32> to vector<1x16xf32>
        tpu.vector_store %arg13[%swap3A_114, %swap3A_115], %swap3A_118 {strides = array<i32>} : memref<112x128xf32, #tpu.memory_space<vmem>>, vector<1x16xf32>,
        %get3A_119 = arith.index_cast %scan3A_91 : i32 to index
        %get3A_120 = arith.constant 32 : index
        %get3A_121 = tpu.vector_load %arg12[%get3A_119, %get3A_120] {strides = array<i32>} : memref<112x128xf32, #tpu.memory_space<vmem>>, vector<1x16xf32>,
        %get3A_122 = vector.shape_cast %get3A_121 : vector<1x16xf32> to vector<16xf32>
        %get3A_123 = arith.index_cast %scan3A_91 : i32 to index
        %get3A_124 = arith.constant 32 : index
        %get3A_125 = tpu.vector_load %arg13[%get3A_123, %get3A_124] {strides = array<i32>} : memref<112x128xf32, #tpu.memory_space<vmem>>, vector<1x16xf32>,
        %get3A_126 = vector.shape_cast %get3A_125 : vector<1x16xf32> to vector<16xf32>
        %mul3A_127 = arith.mulf %get3A_122, %get3A_126 : vector<16xf32>
        %swap3A_128 = arith.index_cast %scan3A_91 : i32 to index
        %swap3A_129 = arith.constant 32 : index
        %swap3A_130 = tpu.vector_load %arg13[%swap3A_128, %swap3A_129] {strides = array<i32>} : memref<112x128xf32, #tpu.memory_space<vmem>>, vector<1x16xf32>,
        %swap3A_131 = vector.shape_cast %swap3A_130 : vector<1x16xf32> to vector<16xf32>
        %swap3A_132 = vector.shape_cast %mul3A_127 : vector<16xf32> to vector<1x16xf32>
        tpu.vector_store %arg13[%swap3A_128, %swap3A_129], %swap3A_132 {strides = array<i32>} : memref<112x128xf32, #tpu.memory_space<vmem>>, vector<1x16xf32>,
        %get3A_133 = arith.index_cast %scan3A_91 : i32 to index
        %get3A_134 = arith.constant 48 : index
        %get3A_135 = tpu.vector_load %arg12[%get3A_133, %get3A_134] {strides = array<i32>} : memref<112x128xf32, #tpu.memory_space<vmem>>, vector<1x16xf32>,
        %get3A_136 = vector.shape_cast %get3A_135 : vector<1x16xf32> to vector<16xf32>
        %get3A_137 = arith.index_cast %scan3A_91 : i32 to index
        %get3A_138 = arith.constant 48 : index
        %get3A_139 = tpu.vector_load %arg13[%get3A_137, %get3A_138] {strides = array<i32>} : memref<112x128xf32, #tpu.memory_space<vmem>>, vector<1x16xf32>,
        %get3A_140 = vector.shape_cast %get3A_139 : vector<1x16xf32> to vector<16xf32>
        %mul3A_141 = arith.mulf %get3A_136, %get3A_140 : vector<16xf32>
        %swap3A_142 = arith.index_cast %scan3A_91 : i32 to index
        %swap3A_143 = arith.constant 48 : index
        %swap3A_144 = tpu.vector_load %arg13[%swap3A_142, %swap3A_143] {strides = array<i32>} : memref<112x128xf32, #tpu.memory_space<vmem>>, vector<1x16xf32>,
        %swap3A_145 = vector.shape_cast %swap3A_144 : vector<1x16xf32> to vector<16xf32>
        %swap3A_146 = vector.shape_cast %mul3A_141 : vector<16xf32> to vector<1x16xf32>
        tpu.vector_store %arg13[%swap3A_142, %swap3A_143], %swap3A_146 {strides = array<i32>} : memref<112x128xf32, #tpu.memory_space<vmem>>, vector<1x16xf32>,
        %get3A_147 = arith.index_cast %scan3A_91 : i32 to index
        %get3A_148 = arith.constant 64 : index
        %get3A_149 = tpu.vector_load %arg12[%get3A_147, %get3A_148] {strides = array<i32>} : memref<112x128xf32, #tpu.memory_space<vmem>>, vector<1x16xf32>,
        %get3A_150 = vector.shape_cast %get3A_149 : vector<1x16xf32> to vector<16xf32>
        %get3A_151 = arith.index_cast %scan3A_91 : i32 to index
        %get3A_152 = arith.constant 64 : index
        %get3A_153 = tpu.vector_load %arg13[%get3A_151, %get3A_152] {strides = array<i32>} : memref<112x128xf32, #tpu.memory_space<vmem>>, vector<1x16xf32>,
        %get3A_154 = vector.shape_cast %get3A_153 : vector<1x16xf32> to vector<16xf32>
        %mul3A_155 = arith.mulf %get3A_150, %get3A_154 : vector<16xf32>
        %swap3A_156 = arith.index_cast %scan3A_91 : i32 to index
        %swap3A_157 = arith.constant 64 : index
        %swap3A_158 = tpu.vector_load %arg13[%swap3A_156, %swap3A_157] {strides = array<i32>} : memref<112x128xf32, #tpu.memory_space<vmem>>, vector<1x16xf32>,
        %swap3A_159 = vector.shape_cast %swap3A_158 : vector<1x16xf32> to vector<16xf32>
        %swap3A_160 = vector.shape_cast %mul3A_155 : vector<16xf32> to vector<1x16xf32>
        tpu.vector_store %arg13[%swap3A_156, %swap3A_157], %swap3A_160 {strides = array<i32>} : memref<112x128xf32, #tpu.memory_space<vmem>>, vector<1x16xf32>,
        %get3A_161 = arith.index_cast %scan3A_91 : i32 to index
        %get3A_162 = arith.constant 80 : index
        %get3A_163 = tpu.vector_load %arg12[%get3A_161, %get3A_162] {strides = array<i32>} : memref<112x128xf32, #tpu.memory_space<vmem>>, vector<1x16xf32>,
        %get3A_164 = vector.shape_cast %get3A_163 : vector<1x16xf32> to vector<16xf32>
        %get3A_165 = arith.index_cast %scan3A_91 : i32 to index
        %get3A_166 = arith.constant 80 : index
        %get3A_167 = tpu.vector_load %arg13[%get3A_165, %get3A_166] {strides = array<i32>} : memref<112x128xf32, #tpu.memory_space<vmem>>, vector<1x16xf32>,
        %get3A_168 = vector.shape_cast %get3A_167 : vector<1x16xf32> to vector<16xf32>
        %mul3A_169 = arith.mulf %get3A_164, %get3A_168 : vector<16xf32>
        %swap3A_170 = arith.index_cast %scan3A_91 : i32 to index
        %swap3A_171 = arith.constant 80 : index
        %swap3A_172 = tpu.vector_load %arg13[%swap3A_170, %swap3A_171] {strides = array<i32>} : memref<112x128xf32, #tpu.memory_space<vmem>>, vector<1x16xf32>,
        %swap3A_173 = vector.shape_cast %swap3A_172 : vector<1x16xf32> to vector<16xf32>
        %swap3A_174 = vector.shape_cast %mul3A_169 : vector<16xf32> to vector<1x16xf32>
        tpu.vector_store %arg13[%swap3A_170, %swap3A_171], %swap3A_174 {strides = array<i32>} : memref<112x128xf32, #tpu.memory_space<vmem>>, vector<1x16xf32>,
        %get3A_175 = arith.index_cast %scan3A_91 : i32 to index
        %get3A_176 = arith.constant 96 : index
        %get3A_177 = tpu.vector_load %arg12[%get3A_175, %get3A_176] {strides = array<i32>} : memref<112x128xf32, #tpu.memory_space<vmem>>, vector<1x16xf32>,
        %get3A_178 = vector.shape_cast %get3A_177 : vector<1x16xf32> to vector<16xf32>
        %get3A_179 = arith.index_cast %scan3A_91 : i32 to index
        %get3A_180 = arith.constant 96 : index
        %get3A_181 = tpu.vector_load %arg13[%get3A_179, %get3A_180] {strides = array<i32>} : memref<112x128xf32, #tpu.memory_space<vmem>>, vector<1x16xf32>,
        %get3A_182 = vector.shape_cast %get3A_181 : vector<1x16xf32> to vector<16xf32>
        %mul3A_183 = arith.mulf %get3A_178, %get3A_182 : vector<16xf32>
        %swap3A_184 = arith.index_cast %scan3A_91 : i32 to index
        %swap3A_185 = arith.constant 96 : index
        %swap3A_186 = tpu.vector_load %arg13[%swap3A_184, %swap3A_185] {strides = array<i32>} : memref<112x128xf32, #tpu.memory_space<vmem>>, vector<1x16xf32>,
        %swap3A_187 = vector.shape_cast %swap3A_186 : vector<1x16xf32> to vector<16xf32>
        %swap3A_188 = vector.shape_cast %mul3A_183 : vector<16xf32> to vector<1x16xf32>
        tpu.vector_store %arg13[%swap3A_184, %swap3A_185], %swap3A_188 {strides = array<i32>} : memref<112x128xf32, #tpu.memory_space<vmem>>, vector<1x16xf32>,
        %get3A_189 = arith.index_cast %scan3A_91 : i32 to index
        %get3A_190 = arith.constant 112 : index
        %get3A_191 = tpu.vector_load %arg12[%get3A_189, %get3A_190] {strides = array<i32>} : memref<112x128xf32, #tpu.memory_space<vmem>>, vector<1x16xf32>,
        %get3A_192 = vector.shape_cast %get3A_191 : vector<1x16xf32> to vector<16xf32>
        %get3A_193 = arith.index_cast %scan3A_91 : i32 to index
        %get3A_194 = arith.constant 112 : index
        %get3A_195 = tpu.vector_load %arg13[%get3A_193, %get3A_194] {strides = array<i32>} : memref<112x128xf32, #tpu.memory_space<vmem>>, vector<1x16xf32>,
        %get3A_196 = vector.shape_cast %get3A_195 : vector<1x16xf32> to vector<16xf32>
        %mul3A_197 = arith.mulf %get3A_192, %get3A_196 : vector<16xf32>
        %swap3A_198 = arith.index_cast %scan3A_91 : i32 to index
        %swap3A_199 = arith.constant 112 : index
        %swap3A_200 = tpu.vector_load %arg13[%swap3A_198, %swap3A_199] {strides = array<i32>} : memref<112x128xf32, #tpu.memory_space<vmem>>, vector<1x16xf32>,
        %swap3A_201 = vector.shape_cast %swap3A_200 : vector<1x16xf32> to vector<16xf32>
        %swap3A_202 = vector.shape_cast %mul3A_197 : vector<16xf32> to vector<1x16xf32>
        tpu.vector_store %arg13[%swap3A_198, %swap3A_199], %swap3A_202 {strides = array<i32>} : memref<112x128xf32, #tpu.memory_space<vmem>>, vector<1x16xf32>,
        %scan3A_203 = arith.constant 0 : i32
        scf.yield %scan3A_203 : i32
      }
      %scan3A_82 = arith.constant 32 : i32
      "tpu.region"() ({
        %run_scoped3A = tpu.sem_alloc : memref<!tpu.dma_semaphore, #tpu.memory_space<semaphore_mem>>
        %dma_start3A_91 = arith.constant 0 : i32
        %dma_start3A_92 = arith.constant 0 : i32
        %dma_start3A_93 = tpu.memref_slice %arg13[%dma_start3A_91, %dma_start3A_92] : memref<112x128xf32, #tpu.memory_space<vmem>> -> memref<32x128xf32, #tpu.memory_space<vmem>>
        %dma_start3A_94 = arith.constant 0 : i32
        %dma_start3A_95 = tpu.memref_slice %arg8[%sub3A_0, %add3A, %dma_start3A_94] : memref<2x5120x128xf32, #tpu.memory_space<hbm>> -> memref<1x32x128xf32, #tpu.memory_space<hbm>>
        %dma_start3A_96 = tpu.memref_squeeze %dma_start3A_95 : memref<1x32x128xf32, #tpu.memory_space<hbm>> -> memref<32x128xf32, #tpu.memory_space<hbm>>
        %dma_start3A_97 = arith.constant 0 : i32
        %dma_start3A_98 = tpu.memref_slice %arg8[%sub3A_0, %add3A, %dma_start3A_97] : memref<2x5120x128xf32, #tpu.memory_space<hbm>> -> memref<1x32x128xf32, #tpu.memory_space<hbm>>
        %dma_start3A_99 = tpu.memref_squeeze %dma_start3A_98 : memref<1x32x128xf32, #tpu.memory_space<hbm>> -> memref<32x128xf32, #tpu.memory_space<hbm>>
        %dma_start3A_100 = arith.constant 0 : i32
        %dma_start3A_101 = arith.constant 0 : i32
        %dma_start3A_102 = tpu.memref_slice %arg13[%dma_start3A_100, %dma_start3A_101] : memref<112x128xf32, #tpu.memory_space<vmem>> -> memref<32x128xf32, #tpu.memory_space<vmem>>
        tpu.enqueue_dma source(%dma_start3A_102 : memref<32x128xf32, #tpu.memory_space<vmem>>) target(%dma_start3A_99 : memref<32x128xf32, #tpu.memory_space<hbm>>) target_semaphore(%run_scoped3A : memref<!tpu.dma_semaphore, #tpu.memory_space<semaphore_mem>>)
        %dma_wait3A_103 = arith.constant 0 : i32
        %dma_wait3A_104 = arith.constant 0 : i32
        %dma_wait3A_105 = tpu.memref_slice %arg13[%dma_wait3A_103, %dma_wait3A_104] : memref<112x128xf32, #tpu.memory_space<vmem>> -> memref<32x128xf32, #tpu.memory_space<vmem>>
        %dma_wait3A_106 = arith.constant 0 : i32
        %dma_wait3A_107 = tpu.memref_slice %arg8[%sub3A_0, %add3A, %dma_wait3A_106] : memref<2x5120x128xf32, #tpu.memory_space<hbm>> -> memref<1x32x128xf32, #tpu.memory_space<hbm>>
        %dma_wait3A_108 = tpu.memref_squeeze %dma_wait3A_107 : memref<1x32x128xf32, #tpu.memory_space<hbm>> -> memref<32x128xf32, #tpu.memory_space<hbm>>
        %dma_wait3A_109 = arith.constant 0 : i32
        %dma_wait3A_110 = tpu.memref_slice %arg8[%sub3A_0, %add3A, %dma_wait3A_109] : memref<2x5120x128xf32, #tpu.memory_space<hbm>> -> memref<1x32x128xf32, #tpu.memory_space<hbm>>
        %dma_wait3A_111 = tpu.memref_squeeze %dma_wait3A_110 : memref<1x32x128xf32, #tpu.memory_space<hbm>> -> memref<32x128xf32, #tpu.memory_space<hbm>>
        %dma_wait3A_112 = arith.constant 0 : i32
        %dma_wait3A_113 = arith.constant 0 : i32
        %dma_wait3A_114 = tpu.memref_slice %arg13[%dma_wait3A_112, %dma_wait3A_113] : memref<112x128xf32, #tpu.memory_space<vmem>> -> memref<32x128xf32, #tpu.memory_space<vmem>>
        tpu.wait_dma2 semaphore(%run_scoped3A : memref<!tpu.dma_semaphore, #tpu.memory_space<semaphore_mem>>) src(%dma_wait3A_114 : memref<32x128xf32, #tpu.memory_space<vmem>>) dst(%dma_wait3A_111 : memref<32x128xf32, #tpu.memory_space<hbm>>)
        tpu.yield
      }) : () -> ()
      "tpu.region"() ({
        %run_scoped3A = tpu.sem_alloc : memref<!tpu.dma_semaphore, #tpu.memory_space<semaphore_mem>>
        %dma_start3A_91 = arith.constant 0 : i32
        %dma_start3A_92 = arith.constant 0 : i32
        %dma_start3A_93 = tpu.memref_slice %arg13[%dma_start3A_91, %dma_start3A_92] : memref<112x128xf32, #tpu.memory_space<vmem>> -> memref<32x128xf32, #tpu.memory_space<vmem>>
        %dma_start3A_94 = arith.constant 0 : i32
        %dma_start3A_95 = tpu.memref_slice %arg6[%sub3A_0, %add3A, %dma_start3A_94] : memref<2x5120x128xf32, #tpu.memory_space<hbm>> -> memref<1x32x128xf32, #tpu.memory_space<hbm>>
        %dma_start3A_96 = tpu.memref_squeeze %dma_start3A_95 : memref<1x32x128xf32, #tpu.memory_space<hbm>> -> memref<32x128xf32, #tpu.memory_space<hbm>>
        %dma_start3A_97 = arith.constant 0 : i32
        %dma_start3A_98 = arith.constant 0 : i32
        %dma_start3A_99 = tpu.memref_slice %arg13[%dma_start3A_97, %dma_start3A_98] : memref<112x128xf32, #tpu.memory_space<vmem>> -> memref<32x128xf32, #tpu.memory_space<vmem>>
        %dma_start3A_100 = arith.constant 0 : i32
        %dma_start3A_101 = tpu.memref_slice %arg6[%sub3A_0, %add3A, %dma_start3A_100] : memref<2x5120x128xf32, #tpu.memory_space<hbm>> -> memref<1x32x128xf32, #tpu.memory_space<hbm>>
        %dma_start3A_102 = tpu.memref_squeeze %dma_start3A_101 : memref<1x32x128xf32, #tpu.memory_space<hbm>> -> memref<32x128xf32, #tpu.memory_space<hbm>>
        tpu.enqueue_dma source(%dma_start3A_102 : memref<32x128xf32, #tpu.memory_space<hbm>>) target(%dma_start3A_99 : memref<32x128xf32, #tpu.memory_space<vmem>>) target_semaphore(%run_scoped3A : memref<!tpu.dma_semaphore, #tpu.memory_space<semaphore_mem>>)
        %dma_wait3A_103 = arith.constant 0 : i32
        %dma_wait3A_104 = arith.constant 0 : i32
        %dma_wait3A_105 = tpu.memref_slice %arg13[%dma_wait3A_103, %dma_wait3A_104] : memref<112x128xf32, #tpu.memory_space<vmem>> -> memref<32x128xf32, #tpu.memory_space<vmem>>
        %dma_wait3A_106 = arith.constant 0 : i32
        %dma_wait3A_107 = tpu.memref_slice %arg6[%sub3A_0, %add3A, %dma_wait3A_106] : memref<2x5120x128xf32, #tpu.memory_space<hbm>> -> memref<1x32x128xf32, #tpu.memory_space<hbm>>
        %dma_wait3A_108 = tpu.memref_squeeze %dma_wait3A_107 : memref<1x32x128xf32, #tpu.memory_space<hbm>> -> memref<32x128xf32, #tpu.memory_space<hbm>>
        %dma_wait3A_109 = arith.constant 0 : i32
        %dma_wait3A_110 = arith.constant 0 : i32
        %dma_wait3A_111 = tpu.memref_slice %arg13[%dma_wait3A_109, %dma_wait3A_110] : memref<112x128xf32, #tpu.memory_space<vmem>> -> memref<32x128xf32, #tpu.memory_space<vmem>>
        %dma_wait3A_112 = arith.constant 0 : i32
        %dma_wait3A_113 = tpu.memref_slice %arg6[%sub3A_0, %add3A, %dma_wait3A_112] : memref<2x5120x128xf32, #tpu.memory_space<hbm>> -> memref<1x32x128xf32, #tpu.memory_space<hbm>>
        %dma_wait3A_114 = tpu.memref_squeeze %dma_wait3A_113 : memref<1x32x128xf32, #tpu.memory_space<hbm>> -> memref<32x128xf32, #tpu.memory_space<hbm>>
        tpu.wait_dma2 semaphore(%run_scoped3A : memref<!tpu.dma_semaphore, #tpu.memory_space<semaphore_mem>>) src(%dma_wait3A_114 : memref<32x128xf32, #tpu.memory_space<hbm>>) dst(%dma_wait3A_111 : memref<32x128xf32, #tpu.memory_space<vmem>>)
        tpu.yield
      }) : () -> ()
      "tpu.region"() ({
        %run_scoped3A = tpu.sem_alloc : memref<!tpu.dma_semaphore, #tpu.memory_space<semaphore_mem>>
        %dma_start3A_91 = arith.constant 0 : i32
        %dma_start3A_92 = arith.constant 0 : i32
        %dma_start3A_93 = tpu.memref_slice %arg14[%dma_start3A_91, %dma_start3A_92] : memref<112x128xf32, #tpu.memory_space<vmem>> -> memref<32x128xf32, #tpu.memory_space<vmem>>
        %dma_start3A_94 = arith.constant 0 : i32
        %dma_start3A_95 = tpu.memref_slice %arg3[%sub3A_0, %add3A, %dma_start3A_94] : memref<2x5120x128xf32, #tpu.memory_space<hbm>> -> memref<1x32x128xf32, #tpu.memory_space<hbm>>
        %dma_start3A_96 = tpu.memref_squeeze %dma_start3A_95 : memref<1x32x128xf32, #tpu.memory_space<hbm>> -> memref<32x128xf32, #tpu.memory_space<hbm>>
        %dma_start3A_97 = arith.constant 0 : i32
        %dma_start3A_98 = arith.constant 0 : i32
        %dma_start3A_99 = tpu.memref_slice %arg14[%dma_start3A_97, %dma_start3A_98] : memref<112x128xf32, #tpu.memory_space<vmem>> -> memref<32x128xf32, #tpu.memory_space<vmem>>
        %dma_start3A_100 = arith.constant 0 : i32
        %dma_start3A_101 = tpu.memref_slice %arg3[%sub3A_0, %add3A, %dma_start3A_100] : memref<2x5120x128xf32, #tpu.memory_space<hbm>> -> memref<1x32x128xf32, #tpu.memory_space<hbm>>
        %dma_start3A_102 = tpu.memref_squeeze %dma_start3A_101 : memref<1x32x128xf32, #tpu.memory_space<hbm>> -> memref<32x128xf32, #tpu.memory_space<hbm>>
        tpu.enqueue_dma source(%dma_start3A_102 : memref<32x128xf32, #tpu.memory_space<hbm>>) target(%dma_start3A_99 : memref<32x128xf32, #tpu.memory_space<vmem>>) target_semaphore(%run_scoped3A : memref<!tpu.dma_semaphore, #tpu.memory_space<semaphore_mem>>)
        %dma_wait3A_103 = arith.constant 0 : i32
        %dma_wait3A_104 = arith.constant 0 : i32
        %dma_wait3A_105 = tpu.memref_slice %arg14[%dma_wait3A_103, %dma_wait3A_104] : memref<112x128xf32, #tpu.memory_space<vmem>> -> memref<32x128xf32, #tpu.memory_space<vmem>>
        %dma_wait3A_106 = arith.constant 0 : i32
        %dma_wait3A_107 = tpu.memref_slice %arg3[%sub3A_0, %add3A, %dma_wait3A_106] : memref<2x5120x128xf32, #tpu.memory_space<hbm>> -> memref<1x32x128xf32, #tpu.memory_space<hbm>>
        %dma_wait3A_108 = tpu.memref_squeeze %dma_wait3A_107 : memref<1x32x128xf32, #tpu.memory_space<hbm>> -> memref<32x128xf32, #tpu.memory_space<hbm>>
        %dma_wait3A_109 = arith.constant 0 : i32
        %dma_wait3A_110 = arith.constant 0 : i32
        %dma_wait3A_111 = tpu.memref_slice %arg14[%dma_wait3A_109, %dma_wait3A_110] : memref<112x128xf32, #tpu.memory_space<vmem>> -> memref<32x128xf32, #tpu.memory_space<vmem>>
        %dma_wait3A_112 = arith.constant 0 : i32
        %dma_wait3A_113 = tpu.memref_slice %arg3[%sub3A_0, %add3A, %dma_wait3A_112] : memref<2x5120x128xf32, #tpu.memory_space<hbm>> -> memref<1x32x128xf32, #tpu.memory_space<hbm>>
        %dma_wait3A_114 = tpu.memref_squeeze %dma_wait3A_113 : memref<1x32x128xf32, #tpu.memory_space<hbm>> -> memref<32x128xf32, #tpu.memory_space<hbm>>
        tpu.wait_dma2 semaphore(%run_scoped3A : memref<!tpu.dma_semaphore, #tpu.memory_space<semaphore_mem>>) src(%dma_wait3A_114 : memref<32x128xf32, #tpu.memory_space<hbm>>) dst(%dma_wait3A_111 : memref<32x128xf32, #tpu.memory_space<vmem>>)
        tpu.yield
      }) : () -> ()
      %scan3A_83 = arith.constant 0 : i32
      %scan3A_84 = arith.constant 0 : i32
      %scan3A_85 = arith.constant 32 : i32
      %scan3A_86 = arith.addi %scan3A_84, %scan3A_85 : i32
      %scan3A_87 = arith.constant 1 : i32
      %scan3A_88 = scf.for %scan3A_91 = %scan3A_84 to %scan3A_86 step %scan3A_87 iter_args(%scan3A_92 = %scan3A_83) -> (i32)  : i32 {
        %get3A = arith.index_cast %scan3A_91 : i32 to index
        %get3A_93 = arith.constant 0 : index
        %get3A_94 = tpu.vector_load %arg14[%get3A, %get3A_93] {strides = array<i32>} : memref<112x128xf32, #tpu.memory_space<vmem>>, vector<1x16xf32>,
        %get3A_95 = vector.shape_cast %get3A_94 : vector<1x16xf32> to vector<16xf32>
        %get3A_96 = arith.index_cast %scan3A_91 : i32 to index
        %get3A_97 = arith.constant 0 : index
        %get3A_98 = tpu.vector_load %arg12[%get3A_96, %get3A_97] {strides = array<i32>} : memref<112x128xf32, #tpu.memory_space<vmem>>, vector<1x16xf32>,
        %get3A_99 = vector.shape_cast %get3A_98 : vector<1x16xf32> to vector<16xf32>
        %get3A_100 = arith.index_cast %scan3A_91 : i32 to index
        %get3A_101 = arith.constant 0 : index
        %get3A_102 = tpu.vector_load %arg13[%get3A_100, %get3A_101] {strides = array<i32>} : memref<112x128xf32, #tpu.memory_space<vmem>>, vector<1x16xf32>,
        %get3A_103 = vector.shape_cast %get3A_102 : vector<1x16xf32> to vector<16xf32>
        %mul3A_104 = arith.mulf %get3A_99, %get3A_103 : vector<16xf32>
        %add3A_105 = arith.addf %get3A_95, %mul3A_104 : vector<16xf32>
        %swap3A = arith.index_cast %scan3A_91 : i32 to index
        %swap3A_106 = arith.constant 0 : index
        %swap3A_107 = tpu.vector_load %arg14[%swap3A, %swap3A_106] {strides = array<i32>} : memref<112x128xf32, #tpu.memory_space<vmem>>, vector<1x16xf32>,
        %swap3A_108 = vector.shape_cast %swap3A_107 : vector<1x16xf32> to vector<16xf32>
        %swap3A_109 = vector.shape_cast %add3A_105 : vector<16xf32> to vector<1x16xf32>
        tpu.vector_store %arg14[%swap3A, %swap3A_106], %swap3A_109 {strides = array<i32>} : memref<112x128xf32, #tpu.memory_space<vmem>>, vector<1x16xf32>,
        %get3A_110 = arith.index_cast %scan3A_91 : i32 to index
        %get3A_111 = arith.constant 16 : index
        %get3A_112 = tpu.vector_load %arg14[%get3A_110, %get3A_111] {strides = array<i32>} : memref<112x128xf32, #tpu.memory_space<vmem>>, vector<1x16xf32>,
        %get3A_113 = vector.shape_cast %get3A_112 : vector<1x16xf32> to vector<16xf32>
        %get3A_114 = arith.index_cast %scan3A_91 : i32 to index
        %get3A_115 = arith.constant 16 : index
        %get3A_116 = tpu.vector_load %arg12[%get3A_114, %get3A_115] {strides = array<i32>} : memref<112x128xf32, #tpu.memory_space<vmem>>, vector<1x16xf32>,
        %get3A_117 = vector.shape_cast %get3A_116 : vector<1x16xf32> to vector<16xf32>
        %get3A_118 = arith.index_cast %scan3A_91 : i32 to index
        %get3A_119 = arith.constant 16 : index
        %get3A_120 = tpu.vector_load %arg13[%get3A_118, %get3A_119] {strides = array<i32>} : memref<112x128xf32, #tpu.memory_space<vmem>>, vector<1x16xf32>,
        %get3A_121 = vector.shape_cast %get3A_120 : vector<1x16xf32> to vector<16xf32>
        %mul3A_122 = arith.mulf %get3A_117, %get3A_121 : vector<16xf32>
        %add3A_123 = arith.addf %get3A_113, %mul3A_122 : vector<16xf32>
        %swap3A_124 = arith.index_cast %scan3A_91 : i32 to index
        %swap3A_125 = arith.constant 16 : index
        %swap3A_126 = tpu.vector_load %arg14[%swap3A_124, %swap3A_125] {strides = array<i32>} : memref<112x128xf32, #tpu.memory_space<vmem>>, vector<1x16xf32>,
        %swap3A_127 = vector.shape_cast %swap3A_126 : vector<1x16xf32> to vector<16xf32>
        %swap3A_128 = vector.shape_cast %add3A_123 : vector<16xf32> to vector<1x16xf32>
        tpu.vector_store %arg14[%swap3A_124, %swap3A_125], %swap3A_128 {strides = array<i32>} : memref<112x128xf32, #tpu.memory_space<vmem>>, vector<1x16xf32>,
        %get3A_129 = arith.index_cast %scan3A_91 : i32 to index
        %get3A_130 = arith.constant 32 : index
        %get3A_131 = tpu.vector_load %arg14[%get3A_129, %get3A_130] {strides = array<i32>} : memref<112x128xf32, #tpu.memory_space<vmem>>, vector<1x16xf32>,
        %get3A_132 = vector.shape_cast %get3A_131 : vector<1x16xf32> to vector<16xf32>
        %get3A_133 = arith.index_cast %scan3A_91 : i32 to index
        %get3A_134 = arith.constant 32 : index
        %get3A_135 = tpu.vector_load %arg12[%get3A_133, %get3A_134] {strides = array<i32>} : memref<112x128xf32, #tpu.memory_space<vmem>>, vector<1x16xf32>,
        %get3A_136 = vector.shape_cast %get3A_135 : vector<1x16xf32> to vector<16xf32>
        %get3A_137 = arith.index_cast %scan3A_91 : i32 to index
        %get3A_138 = arith.constant 32 : index
        %get3A_139 = tpu.vector_load %arg13[%get3A_137, %get3A_138] {strides = array<i32>} : memref<112x128xf32, #tpu.memory_space<vmem>>, vector<1x16xf32>,
        %get3A_140 = vector.shape_cast %get3A_139 : vector<1x16xf32> to vector<16xf32>
        %mul3A_141 = arith.mulf %get3A_136, %get3A_140 : vector<16xf32>
        %add3A_142 = arith.addf %get3A_132, %mul3A_141 : vector<16xf32>
        %swap3A_143 = arith.index_cast %scan3A_91 : i32 to index
        %swap3A_144 = arith.constant 32 : index
        %swap3A_145 = tpu.vector_load %arg14[%swap3A_143, %swap3A_144] {strides = array<i32>} : memref<112x128xf32, #tpu.memory_space<vmem>>, vector<1x16xf32>,
        %swap3A_146 = vector.shape_cast %swap3A_145 : vector<1x16xf32> to vector<16xf32>
        %swap3A_147 = vector.shape_cast %add3A_142 : vector<16xf32> to vector<1x16xf32>
        tpu.vector_store %arg14[%swap3A_143, %swap3A_144], %swap3A_147 {strides = array<i32>} : memref<112x128xf32, #tpu.memory_space<vmem>>, vector<1x16xf32>,
        %get3A_148 = arith.index_cast %scan3A_91 : i32 to index
        %get3A_149 = arith.constant 48 : index
        %get3A_150 = tpu.vector_load %arg14[%get3A_148, %get3A_149] {strides = array<i32>} : memref<112x128xf32, #tpu.memory_space<vmem>>, vector<1x16xf32>,
        %get3A_151 = vector.shape_cast %get3A_150 : vector<1x16xf32> to vector<16xf32>
        %get3A_152 = arith.index_cast %scan3A_91 : i32 to index
        %get3A_153 = arith.constant 48 : index
        %get3A_154 = tpu.vector_load %arg12[%get3A_152, %get3A_153] {strides = array<i32>} : memref<112x128xf32, #tpu.memory_space<vmem>>, vector<1x16xf32>,
        %get3A_155 = vector.shape_cast %get3A_154 : vector<1x16xf32> to vector<16xf32>
        %get3A_156 = arith.index_cast %scan3A_91 : i32 to index
        %get3A_157 = arith.constant 48 : index
        %get3A_158 = tpu.vector_load %arg13[%get3A_156, %get3A_157] {strides = array<i32>} : memref<112x128xf32, #tpu.memory_space<vmem>>, vector<1x16xf32>,
        %get3A_159 = vector.shape_cast %get3A_158 : vector<1x16xf32> to vector<16xf32>
        %mul3A_160 = arith.mulf %get3A_155, %get3A_159 : vector<16xf32>
        %add3A_161 = arith.addf %get3A_151, %mul3A_160 : vector<16xf32>
        %swap3A_162 = arith.index_cast %scan3A_91 : i32 to index
        %swap3A_163 = arith.constant 48 : index
        %swap3A_164 = tpu.vector_load %arg14[%swap3A_162, %swap3A_163] {strides = array<i32>} : memref<112x128xf32, #tpu.memory_space<vmem>>, vector<1x16xf32>,
        %swap3A_165 = vector.shape_cast %swap3A_164 : vector<1x16xf32> to vector<16xf32>
        %swap3A_166 = vector.shape_cast %add3A_161 : vector<16xf32> to vector<1x16xf32>
        tpu.vector_store %arg14[%swap3A_162, %swap3A_163], %swap3A_166 {strides = array<i32>} : memref<112x128xf32, #tpu.memory_space<vmem>>, vector<1x16xf32>,
        %get3A_167 = arith.index_cast %scan3A_91 : i32 to index
        %get3A_168 = arith.constant 64 : index
        %get3A_169 = tpu.vector_load %arg14[%get3A_167, %get3A_168] {strides = array<i32>} : memref<112x128xf32, #tpu.memory_space<vmem>>, vector<1x16xf32>,
        %get3A_170 = vector.shape_cast %get3A_169 : vector<1x16xf32> to vector<16xf32>
        %get3A_171 = arith.index_cast %scan3A_91 : i32 to index
        %get3A_172 = arith.constant 64 : index
        %get3A_173 = tpu.vector_load %arg12[%get3A_171, %get3A_172] {strides = array<i32>} : memref<112x128xf32, #tpu.memory_space<vmem>>, vector<1x16xf32>,
        %get3A_174 = vector.shape_cast %get3A_173 : vector<1x16xf32> to vector<16xf32>
        %get3A_175 = arith.index_cast %scan3A_91 : i32 to index
        %get3A_176 = arith.constant 64 : index
        %get3A_177 = tpu.vector_load %arg13[%get3A_175, %get3A_176] {strides = array<i32>} : memref<112x128xf32, #tpu.memory_space<vmem>>, vector<1x16xf32>,
        %get3A_178 = vector.shape_cast %get3A_177 : vector<1x16xf32> to vector<16xf32>
        %mul3A_179 = arith.mulf %get3A_174, %get3A_178 : vector<16xf32>
        %add3A_180 = arith.addf %get3A_170, %mul3A_179 : vector<16xf32>
        %swap3A_181 = arith.index_cast %scan3A_91 : i32 to index
        %swap3A_182 = arith.constant 64 : index
        %swap3A_183 = tpu.vector_load %arg14[%swap3A_181, %swap3A_182] {strides = array<i32>} : memref<112x128xf32, #tpu.memory_space<vmem>>, vector<1x16xf32>,
        %swap3A_184 = vector.shape_cast %swap3A_183 : vector<1x16xf32> to vector<16xf32>
        %swap3A_185 = vector.shape_cast %add3A_180 : vector<16xf32> to vector<1x16xf32>
        tpu.vector_store %arg14[%swap3A_181, %swap3A_182], %swap3A_185 {strides = array<i32>} : memref<112x128xf32, #tpu.memory_space<vmem>>, vector<1x16xf32>,
        %get3A_186 = arith.index_cast %scan3A_91 : i32 to index
        %get3A_187 = arith.constant 80 : index
        %get3A_188 = tpu.vector_load %arg14[%get3A_186, %get3A_187] {strides = array<i32>} : memref<112x128xf32, #tpu.memory_space<vmem>>, vector<1x16xf32>,
        %get3A_189 = vector.shape_cast %get3A_188 : vector<1x16xf32> to vector<16xf32>
        %get3A_190 = arith.index_cast %scan3A_91 : i32 to index
        %get3A_191 = arith.constant 80 : index
        %get3A_192 = tpu.vector_load %arg12[%get3A_190, %get3A_191] {strides = array<i32>} : memref<112x128xf32, #tpu.memory_space<vmem>>, vector<1x16xf32>,
        %get3A_193 = vector.shape_cast %get3A_192 : vector<1x16xf32> to vector<16xf32>
        %get3A_194 = arith.index_cast %scan3A_91 : i32 to index
        %get3A_195 = arith.constant 80 : index
        %get3A_196 = tpu.vector_load %arg13[%get3A_194, %get3A_195] {strides = array<i32>} : memref<112x128xf32, #tpu.memory_space<vmem>>, vector<1x16xf32>,
        %get3A_197 = vector.shape_cast %get3A_196 : vector<1x16xf32> to vector<16xf32>
        %mul3A_198 = arith.mulf %get3A_193, %get3A_197 : vector<16xf32>
        %add3A_199 = arith.addf %get3A_189, %mul3A_198 : vector<16xf32>
        %swap3A_200 = arith.index_cast %scan3A_91 : i32 to index
        %swap3A_201 = arith.constant 80 : index
        %swap3A_202 = tpu.vector_load %arg14[%swap3A_200, %swap3A_201] {strides = array<i32>} : memref<112x128xf32, #tpu.memory_space<vmem>>, vector<1x16xf32>,
        %swap3A_203 = vector.shape_cast %swap3A_202 : vector<1x16xf32> to vector<16xf32>
        %swap3A_204 = vector.shape_cast %add3A_199 : vector<16xf32> to vector<1x16xf32>
        tpu.vector_store %arg14[%swap3A_200, %swap3A_201], %swap3A_204 {strides = array<i32>} : memref<112x128xf32, #tpu.memory_space<vmem>>, vector<1x16xf32>,
        %get3A_205 = arith.index_cast %scan3A_91 : i32 to index
        %get3A_206 = arith.constant 96 : index
        %get3A_207 = tpu.vector_load %arg14[%get3A_205, %get3A_206] {strides = array<i32>} : memref<112x128xf32, #tpu.memory_space<vmem>>, vector<1x16xf32>,
        %get3A_208 = vector.shape_cast %get3A_207 : vector<1x16xf32> to vector<16xf32>
        %get3A_209 = arith.index_cast %scan3A_91 : i32 to index
        %get3A_210 = arith.constant 96 : index
        %get3A_211 = tpu.vector_load %arg12[%get3A_209, %get3A_210] {strides = array<i32>} : memref<112x128xf32, #tpu.memory_space<vmem>>, vector<1x16xf32>,
        %get3A_212 = vector.shape_cast %get3A_211 : vector<1x16xf32> to vector<16xf32>
        %get3A_213 = arith.index_cast %scan3A_91 : i32 to index
        %get3A_214 = arith.constant 96 : index
        %get3A_215 = tpu.vector_load %arg13[%get3A_213, %get3A_214] {strides = array<i32>} : memref<112x128xf32, #tpu.memory_space<vmem>>, vector<1x16xf32>,
        %get3A_216 = vector.shape_cast %get3A_215 : vector<1x16xf32> to vector<16xf32>
        %mul3A_217 = arith.mulf %get3A_212, %get3A_216 : vector<16xf32>
        %add3A_218 = arith.addf %get3A_208, %mul3A_217 : vector<16xf32>
        %swap3A_219 = arith.index_cast %scan3A_91 : i32 to index
        %swap3A_220 = arith.constant 96 : index
        %swap3A_221 = tpu.vector_load %arg14[%swap3A_219, %swap3A_220] {strides = array<i32>} : memref<112x128xf32, #tpu.memory_space<vmem>>, vector<1x16xf32>,
        %swap3A_222 = vector.shape_cast %swap3A_221 : vector<1x16xf32> to vector<16xf32>
        %swap3A_223 = vector.shape_cast %add3A_218 : vector<16xf32> to vector<1x16xf32>
        tpu.vector_store %arg14[%swap3A_219, %swap3A_220], %swap3A_223 {strides = array<i32>} : memref<112x128xf32, #tpu.memory_space<vmem>>, vector<1x16xf32>,
        %get3A_224 = arith.index_cast %scan3A_91 : i32 to index
        %get3A_225 = arith.constant 112 : index
        %get3A_226 = tpu.vector_load %arg14[%get3A_224, %get3A_225] {strides = array<i32>} : memref<112x128xf32, #tpu.memory_space<vmem>>, vector<1x16xf32>,
        %get3A_227 = vector.shape_cast %get3A_226 : vector<1x16xf32> to vector<16xf32>
        %get3A_228 = arith.index_cast %scan3A_91 : i32 to index
        %get3A_229 = arith.constant 112 : index
        %get3A_230 = tpu.vector_load %arg12[%get3A_228, %get3A_229] {strides = array<i32>} : memref<112x128xf32, #tpu.memory_space<vmem>>, vector<1x16xf32>,
        %get3A_231 = vector.shape_cast %get3A_230 : vector<1x16xf32> to vector<16xf32>
        %get3A_232 = arith.index_cast %scan3A_91 : i32 to index
        %get3A_233 = arith.constant 112 : index
        %get3A_234 = tpu.vector_load %arg13[%get3A_232, %get3A_233] {strides = array<i32>} : memref<112x128xf32, #tpu.memory_space<vmem>>, vector<1x16xf32>,
        %get3A_235 = vector.shape_cast %get3A_234 : vector<1x16xf32> to vector<16xf32>
        %mul3A_236 = arith.mulf %get3A_231, %get3A_235 : vector<16xf32>
        %add3A_237 = arith.addf %get3A_227, %mul3A_236 : vector<16xf32>
        %swap3A_238 = arith.index_cast %scan3A_91 : i32 to index
        %swap3A_239 = arith.constant 112 : index
        %swap3A_240 = tpu.vector_load %arg14[%swap3A_238, %swap3A_239] {strides = array<i32>} : memref<112x128xf32, #tpu.memory_space<vmem>>, vector<1x16xf32>,
        %swap3A_241 = vector.shape_cast %swap3A_240 : vector<1x16xf32> to vector<16xf32>
        %swap3A_242 = vector.shape_cast %add3A_237 : vector<16xf32> to vector<1x16xf32>
        tpu.vector_store %arg14[%swap3A_238, %swap3A_239], %swap3A_242 {strides = array<i32>} : memref<112x128xf32, #tpu.memory_space<vmem>>, vector<1x16xf32>,
        %scan3A_243 = arith.constant 0 : i32
        scf.yield %scan3A_243 : i32
      }
      %scan3A_89 = arith.constant 32 : i32
      "tpu.region"() ({
        %run_scoped3A = tpu.sem_alloc : memref<!tpu.dma_semaphore, #tpu.memory_space<semaphore_mem>>
        %dma_start3A_91 = arith.constant 0 : i32
        %dma_start3A_92 = arith.constant 0 : i32
        %dma_start3A_93 = tpu.memref_slice %arg14[%dma_start3A_91, %dma_start3A_92] : memref<112x128xf32, #tpu.memory_space<vmem>> -> memref<32x128xf32, #tpu.memory_space<vmem>>
        %dma_start3A_94 = arith.constant 0 : i32
        %dma_start3A_95 = tpu.memref_slice %arg9[%sub3A_0, %add3A, %dma_start3A_94] : memref<2x5120x128xf32, #tpu.memory_space<hbm>> -> memref<1x32x128xf32, #tpu.memory_space<hbm>>
        %dma_start3A_96 = tpu.memref_squeeze %dma_start3A_95 : memref<1x32x128xf32, #tpu.memory_space<hbm>> -> memref<32x128xf32, #tpu.memory_space<hbm>>
        %dma_start3A_97 = arith.constant 0 : i32
        %dma_start3A_98 = tpu.memref_slice %arg9[%sub3A_0, %add3A, %dma_start3A_97] : memref<2x5120x128xf32, #tpu.memory_space<hbm>> -> memref<1x32x128xf32, #tpu.memory_space<hbm>>
        %dma_start3A_99 = tpu.memref_squeeze %dma_start3A_98 : memref<1x32x128xf32, #tpu.memory_space<hbm>> -> memref<32x128xf32, #tpu.memory_space<hbm>>
        %dma_start3A_100 = arith.constant 0 : i32
        %dma_start3A_101 = arith.constant 0 : i32
        %dma_start3A_102 = tpu.memref_slice %arg14[%dma_start3A_100, %dma_start3A_101] : memref<112x128xf32, #tpu.memory_space<vmem>> -> memref<32x128xf32, #tpu.memory_space<vmem>>
        tpu.enqueue_dma source(%dma_start3A_102 : memref<32x128xf32, #tpu.memory_space<vmem>>) target(%dma_start3A_99 : memref<32x128xf32, #tpu.memory_space<hbm>>) target_semaphore(%run_scoped3A : memref<!tpu.dma_semaphore, #tpu.memory_space<semaphore_mem>>)
        %dma_wait3A_103 = arith.constant 0 : i32
        %dma_wait3A_104 = arith.constant 0 : i32
        %dma_wait3A_105 = tpu.memref_slice %arg14[%dma_wait3A_103, %dma_wait3A_104] : memref<112x128xf32, #tpu.memory_space<vmem>> -> memref<32x128xf32, #tpu.memory_space<vmem>>
        %dma_wait3A_106 = arith.constant 0 : i32
        %dma_wait3A_107 = tpu.memref_slice %arg9[%sub3A_0, %add3A, %dma_wait3A_106] : memref<2x5120x128xf32, #tpu.memory_space<hbm>> -> memref<1x32x128xf32, #tpu.memory_space<hbm>>
        %dma_wait3A_108 = tpu.memref_squeeze %dma_wait3A_107 : memref<1x32x128xf32, #tpu.memory_space<hbm>> -> memref<32x128xf32, #tpu.memory_space<hbm>>
        %dma_wait3A_109 = arith.constant 0 : i32
        %dma_wait3A_110 = tpu.memref_slice %arg9[%sub3A_0, %add3A, %dma_wait3A_109] : memref<2x5120x128xf32, #tpu.memory_space<hbm>> -> memref<1x32x128xf32, #tpu.memory_space<hbm>>
        %dma_wait3A_111 = tpu.memref_squeeze %dma_wait3A_110 : memref<1x32x128xf32, #tpu.memory_space<hbm>> -> memref<32x128xf32, #tpu.memory_space<hbm>>
        %dma_wait3A_112 = arith.constant 0 : i32
        %dma_wait3A_113 = arith.constant 0 : i32
        %dma_wait3A_114 = tpu.memref_slice %arg14[%dma_wait3A_112, %dma_wait3A_113] : memref<112x128xf32, #tpu.memory_space<vmem>> -> memref<32x128xf32, #tpu.memory_space<vmem>>
        tpu.wait_dma2 semaphore(%run_scoped3A : memref<!tpu.dma_semaphore, #tpu.memory_space<semaphore_mem>>) src(%dma_wait3A_114 : memref<32x128xf32, #tpu.memory_space<vmem>>) dst(%dma_wait3A_111 : memref<32x128xf32, #tpu.memory_space<hbm>>)
        tpu.yield
      }) : () -> ()
      %scan3A_90 = arith.constant 0 : i32
      scf.yield %scan3A_90 : i32
    }
    %scan3A_70 = arith.constant 10 : i32
    return
  }
}

#map = affine_map<(d0, d1) -> (0, 0, 0, 0)>
#map1 = affine_map<(d0, d1) -> (0)>
module attributes {stable_mosaic.version = 14 : i64} {
  func.func @_degree_kernel(%arg0: i32, %arg1: i32, %arg2: memref<2x16x180x112xi32, #tpu.memory_space<hbm>>, %arg3: memref<10240xf32, #tpu.memory_space<hbm>>, %arg4: memref<180x112xi32, #tpu.memory_space<vmem>>, %arg5: memref<112xf32, #tpu.memory_space<vmem>>, %arg6: memref<320xf32, #tpu.memory_space<vmem>>, %arg7: memref<5120xf32, #tpu.memory_space<vmem_shared>>) attributes {dimension_semantics = [#tpu.dimension_semantics<core_parallel>, #tpu.dimension_semantics<subcore_parallel>], iteration_bounds = array<i64: 2, 16>, scalar_prefetch = 0 : i64, scratch_operands = 4 : i64, tpu.core_type = #tpu.core_type<sc_vector_subcore>, window_params = [{transform_indices = #map}, {transform_indices = #map1}]} {
    %scan3A = arith.constant 0 : i32
    %scan3A_0 = arith.constant 0 : i32
    %scan3A_1 = arith.constant 7 : i32
    %scan3A_2 = arith.addi %scan3A_0, %scan3A_1 : i32
    %scan3A_3 = arith.constant 1 : i32
    %scan3A_4 = scf.for %scan3A_28 = %scan3A_0 to %scan3A_2 step %scan3A_3 iter_args(%scan3A_29 = %scan3A) -> (i32)  : i32 {
      %broadcast_in_dim3A = arith.constant 1.000000e+00 : f32
      %broadcast_in_dim3A_30 = vector.broadcast %broadcast_in_dim3A : f32 to vector<16xf32>
      %mul3A_31 = arith.constant 16 : i32
      %mul3A_32 = arith.muli %scan3A_28, %mul3A_31 : i32
      %swap3A = arith.index_cast %mul3A_32 : i32 to index
      %swap3A_33 = tpu.vector_load %arg5[%swap3A] {strides = array<i32>} : memref<112xf32, #tpu.memory_space<vmem>>, vector<16xf32>,
      %swap3A_34 = vector.shape_cast %swap3A_33 : vector<16xf32> to vector<16xf32>
      %swap3A_35 = vector.shape_cast %broadcast_in_dim3A_30 : vector<16xf32> to vector<16xf32>
      tpu.vector_store %arg5[%swap3A], %swap3A_35 {strides = array<i32>} : memref<112xf32, #tpu.memory_space<vmem>>, vector<16xf32>,
      %scan3A_36 = arith.constant 0 : i32
      scf.yield %scan3A_36 : i32
    }
    %scan3A_5 = arith.constant 7 : i32
    %scan3A_6 = arith.constant 0 : i32
    %scan3A_7 = arith.constant 0 : i32
    %scan3A_8 = arith.constant 20 : i32
    %scan3A_9 = arith.addi %scan3A_7, %scan3A_8 : i32
    %scan3A_10 = arith.constant 1 : i32
    %scan3A_11 = scf.for %scan3A_28 = %scan3A_7 to %scan3A_9 step %scan3A_10 iter_args(%scan3A_29 = %scan3A_6) -> (i32)  : i32 {
      %broadcast_in_dim3A = arith.constant 0.000000e+00 : f32
      %broadcast_in_dim3A_30 = vector.broadcast %broadcast_in_dim3A : f32 to vector<16xf32>
      %mul3A_31 = arith.constant 16 : i32
      %mul3A_32 = arith.muli %scan3A_28, %mul3A_31 : i32
      %swap3A = arith.index_cast %mul3A_32 : i32 to index
      %swap3A_33 = tpu.vector_load %arg6[%swap3A] {strides = array<i32>} : memref<320xf32, #tpu.memory_space<vmem>>, vector<16xf32>,
      %swap3A_34 = vector.shape_cast %swap3A_33 : vector<16xf32> to vector<16xf32>
      %swap3A_35 = vector.shape_cast %broadcast_in_dim3A_30 : vector<16xf32> to vector<16xf32>
      tpu.vector_store %arg6[%swap3A], %swap3A_35 {strides = array<i32>} : memref<320xf32, #tpu.memory_space<vmem>>, vector<16xf32>,
      %scan3A_36 = arith.constant 0 : i32
      scf.yield %scan3A_36 : i32
    }
    %scan3A_12 = arith.constant 20 : i32
    %mul3A = arith.constant 320 : i32
    %mul3A_13 = arith.muli %arg1, %mul3A : i32
    "tpu.region"() ({
      %run_scoped3A = tpu.sem_alloc : memref<!tpu.dma_semaphore, #tpu.memory_space<semaphore_mem>>
      %dma_start3A = tpu.memref_slice %arg7[%mul3A_13] : memref<5120xf32, #tpu.memory_space<vmem_shared>> -> memref<320xf32, #tpu.memory_space<vmem_shared>>
      %dma_start3A_28 = tpu.memref_slice %arg7[%mul3A_13] : memref<5120xf32, #tpu.memory_space<vmem_shared>> -> memref<320xf32, #tpu.memory_space<vmem_shared>>
      tpu.enqueue_dma source(%arg6 : memref<320xf32, #tpu.memory_space<vmem>>) target(%dma_start3A_28 : memref<320xf32, #tpu.memory_space<vmem_shared>>) target_semaphore(%run_scoped3A : memref<!tpu.dma_semaphore, #tpu.memory_space<semaphore_mem>>)
      %dma_wait3A = tpu.memref_slice %arg7[%mul3A_13] : memref<5120xf32, #tpu.memory_space<vmem_shared>> -> memref<320xf32, #tpu.memory_space<vmem_shared>>
      %dma_wait3A_29 = tpu.memref_slice %arg7[%mul3A_13] : memref<5120xf32, #tpu.memory_space<vmem_shared>> -> memref<320xf32, #tpu.memory_space<vmem_shared>>
      tpu.wait_dma2 semaphore(%run_scoped3A : memref<!tpu.dma_semaphore, #tpu.memory_space<semaphore_mem>>) src(%arg6 : memref<320xf32, #tpu.memory_space<vmem>>) dst(%dma_wait3A_29 : memref<320xf32, #tpu.memory_space<vmem_shared>>)
      tpu.yield
    }) : () -> ()
    "tpu.region"() ({
      %run_scoped3A = tpu.sem_alloc : memref<!tpu.dma_semaphore, #tpu.memory_space<semaphore_mem>>
      %dma_start3A = arith.constant 0 : i32
      %dma_start3A_28 = arith.constant 0 : i32
      %dma_start3A_29 = tpu.memref_slice %arg2[%arg0, %arg1, %dma_start3A, %dma_start3A_28] : memref<2x16x180x112xi32, #tpu.memory_space<hbm>> -> memref<1x1x180x112xi32, #tpu.memory_space<hbm>>
      %dma_start3A_30 = tpu.memref_squeeze %dma_start3A_29 : memref<1x1x180x112xi32, #tpu.memory_space<hbm>> -> memref<180x112xi32, #tpu.memory_space<hbm>>
      %dma_start3A_31 = arith.constant 0 : i32
      %dma_start3A_32 = arith.constant 0 : i32
      %dma_start3A_33 = tpu.memref_slice %arg2[%arg0, %arg1, %dma_start3A_31, %dma_start3A_32] : memref<2x16x180x112xi32, #tpu.memory_space<hbm>> -> memref<1x1x180x112xi32, #tpu.memory_space<hbm>>
      %dma_start3A_34 = tpu.memref_squeeze %dma_start3A_33 : memref<1x1x180x112xi32, #tpu.memory_space<hbm>> -> memref<180x112xi32, #tpu.memory_space<hbm>>
      tpu.enqueue_dma source(%dma_start3A_34 : memref<180x112xi32, #tpu.memory_space<hbm>>) target(%arg4 : memref<180x112xi32, #tpu.memory_space<vmem>>) target_semaphore(%run_scoped3A : memref<!tpu.dma_semaphore, #tpu.memory_space<semaphore_mem>>)
      %dma_wait3A = arith.constant 0 : i32
      %dma_wait3A_35 = arith.constant 0 : i32
      %dma_wait3A_36 = tpu.memref_slice %arg2[%arg0, %arg1, %dma_wait3A, %dma_wait3A_35] : memref<2x16x180x112xi32, #tpu.memory_space<hbm>> -> memref<1x1x180x112xi32, #tpu.memory_space<hbm>>
      %dma_wait3A_37 = tpu.memref_squeeze %dma_wait3A_36 : memref<1x1x180x112xi32, #tpu.memory_space<hbm>> -> memref<180x112xi32, #tpu.memory_space<hbm>>
      %dma_wait3A_38 = arith.constant 0 : i32
      %dma_wait3A_39 = arith.constant 0 : i32
      %dma_wait3A_40 = tpu.memref_slice %arg2[%arg0, %arg1, %dma_wait3A_38, %dma_wait3A_39] : memref<2x16x180x112xi32, #tpu.memory_space<hbm>> -> memref<1x1x180x112xi32, #tpu.memory_space<hbm>>
      %dma_wait3A_41 = tpu.memref_squeeze %dma_wait3A_40 : memref<1x1x180x112xi32, #tpu.memory_space<hbm>> -> memref<180x112xi32, #tpu.memory_space<hbm>>
      tpu.wait_dma2 semaphore(%run_scoped3A : memref<!tpu.dma_semaphore, #tpu.memory_space<semaphore_mem>>) src(%dma_wait3A_41 : memref<180x112xi32, #tpu.memory_space<hbm>>) dst(%arg4 : memref<180x112xi32, #tpu.memory_space<vmem>>)
      tpu.yield
    }) : () -> ()
    %barrier3A = arith.constant 0 : index
    tpu.barrier barrier_id(%barrier3A)
    %scan3A_14 = arith.constant 0 : i32
    %scan3A_15 = arith.constant 0 : i32
    %scan3A_16 = arith.constant 180 : i32
    %scan3A_17 = arith.addi %scan3A_15, %scan3A_16 : i32
    %scan3A_18 = arith.constant 1 : i32
    %scan3A_19 = scf.for %scan3A_28 = %scan3A_15 to %scan3A_17 step %scan3A_18 iter_args(%scan3A_29 = %scan3A_14) -> (i32)  : i32 {
      "tpu.region"() ({
        %run_scoped3A = tpu.sem_alloc : memref<!tpu.dma_semaphore, #tpu.memory_space<semaphore_mem>>
        %dma_start3A = arith.constant 0 : i32
        %dma_start3A_31 = tpu.memref_slice %arg4[%scan3A_28, %dma_start3A] : memref<180x112xi32, #tpu.memory_space<vmem>> -> memref<1x112xi32, #tpu.memory_space<vmem>>
        %dma_start3A_32 = tpu.memref_squeeze %dma_start3A_31 : memref<1x112xi32, #tpu.memory_space<vmem>> -> memref<112xi32, #tpu.memory_space<vmem>>
        %dma_start3A_33 = arith.constant 0 : i32
        %dma_start3A_34 = tpu.memref_slice %arg7[%dma_start3A_33] : memref<5120xf32, #tpu.memory_space<vmem_shared>> -> memref<5120xf32, #tpu.memory_space<vmem_shared>>
        tpu.enqueue_indirect_dma source(%arg5 : memref<112xf32, #tpu.memory_space<vmem>>) target(%dma_start3A_34 : memref<5120xf32, #tpu.memory_space<vmem_shared>>) offsets(%dma_start3A_32 : memref<112xi32, #tpu.memory_space<vmem>>) semaphore(%run_scoped3A : memref<!tpu.dma_semaphore, #tpu.memory_space<semaphore_mem>>) {add = true}
        %dma_wait3A = arith.constant 0 : i32
        %dma_wait3A_35 = tpu.memref_slice %arg4[%scan3A_28, %dma_wait3A] : memref<180x112xi32, #tpu.memory_space<vmem>> -> memref<1x112xi32, #tpu.memory_space<vmem>>
        %dma_wait3A_36 = tpu.memref_squeeze %dma_wait3A_35 : memref<1x112xi32, #tpu.memory_space<vmem>> -> memref<112xi32, #tpu.memory_space<vmem>>
        %dma_wait3A_37 = arith.constant 0 : i32
        %dma_wait3A_38 = tpu.memref_slice %arg7[%dma_wait3A_37] : memref<5120xf32, #tpu.memory_space<vmem_shared>> -> memref<5120xf32, #tpu.memory_space<vmem_shared>>
        tpu.wait_indirect_dma semaphore(%run_scoped3A : memref<!tpu.dma_semaphore, #tpu.memory_space<semaphore_mem>>) src(%arg5 : memref<112xf32, #tpu.memory_space<vmem>>) dst(%dma_wait3A_38 : memref<5120xf32, #tpu.memory_space<vmem_shared>>)
        tpu.yield
      }) : () -> ()
      %scan3A_30 = arith.constant 0 : i32
      scf.yield %scan3A_30 : i32
    }
    %scan3A_20 = arith.constant 180 : i32
    %barrier3A_21 = arith.constant 0 : index
    tpu.barrier barrier_id(%barrier3A_21)
    %mul3A_22 = arith.constant 320 : i32
    %mul3A_23 = arith.muli %arg1, %mul3A_22 : i32
    "tpu.region"() ({
      %run_scoped3A = tpu.sem_alloc : memref<!tpu.dma_semaphore, #tpu.memory_space<semaphore_mem>>
      %dma_start3A = tpu.memref_slice %arg7[%mul3A_23] : memref<5120xf32, #tpu.memory_space<vmem_shared>> -> memref<320xf32, #tpu.memory_space<vmem_shared>>
      %dma_start3A_28 = tpu.memref_slice %arg7[%mul3A_23] : memref<5120xf32, #tpu.memory_space<vmem_shared>> -> memref<320xf32, #tpu.memory_space<vmem_shared>>
      tpu.enqueue_dma source(%dma_start3A_28 : memref<320xf32, #tpu.memory_space<vmem_shared>>) target(%arg6 : memref<320xf32, #tpu.memory_space<vmem>>) target_semaphore(%run_scoped3A : memref<!tpu.dma_semaphore, #tpu.memory_space<semaphore_mem>>)
      %dma_wait3A = tpu.memref_slice %arg7[%mul3A_23] : memref<5120xf32, #tpu.memory_space<vmem_shared>> -> memref<320xf32, #tpu.memory_space<vmem_shared>>
      %dma_wait3A_29 = tpu.memref_slice %arg7[%mul3A_23] : memref<5120xf32, #tpu.memory_space<vmem_shared>> -> memref<320xf32, #tpu.memory_space<vmem_shared>>
      tpu.wait_dma2 semaphore(%run_scoped3A : memref<!tpu.dma_semaphore, #tpu.memory_space<semaphore_mem>>) src(%dma_wait3A_29 : memref<320xf32, #tpu.memory_space<vmem_shared>>) dst(%arg6 : memref<320xf32, #tpu.memory_space<vmem>>)
      tpu.yield
    }) : () -> ()
    %mul3A_24 = arith.constant 5120 : i32
    %mul3A_25 = arith.muli %arg0, %mul3A_24 : i32
    %mul3A_26 = arith.constant 320 : i32
    %mul3A_27 = arith.muli %arg1, %mul3A_26 : i32
    %add3A = arith.addi %mul3A_25, %mul3A_27 : i32
    "tpu.region"() ({
      %run_scoped3A = tpu.sem_alloc : memref<!tpu.dma_semaphore, #tpu.memory_space<semaphore_mem>>
      %dma_start3A = tpu.memref_slice %arg3[%add3A] : memref<10240xf32, #tpu.memory_space<hbm>> -> memref<320xf32, #tpu.memory_space<hbm>>
      %dma_start3A_28 = tpu.memref_slice %arg3[%add3A] : memref<10240xf32, #tpu.memory_space<hbm>> -> memref<320xf32, #tpu.memory_space<hbm>>
      tpu.enqueue_dma source(%arg6 : memref<320xf32, #tpu.memory_space<vmem>>) target(%dma_start3A_28 : memref<320xf32, #tpu.memory_space<hbm>>) target_semaphore(%run_scoped3A : memref<!tpu.dma_semaphore, #tpu.memory_space<semaphore_mem>>)
      %dma_wait3A = tpu.memref_slice %arg3[%add3A] : memref<10240xf32, #tpu.memory_space<hbm>> -> memref<320xf32, #tpu.memory_space<hbm>>
      %dma_wait3A_29 = tpu.memref_slice %arg3[%add3A] : memref<10240xf32, #tpu.memory_space<hbm>> -> memref<320xf32, #tpu.memory_space<hbm>>
      tpu.wait_dma2 semaphore(%run_scoped3A : memref<!tpu.dma_semaphore, #tpu.memory_space<semaphore_mem>>) src(%arg6 : memref<320xf32, #tpu.memory_space<vmem>>) dst(%dma_wait3A_29 : memref<320xf32, #tpu.memory_space<hbm>>)
      tpu.yield
    }) : () -> ()
    return
  }
}

#map = affine_map<(d0, d1) -> (0, 0, 0)>
#map1 = affine_map<(d0, d1) -> (0, 0, 0, 0)>
#map2 = affine_map<(d0, d1) -> (0, 0)>
module attributes {stable_mosaic.version = 14 : i64} {
  func.func @_layer_kernel(%arg0: i32, %arg1: i32, %arg2: memref<2x5120x128xf32, #tpu.memory_space<hbm>>, %arg3: memref<2x5120x128xf32, #tpu.memory_space<hbm>>, %arg4: memref<2x16x180x112xi32, #tpu.memory_space<hbm>>, %arg5: memref<2x5120x128xf32, #tpu.memory_space<hbm>>, %arg6: memref<2x5120x128xf32, #tpu.memory_space<hbm>>, %arg7: memref<5120x128xf32, #tpu.memory_space<hbm>>, %arg8: memref<2x5120x128xf32, #tpu.memory_space<hbm>>, %arg9: memref<2x5120x128xf32, #tpu.memory_space<hbm>>, %arg10: memref<180x112xi32, #tpu.memory_space<vmem>>, %arg11: memref<180x112xi32, #tpu.memory_space<vmem>>, %arg12: memref<112x128xf32, #tpu.memory_space<vmem>>, %arg13: memref<112x128xf32, #tpu.memory_space<vmem>>, %arg14: memref<112x128xf32, #tpu.memory_space<vmem>>, %arg15: memref<5120x128xf32, #tpu.memory_space<vmem_shared>>, %arg16: memref<!tpu.dma_semaphore, #tpu.memory_space<semaphore_mem>>, %arg17: memref<!tpu.dma_semaphore, #tpu.memory_space<semaphore_mem>>, %arg18: memref<!tpu.dma_semaphore, #tpu.memory_space<semaphore_mem>>, %arg19: memref<!tpu.dma_semaphore, #tpu.memory_space<semaphore_mem>>, %arg20: memref<!tpu.dma_semaphore, #tpu.memory_space<semaphore_mem>>, %arg21: memref<!tpu.dma_semaphore, #tpu.memory_space<semaphore_mem>>) attributes {dimension_semantics = [#tpu.dimension_semantics<core_parallel>, #tpu.dimension_semantics<subcore_parallel>], iteration_bounds = array<i64: 2, 16>, scalar_prefetch = 0 : i64, scratch_operands = 12 : i64, tpu.core_type = #tpu.core_type<sc_vector_subcore>, window_params = [{transform_indices = #map}, {transform_indices = #map}, {transform_indices = #map1}, {transform_indices = #map}, {transform_indices = #map}, {transform_indices = #map2}, {transform_indices = #map}, {transform_indices = #map}]} {
    %sub3A = arith.constant 1 : i32
    %sub3A_0 = arith.subi %sub3A, %arg0 : i32
    "tpu.region"() ({
      %run_scoped3A = tpu.sem_alloc : memref<!tpu.dma_semaphore, #tpu.memory_space<semaphore_mem>>
      %dma_start3A_71 = arith.constant 0 : i32
      %dma_start3A_72 = arith.constant 0 : i32
      %dma_start3A_73 = tpu.memref_slice %arg12[%dma_start3A_71, %dma_start3A_72] : memref<112x128xf32, #tpu.memory_space<vmem>> -> memref<32x128xf32, #tpu.memory_space<vmem>>
      %dma_start3A_74 = arith.constant 0 : i32
      %dma_start3A_75 = arith.constant 0 : i32
      %dma_start3A_76 = tpu.memref_slice %arg7[%dma_start3A_74, %dma_start3A_75] : memref<5120x128xf32, #tpu.memory_space<hbm>> -> memref<32x128xf32, #tpu.memory_space<hbm>>
      %dma_start3A_77 = arith.constant 0 : i32
      %dma_start3A_78 = arith.constant 0 : i32
      %dma_start3A_79 = tpu.memref_slice %arg12[%dma_start3A_77, %dma_start3A_78] : memref<112x128xf32, #tpu.memory_space<vmem>> -> memref<32x128xf32, #tpu.memory_space<vmem>>
      %dma_start3A_80 = arith.constant 0 : i32
      %dma_start3A_81 = arith.constant 0 : i32
      %dma_start3A_82 = tpu.memref_slice %arg7[%dma_start3A_80, %dma_start3A_81] : memref<5120x128xf32, #tpu.memory_space<hbm>> -> memref<32x128xf32, #tpu.memory_space<hbm>>
      tpu.enqueue_dma source(%dma_start3A_82 : memref<32x128xf32, #tpu.memory_space<hbm>>) target(%dma_start3A_79 : memref<32x128xf32, #tpu.memory_space<vmem>>) target_semaphore(%run_scoped3A : memref<!tpu.dma_semaphore, #tpu.memory_space<semaphore_mem>>)
      %dma_wait3A_83 = arith.constant 0 : i32
      %dma_wait3A_84 = arith.constant 0 : i32
      %dma_wait3A_85 = tpu.memref_slice %arg12[%dma_wait3A_83, %dma_wait3A_84] : memref<112x128xf32, #tpu.memory_space<vmem>> -> memref<32x128xf32, #tpu.memory_space<vmem>>
      %dma_wait3A_86 = arith.constant 0 : i32
      %dma_wait3A_87 = arith.constant 0 : i32
      %dma_wait3A_88 = tpu.memref_slice %arg7[%dma_wait3A_86, %dma_wait3A_87] : memref<5120x128xf32, #tpu.memory_space<hbm>> -> memref<32x128xf32, #tpu.memory_space<hbm>>
      %dma_wait3A_89 = arith.constant 0 : i32
      %dma_wait3A_90 = arith.constant 0 : i32
      %dma_wait3A_91 = tpu.memref_slice %arg12[%dma_wait3A_89, %dma_wait3A_90] : memref<112x128xf32, #tpu.memory_space<vmem>> -> memref<32x128xf32, #tpu.memory_space<vmem>>
      %dma_wait3A_92 = arith.constant 0 : i32
      %dma_wait3A_93 = arith.constant 0 : i32
      %dma_wait3A_94 = tpu.memref_slice %arg7[%dma_wait3A_92, %dma_wait3A_93] : memref<5120x128xf32, #tpu.memory_space<hbm>> -> memref<32x128xf32, #tpu.memory_space<hbm>>
      tpu.wait_dma2 semaphore(%run_scoped3A : memref<!tpu.dma_semaphore, #tpu.memory_space<semaphore_mem>>) src(%dma_wait3A_94 : memref<32x128xf32, #tpu.memory_space<hbm>>) dst(%dma_wait3A_91 : memref<32x128xf32, #tpu.memory_space<vmem>>)
      tpu.yield
    }) : () -> ()
    %scan3A = arith.constant 0 : i32
    %scan3A_1 = arith.constant 0 : i32
    %scan3A_2 = arith.constant 10 : i32
    %scan3A_3 = arith.addi %scan3A_1, %scan3A_2 : i32
    %scan3A_4 = arith.constant 1 : i32
    %scan3A_5 = scf.for %scan3A_71 = %scan3A_1 to %scan3A_3 step %scan3A_4 iter_args(%scan3A_72 = %scan3A) -> (i32)  : i32 {
      %mul3A = arith.constant 320 : i32
      %mul3A_73 = arith.muli %arg1, %mul3A : i32
      %mul3A_74 = arith.constant 32 : i32
      %mul3A_75 = arith.muli %scan3A_71, %mul3A_74 : i32
      %add3A = arith.addi %mul3A_73, %mul3A_75 : i32
      "tpu.region"() ({
        %run_scoped3A = tpu.sem_alloc : memref<!tpu.dma_semaphore, #tpu.memory_space<semaphore_mem>>
        %dma_start3A_77 = arith.constant 0 : i32
        %dma_start3A_78 = arith.constant 0 : i32
        %dma_start3A_79 = tpu.memref_slice %arg12[%dma_start3A_77, %dma_start3A_78] : memref<112x128xf32, #tpu.memory_space<vmem>> -> memref<32x128xf32, #tpu.memory_space<vmem>>
        %dma_start3A_80 = arith.constant 0 : i32
        %dma_start3A_81 = tpu.memref_slice %arg15[%add3A, %dma_start3A_80] : memref<5120x128xf32, #tpu.memory_space<vmem_shared>> -> memref<32x128xf32, #tpu.memory_space<vmem_shared>>
        %dma_start3A_82 = arith.constant 0 : i32
        %dma_start3A_83 = tpu.memref_slice %arg15[%add3A, %dma_start3A_82] : memref<5120x128xf32, #tpu.memory_space<vmem_shared>> -> memref<32x128xf32, #tpu.memory_space<vmem_shared>>
        %dma_start3A_84 = arith.constant 0 : i32
        %dma_start3A_85 = arith.constant 0 : i32
        %dma_start3A_86 = tpu.memref_slice %arg12[%dma_start3A_84, %dma_start3A_85] : memref<112x128xf32, #tpu.memory_space<vmem>> -> memref<32x128xf32, #tpu.memory_space<vmem>>
        tpu.enqueue_dma source(%dma_start3A_86 : memref<32x128xf32, #tpu.memory_space<vmem>>) target(%dma_start3A_83 : memref<32x128xf32, #tpu.memory_space<vmem_shared>>) target_semaphore(%run_scoped3A : memref<!tpu.dma_semaphore, #tpu.memory_space<semaphore_mem>>)
        %dma_wait3A_87 = arith.constant 0 : i32
        %dma_wait3A_88 = arith.constant 0 : i32
        %dma_wait3A_89 = tpu.memref_slice %arg12[%dma_wait3A_87, %dma_wait3A_88] : memref<112x128xf32, #tpu.memory_space<vmem>> -> memref<32x128xf32, #tpu.memory_space<vmem>>
        %dma_wait3A_90 = arith.constant 0 : i32
        %dma_wait3A_91 = tpu.memref_slice %arg15[%add3A, %dma_wait3A_90] : memref<5120x128xf32, #tpu.memory_space<vmem_shared>> -> memref<32x128xf32, #tpu.memory_space<vmem_shared>>
        %dma_wait3A_92 = arith.constant 0 : i32
        %dma_wait3A_93 = tpu.memref_slice %arg15[%add3A, %dma_wait3A_92] : memref<5120x128xf32, #tpu.memory_space<vmem_shared>> -> memref<32x128xf32, #tpu.memory_space<vmem_shared>>
        %dma_wait3A_94 = arith.constant 0 : i32
        %dma_wait3A_95 = arith.constant 0 : i32
        %dma_wait3A_96 = tpu.memref_slice %arg12[%dma_wait3A_94, %dma_wait3A_95] : memref<112x128xf32, #tpu.memory_space<vmem>> -> memref<32x128xf32, #tpu.memory_space<vmem>>
        tpu.wait_dma2 semaphore(%run_scoped3A : memref<!tpu.dma_semaphore, #tpu.memory_space<semaphore_mem>>) src(%dma_wait3A_96 : memref<32x128xf32, #tpu.memory_space<vmem>>) dst(%dma_wait3A_93 : memref<32x128xf32, #tpu.memory_space<vmem_shared>>)
        tpu.yield
      }) : () -> ()
      %scan3A_76 = arith.constant 0 : i32
      scf.yield %scan3A_76 : i32
    }
    %scan3A_6 = arith.constant 10 : i32
    "tpu.region"() ({
      %run_scoped3A = tpu.sem_alloc : memref<!tpu.dma_semaphore, #tpu.memory_space<semaphore_mem>>
      %dma_start3A_71 = arith.constant 0 : i32
      %dma_start3A_72 = arith.constant 0 : i32
      %dma_start3A_73 = tpu.memref_slice %arg4[%arg0, %arg1, %dma_start3A_71, %dma_start3A_72] : memref<2x16x180x112xi32, #tpu.memory_space<hbm>> -> memref<1x1x180x112xi32, #tpu.memory_space<hbm>>
      %dma_start3A_74 = tpu.memref_squeeze %dma_start3A_73 : memref<1x1x180x112xi32, #tpu.memory_space<hbm>> -> memref<180x112xi32, #tpu.memory_space<hbm>>
      %dma_start3A_75 = arith.constant 0 : i32
      %dma_start3A_76 = arith.constant 0 : i32
      %dma_start3A_77 = tpu.memref_slice %arg4[%arg0, %arg1, %dma_start3A_75, %dma_start3A_76] : memref<2x16x180x112xi32, #tpu.memory_space<hbm>> -> memref<1x1x180x112xi32, #tpu.memory_space<hbm>>
      %dma_start3A_78 = tpu.memref_squeeze %dma_start3A_77 : memref<1x1x180x112xi32, #tpu.memory_space<hbm>> -> memref<180x112xi32, #tpu.memory_space<hbm>>
      tpu.enqueue_dma source(%dma_start3A_78 : memref<180x112xi32, #tpu.memory_space<hbm>>) target(%arg10 : memref<180x112xi32, #tpu.memory_space<vmem>>) target_semaphore(%run_scoped3A : memref<!tpu.dma_semaphore, #tpu.memory_space<semaphore_mem>>)
      %dma_wait3A_79 = arith.constant 0 : i32
      %dma_wait3A_80 = arith.constant 0 : i32
      %dma_wait3A_81 = tpu.memref_slice %arg4[%arg0, %arg1, %dma_wait3A_79, %dma_wait3A_80] : memref<2x16x180x112xi32, #tpu.memory_space<hbm>> -> memref<1x1x180x112xi32, #tpu.memory_space<hbm>>
      %dma_wait3A_82 = tpu.memref_squeeze %dma_wait3A_81 : memref<1x1x180x112xi32, #tpu.memory_space<hbm>> -> memref<180x112xi32, #tpu.memory_space<hbm>>
      %dma_wait3A_83 = arith.constant 0 : i32
      %dma_wait3A_84 = arith.constant 0 : i32
      %dma_wait3A_85 = tpu.memref_slice %arg4[%arg0, %arg1, %dma_wait3A_83, %dma_wait3A_84] : memref<2x16x180x112xi32, #tpu.memory_space<hbm>> -> memref<1x1x180x112xi32, #tpu.memory_space<hbm>>
      %dma_wait3A_86 = tpu.memref_squeeze %dma_wait3A_85 : memref<1x1x180x112xi32, #tpu.memory_space<hbm>> -> memref<180x112xi32, #tpu.memory_space<hbm>>
      tpu.wait_dma2 semaphore(%run_scoped3A : memref<!tpu.dma_semaphore, #tpu.memory_space<semaphore_mem>>) src(%dma_wait3A_86 : memref<180x112xi32, #tpu.memory_space<hbm>>) dst(%arg10 : memref<180x112xi32, #tpu.memory_space<vmem>>)
      tpu.yield
    }) : () -> ()
    "tpu.region"() ({
      %run_scoped3A = tpu.sem_alloc : memref<!tpu.dma_semaphore, #tpu.memory_space<semaphore_mem>>
      %dma_start3A_71 = arith.constant 0 : i32
      %dma_start3A_72 = arith.constant 0 : i32
      %dma_start3A_73 = tpu.memref_slice %arg4[%sub3A_0, %arg1, %dma_start3A_71, %dma_start3A_72] : memref<2x16x180x112xi32, #tpu.memory_space<hbm>> -> memref<1x1x180x112xi32, #tpu.memory_space<hbm>>
      %dma_start3A_74 = tpu.memref_squeeze %dma_start3A_73 : memref<1x1x180x112xi32, #tpu.memory_space<hbm>> -> memref<180x112xi32, #tpu.memory_space<hbm>>
      %dma_start3A_75 = arith.constant 0 : i32
      %dma_start3A_76 = arith.constant 0 : i32
      %dma_start3A_77 = tpu.memref_slice %arg4[%sub3A_0, %arg1, %dma_start3A_75, %dma_start3A_76] : memref<2x16x180x112xi32, #tpu.memory_space<hbm>> -> memref<1x1x180x112xi32, #tpu.memory_space<hbm>>
      %dma_start3A_78 = tpu.memref_squeeze %dma_start3A_77 : memref<1x1x180x112xi32, #tpu.memory_space<hbm>> -> memref<180x112xi32, #tpu.memory_space<hbm>>
      tpu.enqueue_dma source(%dma_start3A_78 : memref<180x112xi32, #tpu.memory_space<hbm>>) target(%arg11 : memref<180x112xi32, #tpu.memory_space<vmem>>) target_semaphore(%run_scoped3A : memref<!tpu.dma_semaphore, #tpu.memory_space<semaphore_mem>>)
      %dma_wait3A_79 = arith.constant 0 : i32
      %dma_wait3A_80 = arith.constant 0 : i32
      %dma_wait3A_81 = tpu.memref_slice %arg4[%sub3A_0, %arg1, %dma_wait3A_79, %dma_wait3A_80] : memref<2x16x180x112xi32, #tpu.memory_space<hbm>> -> memref<1x1x180x112xi32, #tpu.memory_space<hbm>>
      %dma_wait3A_82 = tpu.memref_squeeze %dma_wait3A_81 : memref<1x1x180x112xi32, #tpu.memory_space<hbm>> -> memref<180x112xi32, #tpu.memory_space<hbm>>
      %dma_wait3A_83 = arith.constant 0 : i32
      %dma_wait3A_84 = arith.constant 0 : i32
      %dma_wait3A_85 = tpu.memref_slice %arg4[%sub3A_0, %arg1, %dma_wait3A_83, %dma_wait3A_84] : memref<2x16x180x112xi32, #tpu.memory_space<hbm>> -> memref<1x1x180x112xi32, #tpu.memory_space<hbm>>
      %dma_wait3A_86 = tpu.memref_squeeze %dma_wait3A_85 : memref<1x1x180x112xi32, #tpu.memory_space<hbm>> -> memref<180x112xi32, #tpu.memory_space<hbm>>
      tpu.wait_dma2 semaphore(%run_scoped3A : memref<!tpu.dma_semaphore, #tpu.memory_space<semaphore_mem>>) src(%dma_wait3A_86 : memref<180x112xi32, #tpu.memory_space<hbm>>) dst(%arg11 : memref<180x112xi32, #tpu.memory_space<vmem>>)
      tpu.yield
    }) : () -> ()
    %barrier3A = arith.constant 0 : index
    tpu.barrier barrier_id(%barrier3A)
    %dma_start3A = arith.constant 0 : i32
    %dma_start3A_7 = arith.constant 0 : i32
    %dma_start3A_8 = tpu.memref_slice %arg10[%dma_start3A, %dma_start3A_7] : memref<180x112xi32, #tpu.memory_space<vmem>> -> memref<1x112xi32, #tpu.memory_space<vmem>>
    %dma_start3A_9 = tpu.memref_squeeze %dma_start3A_8 : memref<1x112xi32, #tpu.memory_space<vmem>> -> memref<112xi32, #tpu.memory_space<vmem>>
    %dma_start3A_10 = arith.constant 0 : i32
    %dma_start3A_11 = arith.constant 0 : i32
    %dma_start3A_12 = tpu.memref_slice %arg2[%arg0, %dma_start3A_10, %dma_start3A_11] : memref<2x5120x128xf32, #tpu.memory_space<hbm>> -> memref<1x5120x128xf32, #tpu.memory_space<hbm>>
    %dma_start3A_13 = tpu.memref_squeeze %dma_start3A_12 : memref<1x5120x128xf32, #tpu.memory_space<hbm>> -> memref<5120x128xf32, #tpu.memory_space<hbm>>
    %dma_start3A_14 = arith.constant 0 : i32
    %dma_start3A_15 = arith.constant 0 : i32
    %dma_start3A_16 = tpu.memref_slice %dma_start3A_13[%dma_start3A_14, %dma_start3A_15] : memref<5120x128xf32, #tpu.memory_space<hbm>> -> memref<5120x128xf32, #tpu.memory_space<hbm>>
    tpu.enqueue_indirect_dma source(%dma_start3A_16 : memref<5120x128xf32, #tpu.memory_space<hbm>>) target(%arg12 : memref<112x128xf32, #tpu.memory_space<vmem>>) offsets(%dma_start3A_9 : memref<112xi32, #tpu.memory_space<vmem>>) semaphore(%arg16 : memref<!tpu.dma_semaphore, #tpu.memory_space<semaphore_mem>>)
    %dma_start3A_17 = arith.constant 1 : i32
    %dma_start3A_18 = arith.constant 0 : i32
    %dma_start3A_19 = tpu.memref_slice %arg10[%dma_start3A_17, %dma_start3A_18] : memref<180x112xi32, #tpu.memory_space<vmem>> -> memref<1x112xi32, #tpu.memory_space<vmem>>
    %dma_start3A_20 = tpu.memref_squeeze %dma_start3A_19 : memref<1x112xi32, #tpu.memory_space<vmem>> -> memref<112xi32, #tpu.memory_space<vmem>>
    %dma_start3A_21 = arith.constant 0 : i32
    %dma_start3A_22 = arith.constant 0 : i32
    %dma_start3A_23 = tpu.memref_slice %arg2[%arg0, %dma_start3A_21, %dma_start3A_22] : memref<2x5120x128xf32, #tpu.memory_space<hbm>> -> memref<1x5120x128xf32, #tpu.memory_space<hbm>>
    %dma_start3A_24 = tpu.memref_squeeze %dma_start3A_23 : memref<1x5120x128xf32, #tpu.memory_space<hbm>> -> memref<5120x128xf32, #tpu.memory_space<hbm>>
    %dma_start3A_25 = arith.constant 0 : i32
    %dma_start3A_26 = arith.constant 0 : i32
    %dma_start3A_27 = tpu.memref_slice %dma_start3A_24[%dma_start3A_25, %dma_start3A_26] : memref<5120x128xf32, #tpu.memory_space<hbm>> -> memref<5120x128xf32, #tpu.memory_space<hbm>>
    tpu.enqueue_indirect_dma source(%dma_start3A_27 : memref<5120x128xf32, #tpu.memory_space<hbm>>) target(%arg13 : memref<112x128xf32, #tpu.memory_space<vmem>>) offsets(%dma_start3A_20 : memref<112xi32, #tpu.memory_space<vmem>>) semaphore(%arg17 : memref<!tpu.dma_semaphore, #tpu.memory_space<semaphore_mem>>)
    %scan3A_28 = arith.constant 0 : i32
    %scan3A_29 = arith.constant 0 : i32
    %scan3A_30 = arith.constant 60 : i32
    %scan3A_31 = arith.addi %scan3A_29, %scan3A_30 : i32
    %scan3A_32 = arith.constant 1 : i32
    %scan3A_33 = scf.for %scan3A_71 = %scan3A_29 to %scan3A_31 step %scan3A_32 iter_args(%scan3A_72 = %scan3A_28) -> (i32)  : i32 {
      %mul3A = arith.constant 3 : i32
      %mul3A_73 = arith.muli %mul3A, %scan3A_71 : i32
      %lt3A = arith.constant 180 : i32
      %lt3A_74 = arith.cmpi slt, %mul3A_73, %lt3A : i32
      %jit3A = arith.constant 0 : i32
      %select_n3A = arith.select %lt3A_74, %mul3A_73, %jit3A : i32
      %dma_wait3A_75 = arith.constant 0 : i32
      %dma_wait3A_76 = tpu.memref_slice %arg10[%select_n3A, %dma_wait3A_75] : memref<180x112xi32, #tpu.memory_space<vmem>> -> memref<1x112xi32, #tpu.memory_space<vmem>>
      %dma_wait3A_77 = tpu.memref_squeeze %dma_wait3A_76 : memref<1x112xi32, #tpu.memory_space<vmem>> -> memref<112xi32, #tpu.memory_space<vmem>>
      %dma_wait3A_78 = arith.constant 0 : i32
      %dma_wait3A_79 = arith.constant 0 : i32
      %dma_wait3A_80 = tpu.memref_slice %arg2[%arg0, %dma_wait3A_78, %dma_wait3A_79] : memref<2x5120x128xf32, #tpu.memory_space<hbm>> -> memref<1x5120x128xf32, #tpu.memory_space<hbm>>
      %dma_wait3A_81 = tpu.memref_squeeze %dma_wait3A_80 : memref<1x5120x128xf32, #tpu.memory_space<hbm>> -> memref<5120x128xf32, #tpu.memory_space<hbm>>
      %dma_wait3A_82 = arith.constant 0 : i32
      %dma_wait3A_83 = arith.constant 0 : i32
      %dma_wait3A_84 = tpu.memref_slice %dma_wait3A_81[%dma_wait3A_82, %dma_wait3A_83] : memref<5120x128xf32, #tpu.memory_space<hbm>> -> memref<5120x128xf32, #tpu.memory_space<hbm>>
      tpu.wait_indirect_dma semaphore(%arg16 : memref<!tpu.dma_semaphore, #tpu.memory_space<semaphore_mem>>) src(%dma_wait3A_84 : memref<5120x128xf32, #tpu.memory_space<hbm>>) dst(%arg12 : memref<112x128xf32, #tpu.memory_space<vmem>>)
      %dma_start3A_85 = arith.constant 0 : i32
      %dma_start3A_86 = tpu.memref_slice %arg11[%mul3A_73, %dma_start3A_85] : memref<180x112xi32, #tpu.memory_space<vmem>> -> memref<1x112xi32, #tpu.memory_space<vmem>>
      %dma_start3A_87 = tpu.memref_squeeze %dma_start3A_86 : memref<1x112xi32, #tpu.memory_space<vmem>> -> memref<112xi32, #tpu.memory_space<vmem>>
      %dma_start3A_88 = arith.constant 0 : i32
      %dma_start3A_89 = arith.constant 0 : i32
      %dma_start3A_90 = tpu.memref_slice %arg15[%dma_start3A_88, %dma_start3A_89] : memref<5120x128xf32, #tpu.memory_space<vmem_shared>> -> memref<5120x128xf32, #tpu.memory_space<vmem_shared>>
      tpu.enqueue_indirect_dma source(%arg12 : memref<112x128xf32, #tpu.memory_space<vmem>>) target(%dma_start3A_90 : memref<5120x128xf32, #tpu.memory_space<vmem_shared>>) offsets(%dma_start3A_87 : memref<112xi32, #tpu.memory_space<vmem>>) semaphore(%arg19 : memref<!tpu.dma_semaphore, #tpu.memory_space<semaphore_mem>>) {add = true}
      %ge3A = arith.constant 1 : i32
      %ge3A_91 = arith.cmpi sge, %scan3A_71, %ge3A : i32
      %convert_element_type3A = arith.extui %ge3A_91 : i1 to i32
      %cond3A = arith.constant 0 : i32
      %cond3A_92 = arith.cmpi ne, %convert_element_type3A, %cond3A : i32
      scf.if %cond3A_92 {
        %sub3A_203 = arith.constant 1 : i32
        %sub3A_204 = arith.subi %mul3A_73, %sub3A_203 : i32
        %dma_wait3A_205 = arith.constant 0 : i32
        %dma_wait3A_206 = tpu.memref_slice %arg11[%sub3A_204, %dma_wait3A_205] : memref<180x112xi32, #tpu.memory_space<vmem>> -> memref<1x112xi32, #tpu.memory_space<vmem>>
        %dma_wait3A_207 = tpu.memref_squeeze %dma_wait3A_206 : memref<1x112xi32, #tpu.memory_space<vmem>> -> memref<112xi32, #tpu.memory_space<vmem>>
        %dma_wait3A_208 = arith.constant 0 : i32
        %dma_wait3A_209 = arith.constant 0 : i32
        %dma_wait3A_210 = tpu.memref_slice %arg15[%dma_wait3A_208, %dma_wait3A_209] : memref<5120x128xf32, #tpu.memory_space<vmem_shared>> -> memref<5120x128xf32, #tpu.memory_space<vmem_shared>>
        tpu.wait_indirect_dma semaphore(%arg21 : memref<!tpu.dma_semaphore, #tpu.memory_space<semaphore_mem>>) src(%arg14 : memref<112x128xf32, #tpu.memory_space<vmem>>) dst(%dma_wait3A_210 : memref<5120x128xf32, #tpu.memory_space<vmem_shared>>)
      } else {
      }
      %add3A = arith.constant 2 : i32
      %add3A_93 = arith.addi %mul3A_73, %add3A : i32
      %lt3A_94 = arith.constant 180 : i32
      %lt3A_95 = arith.cmpi slt, %add3A_93, %lt3A_94 : i32
      %jit3A_96 = arith.constant 0 : i32
      %select_n3A_97 = arith.select %lt3A_95, %add3A_93, %jit3A_96 : i32
      %dma_start3A_98 = arith.constant 0 : i32
      %dma_start3A_99 = tpu.memref_slice %arg10[%select_n3A_97, %dma_start3A_98] : memref<180x112xi32, #tpu.memory_space<vmem>> -> memref<1x112xi32, #tpu.memory_space<vmem>>
      %dma_start3A_100 = tpu.memref_squeeze %dma_start3A_99 : memref<1x112xi32, #tpu.memory_space<vmem>> -> memref<112xi32, #tpu.memory_space<vmem>>
      %dma_start3A_101 = arith.constant 0 : i32
      %dma_start3A_102 = arith.constant 0 : i32
      %dma_start3A_103 = tpu.memref_slice %arg2[%arg0, %dma_start3A_101, %dma_start3A_102] : memref<2x5120x128xf32, #tpu.memory_space<hbm>> -> memref<1x5120x128xf32, #tpu.memory_space<hbm>>
      %dma_start3A_104 = tpu.memref_squeeze %dma_start3A_103 : memref<1x5120x128xf32, #tpu.memory_space<hbm>> -> memref<5120x128xf32, #tpu.memory_space<hbm>>
      %dma_start3A_105 = arith.constant 0 : i32
      %dma_start3A_106 = arith.constant 0 : i32
      %dma_start3A_107 = tpu.memref_slice %dma_start3A_104[%dma_start3A_105, %dma_start3A_106] : memref<5120x128xf32, #tpu.memory_space<hbm>> -> memref<5120x128xf32, #tpu.memory_space<hbm>>
      tpu.enqueue_indirect_dma source(%dma_start3A_107 : memref<5120x128xf32, #tpu.memory_space<hbm>>) target(%arg14 : memref<112x128xf32, #tpu.memory_space<vmem>>) offsets(%dma_start3A_100 : memref<112xi32, #tpu.memory_space<vmem>>) semaphore(%arg18 : memref<!tpu.dma_semaphore, #tpu.memory_space<semaphore_mem>>)
      %add3A_108 = arith.constant 1 : i32
      %add3A_109 = arith.addi %mul3A_73, %add3A_108 : i32
      %lt3A_110 = arith.constant 180 : i32
      %lt3A_111 = arith.cmpi slt, %add3A_109, %lt3A_110 : i32
      %jit3A_112 = arith.constant 0 : i32
      %select_n3A_113 = arith.select %lt3A_111, %add3A_109, %jit3A_112 : i32
      %dma_wait3A_114 = arith.constant 0 : i32
      %dma_wait3A_115 = tpu.memref_slice %arg10[%select_n3A_113, %dma_wait3A_114] : memref<180x112xi32, #tpu.memory_space<vmem>> -> memref<1x112xi32, #tpu.memory_space<vmem>>
      %dma_wait3A_116 = tpu.memref_squeeze %dma_wait3A_115 : memref<1x112xi32, #tpu.memory_space<vmem>> -> memref<112xi32, #tpu.memory_space<vmem>>
      %dma_wait3A_117 = arith.constant 0 : i32
      %dma_wait3A_118 = arith.constant 0 : i32
      %dma_wait3A_119 = tpu.memref_slice %arg2[%arg0, %dma_wait3A_117, %dma_wait3A_118] : memref<2x5120x128xf32, #tpu.memory_space<hbm>> -> memref<1x5120x128xf32, #tpu.memory_space<hbm>>
      %dma_wait3A_120 = tpu.memref_squeeze %dma_wait3A_119 : memref<1x5120x128xf32, #tpu.memory_space<hbm>> -> memref<5120x128xf32, #tpu.memory_space<hbm>>
      %dma_wait3A_121 = arith.constant 0 : i32
      %dma_wait3A_122 = arith.constant 0 : i32
      %dma_wait3A_123 = tpu.memref_slice %dma_wait3A_120[%dma_wait3A_121, %dma_wait3A_122] : memref<5120x128xf32, #tpu.memory_space<hbm>> -> memref<5120x128xf32, #tpu.memory_space<hbm>>
      tpu.wait_indirect_dma semaphore(%arg17 : memref<!tpu.dma_semaphore, #tpu.memory_space<semaphore_mem>>) src(%dma_wait3A_123 : memref<5120x128xf32, #tpu.memory_space<hbm>>) dst(%arg13 : memref<112x128xf32, #tpu.memory_space<vmem>>)
      %add3A_124 = arith.constant 1 : i32
      %add3A_125 = arith.addi %mul3A_73, %add3A_124 : i32
      %dma_start3A_126 = arith.constant 0 : i32
      %dma_start3A_127 = tpu.memref_slice %arg11[%add3A_125, %dma_start3A_126] : memref<180x112xi32, #tpu.memory_space<vmem>> -> memref<1x112xi32, #tpu.memory_space<vmem>>
      %dma_start3A_128 = tpu.memref_squeeze %dma_start3A_127 : memref<1x112xi32, #tpu.memory_space<vmem>> -> memref<112xi32, #tpu.memory_space<vmem>>
      %dma_start3A_129 = arith.constant 0 : i32
      %dma_start3A_130 = arith.constant 0 : i32
      %dma_start3A_131 = tpu.memref_slice %arg15[%dma_start3A_129, %dma_start3A_130] : memref<5120x128xf32, #tpu.memory_space<vmem_shared>> -> memref<5120x128xf32, #tpu.memory_space<vmem_shared>>
      tpu.enqueue_indirect_dma source(%arg13 : memref<112x128xf32, #tpu.memory_space<vmem>>) target(%dma_start3A_131 : memref<5120x128xf32, #tpu.memory_space<vmem_shared>>) offsets(%dma_start3A_128 : memref<112xi32, #tpu.memory_space<vmem>>) semaphore(%arg20 : memref<!tpu.dma_semaphore, #tpu.memory_space<semaphore_mem>>) {add = true}
      %dma_wait3A_132 = arith.constant 0 : i32
      %dma_wait3A_133 = tpu.memref_slice %arg11[%mul3A_73, %dma_wait3A_132] : memref<180x112xi32, #tpu.memory_space<vmem>> -> memref<1x112xi32, #tpu.memory_space<vmem>>
      %dma_wait3A_134 = tpu.memref_squeeze %dma_wait3A_133 : memref<1x112xi32, #tpu.memory_space<vmem>> -> memref<112xi32, #tpu.memory_space<vmem>>
      %dma_wait3A_135 = arith.constant 0 : i32
      %dma_wait3A_136 = arith.constant 0 : i32
      %dma_wait3A_137 = tpu.memref_slice %arg15[%dma_wait3A_135, %dma_wait3A_136] : memref<5120x128xf32, #tpu.memory_space<vmem_shared>> -> memref<5120x128xf32, #tpu.memory_space<vmem_shared>>
      tpu.wait_indirect_dma semaphore(%arg19 : memref<!tpu.dma_semaphore, #tpu.memory_space<semaphore_mem>>) src(%arg12 : memref<112x128xf32, #tpu.memory_space<vmem>>) dst(%dma_wait3A_137 : memref<5120x128xf32, #tpu.memory_space<vmem_shared>>)
      %add3A_138 = arith.constant 3 : i32
      %add3A_139 = arith.addi %mul3A_73, %add3A_138 : i32
      %lt3A_140 = arith.constant 180 : i32
      %lt3A_141 = arith.cmpi slt, %add3A_139, %lt3A_140 : i32
      %jit3A_142 = arith.constant 0 : i32
      %select_n3A_143 = arith.select %lt3A_141, %add3A_139, %jit3A_142 : i32
      %dma_start3A_144 = arith.constant 0 : i32
      %dma_start3A_145 = tpu.memref_slice %arg10[%select_n3A_143, %dma_start3A_144] : memref<180x112xi32, #tpu.memory_space<vmem>> -> memref<1x112xi32, #tpu.memory_space<vmem>>
      %dma_start3A_146 = tpu.memref_squeeze %dma_start3A_145 : memref<1x112xi32, #tpu.memory_space<vmem>> -> memref<112xi32, #tpu.memory_space<vmem>>
      %dma_start3A_147 = arith.constant 0 : i32
      %dma_start3A_148 = arith.constant 0 : i32
      %dma_start3A_149 = tpu.memref_slice %arg2[%arg0, %dma_start3A_147, %dma_start3A_148] : memref<2x5120x128xf32, #tpu.memory_space<hbm>> -> memref<1x5120x128xf32, #tpu.memory_space<hbm>>
      %dma_start3A_150 = tpu.memref_squeeze %dma_start3A_149 : memref<1x5120x128xf32, #tpu.memory_space<hbm>> -> memref<5120x128xf32, #tpu.memory_space<hbm>>
      %dma_start3A_151 = arith.constant 0 : i32
      %dma_start3A_152 = arith.constant 0 : i32
      %dma_start3A_153 = tpu.memref_slice %dma_start3A_150[%dma_start3A_151, %dma_start3A_152] : memref<5120x128xf32, #tpu.memory_space<hbm>> -> memref<5120x128xf32, #tpu.memory_space<hbm>>
      tpu.enqueue_indirect_dma source(%dma_start3A_153 : memref<5120x128xf32, #tpu.memory_space<hbm>>) target(%arg12 : memref<112x128xf32, #tpu.memory_space<vmem>>) offsets(%dma_start3A_146 : memref<112xi32, #tpu.memory_space<vmem>>) semaphore(%arg16 : memref<!tpu.dma_semaphore, #tpu.memory_space<semaphore_mem>>)
      %add3A_154 = arith.constant 2 : i32
      %add3A_155 = arith.addi %mul3A_73, %add3A_154 : i32
      %lt3A_156 = arith.constant 180 : i32
      %lt3A_157 = arith.cmpi slt, %add3A_155, %lt3A_156 : i32
      %jit3A_158 = arith.constant 0 : i32
      %select_n3A_159 = arith.select %lt3A_157, %add3A_155, %jit3A_158 : i32
      %dma_wait3A_160 = arith.constant 0 : i32
      %dma_wait3A_161 = tpu.memref_slice %arg10[%select_n3A_159, %dma_wait3A_160] : memref<180x112xi32, #tpu.memory_space<vmem>> -> memref<1x112xi32, #tpu.memory_space<vmem>>
      %dma_wait3A_162 = tpu.memref_squeeze %dma_wait3A_161 : memref<1x112xi32, #tpu.memory_space<vmem>> -> memref<112xi32, #tpu.memory_space<vmem>>
      %dma_wait3A_163 = arith.constant 0 : i32
      %dma_wait3A_164 = arith.constant 0 : i32
      %dma_wait3A_165 = tpu.memref_slice %arg2[%arg0, %dma_wait3A_163, %dma_wait3A_164] : memref<2x5120x128xf32, #tpu.memory_space<hbm>> -> memref<1x5120x128xf32, #tpu.memory_space<hbm>>
      %dma_wait3A_166 = tpu.memref_squeeze %dma_wait3A_165 : memref<1x5120x128xf32, #tpu.memory_space<hbm>> -> memref<5120x128xf32, #tpu.memory_space<hbm>>
      %dma_wait3A_167 = arith.constant 0 : i32
      %dma_wait3A_168 = arith.constant 0 : i32
      %dma_wait3A_169 = tpu.memref_slice %dma_wait3A_166[%dma_wait3A_167, %dma_wait3A_168] : memref<5120x128xf32, #tpu.memory_space<hbm>> -> memref<5120x128xf32, #tpu.memory_space<hbm>>
      tpu.wait_indirect_dma semaphore(%arg18 : memref<!tpu.dma_semaphore, #tpu.memory_space<semaphore_mem>>) src(%dma_wait3A_169 : memref<5120x128xf32, #tpu.memory_space<hbm>>) dst(%arg14 : memref<112x128xf32, #tpu.memory_space<vmem>>)
      %add3A_170 = arith.constant 2 : i32
      %add3A_171 = arith.addi %mul3A_73, %add3A_170 : i32
      %dma_start3A_172 = arith.constant 0 : i32
      %dma_start3A_173 = tpu.memref_slice %arg11[%add3A_171, %dma_start3A_172] : memref<180x112xi32, #tpu.memory_space<vmem>> -> memref<1x112xi32, #tpu.memory_space<vmem>>
      %dma_start3A_174 = tpu.memref_squeeze %dma_start3A_173 : memref<1x112xi32, #tpu.memory_space<vmem>> -> memref<112xi32, #tpu.memory_space<vmem>>
      %dma_start3A_175 = arith.constant 0 : i32
      %dma_start3A_176 = arith.constant 0 : i32
      %dma_start3A_177 = tpu.memref_slice %arg15[%dma_start3A_175, %dma_start3A_176] : memref<5120x128xf32, #tpu.memory_space<vmem_shared>> -> memref<5120x128xf32, #tpu.memory_space<vmem_shared>>
      tpu.enqueue_indirect_dma source(%arg14 : memref<112x128xf32, #tpu.memory_space<vmem>>) target(%dma_start3A_177 : memref<5120x128xf32, #tpu.memory_space<vmem_shared>>) offsets(%dma_start3A_174 : memref<112xi32, #tpu.memory_space<vmem>>) semaphore(%arg21 : memref<!tpu.dma_semaphore, #tpu.memory_space<semaphore_mem>>) {add = true}
      %add3A_178 = arith.constant 1 : i32
      %add3A_179 = arith.addi %mul3A_73, %add3A_178 : i32
      %dma_wait3A_180 = arith.constant 0 : i32
      %dma_wait3A_181 = tpu.memref_slice %arg11[%add3A_179, %dma_wait3A_180] : memref<180x112xi32, #tpu.memory_space<vmem>> -> memref<1x112xi32, #tpu.memory_space<vmem>>
      %dma_wait3A_182 = tpu.memref_squeeze %dma_wait3A_181 : memref<1x112xi32, #tpu.memory_space<vmem>> -> memref<112xi32, #tpu.memory_space<vmem>>
      %dma_wait3A_183 = arith.constant 0 : i32
      %dma_wait3A_184 = arith.constant 0 : i32
      %dma_wait3A_185 = tpu.memref_slice %arg15[%dma_wait3A_183, %dma_wait3A_184] : memref<5120x128xf32, #tpu.memory_space<vmem_shared>> -> memref<5120x128xf32, #tpu.memory_space<vmem_shared>>
      tpu.wait_indirect_dma semaphore(%arg20 : memref<!tpu.dma_semaphore, #tpu.memory_space<semaphore_mem>>) src(%arg13 : memref<112x128xf32, #tpu.memory_space<vmem>>) dst(%dma_wait3A_185 : memref<5120x128xf32, #tpu.memory_space<vmem_shared>>)
      %add3A_186 = arith.constant 4 : i32
      %add3A_187 = arith.addi %mul3A_73, %add3A_186 : i32
      %lt3A_188 = arith.constant 180 : i32
      %lt3A_189 = arith.cmpi slt, %add3A_187, %lt3A_188 : i32
      %jit3A_190 = arith.constant 0 : i32
      %select_n3A_191 = arith.select %lt3A_189, %add3A_187, %jit3A_190 : i32
      %dma_start3A_192 = arith.constant 0 : i32
      %dma_start3A_193 = tpu.memref_slice %arg10[%select_n3A_191, %dma_start3A_192] : memref<180x112xi32, #tpu.memory_space<vmem>> -> memref<1x112xi32, #tpu.memory_space<vmem>>
      %dma_start3A_194 = tpu.memref_squeeze %dma_start3A_193 : memref<1x112xi32, #tpu.memory_space<vmem>> -> memref<112xi32, #tpu.memory_space<vmem>>
      %dma_start3A_195 = arith.constant 0 : i32
      %dma_start3A_196 = arith.constant 0 : i32
      %dma_start3A_197 = tpu.memref_slice %arg2[%arg0, %dma_start3A_195, %dma_start3A_196] : memref<2x5120x128xf32, #tpu.memory_space<hbm>> -> memref<1x5120x128xf32, #tpu.memory_space<hbm>>
      %dma_start3A_198 = tpu.memref_squeeze %dma_start3A_197 : memref<1x5120x128xf32, #tpu.memory_space<hbm>> -> memref<5120x128xf32, #tpu.memory_space<hbm>>
      %dma_start3A_199 = arith.constant 0 : i32
      %dma_start3A_200 = arith.constant 0 : i32
      %dma_start3A_201 = tpu.memref_slice %dma_start3A_198[%dma_start3A_199, %dma_start3A_200] : memref<5120x128xf32, #tpu.memory_space<hbm>> -> memref<5120x128xf32, #tpu.memory_space<hbm>>
      tpu.enqueue_indirect_dma source(%dma_start3A_201 : memref<5120x128xf32, #tpu.memory_space<hbm>>) target(%arg13 : memref<112x128xf32, #tpu.memory_space<vmem>>) offsets(%dma_start3A_194 : memref<112xi32, #tpu.memory_space<vmem>>) semaphore(%arg17 : memref<!tpu.dma_semaphore, #tpu.memory_space<semaphore_mem>>)
      %scan3A_202 = arith.constant 0 : i32
      scf.yield %scan3A_202 : i32
    }
    %scan3A_34 = arith.constant 60 : i32
    %dma_wait3A = arith.constant 0 : i32
    %dma_wait3A_35 = arith.constant 0 : i32
    %dma_wait3A_36 = tpu.memref_slice %arg10[%dma_wait3A, %dma_wait3A_35] : memref<180x112xi32, #tpu.memory_space<vmem>> -> memref<1x112xi32, #tpu.memory_space<vmem>>
    %dma_wait3A_37 = tpu.memref_squeeze %dma_wait3A_36 : memref<1x112xi32, #tpu.memory_space<vmem>> -> memref<112xi32, #tpu.memory_space<vmem>>
    %dma_wait3A_38 = arith.constant 0 : i32
    %dma_wait3A_39 = arith.constant 0 : i32
    %dma_wait3A_40 = tpu.memref_slice %arg2[%arg0, %dma_wait3A_38, %dma_wait3A_39] : memref<2x5120x128xf32, #tpu.memory_space<hbm>> -> memref<1x5120x128xf32, #tpu.memory_space<hbm>>
    %dma_wait3A_41 = tpu.memref_squeeze %dma_wait3A_40 : memref<1x5120x128xf32, #tpu.memory_space<hbm>> -> memref<5120x128xf32, #tpu.memory_space<hbm>>
    %dma_wait3A_42 = arith.constant 0 : i32
    %dma_wait3A_43 = arith.constant 0 : i32
    %dma_wait3A_44 = tpu.memref_slice %dma_wait3A_41[%dma_wait3A_42, %dma_wait3A_43] : memref<5120x128xf32, #tpu.memory_space<hbm>> -> memref<5120x128xf32, #tpu.memory_space<hbm>>
    tpu.wait_indirect_dma semaphore(%arg16 : memref<!tpu.dma_semaphore, #tpu.memory_space<semaphore_mem>>) src(%dma_wait3A_44 : memref<5120x128xf32, #tpu.memory_space<hbm>>) dst(%arg12 : memref<112x128xf32, #tpu.memory_space<vmem>>)
    %dma_wait3A_45 = arith.constant 0 : i32
    %dma_wait3A_46 = arith.constant 0 : i32
    %dma_wait3A_47 = tpu.memref_slice %arg10[%dma_wait3A_45, %dma_wait3A_46] : memref<180x112xi32, #tpu.memory_space<vmem>> -> memref<1x112xi32, #tpu.memory_space<vmem>>
    %dma_wait3A_48 = tpu.memref_squeeze %dma_wait3A_47 : memref<1x112xi32, #tpu.memory_space<vmem>> -> memref<112xi32, #tpu.memory_space<vmem>>
    %dma_wait3A_49 = arith.constant 0 : i32
    %dma_wait3A_50 = arith.constant 0 : i32
    %dma_wait3A_51 = tpu.memref_slice %arg2[%arg0, %dma_wait3A_49, %dma_wait3A_50] : memref<2x5120x128xf32, #tpu.memory_space<hbm>> -> memref<1x5120x128xf32, #tpu.memory_space<hbm>>
    %dma_wait3A_52 = tpu.memref_squeeze %dma_wait3A_51 : memref<1x5120x128xf32, #tpu.memory_space<hbm>> -> memref<5120x128xf32, #tpu.memory_space<hbm>>
    %dma_wait3A_53 = arith.constant 0 : i32
    %dma_wait3A_54 = arith.constant 0 : i32
    %dma_wait3A_55 = tpu.memref_slice %dma_wait3A_52[%dma_wait3A_53, %dma_wait3A_54] : memref<5120x128xf32, #tpu.memory_space<hbm>> -> memref<5120x128xf32, #tpu.memory_space<hbm>>
    tpu.wait_indirect_dma semaphore(%arg17 : memref<!tpu.dma_semaphore, #tpu.memory_space<semaphore_mem>>) src(%dma_wait3A_55 : memref<5120x128xf32, #tpu.memory_space<hbm>>) dst(%arg13 : memref<112x128xf32, #tpu.memory_space<vmem>>)
    %dma_wait3A_56 = arith.constant 179 : i32
    %dma_wait3A_57 = arith.constant 0 : i32
    %dma_wait3A_58 = tpu.memref_slice %arg11[%dma_wait3A_56, %dma_wait3A_57] : memref<180x112xi32, #tpu.memory_space<vmem>> -> memref<1x112xi32, #tpu.memory_space<vmem>>
    %dma_wait3A_59 = tpu.memref_squeeze %dma_wait3A_58 : memref<1x112xi32, #tpu.memory_space<vmem>> -> memref<112xi32, #tpu.memory_space<vmem>>
    %dma_wait3A_60 = arith.constant 0 : i32
    %dma_wait3A_61 = arith.constant 0 : i32
    %dma_wait3A_62 = tpu.memref_slice %arg15[%dma_wait3A_60, %dma_wait3A_61] : memref<5120x128xf32, #tpu.memory_space<vmem_shared>> -> memref<5120x128xf32, #tpu.memory_space<vmem_shared>>
    tpu.wait_indirect_dma semaphore(%arg21 : memref<!tpu.dma_semaphore, #tpu.memory_space<semaphore_mem>>) src(%arg14 : memref<112x128xf32, #tpu.memory_space<vmem>>) dst(%dma_wait3A_62 : memref<5120x128xf32, #tpu.memory_space<vmem_shared>>)
    %barrier3A_63 = arith.constant 0 : index
    tpu.barrier barrier_id(%barrier3A_63)
    %scan3A_64 = arith.constant 0 : i32
    %scan3A_65 = arith.constant 0 : i32
    %scan3A_66 = arith.constant 10 : i32
    %scan3A_67 = arith.addi %scan3A_65, %scan3A_66 : i32
    %scan3A_68 = arith.constant 1 : i32
    %scan3A_69 = scf.for %scan3A_71 = %scan3A_65 to %scan3A_67 step %scan3A_68 iter_args(%scan3A_72 = %scan3A_64) -> (i32)  : i32 {
      %mul3A = arith.constant 320 : i32
      %mul3A_73 = arith.muli %arg1, %mul3A : i32
      %mul3A_74 = arith.constant 32 : i32
      %mul3A_75 = arith.muli %scan3A_71, %mul3A_74 : i32
      %add3A = arith.addi %mul3A_73, %mul3A_75 : i32
      "tpu.region"() ({
        %run_scoped3A = tpu.sem_alloc : memref<!tpu.dma_semaphore, #tpu.memory_space<semaphore_mem>>
        %dma_start3A_91 = arith.constant 0 : i32
        %dma_start3A_92 = arith.constant 0 : i32
        %dma_start3A_93 = tpu.memref_slice %arg12[%dma_start3A_91, %dma_start3A_92] : memref<112x128xf32, #tpu.memory_space<vmem>> -> memref<32x128xf32, #tpu.memory_space<vmem>>
        %dma_start3A_94 = arith.constant 0 : i32
        %dma_start3A_95 = tpu.memref_slice %arg15[%add3A, %dma_start3A_94] : memref<5120x128xf32, #tpu.memory_space<vmem_shared>> -> memref<32x128xf32, #tpu.memory_space<vmem_shared>>
        %dma_start3A_96 = arith.constant 0 : i32
        %dma_start3A_97 = arith.constant 0 : i32
        %dma_start3A_98 = tpu.memref_slice %arg12[%dma_start3A_96, %dma_start3A_97] : memref<112x128xf32, #tpu.memory_space<vmem>> -> memref<32x128xf32, #tpu.memory_space<vmem>>
        %dma_start3A_99 = arith.constant 0 : i32
        %dma_start3A_100 = tpu.memref_slice %arg15[%add3A, %dma_start3A_99] : memref<5120x128xf32, #tpu.memory_space<vmem_shared>> -> memref<32x128xf32, #tpu.memory_space<vmem_shared>>
        tpu.enqueue_dma source(%dma_start3A_100 : memref<32x128xf32, #tpu.memory_space<vmem_shared>>) target(%dma_start3A_98 : memref<32x128xf32, #tpu.memory_space<vmem>>) target_semaphore(%run_scoped3A : memref<!tpu.dma_semaphore, #tpu.memory_space<semaphore_mem>>)
        %dma_wait3A_101 = arith.constant 0 : i32
        %dma_wait3A_102 = arith.constant 0 : i32
        %dma_wait3A_103 = tpu.memref_slice %arg12[%dma_wait3A_101, %dma_wait3A_102] : memref<112x128xf32, #tpu.memory_space<vmem>> -> memref<32x128xf32, #tpu.memory_space<vmem>>
        %dma_wait3A_104 = arith.constant 0 : i32
        %dma_wait3A_105 = tpu.memref_slice %arg15[%add3A, %dma_wait3A_104] : memref<5120x128xf32, #tpu.memory_space<vmem_shared>> -> memref<32x128xf32, #tpu.memory_space<vmem_shared>>
        %dma_wait3A_106 = arith.constant 0 : i32
        %dma_wait3A_107 = arith.constant 0 : i32
        %dma_wait3A_108 = tpu.memref_slice %arg12[%dma_wait3A_106, %dma_wait3A_107] : memref<112x128xf32, #tpu.memory_space<vmem>> -> memref<32x128xf32, #tpu.memory_space<vmem>>
        %dma_wait3A_109 = arith.constant 0 : i32
        %dma_wait3A_110 = tpu.memref_slice %arg15[%add3A, %dma_wait3A_109] : memref<5120x128xf32, #tpu.memory_space<vmem_shared>> -> memref<32x128xf32, #tpu.memory_space<vmem_shared>>
        tpu.wait_dma2 semaphore(%run_scoped3A : memref<!tpu.dma_semaphore, #tpu.memory_space<semaphore_mem>>) src(%dma_wait3A_110 : memref<32x128xf32, #tpu.memory_space<vmem_shared>>) dst(%dma_wait3A_108 : memref<32x128xf32, #tpu.memory_space<vmem>>)
        tpu.yield
      }) : () -> ()
      "tpu.region"() ({
        %run_scoped3A = tpu.sem_alloc : memref<!tpu.dma_semaphore, #tpu.memory_space<semaphore_mem>>
        %dma_start3A_91 = arith.constant 0 : i32
        %dma_start3A_92 = arith.constant 0 : i32
        %dma_start3A_93 = tpu.memref_slice %arg13[%dma_start3A_91, %dma_start3A_92] : memref<112x128xf32, #tpu.memory_space<vmem>> -> memref<32x128xf32, #tpu.memory_space<vmem>>
        %dma_start3A_94 = arith.constant 0 : i32
        %dma_start3A_95 = tpu.memref_slice %arg5[%sub3A_0, %add3A, %dma_start3A_94] : memref<2x5120x128xf32, #tpu.memory_space<hbm>> -> memref<1x32x128xf32, #tpu.memory_space<hbm>>
        %dma_start3A_96 = tpu.memref_squeeze %dma_start3A_95 : memref<1x32x128xf32, #tpu.memory_space<hbm>> -> memref<32x128xf32, #tpu.memory_space<hbm>>
        %dma_start3A_97 = arith.constant 0 : i32
        %dma_start3A_98 = arith.constant 0 : i32
        %dma_start3A_99 = tpu.memref_slice %arg13[%dma_start3A_97, %dma_start3A_98] : memref<112x128xf32, #tpu.memory_space<vmem>> -> memref<32x128xf32, #tpu.memory_space<vmem>>
        %dma_start3A_100 = arith.constant 0 : i32
        %dma_start3A_101 = tpu.memref_slice %arg5[%sub3A_0, %add3A, %dma_start3A_100] : memref<2x5120x128xf32, #tpu.memory_space<hbm>> -> memref<1x32x128xf32, #tpu.memory_space<hbm>>
        %dma_start3A_102 = tpu.memref_squeeze %dma_start3A_101 : memref<1x32x128xf32, #tpu.memory_space<hbm>> -> memref<32x128xf32, #tpu.memory_space<hbm>>
        tpu.enqueue_dma source(%dma_start3A_102 : memref<32x128xf32, #tpu.memory_space<hbm>>) target(%dma_start3A_99 : memref<32x128xf32, #tpu.memory_space<vmem>>) target_semaphore(%run_scoped3A : memref<!tpu.dma_semaphore, #tpu.memory_space<semaphore_mem>>)
        %dma_wait3A_103 = arith.constant 0 : i32
        %dma_wait3A_104 = arith.constant 0 : i32
        %dma_wait3A_105 = tpu.memref_slice %arg13[%dma_wait3A_103, %dma_wait3A_104] : memref<112x128xf32, #tpu.memory_space<vmem>> -> memref<32x128xf32, #tpu.memory_space<vmem>>
        %dma_wait3A_106 = arith.constant 0 : i32
        %dma_wait3A_107 = tpu.memref_slice %arg5[%sub3A_0, %add3A, %dma_wait3A_106] : memref<2x5120x128xf32, #tpu.memory_space<hbm>> -> memref<1x32x128xf32, #tpu.memory_space<hbm>>
        %dma_wait3A_108 = tpu.memref_squeeze %dma_wait3A_107 : memref<1x32x128xf32, #tpu.memory_space<hbm>> -> memref<32x128xf32, #tpu.memory_space<hbm>>
        %dma_wait3A_109 = arith.constant 0 : i32
        %dma_wait3A_110 = arith.constant 0 : i32
        %dma_wait3A_111 = tpu.memref_slice %arg13[%dma_wait3A_109, %dma_wait3A_110] : memref<112x128xf32, #tpu.memory_space<vmem>> -> memref<32x128xf32, #tpu.memory_space<vmem>>
        %dma_wait3A_112 = arith.constant 0 : i32
        %dma_wait3A_113 = tpu.memref_slice %arg5[%sub3A_0, %add3A, %dma_wait3A_112] : memref<2x5120x128xf32, #tpu.memory_space<hbm>> -> memref<1x32x128xf32, #tpu.memory_space<hbm>>
        %dma_wait3A_114 = tpu.memref_squeeze %dma_wait3A_113 : memref<1x32x128xf32, #tpu.memory_space<hbm>> -> memref<32x128xf32, #tpu.memory_space<hbm>>
        tpu.wait_dma2 semaphore(%run_scoped3A : memref<!tpu.dma_semaphore, #tpu.memory_space<semaphore_mem>>) src(%dma_wait3A_114 : memref<32x128xf32, #tpu.memory_space<hbm>>) dst(%dma_wait3A_111 : memref<32x128xf32, #tpu.memory_space<vmem>>)
        tpu.yield
      }) : () -> ()
      %scan3A_76 = arith.constant 0 : i32
      %scan3A_77 = arith.constant 0 : i32
      %scan3A_78 = arith.constant 32 : i32
      %scan3A_79 = arith.addi %scan3A_77, %scan3A_78 : i32
      %scan3A_80 = arith.constant 1 : i32
      %scan3A_81 = scf.for %scan3A_91 = %scan3A_77 to %scan3A_79 step %scan3A_80 iter_args(%scan3A_92 = %scan3A_76) -> (i32)  : i32 {
        %get3A = arith.index_cast %scan3A_91 : i32 to index
        %get3A_93 = arith.constant 0 : index
        %get3A_94 = tpu.vector_load %arg12[%get3A, %get3A_93] {strides = array<i32>} : memref<112x128xf32, #tpu.memory_space<vmem>>, vector<1x16xf32>,
        %get3A_95 = vector.shape_cast %get3A_94 : vector<1x16xf32> to vector<16xf32>
        %get3A_96 = arith.index_cast %scan3A_91 : i32 to index
        %get3A_97 = arith.constant 0 : index
        %get3A_98 = tpu.vector_load %arg13[%get3A_96, %get3A_97] {strides = array<i32>} : memref<112x128xf32, #tpu.memory_space<vmem>>, vector<1x16xf32>,
        %get3A_99 = vector.shape_cast %get3A_98 : vector<1x16xf32> to vector<16xf32>
        %mul3A_100 = arith.mulf %get3A_95, %get3A_99 : vector<16xf32>
        %swap3A = arith.index_cast %scan3A_91 : i32 to index
        %swap3A_101 = arith.constant 0 : index
        %swap3A_102 = tpu.vector_load %arg13[%swap3A, %swap3A_101] {strides = array<i32>} : memref<112x128xf32, #tpu.memory_space<vmem>>, vector<1x16xf32>,
        %swap3A_103 = vector.shape_cast %swap3A_102 : vector<1x16xf32> to vector<16xf32>
        %swap3A_104 = vector.shape_cast %mul3A_100 : vector<16xf32> to vector<1x16xf32>
        tpu.vector_store %arg13[%swap3A, %swap3A_101], %swap3A_104 {strides = array<i32>} : memref<112x128xf32, #tpu.memory_space<vmem>>, vector<1x16xf32>,
        %get3A_105 = arith.index_cast %scan3A_91 : i32 to index
        %get3A_106 = arith.constant 16 : index
        %get3A_107 = tpu.vector_load %arg12[%get3A_105, %get3A_106] {strides = array<i32>} : memref<112x128xf32, #tpu.memory_space<vmem>>, vector<1x16xf32>,
        %get3A_108 = vector.shape_cast %get3A_107 : vector<1x16xf32> to vector<16xf32>
        %get3A_109 = arith.index_cast %scan3A_91 : i32 to index
        %get3A_110 = arith.constant 16 : index
        %get3A_111 = tpu.vector_load %arg13[%get3A_109, %get3A_110] {strides = array<i32>} : memref<112x128xf32, #tpu.memory_space<vmem>>, vector<1x16xf32>,
        %get3A_112 = vector.shape_cast %get3A_111 : vector<1x16xf32> to vector<16xf32>
        %mul3A_113 = arith.mulf %get3A_108, %get3A_112 : vector<16xf32>
        %swap3A_114 = arith.index_cast %scan3A_91 : i32 to index
        %swap3A_115 = arith.constant 16 : index
        %swap3A_116 = tpu.vector_load %arg13[%swap3A_114, %swap3A_115] {strides = array<i32>} : memref<112x128xf32, #tpu.memory_space<vmem>>, vector<1x16xf32>,
        %swap3A_117 = vector.shape_cast %swap3A_116 : vector<1x16xf32> to vector<16xf32>
        %swap3A_118 = vector.shape_cast %mul3A_113 : vector<16xf32> to vector<1x16xf32>
        tpu.vector_store %arg13[%swap3A_114, %swap3A_115], %swap3A_118 {strides = array<i32>} : memref<112x128xf32, #tpu.memory_space<vmem>>, vector<1x16xf32>,
        %get3A_119 = arith.index_cast %scan3A_91 : i32 to index
        %get3A_120 = arith.constant 32 : index
        %get3A_121 = tpu.vector_load %arg12[%get3A_119, %get3A_120] {strides = array<i32>} : memref<112x128xf32, #tpu.memory_space<vmem>>, vector<1x16xf32>,
        %get3A_122 = vector.shape_cast %get3A_121 : vector<1x16xf32> to vector<16xf32>
        %get3A_123 = arith.index_cast %scan3A_91 : i32 to index
        %get3A_124 = arith.constant 32 : index
        %get3A_125 = tpu.vector_load %arg13[%get3A_123, %get3A_124] {strides = array<i32>} : memref<112x128xf32, #tpu.memory_space<vmem>>, vector<1x16xf32>,
        %get3A_126 = vector.shape_cast %get3A_125 : vector<1x16xf32> to vector<16xf32>
        %mul3A_127 = arith.mulf %get3A_122, %get3A_126 : vector<16xf32>
        %swap3A_128 = arith.index_cast %scan3A_91 : i32 to index
        %swap3A_129 = arith.constant 32 : index
        %swap3A_130 = tpu.vector_load %arg13[%swap3A_128, %swap3A_129] {strides = array<i32>} : memref<112x128xf32, #tpu.memory_space<vmem>>, vector<1x16xf32>,
        %swap3A_131 = vector.shape_cast %swap3A_130 : vector<1x16xf32> to vector<16xf32>
        %swap3A_132 = vector.shape_cast %mul3A_127 : vector<16xf32> to vector<1x16xf32>
        tpu.vector_store %arg13[%swap3A_128, %swap3A_129], %swap3A_132 {strides = array<i32>} : memref<112x128xf32, #tpu.memory_space<vmem>>, vector<1x16xf32>,
        %get3A_133 = arith.index_cast %scan3A_91 : i32 to index
        %get3A_134 = arith.constant 48 : index
        %get3A_135 = tpu.vector_load %arg12[%get3A_133, %get3A_134] {strides = array<i32>} : memref<112x128xf32, #tpu.memory_space<vmem>>, vector<1x16xf32>,
        %get3A_136 = vector.shape_cast %get3A_135 : vector<1x16xf32> to vector<16xf32>
        %get3A_137 = arith.index_cast %scan3A_91 : i32 to index
        %get3A_138 = arith.constant 48 : index
        %get3A_139 = tpu.vector_load %arg13[%get3A_137, %get3A_138] {strides = array<i32>} : memref<112x128xf32, #tpu.memory_space<vmem>>, vector<1x16xf32>,
        %get3A_140 = vector.shape_cast %get3A_139 : vector<1x16xf32> to vector<16xf32>
        %mul3A_141 = arith.mulf %get3A_136, %get3A_140 : vector<16xf32>
        %swap3A_142 = arith.index_cast %scan3A_91 : i32 to index
        %swap3A_143 = arith.constant 48 : index
        %swap3A_144 = tpu.vector_load %arg13[%swap3A_142, %swap3A_143] {strides = array<i32>} : memref<112x128xf32, #tpu.memory_space<vmem>>, vector<1x16xf32>,
        %swap3A_145 = vector.shape_cast %swap3A_144 : vector<1x16xf32> to vector<16xf32>
        %swap3A_146 = vector.shape_cast %mul3A_141 : vector<16xf32> to vector<1x16xf32>
        tpu.vector_store %arg13[%swap3A_142, %swap3A_143], %swap3A_146 {strides = array<i32>} : memref<112x128xf32, #tpu.memory_space<vmem>>, vector<1x16xf32>,
        %get3A_147 = arith.index_cast %scan3A_91 : i32 to index
        %get3A_148 = arith.constant 64 : index
        %get3A_149 = tpu.vector_load %arg12[%get3A_147, %get3A_148] {strides = array<i32>} : memref<112x128xf32, #tpu.memory_space<vmem>>, vector<1x16xf32>,
        %get3A_150 = vector.shape_cast %get3A_149 : vector<1x16xf32> to vector<16xf32>
        %get3A_151 = arith.index_cast %scan3A_91 : i32 to index
        %get3A_152 = arith.constant 64 : index
        %get3A_153 = tpu.vector_load %arg13[%get3A_151, %get3A_152] {strides = array<i32>} : memref<112x128xf32, #tpu.memory_space<vmem>>, vector<1x16xf32>,
        %get3A_154 = vector.shape_cast %get3A_153 : vector<1x16xf32> to vector<16xf32>
        %mul3A_155 = arith.mulf %get3A_150, %get3A_154 : vector<16xf32>
        %swap3A_156 = arith.index_cast %scan3A_91 : i32 to index
        %swap3A_157 = arith.constant 64 : index
        %swap3A_158 = tpu.vector_load %arg13[%swap3A_156, %swap3A_157] {strides = array<i32>} : memref<112x128xf32, #tpu.memory_space<vmem>>, vector<1x16xf32>,
        %swap3A_159 = vector.shape_cast %swap3A_158 : vector<1x16xf32> to vector<16xf32>
        %swap3A_160 = vector.shape_cast %mul3A_155 : vector<16xf32> to vector<1x16xf32>
        tpu.vector_store %arg13[%swap3A_156, %swap3A_157], %swap3A_160 {strides = array<i32>} : memref<112x128xf32, #tpu.memory_space<vmem>>, vector<1x16xf32>,
        %get3A_161 = arith.index_cast %scan3A_91 : i32 to index
        %get3A_162 = arith.constant 80 : index
        %get3A_163 = tpu.vector_load %arg12[%get3A_161, %get3A_162] {strides = array<i32>} : memref<112x128xf32, #tpu.memory_space<vmem>>, vector<1x16xf32>,
        %get3A_164 = vector.shape_cast %get3A_163 : vector<1x16xf32> to vector<16xf32>
        %get3A_165 = arith.index_cast %scan3A_91 : i32 to index
        %get3A_166 = arith.constant 80 : index
        %get3A_167 = tpu.vector_load %arg13[%get3A_165, %get3A_166] {strides = array<i32>} : memref<112x128xf32, #tpu.memory_space<vmem>>, vector<1x16xf32>,
        %get3A_168 = vector.shape_cast %get3A_167 : vector<1x16xf32> to vector<16xf32>
        %mul3A_169 = arith.mulf %get3A_164, %get3A_168 : vector<16xf32>
        %swap3A_170 = arith.index_cast %scan3A_91 : i32 to index
        %swap3A_171 = arith.constant 80 : index
        %swap3A_172 = tpu.vector_load %arg13[%swap3A_170, %swap3A_171] {strides = array<i32>} : memref<112x128xf32, #tpu.memory_space<vmem>>, vector<1x16xf32>,
        %swap3A_173 = vector.shape_cast %swap3A_172 : vector<1x16xf32> to vector<16xf32>
        %swap3A_174 = vector.shape_cast %mul3A_169 : vector<16xf32> to vector<1x16xf32>
        tpu.vector_store %arg13[%swap3A_170, %swap3A_171], %swap3A_174 {strides = array<i32>} : memref<112x128xf32, #tpu.memory_space<vmem>>, vector<1x16xf32>,
        %get3A_175 = arith.index_cast %scan3A_91 : i32 to index
        %get3A_176 = arith.constant 96 : index
        %get3A_177 = tpu.vector_load %arg12[%get3A_175, %get3A_176] {strides = array<i32>} : memref<112x128xf32, #tpu.memory_space<vmem>>, vector<1x16xf32>,
        %get3A_178 = vector.shape_cast %get3A_177 : vector<1x16xf32> to vector<16xf32>
        %get3A_179 = arith.index_cast %scan3A_91 : i32 to index
        %get3A_180 = arith.constant 96 : index
        %get3A_181 = tpu.vector_load %arg13[%get3A_179, %get3A_180] {strides = array<i32>} : memref<112x128xf32, #tpu.memory_space<vmem>>, vector<1x16xf32>,
        %get3A_182 = vector.shape_cast %get3A_181 : vector<1x16xf32> to vector<16xf32>
        %mul3A_183 = arith.mulf %get3A_178, %get3A_182 : vector<16xf32>
        %swap3A_184 = arith.index_cast %scan3A_91 : i32 to index
        %swap3A_185 = arith.constant 96 : index
        %swap3A_186 = tpu.vector_load %arg13[%swap3A_184, %swap3A_185] {strides = array<i32>} : memref<112x128xf32, #tpu.memory_space<vmem>>, vector<1x16xf32>,
        %swap3A_187 = vector.shape_cast %swap3A_186 : vector<1x16xf32> to vector<16xf32>
        %swap3A_188 = vector.shape_cast %mul3A_183 : vector<16xf32> to vector<1x16xf32>
        tpu.vector_store %arg13[%swap3A_184, %swap3A_185], %swap3A_188 {strides = array<i32>} : memref<112x128xf32, #tpu.memory_space<vmem>>, vector<1x16xf32>,
        %get3A_189 = arith.index_cast %scan3A_91 : i32 to index
        %get3A_190 = arith.constant 112 : index
        %get3A_191 = tpu.vector_load %arg12[%get3A_189, %get3A_190] {strides = array<i32>} : memref<112x128xf32, #tpu.memory_space<vmem>>, vector<1x16xf32>,
        %get3A_192 = vector.shape_cast %get3A_191 : vector<1x16xf32> to vector<16xf32>
        %get3A_193 = arith.index_cast %scan3A_91 : i32 to index
        %get3A_194 = arith.constant 112 : index
        %get3A_195 = tpu.vector_load %arg13[%get3A_193, %get3A_194] {strides = array<i32>} : memref<112x128xf32, #tpu.memory_space<vmem>>, vector<1x16xf32>,
        %get3A_196 = vector.shape_cast %get3A_195 : vector<1x16xf32> to vector<16xf32>
        %mul3A_197 = arith.mulf %get3A_192, %get3A_196 : vector<16xf32>
        %swap3A_198 = arith.index_cast %scan3A_91 : i32 to index
        %swap3A_199 = arith.constant 112 : index
        %swap3A_200 = tpu.vector_load %arg13[%swap3A_198, %swap3A_199] {strides = array<i32>} : memref<112x128xf32, #tpu.memory_space<vmem>>, vector<1x16xf32>,
        %swap3A_201 = vector.shape_cast %swap3A_200 : vector<1x16xf32> to vector<16xf32>
        %swap3A_202 = vector.shape_cast %mul3A_197 : vector<16xf32> to vector<1x16xf32>
        tpu.vector_store %arg13[%swap3A_198, %swap3A_199], %swap3A_202 {strides = array<i32>} : memref<112x128xf32, #tpu.memory_space<vmem>>, vector<1x16xf32>,
        %scan3A_203 = arith.constant 0 : i32
        scf.yield %scan3A_203 : i32
      }
      %scan3A_82 = arith.constant 32 : i32
      "tpu.region"() ({
        %run_scoped3A = tpu.sem_alloc : memref<!tpu.dma_semaphore, #tpu.memory_space<semaphore_mem>>
        %dma_start3A_91 = arith.constant 0 : i32
        %dma_start3A_92 = arith.constant 0 : i32
        %dma_start3A_93 = tpu.memref_slice %arg13[%dma_start3A_91, %dma_start3A_92] : memref<112x128xf32, #tpu.memory_space<vmem>> -> memref<32x128xf32, #tpu.memory_space<vmem>>
        %dma_start3A_94 = arith.constant 0 : i32
        %dma_start3A_95 = tpu.memref_slice %arg8[%sub3A_0, %add3A, %dma_start3A_94] : memref<2x5120x128xf32, #tpu.memory_space<hbm>> -> memref<1x32x128xf32, #tpu.memory_space<hbm>>
        %dma_start3A_96 = tpu.memref_squeeze %dma_start3A_95 : memref<1x32x128xf32, #tpu.memory_space<hbm>> -> memref<32x128xf32, #tpu.memory_space<hbm>>
        %dma_start3A_97 = arith.constant 0 : i32
        %dma_start3A_98 = tpu.memref_slice %arg8[%sub3A_0, %add3A, %dma_start3A_97] : memref<2x5120x128xf32, #tpu.memory_space<hbm>> -> memref<1x32x128xf32, #tpu.memory_space<hbm>>
        %dma_start3A_99 = tpu.memref_squeeze %dma_start3A_98 : memref<1x32x128xf32, #tpu.memory_space<hbm>> -> memref<32x128xf32, #tpu.memory_space<hbm>>
        %dma_start3A_100 = arith.constant 0 : i32
        %dma_start3A_101 = arith.constant 0 : i32
        %dma_start3A_102 = tpu.memref_slice %arg13[%dma_start3A_100, %dma_start3A_101] : memref<112x128xf32, #tpu.memory_space<vmem>> -> memref<32x128xf32, #tpu.memory_space<vmem>>
        tpu.enqueue_dma source(%dma_start3A_102 : memref<32x128xf32, #tpu.memory_space<vmem>>) target(%dma_start3A_99 : memref<32x128xf32, #tpu.memory_space<hbm>>) target_semaphore(%run_scoped3A : memref<!tpu.dma_semaphore, #tpu.memory_space<semaphore_mem>>)
        %dma_wait3A_103 = arith.constant 0 : i32
        %dma_wait3A_104 = arith.constant 0 : i32
        %dma_wait3A_105 = tpu.memref_slice %arg13[%dma_wait3A_103, %dma_wait3A_104] : memref<112x128xf32, #tpu.memory_space<vmem>> -> memref<32x128xf32, #tpu.memory_space<vmem>>
        %dma_wait3A_106 = arith.constant 0 : i32
        %dma_wait3A_107 = tpu.memref_slice %arg8[%sub3A_0, %add3A, %dma_wait3A_106] : memref<2x5120x128xf32, #tpu.memory_space<hbm>> -> memref<1x32x128xf32, #tpu.memory_space<hbm>>
        %dma_wait3A_108 = tpu.memref_squeeze %dma_wait3A_107 : memref<1x32x128xf32, #tpu.memory_space<hbm>> -> memref<32x128xf32, #tpu.memory_space<hbm>>
        %dma_wait3A_109 = arith.constant 0 : i32
        %dma_wait3A_110 = tpu.memref_slice %arg8[%sub3A_0, %add3A, %dma_wait3A_109] : memref<2x5120x128xf32, #tpu.memory_space<hbm>> -> memref<1x32x128xf32, #tpu.memory_space<hbm>>
        %dma_wait3A_111 = tpu.memref_squeeze %dma_wait3A_110 : memref<1x32x128xf32, #tpu.memory_space<hbm>> -> memref<32x128xf32, #tpu.memory_space<hbm>>
        %dma_wait3A_112 = arith.constant 0 : i32
        %dma_wait3A_113 = arith.constant 0 : i32
        %dma_wait3A_114 = tpu.memref_slice %arg13[%dma_wait3A_112, %dma_wait3A_113] : memref<112x128xf32, #tpu.memory_space<vmem>> -> memref<32x128xf32, #tpu.memory_space<vmem>>
        tpu.wait_dma2 semaphore(%run_scoped3A : memref<!tpu.dma_semaphore, #tpu.memory_space<semaphore_mem>>) src(%dma_wait3A_114 : memref<32x128xf32, #tpu.memory_space<vmem>>) dst(%dma_wait3A_111 : memref<32x128xf32, #tpu.memory_space<hbm>>)
        tpu.yield
      }) : () -> ()
      "tpu.region"() ({
        %run_scoped3A = tpu.sem_alloc : memref<!tpu.dma_semaphore, #tpu.memory_space<semaphore_mem>>
        %dma_start3A_91 = arith.constant 0 : i32
        %dma_start3A_92 = arith.constant 0 : i32
        %dma_start3A_93 = tpu.memref_slice %arg13[%dma_start3A_91, %dma_start3A_92] : memref<112x128xf32, #tpu.memory_space<vmem>> -> memref<32x128xf32, #tpu.memory_space<vmem>>
        %dma_start3A_94 = arith.constant 0 : i32
        %dma_start3A_95 = tpu.memref_slice %arg6[%sub3A_0, %add3A, %dma_start3A_94] : memref<2x5120x128xf32, #tpu.memory_space<hbm>> -> memref<1x32x128xf32, #tpu.memory_space<hbm>>
        %dma_start3A_96 = tpu.memref_squeeze %dma_start3A_95 : memref<1x32x128xf32, #tpu.memory_space<hbm>> -> memref<32x128xf32, #tpu.memory_space<hbm>>
        %dma_start3A_97 = arith.constant 0 : i32
        %dma_start3A_98 = arith.constant 0 : i32
        %dma_start3A_99 = tpu.memref_slice %arg13[%dma_start3A_97, %dma_start3A_98] : memref<112x128xf32, #tpu.memory_space<vmem>> -> memref<32x128xf32, #tpu.memory_space<vmem>>
        %dma_start3A_100 = arith.constant 0 : i32
        %dma_start3A_101 = tpu.memref_slice %arg6[%sub3A_0, %add3A, %dma_start3A_100] : memref<2x5120x128xf32, #tpu.memory_space<hbm>> -> memref<1x32x128xf32, #tpu.memory_space<hbm>>
        %dma_start3A_102 = tpu.memref_squeeze %dma_start3A_101 : memref<1x32x128xf32, #tpu.memory_space<hbm>> -> memref<32x128xf32, #tpu.memory_space<hbm>>
        tpu.enqueue_dma source(%dma_start3A_102 : memref<32x128xf32, #tpu.memory_space<hbm>>) target(%dma_start3A_99 : memref<32x128xf32, #tpu.memory_space<vmem>>) target_semaphore(%run_scoped3A : memref<!tpu.dma_semaphore, #tpu.memory_space<semaphore_mem>>)
        %dma_wait3A_103 = arith.constant 0 : i32
        %dma_wait3A_104 = arith.constant 0 : i32
        %dma_wait3A_105 = tpu.memref_slice %arg13[%dma_wait3A_103, %dma_wait3A_104] : memref<112x128xf32, #tpu.memory_space<vmem>> -> memref<32x128xf32, #tpu.memory_space<vmem>>
        %dma_wait3A_106 = arith.constant 0 : i32
        %dma_wait3A_107 = tpu.memref_slice %arg6[%sub3A_0, %add3A, %dma_wait3A_106] : memref<2x5120x128xf32, #tpu.memory_space<hbm>> -> memref<1x32x128xf32, #tpu.memory_space<hbm>>
        %dma_wait3A_108 = tpu.memref_squeeze %dma_wait3A_107 : memref<1x32x128xf32, #tpu.memory_space<hbm>> -> memref<32x128xf32, #tpu.memory_space<hbm>>
        %dma_wait3A_109 = arith.constant 0 : i32
        %dma_wait3A_110 = arith.constant 0 : i32
        %dma_wait3A_111 = tpu.memref_slice %arg13[%dma_wait3A_109, %dma_wait3A_110] : memref<112x128xf32, #tpu.memory_space<vmem>> -> memref<32x128xf32, #tpu.memory_space<vmem>>
        %dma_wait3A_112 = arith.constant 0 : i32
        %dma_wait3A_113 = tpu.memref_slice %arg6[%sub3A_0, %add3A, %dma_wait3A_112] : memref<2x5120x128xf32, #tpu.memory_space<hbm>> -> memref<1x32x128xf32, #tpu.memory_space<hbm>>
        %dma_wait3A_114 = tpu.memref_squeeze %dma_wait3A_113 : memref<1x32x128xf32, #tpu.memory_space<hbm>> -> memref<32x128xf32, #tpu.memory_space<hbm>>
        tpu.wait_dma2 semaphore(%run_scoped3A : memref<!tpu.dma_semaphore, #tpu.memory_space<semaphore_mem>>) src(%dma_wait3A_114 : memref<32x128xf32, #tpu.memory_space<hbm>>) dst(%dma_wait3A_111 : memref<32x128xf32, #tpu.memory_space<vmem>>)
        tpu.yield
      }) : () -> ()
      "tpu.region"() ({
        %run_scoped3A = tpu.sem_alloc : memref<!tpu.dma_semaphore, #tpu.memory_space<semaphore_mem>>
        %dma_start3A_91 = arith.constant 0 : i32
        %dma_start3A_92 = arith.constant 0 : i32
        %dma_start3A_93 = tpu.memref_slice %arg14[%dma_start3A_91, %dma_start3A_92] : memref<112x128xf32, #tpu.memory_space<vmem>> -> memref<32x128xf32, #tpu.memory_space<vmem>>
        %dma_start3A_94 = arith.constant 0 : i32
        %dma_start3A_95 = tpu.memref_slice %arg3[%sub3A_0, %add3A, %dma_start3A_94] : memref<2x5120x128xf32, #tpu.memory_space<hbm>> -> memref<1x32x128xf32, #tpu.memory_space<hbm>>
        %dma_start3A_96 = tpu.memref_squeeze %dma_start3A_95 : memref<1x32x128xf32, #tpu.memory_space<hbm>> -> memref<32x128xf32, #tpu.memory_space<hbm>>
        %dma_start3A_97 = arith.constant 0 : i32
        %dma_start3A_98 = arith.constant 0 : i32
        %dma_start3A_99 = tpu.memref_slice %arg14[%dma_start3A_97, %dma_start3A_98] : memref<112x128xf32, #tpu.memory_space<vmem>> -> memref<32x128xf32, #tpu.memory_space<vmem>>
        %dma_start3A_100 = arith.constant 0 : i32
        %dma_start3A_101 = tpu.memref_slice %arg3[%sub3A_0, %add3A, %dma_start3A_100] : memref<2x5120x128xf32, #tpu.memory_space<hbm>> -> memref<1x32x128xf32, #tpu.memory_space<hbm>>
        %dma_start3A_102 = tpu.memref_squeeze %dma_start3A_101 : memref<1x32x128xf32, #tpu.memory_space<hbm>> -> memref<32x128xf32, #tpu.memory_space<hbm>>
        tpu.enqueue_dma source(%dma_start3A_102 : memref<32x128xf32, #tpu.memory_space<hbm>>) target(%dma_start3A_99 : memref<32x128xf32, #tpu.memory_space<vmem>>) target_semaphore(%run_scoped3A : memref<!tpu.dma_semaphore, #tpu.memory_space<semaphore_mem>>)
        %dma_wait3A_103 = arith.constant 0 : i32
        %dma_wait3A_104 = arith.constant 0 : i32
        %dma_wait3A_105 = tpu.memref_slice %arg14[%dma_wait3A_103, %dma_wait3A_104] : memref<112x128xf32, #tpu.memory_space<vmem>> -> memref<32x128xf32, #tpu.memory_space<vmem>>
        %dma_wait3A_106 = arith.constant 0 : i32
        %dma_wait3A_107 = tpu.memref_slice %arg3[%sub3A_0, %add3A, %dma_wait3A_106] : memref<2x5120x128xf32, #tpu.memory_space<hbm>> -> memref<1x32x128xf32, #tpu.memory_space<hbm>>
        %dma_wait3A_108 = tpu.memref_squeeze %dma_wait3A_107 : memref<1x32x128xf32, #tpu.memory_space<hbm>> -> memref<32x128xf32, #tpu.memory_space<hbm>>
        %dma_wait3A_109 = arith.constant 0 : i32
        %dma_wait3A_110 = arith.constant 0 : i32
        %dma_wait3A_111 = tpu.memref_slice %arg14[%dma_wait3A_109, %dma_wait3A_110] : memref<112x128xf32, #tpu.memory_space<vmem>> -> memref<32x128xf32, #tpu.memory_space<vmem>>
        %dma_wait3A_112 = arith.constant 0 : i32
        %dma_wait3A_113 = tpu.memref_slice %arg3[%sub3A_0, %add3A, %dma_wait3A_112] : memref<2x5120x128xf32, #tpu.memory_space<hbm>> -> memref<1x32x128xf32, #tpu.memory_space<hbm>>
        %dma_wait3A_114 = tpu.memref_squeeze %dma_wait3A_113 : memref<1x32x128xf32, #tpu.memory_space<hbm>> -> memref<32x128xf32, #tpu.memory_space<hbm>>
        tpu.wait_dma2 semaphore(%run_scoped3A : memref<!tpu.dma_semaphore, #tpu.memory_space<semaphore_mem>>) src(%dma_wait3A_114 : memref<32x128xf32, #tpu.memory_space<hbm>>) dst(%dma_wait3A_111 : memref<32x128xf32, #tpu.memory_space<vmem>>)
        tpu.yield
      }) : () -> ()
      %scan3A_83 = arith.constant 0 : i32
      %scan3A_84 = arith.constant 0 : i32
      %scan3A_85 = arith.constant 32 : i32
      %scan3A_86 = arith.addi %scan3A_84, %scan3A_85 : i32
      %scan3A_87 = arith.constant 1 : i32
      %scan3A_88 = scf.for %scan3A_91 = %scan3A_84 to %scan3A_86 step %scan3A_87 iter_args(%scan3A_92 = %scan3A_83) -> (i32)  : i32 {
        %get3A = arith.index_cast %scan3A_91 : i32 to index
        %get3A_93 = arith.constant 0 : index
        %get3A_94 = tpu.vector_load %arg14[%get3A, %get3A_93] {strides = array<i32>} : memref<112x128xf32, #tpu.memory_space<vmem>>, vector<1x16xf32>,
        %get3A_95 = vector.shape_cast %get3A_94 : vector<1x16xf32> to vector<16xf32>
        %get3A_96 = arith.index_cast %scan3A_91 : i32 to index
        %get3A_97 = arith.constant 0 : index
        %get3A_98 = tpu.vector_load %arg12[%get3A_96, %get3A_97] {strides = array<i32>} : memref<112x128xf32, #tpu.memory_space<vmem>>, vector<1x16xf32>,
        %get3A_99 = vector.shape_cast %get3A_98 : vector<1x16xf32> to vector<16xf32>
        %get3A_100 = arith.index_cast %scan3A_91 : i32 to index
        %get3A_101 = arith.constant 0 : index
        %get3A_102 = tpu.vector_load %arg13[%get3A_100, %get3A_101] {strides = array<i32>} : memref<112x128xf32, #tpu.memory_space<vmem>>, vector<1x16xf32>,
        %get3A_103 = vector.shape_cast %get3A_102 : vector<1x16xf32> to vector<16xf32>
        %mul3A_104 = arith.mulf %get3A_99, %get3A_103 : vector<16xf32>
        %add3A_105 = arith.addf %get3A_95, %mul3A_104 : vector<16xf32>
        %swap3A = arith.index_cast %scan3A_91 : i32 to index
        %swap3A_106 = arith.constant 0 : index
        %swap3A_107 = tpu.vector_load %arg14[%swap3A, %swap3A_106] {strides = array<i32>} : memref<112x128xf32, #tpu.memory_space<vmem>>, vector<1x16xf32>,
        %swap3A_108 = vector.shape_cast %swap3A_107 : vector<1x16xf32> to vector<16xf32>
        %swap3A_109 = vector.shape_cast %add3A_105 : vector<16xf32> to vector<1x16xf32>
        tpu.vector_store %arg14[%swap3A, %swap3A_106], %swap3A_109 {strides = array<i32>} : memref<112x128xf32, #tpu.memory_space<vmem>>, vector<1x16xf32>,
        %get3A_110 = arith.index_cast %scan3A_91 : i32 to index
        %get3A_111 = arith.constant 16 : index
        %get3A_112 = tpu.vector_load %arg14[%get3A_110, %get3A_111] {strides = array<i32>} : memref<112x128xf32, #tpu.memory_space<vmem>>, vector<1x16xf32>,
        %get3A_113 = vector.shape_cast %get3A_112 : vector<1x16xf32> to vector<16xf32>
        %get3A_114 = arith.index_cast %scan3A_91 : i32 to index
        %get3A_115 = arith.constant 16 : index
        %get3A_116 = tpu.vector_load %arg12[%get3A_114, %get3A_115] {strides = array<i32>} : memref<112x128xf32, #tpu.memory_space<vmem>>, vector<1x16xf32>,
        %get3A_117 = vector.shape_cast %get3A_116 : vector<1x16xf32> to vector<16xf32>
        %get3A_118 = arith.index_cast %scan3A_91 : i32 to index
        %get3A_119 = arith.constant 16 : index
        %get3A_120 = tpu.vector_load %arg13[%get3A_118, %get3A_119] {strides = array<i32>} : memref<112x128xf32, #tpu.memory_space<vmem>>, vector<1x16xf32>,
        %get3A_121 = vector.shape_cast %get3A_120 : vector<1x16xf32> to vector<16xf32>
        %mul3A_122 = arith.mulf %get3A_117, %get3A_121 : vector<16xf32>
        %add3A_123 = arith.addf %get3A_113, %mul3A_122 : vector<16xf32>
        %swap3A_124 = arith.index_cast %scan3A_91 : i32 to index
        %swap3A_125 = arith.constant 16 : index
        %swap3A_126 = tpu.vector_load %arg14[%swap3A_124, %swap3A_125] {strides = array<i32>} : memref<112x128xf32, #tpu.memory_space<vmem>>, vector<1x16xf32>,
        %swap3A_127 = vector.shape_cast %swap3A_126 : vector<1x16xf32> to vector<16xf32>
        %swap3A_128 = vector.shape_cast %add3A_123 : vector<16xf32> to vector<1x16xf32>
        tpu.vector_store %arg14[%swap3A_124, %swap3A_125], %swap3A_128 {strides = array<i32>} : memref<112x128xf32, #tpu.memory_space<vmem>>, vector<1x16xf32>,
        %get3A_129 = arith.index_cast %scan3A_91 : i32 to index
        %get3A_130 = arith.constant 32 : index
        %get3A_131 = tpu.vector_load %arg14[%get3A_129, %get3A_130] {strides = array<i32>} : memref<112x128xf32, #tpu.memory_space<vmem>>, vector<1x16xf32>,
        %get3A_132 = vector.shape_cast %get3A_131 : vector<1x16xf32> to vector<16xf32>
        %get3A_133 = arith.index_cast %scan3A_91 : i32 to index
        %get3A_134 = arith.constant 32 : index
        %get3A_135 = tpu.vector_load %arg12[%get3A_133, %get3A_134] {strides = array<i32>} : memref<112x128xf32, #tpu.memory_space<vmem>>, vector<1x16xf32>,
        %get3A_136 = vector.shape_cast %get3A_135 : vector<1x16xf32> to vector<16xf32>
        %get3A_137 = arith.index_cast %scan3A_91 : i32 to index
        %get3A_138 = arith.constant 32 : index
        %get3A_139 = tpu.vector_load %arg13[%get3A_137, %get3A_138] {strides = array<i32>} : memref<112x128xf32, #tpu.memory_space<vmem>>, vector<1x16xf32>,
        %get3A_140 = vector.shape_cast %get3A_139 : vector<1x16xf32> to vector<16xf32>
        %mul3A_141 = arith.mulf %get3A_136, %get3A_140 : vector<16xf32>
        %add3A_142 = arith.addf %get3A_132, %mul3A_141 : vector<16xf32>
        %swap3A_143 = arith.index_cast %scan3A_91 : i32 to index
        %swap3A_144 = arith.constant 32 : index
        %swap3A_145 = tpu.vector_load %arg14[%swap3A_143, %swap3A_144] {strides = array<i32>} : memref<112x128xf32, #tpu.memory_space<vmem>>, vector<1x16xf32>,
        %swap3A_146 = vector.shape_cast %swap3A_145 : vector<1x16xf32> to vector<16xf32>
        %swap3A_147 = vector.shape_cast %add3A_142 : vector<16xf32> to vector<1x16xf32>
        tpu.vector_store %arg14[%swap3A_143, %swap3A_144], %swap3A_147 {strides = array<i32>} : memref<112x128xf32, #tpu.memory_space<vmem>>, vector<1x16xf32>,
        %get3A_148 = arith.index_cast %scan3A_91 : i32 to index
        %get3A_149 = arith.constant 48 : index
        %get3A_150 = tpu.vector_load %arg14[%get3A_148, %get3A_149] {strides = array<i32>} : memref<112x128xf32, #tpu.memory_space<vmem>>, vector<1x16xf32>,
        %get3A_151 = vector.shape_cast %get3A_150 : vector<1x16xf32> to vector<16xf32>
        %get3A_152 = arith.index_cast %scan3A_91 : i32 to index
        %get3A_153 = arith.constant 48 : index
        %get3A_154 = tpu.vector_load %arg12[%get3A_152, %get3A_153] {strides = array<i32>} : memref<112x128xf32, #tpu.memory_space<vmem>>, vector<1x16xf32>,
        %get3A_155 = vector.shape_cast %get3A_154 : vector<1x16xf32> to vector<16xf32>
        %get3A_156 = arith.index_cast %scan3A_91 : i32 to index
        %get3A_157 = arith.constant 48 : index
        %get3A_158 = tpu.vector_load %arg13[%get3A_156, %get3A_157] {strides = array<i32>} : memref<112x128xf32, #tpu.memory_space<vmem>>, vector<1x16xf32>,
        %get3A_159 = vector.shape_cast %get3A_158 : vector<1x16xf32> to vector<16xf32>
        %mul3A_160 = arith.mulf %get3A_155, %get3A_159 : vector<16xf32>
        %add3A_161 = arith.addf %get3A_151, %mul3A_160 : vector<16xf32>
        %swap3A_162 = arith.index_cast %scan3A_91 : i32 to index
        %swap3A_163 = arith.constant 48 : index
        %swap3A_164 = tpu.vector_load %arg14[%swap3A_162, %swap3A_163] {strides = array<i32>} : memref<112x128xf32, #tpu.memory_space<vmem>>, vector<1x16xf32>,
        %swap3A_165 = vector.shape_cast %swap3A_164 : vector<1x16xf32> to vector<16xf32>
        %swap3A_166 = vector.shape_cast %add3A_161 : vector<16xf32> to vector<1x16xf32>
        tpu.vector_store %arg14[%swap3A_162, %swap3A_163], %swap3A_166 {strides = array<i32>} : memref<112x128xf32, #tpu.memory_space<vmem>>, vector<1x16xf32>,
        %get3A_167 = arith.index_cast %scan3A_91 : i32 to index
        %get3A_168 = arith.constant 64 : index
        %get3A_169 = tpu.vector_load %arg14[%get3A_167, %get3A_168] {strides = array<i32>} : memref<112x128xf32, #tpu.memory_space<vmem>>, vector<1x16xf32>,
        %get3A_170 = vector.shape_cast %get3A_169 : vector<1x16xf32> to vector<16xf32>
        %get3A_171 = arith.index_cast %scan3A_91 : i32 to index
        %get3A_172 = arith.constant 64 : index
        %get3A_173 = tpu.vector_load %arg12[%get3A_171, %get3A_172] {strides = array<i32>} : memref<112x128xf32, #tpu.memory_space<vmem>>, vector<1x16xf32>,
        %get3A_174 = vector.shape_cast %get3A_173 : vector<1x16xf32> to vector<16xf32>
        %get3A_175 = arith.index_cast %scan3A_91 : i32 to index
        %get3A_176 = arith.constant 64 : index
        %get3A_177 = tpu.vector_load %arg13[%get3A_175, %get3A_176] {strides = array<i32>} : memref<112x128xf32, #tpu.memory_space<vmem>>, vector<1x16xf32>,
        %get3A_178 = vector.shape_cast %get3A_177 : vector<1x16xf32> to vector<16xf32>
        %mul3A_179 = arith.mulf %get3A_174, %get3A_178 : vector<16xf32>
        %add3A_180 = arith.addf %get3A_170, %mul3A_179 : vector<16xf32>
        %swap3A_181 = arith.index_cast %scan3A_91 : i32 to index
        %swap3A_182 = arith.constant 64 : index
        %swap3A_183 = tpu.vector_load %arg14[%swap3A_181, %swap3A_182] {strides = array<i32>} : memref<112x128xf32, #tpu.memory_space<vmem>>, vector<1x16xf32>,
        %swap3A_184 = vector.shape_cast %swap3A_183 : vector<1x16xf32> to vector<16xf32>
        %swap3A_185 = vector.shape_cast %add3A_180 : vector<16xf32> to vector<1x16xf32>
        tpu.vector_store %arg14[%swap3A_181, %swap3A_182], %swap3A_185 {strides = array<i32>} : memref<112x128xf32, #tpu.memory_space<vmem>>, vector<1x16xf32>,
        %get3A_186 = arith.index_cast %scan3A_91 : i32 to index
        %get3A_187 = arith.constant 80 : index
        %get3A_188 = tpu.vector_load %arg14[%get3A_186, %get3A_187] {strides = array<i32>} : memref<112x128xf32, #tpu.memory_space<vmem>>, vector<1x16xf32>,
        %get3A_189 = vector.shape_cast %get3A_188 : vector<1x16xf32> to vector<16xf32>
        %get3A_190 = arith.index_cast %scan3A_91 : i32 to index
        %get3A_191 = arith.constant 80 : index
        %get3A_192 = tpu.vector_load %arg12[%get3A_190, %get3A_191] {strides = array<i32>} : memref<112x128xf32, #tpu.memory_space<vmem>>, vector<1x16xf32>,
        %get3A_193 = vector.shape_cast %get3A_192 : vector<1x16xf32> to vector<16xf32>
        %get3A_194 = arith.index_cast %scan3A_91 : i32 to index
        %get3A_195 = arith.constant 80 : index
        %get3A_196 = tpu.vector_load %arg13[%get3A_194, %get3A_195] {strides = array<i32>} : memref<112x128xf32, #tpu.memory_space<vmem>>, vector<1x16xf32>,
        %get3A_197 = vector.shape_cast %get3A_196 : vector<1x16xf32> to vector<16xf32>
        %mul3A_198 = arith.mulf %get3A_193, %get3A_197 : vector<16xf32>
        %add3A_199 = arith.addf %get3A_189, %mul3A_198 : vector<16xf32>
        %swap3A_200 = arith.index_cast %scan3A_91 : i32 to index
        %swap3A_201 = arith.constant 80 : index
        %swap3A_202 = tpu.vector_load %arg14[%swap3A_200, %swap3A_201] {strides = array<i32>} : memref<112x128xf32, #tpu.memory_space<vmem>>, vector<1x16xf32>,
        %swap3A_203 = vector.shape_cast %swap3A_202 : vector<1x16xf32> to vector<16xf32>
        %swap3A_204 = vector.shape_cast %add3A_199 : vector<16xf32> to vector<1x16xf32>
        tpu.vector_store %arg14[%swap3A_200, %swap3A_201], %swap3A_204 {strides = array<i32>} : memref<112x128xf32, #tpu.memory_space<vmem>>, vector<1x16xf32>,
        %get3A_205 = arith.index_cast %scan3A_91 : i32 to index
        %get3A_206 = arith.constant 96 : index
        %get3A_207 = tpu.vector_load %arg14[%get3A_205, %get3A_206] {strides = array<i32>} : memref<112x128xf32, #tpu.memory_space<vmem>>, vector<1x16xf32>,
        %get3A_208 = vector.shape_cast %get3A_207 : vector<1x16xf32> to vector<16xf32>
        %get3A_209 = arith.index_cast %scan3A_91 : i32 to index
        %get3A_210 = arith.constant 96 : index
        %get3A_211 = tpu.vector_load %arg12[%get3A_209, %get3A_210] {strides = array<i32>} : memref<112x128xf32, #tpu.memory_space<vmem>>, vector<1x16xf32>,
        %get3A_212 = vector.shape_cast %get3A_211 : vector<1x16xf32> to vector<16xf32>
        %get3A_213 = arith.index_cast %scan3A_91 : i32 to index
        %get3A_214 = arith.constant 96 : index
        %get3A_215 = tpu.vector_load %arg13[%get3A_213, %get3A_214] {strides = array<i32>} : memref<112x128xf32, #tpu.memory_space<vmem>>, vector<1x16xf32>,
        %get3A_216 = vector.shape_cast %get3A_215 : vector<1x16xf32> to vector<16xf32>
        %mul3A_217 = arith.mulf %get3A_212, %get3A_216 : vector<16xf32>
        %add3A_218 = arith.addf %get3A_208, %mul3A_217 : vector<16xf32>
        %swap3A_219 = arith.index_cast %scan3A_91 : i32 to index
        %swap3A_220 = arith.constant 96 : index
        %swap3A_221 = tpu.vector_load %arg14[%swap3A_219, %swap3A_220] {strides = array<i32>} : memref<112x128xf32, #tpu.memory_space<vmem>>, vector<1x16xf32>,
        %swap3A_222 = vector.shape_cast %swap3A_221 : vector<1x16xf32> to vector<16xf32>
        %swap3A_223 = vector.shape_cast %add3A_218 : vector<16xf32> to vector<1x16xf32>
        tpu.vector_store %arg14[%swap3A_219, %swap3A_220], %swap3A_223 {strides = array<i32>} : memref<112x128xf32, #tpu.memory_space<vmem>>, vector<1x16xf32>,
        %get3A_224 = arith.index_cast %scan3A_91 : i32 to index
        %get3A_225 = arith.constant 112 : index
        %get3A_226 = tpu.vector_load %arg14[%get3A_224, %get3A_225] {strides = array<i32>} : memref<112x128xf32, #tpu.memory_space<vmem>>, vector<1x16xf32>,
        %get3A_227 = vector.shape_cast %get3A_226 : vector<1x16xf32> to vector<16xf32>
        %get3A_228 = arith.index_cast %scan3A_91 : i32 to index
        %get3A_229 = arith.constant 112 : index
        %get3A_230 = tpu.vector_load %arg12[%get3A_228, %get3A_229] {strides = array<i32>} : memref<112x128xf32, #tpu.memory_space<vmem>>, vector<1x16xf32>,
        %get3A_231 = vector.shape_cast %get3A_230 : vector<1x16xf32> to vector<16xf32>
        %get3A_232 = arith.index_cast %scan3A_91 : i32 to index
        %get3A_233 = arith.constant 112 : index
        %get3A_234 = tpu.vector_load %arg13[%get3A_232, %get3A_233] {strides = array<i32>} : memref<112x128xf32, #tpu.memory_space<vmem>>, vector<1x16xf32>,
        %get3A_235 = vector.shape_cast %get3A_234 : vector<1x16xf32> to vector<16xf32>
        %mul3A_236 = arith.mulf %get3A_231, %get3A_235 : vector<16xf32>
        %add3A_237 = arith.addf %get3A_227, %mul3A_236 : vector<16xf32>
        %swap3A_238 = arith.index_cast %scan3A_91 : i32 to index
        %swap3A_239 = arith.constant 112 : index
        %swap3A_240 = tpu.vector_load %arg14[%swap3A_238, %swap3A_239] {strides = array<i32>} : memref<112x128xf32, #tpu.memory_space<vmem>>, vector<1x16xf32>,
        %swap3A_241 = vector.shape_cast %swap3A_240 : vector<1x16xf32> to vector<16xf32>
        %swap3A_242 = vector.shape_cast %add3A_237 : vector<16xf32> to vector<1x16xf32>
        tpu.vector_store %arg14[%swap3A_238, %swap3A_239], %swap3A_242 {strides = array<i32>} : memref<112x128xf32, #tpu.memory_space<vmem>>, vector<1x16xf32>,
        %scan3A_243 = arith.constant 0 : i32
        scf.yield %scan3A_243 : i32
      }
      %scan3A_89 = arith.constant 32 : i32
      "tpu.region"() ({
        %run_scoped3A = tpu.sem_alloc : memref<!tpu.dma_semaphore, #tpu.memory_space<semaphore_mem>>
        %dma_start3A_91 = arith.constant 0 : i32
        %dma_start3A_92 = arith.constant 0 : i32
        %dma_start3A_93 = tpu.memref_slice %arg14[%dma_start3A_91, %dma_start3A_92] : memref<112x128xf32, #tpu.memory_space<vmem>> -> memref<32x128xf32, #tpu.memory_space<vmem>>
        %dma_start3A_94 = arith.constant 0 : i32
        %dma_start3A_95 = tpu.memref_slice %arg9[%sub3A_0, %add3A, %dma_start3A_94] : memref<2x5120x128xf32, #tpu.memory_space<hbm>> -> memref<1x32x128xf32, #tpu.memory_space<hbm>>
        %dma_start3A_96 = tpu.memref_squeeze %dma_start3A_95 : memref<1x32x128xf32, #tpu.memory_space<hbm>> -> memref<32x128xf32, #tpu.memory_space<hbm>>
        %dma_start3A_97 = arith.constant 0 : i32
        %dma_start3A_98 = tpu.memref_slice %arg9[%sub3A_0, %add3A, %dma_start3A_97] : memref<2x5120x128xf32, #tpu.memory_space<hbm>> -> memref<1x32x128xf32, #tpu.memory_space<hbm>>
        %dma_start3A_99 = tpu.memref_squeeze %dma_start3A_98 : memref<1x32x128xf32, #tpu.memory_space<hbm>> -> memref<32x128xf32, #tpu.memory_space<hbm>>
        %dma_start3A_100 = arith.constant 0 : i32
        %dma_start3A_101 = arith.constant 0 : i32
        %dma_start3A_102 = tpu.memref_slice %arg14[%dma_start3A_100, %dma_start3A_101] : memref<112x128xf32, #tpu.memory_space<vmem>> -> memref<32x128xf32, #tpu.memory_space<vmem>>
        tpu.enqueue_dma source(%dma_start3A_102 : memref<32x128xf32, #tpu.memory_space<vmem>>) target(%dma_start3A_99 : memref<32x128xf32, #tpu.memory_space<hbm>>) target_semaphore(%run_scoped3A : memref<!tpu.dma_semaphore, #tpu.memory_space<semaphore_mem>>)
        %dma_wait3A_103 = arith.constant 0 : i32
        %dma_wait3A_104 = arith.constant 0 : i32
        %dma_wait3A_105 = tpu.memref_slice %arg14[%dma_wait3A_103, %dma_wait3A_104] : memref<112x128xf32, #tpu.memory_space<vmem>> -> memref<32x128xf32, #tpu.memory_space<vmem>>
        %dma_wait3A_106 = arith.constant 0 : i32
        %dma_wait3A_107 = tpu.memref_slice %arg9[%sub3A_0, %add3A, %dma_wait3A_106] : memref<2x5120x128xf32, #tpu.memory_space<hbm>> -> memref<1x32x128xf32, #tpu.memory_space<hbm>>
        %dma_wait3A_108 = tpu.memref_squeeze %dma_wait3A_107 : memref<1x32x128xf32, #tpu.memory_space<hbm>> -> memref<32x128xf32, #tpu.memory_space<hbm>>
        %dma_wait3A_109 = arith.constant 0 : i32
        %dma_wait3A_110 = tpu.memref_slice %arg9[%sub3A_0, %add3A, %dma_wait3A_109] : memref<2x5120x128xf32, #tpu.memory_space<hbm>> -> memref<1x32x128xf32, #tpu.memory_space<hbm>>
        %dma_wait3A_111 = tpu.memref_squeeze %dma_wait3A_110 : memref<1x32x128xf32, #tpu.memory_space<hbm>> -> memref<32x128xf32, #tpu.memory_space<hbm>>
        %dma_wait3A_112 = arith.constant 0 : i32
        %dma_wait3A_113 = arith.constant 0 : i32
        %dma_wait3A_114 = tpu.memref_slice %arg14[%dma_wait3A_112, %dma_wait3A_113] : memref<112x128xf32, #tpu.memory_space<vmem>> -> memref<32x128xf32, #tpu.memory_space<vmem>>
        tpu.wait_dma2 semaphore(%run_scoped3A : memref<!tpu.dma_semaphore, #tpu.memory_space<semaphore_mem>>) src(%dma_wait3A_114 : memref<32x128xf32, #tpu.memory_space<vmem>>) dst(%dma_wait3A_111 : memref<32x128xf32, #tpu.memory_space<hbm>>)
        tpu.yield
      }) : () -> ()
      %scan3A_90 = arith.constant 0 : i32
      scf.yield %scan3A_90 : i32
    }
    %scan3A_70 = arith.constant 10 : i32
    return
  }
}

#map = affine_map<(d0, d1) -> (0, 0, 0)>
#map1 = affine_map<(d0, d1) -> (0, 0, 0, 0, 0)>
#map2 = affine_map<(d0, d1) -> (0, 0, 0, 0)>
module attributes {stable_mosaic.version = 14 : i64} {
  func.func @_score_gather_kernel(%arg0: i32, %arg1: i32, %arg2: memref<2x5120x128xf32, #tpu.memory_space<hbm>>, %arg3: memref<2x2x16x16x128xi32, #tpu.memory_space<hbm>>, %arg4: memref<2x2x32768x128xf32, #tpu.memory_space<hbm>>, %arg5: memref<32x128xi32, #tpu.memory_space<vmem>>, %arg6: memref<128x128xf32, #tpu.memory_space<vmem>>, %arg7: memref<128x128xf32, #tpu.memory_space<vmem>>, %arg8: memref<128x128xf32, #tpu.memory_space<vmem>>, %arg9: memref<128x128xf32, #tpu.memory_space<vmem>>, %arg10: memref<!tpu.dma_semaphore, #tpu.memory_space<semaphore_mem>>, %arg11: memref<!tpu.dma_semaphore, #tpu.memory_space<semaphore_mem>>, %arg12: memref<!tpu.dma_semaphore, #tpu.memory_space<semaphore_mem>>, %arg13: memref<!tpu.dma_semaphore, #tpu.memory_space<semaphore_mem>>, %arg14: memref<!tpu.dma_semaphore, #tpu.memory_space<semaphore_mem>>, %arg15: memref<!tpu.dma_semaphore, #tpu.memory_space<semaphore_mem>>, %arg16: memref<!tpu.dma_semaphore, #tpu.memory_space<semaphore_mem>>, %arg17: memref<!tpu.dma_semaphore, #tpu.memory_space<semaphore_mem>>) attributes {dimension_semantics = [#tpu.dimension_semantics<core_parallel>, #tpu.dimension_semantics<subcore_parallel>], iteration_bounds = array<i64: 2, 16>, scalar_prefetch = 0 : i64, scratch_operands = 13 : i64, tpu.core_type = #tpu.core_type<sc_vector_subcore>, window_params = [{transform_indices = #map}, {transform_indices = #map1}, {transform_indices = #map2}]} {
    %run_scoped3A = arith.constant 0 : i32
    "tpu.region"() ({
      %run_scoped3A_238 = tpu.sem_alloc : memref<!tpu.dma_semaphore, #tpu.memory_space<semaphore_mem>>
      %dma_start3A_239 = arith.constant 0 : i32
      %dma_start3A_240 = arith.constant 0 : i32
      %dma_start3A_241 = tpu.memref_slice %arg5[%dma_start3A_239, %dma_start3A_240] : memref<32x128xi32, #tpu.memory_space<vmem>> -> memref<16x128xi32, #tpu.memory_space<vmem>>
      %dma_start3A_242 = arith.constant 0 : i32
      %dma_start3A_243 = arith.constant 0 : i32
      %dma_start3A_244 = tpu.memref_slice %arg3[%arg0, %run_scoped3A, %arg1, %dma_start3A_242, %dma_start3A_243] : memref<2x2x16x16x128xi32, #tpu.memory_space<hbm>> -> memref<1x1x1x16x128xi32, #tpu.memory_space<hbm>>
      %dma_start3A_245 = tpu.memref_squeeze %dma_start3A_244 : memref<1x1x1x16x128xi32, #tpu.memory_space<hbm>> -> memref<16x128xi32, #tpu.memory_space<hbm>>
      %dma_start3A_246 = arith.constant 0 : i32
      %dma_start3A_247 = arith.constant 0 : i32
      %dma_start3A_248 = tpu.memref_slice %arg5[%dma_start3A_246, %dma_start3A_247] : memref<32x128xi32, #tpu.memory_space<vmem>> -> memref<16x128xi32, #tpu.memory_space<vmem>>
      %dma_start3A_249 = arith.constant 0 : i32
      %dma_start3A_250 = arith.constant 0 : i32
      %dma_start3A_251 = tpu.memref_slice %arg3[%arg0, %run_scoped3A, %arg1, %dma_start3A_249, %dma_start3A_250] : memref<2x2x16x16x128xi32, #tpu.memory_space<hbm>> -> memref<1x1x1x16x128xi32, #tpu.memory_space<hbm>>
      %dma_start3A_252 = tpu.memref_squeeze %dma_start3A_251 : memref<1x1x1x16x128xi32, #tpu.memory_space<hbm>> -> memref<16x128xi32, #tpu.memory_space<hbm>>
      tpu.enqueue_dma source(%dma_start3A_252 : memref<16x128xi32, #tpu.memory_space<hbm>>) target(%dma_start3A_248 : memref<16x128xi32, #tpu.memory_space<vmem>>) target_semaphore(%run_scoped3A_238 : memref<!tpu.dma_semaphore, #tpu.memory_space<semaphore_mem>>)
      %dma_wait3A_253 = arith.constant 0 : i32
      %dma_wait3A_254 = arith.constant 0 : i32
      %dma_wait3A_255 = tpu.memref_slice %arg5[%dma_wait3A_253, %dma_wait3A_254] : memref<32x128xi32, #tpu.memory_space<vmem>> -> memref<16x128xi32, #tpu.memory_space<vmem>>
      %dma_wait3A_256 = arith.constant 0 : i32
      %dma_wait3A_257 = arith.constant 0 : i32
      %dma_wait3A_258 = tpu.memref_slice %arg3[%arg0, %run_scoped3A, %arg1, %dma_wait3A_256, %dma_wait3A_257] : memref<2x2x16x16x128xi32, #tpu.memory_space<hbm>> -> memref<1x1x1x16x128xi32, #tpu.memory_space<hbm>>
      %dma_wait3A_259 = tpu.memref_squeeze %dma_wait3A_258 : memref<1x1x1x16x128xi32, #tpu.memory_space<hbm>> -> memref<16x128xi32, #tpu.memory_space<hbm>>
      %dma_wait3A_260 = arith.constant 0 : i32
      %dma_wait3A_261 = arith.constant 0 : i32
      %dma_wait3A_262 = tpu.memref_slice %arg5[%dma_wait3A_260, %dma_wait3A_261] : memref<32x128xi32, #tpu.memory_space<vmem>> -> memref<16x128xi32, #tpu.memory_space<vmem>>
      %dma_wait3A_263 = arith.constant 0 : i32
      %dma_wait3A_264 = arith.constant 0 : i32
      %dma_wait3A_265 = tpu.memref_slice %arg3[%arg0, %run_scoped3A, %arg1, %dma_wait3A_263, %dma_wait3A_264] : memref<2x2x16x16x128xi32, #tpu.memory_space<hbm>> -> memref<1x1x1x16x128xi32, #tpu.memory_space<hbm>>
      %dma_wait3A_266 = tpu.memref_squeeze %dma_wait3A_265 : memref<1x1x1x16x128xi32, #tpu.memory_space<hbm>> -> memref<16x128xi32, #tpu.memory_space<hbm>>
      tpu.wait_dma2 semaphore(%run_scoped3A_238 : memref<!tpu.dma_semaphore, #tpu.memory_space<semaphore_mem>>) src(%dma_wait3A_266 : memref<16x128xi32, #tpu.memory_space<hbm>>) dst(%dma_wait3A_262 : memref<16x128xi32, #tpu.memory_space<vmem>>)
      tpu.yield
    }) : () -> ()
    %run_scoped3A_0 = arith.constant 1 : i32
    "tpu.region"() ({
      %run_scoped3A_238 = tpu.sem_alloc : memref<!tpu.dma_semaphore, #tpu.memory_space<semaphore_mem>>
      %dma_start3A_239 = arith.constant 16 : i32
      %dma_start3A_240 = arith.constant 0 : i32
      %dma_start3A_241 = tpu.memref_slice %arg5[%dma_start3A_239, %dma_start3A_240] : memref<32x128xi32, #tpu.memory_space<vmem>> -> memref<16x128xi32, #tpu.memory_space<vmem>>
      %dma_start3A_242 = arith.constant 0 : i32
      %dma_start3A_243 = arith.constant 0 : i32
      %dma_start3A_244 = tpu.memref_slice %arg3[%arg0, %run_scoped3A_0, %arg1, %dma_start3A_242, %dma_start3A_243] : memref<2x2x16x16x128xi32, #tpu.memory_space<hbm>> -> memref<1x1x1x16x128xi32, #tpu.memory_space<hbm>>
      %dma_start3A_245 = tpu.memref_squeeze %dma_start3A_244 : memref<1x1x1x16x128xi32, #tpu.memory_space<hbm>> -> memref<16x128xi32, #tpu.memory_space<hbm>>
      %dma_start3A_246 = arith.constant 16 : i32
      %dma_start3A_247 = arith.constant 0 : i32
      %dma_start3A_248 = tpu.memref_slice %arg5[%dma_start3A_246, %dma_start3A_247] : memref<32x128xi32, #tpu.memory_space<vmem>> -> memref<16x128xi32, #tpu.memory_space<vmem>>
      %dma_start3A_249 = arith.constant 0 : i32
      %dma_start3A_250 = arith.constant 0 : i32
      %dma_start3A_251 = tpu.memref_slice %arg3[%arg0, %run_scoped3A_0, %arg1, %dma_start3A_249, %dma_start3A_250] : memref<2x2x16x16x128xi32, #tpu.memory_space<hbm>> -> memref<1x1x1x16x128xi32, #tpu.memory_space<hbm>>
      %dma_start3A_252 = tpu.memref_squeeze %dma_start3A_251 : memref<1x1x1x16x128xi32, #tpu.memory_space<hbm>> -> memref<16x128xi32, #tpu.memory_space<hbm>>
      tpu.enqueue_dma source(%dma_start3A_252 : memref<16x128xi32, #tpu.memory_space<hbm>>) target(%dma_start3A_248 : memref<16x128xi32, #tpu.memory_space<vmem>>) target_semaphore(%run_scoped3A_238 : memref<!tpu.dma_semaphore, #tpu.memory_space<semaphore_mem>>)
      %dma_wait3A_253 = arith.constant 16 : i32
      %dma_wait3A_254 = arith.constant 0 : i32
      %dma_wait3A_255 = tpu.memref_slice %arg5[%dma_wait3A_253, %dma_wait3A_254] : memref<32x128xi32, #tpu.memory_space<vmem>> -> memref<16x128xi32, #tpu.memory_space<vmem>>
      %dma_wait3A_256 = arith.constant 0 : i32
      %dma_wait3A_257 = arith.constant 0 : i32
      %dma_wait3A_258 = tpu.memref_slice %arg3[%arg0, %run_scoped3A_0, %arg1, %dma_wait3A_256, %dma_wait3A_257] : memref<2x2x16x16x128xi32, #tpu.memory_space<hbm>> -> memref<1x1x1x16x128xi32, #tpu.memory_space<hbm>>
      %dma_wait3A_259 = tpu.memref_squeeze %dma_wait3A_258 : memref<1x1x1x16x128xi32, #tpu.memory_space<hbm>> -> memref<16x128xi32, #tpu.memory_space<hbm>>
      %dma_wait3A_260 = arith.constant 16 : i32
      %dma_wait3A_261 = arith.constant 0 : i32
      %dma_wait3A_262 = tpu.memref_slice %arg5[%dma_wait3A_260, %dma_wait3A_261] : memref<32x128xi32, #tpu.memory_space<vmem>> -> memref<16x128xi32, #tpu.memory_space<vmem>>
      %dma_wait3A_263 = arith.constant 0 : i32
      %dma_wait3A_264 = arith.constant 0 : i32
      %dma_wait3A_265 = tpu.memref_slice %arg3[%arg0, %run_scoped3A_0, %arg1, %dma_wait3A_263, %dma_wait3A_264] : memref<2x2x16x16x128xi32, #tpu.memory_space<hbm>> -> memref<1x1x1x16x128xi32, #tpu.memory_space<hbm>>
      %dma_wait3A_266 = tpu.memref_squeeze %dma_wait3A_265 : memref<1x1x1x16x128xi32, #tpu.memory_space<hbm>> -> memref<16x128xi32, #tpu.memory_space<hbm>>
      tpu.wait_dma2 semaphore(%run_scoped3A_238 : memref<!tpu.dma_semaphore, #tpu.memory_space<semaphore_mem>>) src(%dma_wait3A_266 : memref<16x128xi32, #tpu.memory_space<hbm>>) dst(%dma_wait3A_262 : memref<16x128xi32, #tpu.memory_space<vmem>>)
      tpu.yield
    }) : () -> ()
    %jit3A = arith.constant true
    %jit3A_1 = arith.constant 0 : i32
    %jit3A_2 = arith.constant 0 : i32
    %select_n3A = arith.select %jit3A, %jit3A_1, %jit3A_2 : i32
    %jit3A_3 = arith.constant 16 : i32
    %div3A = arith.divsi %select_n3A, %jit3A_3 : i32
    %sign3A = arith.constant 0 : i32
    %sign3A_4 = arith.cmpi sgt, %select_n3A, %sign3A : i32
    %sign3A_5 = arith.extui %sign3A_4 : i1 to i32
    %sign3A_6 = arith.constant 0 : i32
    %sign3A_7 = arith.cmpi slt, %select_n3A, %sign3A_6 : i32
    %sign3A_8 = arith.extui %sign3A_7 : i1 to i32
    %sign3A_9 = arith.subi %sign3A_5, %sign3A_8 : i32
    %sign3A_10 = arith.constant 0 : i32
    %sign3A_11 = arith.cmpi sgt, %jit3A_3, %sign3A_10 : i32
    %sign3A_12 = arith.extui %sign3A_11 : i1 to i32
    %sign3A_13 = arith.constant 0 : i32
    %sign3A_14 = arith.cmpi slt, %jit3A_3, %sign3A_13 : i32
    %sign3A_15 = arith.extui %sign3A_14 : i1 to i32
    %sign3A_16 = arith.subi %sign3A_12, %sign3A_15 : i32
    %ne3A = arith.cmpi ne, %sign3A_9, %sign3A_16 : i32
    %rem3A = arith.remsi %select_n3A, %jit3A_3 : i32
    %ne3A_17 = arith.constant 0 : i32
    %ne3A_18 = arith.cmpi ne, %rem3A, %ne3A_17 : i32
    %and3A = arith.andi %ne3A, %ne3A_18 : i1
    %sub3A = arith.constant 1 : i32
    %sub3A_19 = arith.subi %div3A, %sub3A : i32
    %select_n3A_20 = arith.select %and3A, %sub3A_19, %div3A : i32
    %dma_start3A = arith.constant 0 : i32
    %dma_start3A_21 = tpu.memref_slice %arg5[%select_n3A, %dma_start3A] : memref<32x128xi32, #tpu.memory_space<vmem>> -> memref<1x128xi32, #tpu.memory_space<vmem>>
    %dma_start3A_22 = tpu.memref_squeeze %dma_start3A_21 : memref<1x128xi32, #tpu.memory_space<vmem>> -> memref<128xi32, #tpu.memory_space<vmem>>
    %dma_start3A_23 = arith.constant 0 : i32
    %dma_start3A_24 = arith.constant 0 : i32
    %dma_start3A_25 = tpu.memref_slice %arg2[%select_n3A_20, %dma_start3A_23, %dma_start3A_24] : memref<2x5120x128xf32, #tpu.memory_space<hbm>> -> memref<1x5120x128xf32, #tpu.memory_space<hbm>>
    %dma_start3A_26 = tpu.memref_squeeze %dma_start3A_25 : memref<1x5120x128xf32, #tpu.memory_space<hbm>> -> memref<5120x128xf32, #tpu.memory_space<hbm>>
    %dma_start3A_27 = arith.constant 0 : i32
    %dma_start3A_28 = arith.constant 0 : i32
    %dma_start3A_29 = tpu.memref_slice %dma_start3A_26[%dma_start3A_27, %dma_start3A_28] : memref<5120x128xf32, #tpu.memory_space<hbm>> -> memref<5120x128xf32, #tpu.memory_space<hbm>>
    tpu.enqueue_indirect_dma source(%dma_start3A_29 : memref<5120x128xf32, #tpu.memory_space<hbm>>) target(%arg6 : memref<128x128xf32, #tpu.memory_space<vmem>>) offsets(%dma_start3A_22 : memref<128xi32, #tpu.memory_space<vmem>>) semaphore(%arg10 : memref<!tpu.dma_semaphore, #tpu.memory_space<semaphore_mem>>)
    %jit3A_30 = arith.constant true
    %jit3A_31 = arith.constant 1 : i32
    %jit3A_32 = arith.constant 0 : i32
    %select_n3A_33 = arith.select %jit3A_30, %jit3A_31, %jit3A_32 : i32
    %jit3A_34 = arith.constant 16 : i32
    %div3A_35 = arith.divsi %select_n3A_33, %jit3A_34 : i32
    %sign3A_36 = arith.constant 0 : i32
    %sign3A_37 = arith.cmpi sgt, %select_n3A_33, %sign3A_36 : i32
    %sign3A_38 = arith.extui %sign3A_37 : i1 to i32
    %sign3A_39 = arith.constant 0 : i32
    %sign3A_40 = arith.cmpi slt, %select_n3A_33, %sign3A_39 : i32
    %sign3A_41 = arith.extui %sign3A_40 : i1 to i32
    %sign3A_42 = arith.subi %sign3A_38, %sign3A_41 : i32
    %sign3A_43 = arith.constant 0 : i32
    %sign3A_44 = arith.cmpi sgt, %jit3A_34, %sign3A_43 : i32
    %sign3A_45 = arith.extui %sign3A_44 : i1 to i32
    %sign3A_46 = arith.constant 0 : i32
    %sign3A_47 = arith.cmpi slt, %jit3A_34, %sign3A_46 : i32
    %sign3A_48 = arith.extui %sign3A_47 : i1 to i32
    %sign3A_49 = arith.subi %sign3A_45, %sign3A_48 : i32
    %ne3A_50 = arith.cmpi ne, %sign3A_42, %sign3A_49 : i32
    %rem3A_51 = arith.remsi %select_n3A_33, %jit3A_34 : i32
    %ne3A_52 = arith.constant 0 : i32
    %ne3A_53 = arith.cmpi ne, %rem3A_51, %ne3A_52 : i32
    %and3A_54 = arith.andi %ne3A_50, %ne3A_53 : i1
    %sub3A_55 = arith.constant 1 : i32
    %sub3A_56 = arith.subi %div3A_35, %sub3A_55 : i32
    %select_n3A_57 = arith.select %and3A_54, %sub3A_56, %div3A_35 : i32
    %dma_start3A_58 = arith.constant 0 : i32
    %dma_start3A_59 = tpu.memref_slice %arg5[%select_n3A_33, %dma_start3A_58] : memref<32x128xi32, #tpu.memory_space<vmem>> -> memref<1x128xi32, #tpu.memory_space<vmem>>
    %dma_start3A_60 = tpu.memref_squeeze %dma_start3A_59 : memref<1x128xi32, #tpu.memory_space<vmem>> -> memref<128xi32, #tpu.memory_space<vmem>>
    %dma_start3A_61 = arith.constant 0 : i32
    %dma_start3A_62 = arith.constant 0 : i32
    %dma_start3A_63 = tpu.memref_slice %arg2[%select_n3A_57, %dma_start3A_61, %dma_start3A_62] : memref<2x5120x128xf32, #tpu.memory_space<hbm>> -> memref<1x5120x128xf32, #tpu.memory_space<hbm>>
    %dma_start3A_64 = tpu.memref_squeeze %dma_start3A_63 : memref<1x5120x128xf32, #tpu.memory_space<hbm>> -> memref<5120x128xf32, #tpu.memory_space<hbm>>
    %dma_start3A_65 = arith.constant 0 : i32
    %dma_start3A_66 = arith.constant 0 : i32
    %dma_start3A_67 = tpu.memref_slice %dma_start3A_64[%dma_start3A_65, %dma_start3A_66] : memref<5120x128xf32, #tpu.memory_space<hbm>> -> memref<5120x128xf32, #tpu.memory_space<hbm>>
    tpu.enqueue_indirect_dma source(%dma_start3A_67 : memref<5120x128xf32, #tpu.memory_space<hbm>>) target(%arg7 : memref<128x128xf32, #tpu.memory_space<vmem>>) offsets(%dma_start3A_60 : memref<128xi32, #tpu.memory_space<vmem>>) semaphore(%arg11 : memref<!tpu.dma_semaphore, #tpu.memory_space<semaphore_mem>>)
    %jit3A_68 = arith.constant true
    %jit3A_69 = arith.constant 2 : i32
    %jit3A_70 = arith.constant 0 : i32
    %select_n3A_71 = arith.select %jit3A_68, %jit3A_69, %jit3A_70 : i32
    %jit3A_72 = arith.constant 16 : i32
    %div3A_73 = arith.divsi %select_n3A_71, %jit3A_72 : i32
    %sign3A_74 = arith.constant 0 : i32
    %sign3A_75 = arith.cmpi sgt, %select_n3A_71, %sign3A_74 : i32
    %sign3A_76 = arith.extui %sign3A_75 : i1 to i32
    %sign3A_77 = arith.constant 0 : i32
    %sign3A_78 = arith.cmpi slt, %select_n3A_71, %sign3A_77 : i32
    %sign3A_79 = arith.extui %sign3A_78 : i1 to i32
    %sign3A_80 = arith.subi %sign3A_76, %sign3A_79 : i32
    %sign3A_81 = arith.constant 0 : i32
    %sign3A_82 = arith.cmpi sgt, %jit3A_72, %sign3A_81 : i32
    %sign3A_83 = arith.extui %sign3A_82 : i1 to i32
    %sign3A_84 = arith.constant 0 : i32
    %sign3A_85 = arith.cmpi slt, %jit3A_72, %sign3A_84 : i32
    %sign3A_86 = arith.extui %sign3A_85 : i1 to i32
    %sign3A_87 = arith.subi %sign3A_83, %sign3A_86 : i32
    %ne3A_88 = arith.cmpi ne, %sign3A_80, %sign3A_87 : i32
    %rem3A_89 = arith.remsi %select_n3A_71, %jit3A_72 : i32
    %ne3A_90 = arith.constant 0 : i32
    %ne3A_91 = arith.cmpi ne, %rem3A_89, %ne3A_90 : i32
    %and3A_92 = arith.andi %ne3A_88, %ne3A_91 : i1
    %sub3A_93 = arith.constant 1 : i32
    %sub3A_94 = arith.subi %div3A_73, %sub3A_93 : i32
    %select_n3A_95 = arith.select %and3A_92, %sub3A_94, %div3A_73 : i32
    %dma_start3A_96 = arith.constant 0 : i32
    %dma_start3A_97 = tpu.memref_slice %arg5[%select_n3A_71, %dma_start3A_96] : memref<32x128xi32, #tpu.memory_space<vmem>> -> memref<1x128xi32, #tpu.memory_space<vmem>>
    %dma_start3A_98 = tpu.memref_squeeze %dma_start3A_97 : memref<1x128xi32, #tpu.memory_space<vmem>> -> memref<128xi32, #tpu.memory_space<vmem>>
    %dma_start3A_99 = arith.constant 0 : i32
    %dma_start3A_100 = arith.constant 0 : i32
    %dma_start3A_101 = tpu.memref_slice %arg2[%select_n3A_95, %dma_start3A_99, %dma_start3A_100] : memref<2x5120x128xf32, #tpu.memory_space<hbm>> -> memref<1x5120x128xf32, #tpu.memory_space<hbm>>
    %dma_start3A_102 = tpu.memref_squeeze %dma_start3A_101 : memref<1x5120x128xf32, #tpu.memory_space<hbm>> -> memref<5120x128xf32, #tpu.memory_space<hbm>>
    %dma_start3A_103 = arith.constant 0 : i32
    %dma_start3A_104 = arith.constant 0 : i32
    %dma_start3A_105 = tpu.memref_slice %dma_start3A_102[%dma_start3A_103, %dma_start3A_104] : memref<5120x128xf32, #tpu.memory_space<hbm>> -> memref<5120x128xf32, #tpu.memory_space<hbm>>
    tpu.enqueue_indirect_dma source(%dma_start3A_105 : memref<5120x128xf32, #tpu.memory_space<hbm>>) target(%arg8 : memref<128x128xf32, #tpu.memory_space<vmem>>) offsets(%dma_start3A_98 : memref<128xi32, #tpu.memory_space<vmem>>) semaphore(%arg12 : memref<!tpu.dma_semaphore, #tpu.memory_space<semaphore_mem>>)
    %scan3A = arith.constant 0 : i32
    %scan3A_106 = arith.constant 0 : i32
    %scan3A_107 = arith.constant 8 : i32
    %scan3A_108 = arith.addi %scan3A_106, %scan3A_107 : i32
    %scan3A_109 = arith.constant 1 : i32
    %scan3A_110 = scf.for %scan3A_238 = %scan3A_106 to %scan3A_108 step %scan3A_109 iter_args(%scan3A_239 = %scan3A) -> (i32)  : i32 {
      %mul3A_240 = arith.constant 4 : i32
      %mul3A_241 = arith.muli %mul3A_240, %scan3A_238 : i32
      %lt3A = arith.constant 32 : i32
      %lt3A_242 = arith.cmpi slt, %mul3A_241, %lt3A : i32
      %jit3A_243 = arith.constant 0 : i32
      %select_n3A_244 = arith.select %lt3A_242, %mul3A_241, %jit3A_243 : i32
      %jit3A_245 = arith.constant 16 : i32
      %div3A_246 = arith.divsi %select_n3A_244, %jit3A_245 : i32
      %sign3A_247 = arith.constant 0 : i32
      %sign3A_248 = arith.cmpi sgt, %select_n3A_244, %sign3A_247 : i32
      %sign3A_249 = arith.extui %sign3A_248 : i1 to i32
      %sign3A_250 = arith.constant 0 : i32
      %sign3A_251 = arith.cmpi slt, %select_n3A_244, %sign3A_250 : i32
      %sign3A_252 = arith.extui %sign3A_251 : i1 to i32
      %sign3A_253 = arith.subi %sign3A_249, %sign3A_252 : i32
      %sign3A_254 = arith.constant 0 : i32
      %sign3A_255 = arith.cmpi sgt, %jit3A_245, %sign3A_254 : i32
      %sign3A_256 = arith.extui %sign3A_255 : i1 to i32
      %sign3A_257 = arith.constant 0 : i32
      %sign3A_258 = arith.cmpi slt, %jit3A_245, %sign3A_257 : i32
      %sign3A_259 = arith.extui %sign3A_258 : i1 to i32
      %sign3A_260 = arith.subi %sign3A_256, %sign3A_259 : i32
      %ne3A_261 = arith.cmpi ne, %sign3A_253, %sign3A_260 : i32
      %rem3A_262 = arith.remsi %select_n3A_244, %jit3A_245 : i32
      %ne3A_263 = arith.constant 0 : i32
      %ne3A_264 = arith.cmpi ne, %rem3A_262, %ne3A_263 : i32
      %and3A_265 = arith.andi %ne3A_261, %ne3A_264 : i1
      %sub3A_266 = arith.constant 1 : i32
      %sub3A_267 = arith.subi %div3A_246, %sub3A_266 : i32
      %select_n3A_268 = arith.select %and3A_265, %sub3A_267, %div3A_246 : i32
      %dma_wait3A_269 = arith.constant 0 : i32
      %dma_wait3A_270 = tpu.memref_slice %arg5[%select_n3A_244, %dma_wait3A_269] : memref<32x128xi32, #tpu.memory_space<vmem>> -> memref<1x128xi32, #tpu.memory_space<vmem>>
      %dma_wait3A_271 = tpu.memref_squeeze %dma_wait3A_270 : memref<1x128xi32, #tpu.memory_space<vmem>> -> memref<128xi32, #tpu.memory_space<vmem>>
      %dma_wait3A_272 = arith.constant 0 : i32
      %dma_wait3A_273 = arith.constant 0 : i32
      %dma_wait3A_274 = tpu.memref_slice %arg2[%select_n3A_268, %dma_wait3A_272, %dma_wait3A_273] : memref<2x5120x128xf32, #tpu.memory_space<hbm>> -> memref<1x5120x128xf32, #tpu.memory_space<hbm>>
      %dma_wait3A_275 = tpu.memref_squeeze %dma_wait3A_274 : memref<1x5120x128xf32, #tpu.memory_space<hbm>> -> memref<5120x128xf32, #tpu.memory_space<hbm>>
      %dma_wait3A_276 = arith.constant 0 : i32
      %dma_wait3A_277 = arith.constant 0 : i32
      %dma_wait3A_278 = tpu.memref_slice %dma_wait3A_275[%dma_wait3A_276, %dma_wait3A_277] : memref<5120x128xf32, #tpu.memory_space<hbm>> -> memref<5120x128xf32, #tpu.memory_space<hbm>>
      tpu.wait_indirect_dma semaphore(%arg10 : memref<!tpu.dma_semaphore, #tpu.memory_space<semaphore_mem>>) src(%dma_wait3A_278 : memref<5120x128xf32, #tpu.memory_space<hbm>>) dst(%arg6 : memref<128x128xf32, #tpu.memory_space<vmem>>)
      %jit3A_279 = arith.constant 16 : i32
      %div3A_280 = arith.divsi %mul3A_241, %jit3A_279 : i32
      %sign3A_281 = arith.constant 0 : i32
      %sign3A_282 = arith.cmpi sgt, %mul3A_241, %sign3A_281 : i32
      %sign3A_283 = arith.extui %sign3A_282 : i1 to i32
      %sign3A_284 = arith.constant 0 : i32
      %sign3A_285 = arith.cmpi slt, %mul3A_241, %sign3A_284 : i32
      %sign3A_286 = arith.extui %sign3A_285 : i1 to i32
      %sign3A_287 = arith.subi %sign3A_283, %sign3A_286 : i32
      %sign3A_288 = arith.constant 0 : i32
      %sign3A_289 = arith.cmpi sgt, %jit3A_279, %sign3A_288 : i32
      %sign3A_290 = arith.extui %sign3A_289 : i1 to i32
      %sign3A_291 = arith.constant 0 : i32
      %sign3A_292 = arith.cmpi slt, %jit3A_279, %sign3A_291 : i32
      %sign3A_293 = arith.extui %sign3A_292 : i1 to i32
      %sign3A_294 = arith.subi %sign3A_290, %sign3A_293 : i32
      %ne3A_295 = arith.cmpi ne, %sign3A_287, %sign3A_294 : i32
      %rem3A_296 = arith.remsi %mul3A_241, %jit3A_279 : i32
      %ne3A_297 = arith.constant 0 : i32
      %ne3A_298 = arith.cmpi ne, %rem3A_296, %ne3A_297 : i32
      %and3A_299 = arith.andi %ne3A_295, %ne3A_298 : i1
      %sub3A_300 = arith.constant 1 : i32
      %sub3A_301 = arith.subi %div3A_280, %sub3A_300 : i32
      %select_n3A_302 = arith.select %and3A_299, %sub3A_301, %div3A_280 : i32
      %mul3A_303 = arith.constant 2048 : i32
      %mul3A_304 = arith.muli %arg1, %mul3A_303 : i32
      %rem3A_305 = arith.constant 16 : i32
      %rem3A_306 = arith.remsi %mul3A_241, %rem3A_305 : i32
      %mul3A_307 = arith.constant 128 : i32
      %mul3A_308 = arith.muli %rem3A_306, %mul3A_307 : i32
      %add3A_309 = arith.addi %mul3A_304, %mul3A_308 : i32
      %dma_start3A_310 = arith.constant 0 : i32
      %dma_start3A_311 = tpu.memref_slice %arg4[%arg0, %select_n3A_302, %add3A_309, %dma_start3A_310] : memref<2x2x32768x128xf32, #tpu.memory_space<hbm>> -> memref<1x1x128x128xf32, #tpu.memory_space<hbm>>
      %dma_start3A_312 = tpu.memref_squeeze %dma_start3A_311 : memref<1x1x128x128xf32, #tpu.memory_space<hbm>> -> memref<128x128xf32, #tpu.memory_space<hbm>>
      %dma_start3A_313 = arith.constant 0 : i32
      %dma_start3A_314 = tpu.memref_slice %arg4[%arg0, %select_n3A_302, %add3A_309, %dma_start3A_313] : memref<2x2x32768x128xf32, #tpu.memory_space<hbm>> -> memref<1x1x128x128xf32, #tpu.memory_space<hbm>>
      %dma_start3A_315 = tpu.memref_squeeze %dma_start3A_314 : memref<1x1x128x128xf32, #tpu.memory_space<hbm>> -> memref<128x128xf32, #tpu.memory_space<hbm>>
      tpu.enqueue_dma source(%arg6 : memref<128x128xf32, #tpu.memory_space<vmem>>) target(%dma_start3A_315 : memref<128x128xf32, #tpu.memory_space<hbm>>) target_semaphore(%arg14 : memref<!tpu.dma_semaphore, #tpu.memory_space<semaphore_mem>>)
      %ge3A = arith.constant 1 : i32
      %ge3A_316 = arith.cmpi sge, %scan3A_238, %ge3A : i32
      %convert_element_type3A = arith.extui %ge3A_316 : i1 to i32
      %cond3A = arith.constant 0 : i32
      %cond3A_317 = arith.cmpi ne, %convert_element_type3A, %cond3A : i32
      scf.if %cond3A_317 {
        %sub3A_831 = arith.constant 1 : i32
        %sub3A_832 = arith.subi %mul3A_241, %sub3A_831 : i32
        %jit3A_833 = arith.constant 16 : i32
        %div3A_834 = arith.divsi %sub3A_832, %jit3A_833 : i32
        %sign3A_835 = arith.constant 0 : i32
        %sign3A_836 = arith.cmpi sgt, %sub3A_832, %sign3A_835 : i32
        %sign3A_837 = arith.extui %sign3A_836 : i1 to i32
        %sign3A_838 = arith.constant 0 : i32
        %sign3A_839 = arith.cmpi slt, %sub3A_832, %sign3A_838 : i32
        %sign3A_840 = arith.extui %sign3A_839 : i1 to i32
        %sign3A_841 = arith.subi %sign3A_837, %sign3A_840 : i32
        %sign3A_842 = arith.constant 0 : i32
        %sign3A_843 = arith.cmpi sgt, %jit3A_833, %sign3A_842 : i32
        %sign3A_844 = arith.extui %sign3A_843 : i1 to i32
        %sign3A_845 = arith.constant 0 : i32
        %sign3A_846 = arith.cmpi slt, %jit3A_833, %sign3A_845 : i32
        %sign3A_847 = arith.extui %sign3A_846 : i1 to i32
        %sign3A_848 = arith.subi %sign3A_844, %sign3A_847 : i32
        %ne3A_849 = arith.cmpi ne, %sign3A_841, %sign3A_848 : i32
        %rem3A_850 = arith.remsi %sub3A_832, %jit3A_833 : i32
        %ne3A_851 = arith.constant 0 : i32
        %ne3A_852 = arith.cmpi ne, %rem3A_850, %ne3A_851 : i32
        %and3A_853 = arith.andi %ne3A_849, %ne3A_852 : i1
        %sub3A_854 = arith.constant 1 : i32
        %sub3A_855 = arith.subi %div3A_834, %sub3A_854 : i32
        %select_n3A_856 = arith.select %and3A_853, %sub3A_855, %div3A_834 : i32
        %mul3A_857 = arith.constant 2048 : i32
        %mul3A_858 = arith.muli %arg1, %mul3A_857 : i32
        %rem3A_859 = arith.constant 16 : i32
        %rem3A_860 = arith.remsi %sub3A_832, %rem3A_859 : i32
        %mul3A_861 = arith.constant 128 : i32
        %mul3A_862 = arith.muli %rem3A_860, %mul3A_861 : i32
        %add3A_863 = arith.addi %mul3A_858, %mul3A_862 : i32
        %dma_wait3A_864 = arith.constant 0 : i32
        %dma_wait3A_865 = tpu.memref_slice %arg4[%arg0, %select_n3A_856, %add3A_863, %dma_wait3A_864] : memref<2x2x32768x128xf32, #tpu.memory_space<hbm>> -> memref<1x1x128x128xf32, #tpu.memory_space<hbm>>
        %dma_wait3A_866 = tpu.memref_squeeze %dma_wait3A_865 : memref<1x1x128x128xf32, #tpu.memory_space<hbm>> -> memref<128x128xf32, #tpu.memory_space<hbm>>
        %dma_wait3A_867 = arith.constant 0 : i32
        %dma_wait3A_868 = tpu.memref_slice %arg4[%arg0, %select_n3A_856, %add3A_863, %dma_wait3A_867] : memref<2x2x32768x128xf32, #tpu.memory_space<hbm>> -> memref<1x1x128x128xf32, #tpu.memory_space<hbm>>
        %dma_wait3A_869 = tpu.memref_squeeze %dma_wait3A_868 : memref<1x1x128x128xf32, #tpu.memory_space<hbm>> -> memref<128x128xf32, #tpu.memory_space<hbm>>
        tpu.wait_dma2 semaphore(%arg17 : memref<!tpu.dma_semaphore, #tpu.memory_space<semaphore_mem>>) src(%arg9 : memref<128x128xf32, #tpu.memory_space<vmem>>) dst(%dma_wait3A_869 : memref<128x128xf32, #tpu.memory_space<hbm>>)
      } else {
      }
      %add3A_318 = arith.constant 3 : i32
      %add3A_319 = arith.addi %mul3A_241, %add3A_318 : i32
      %lt3A_320 = arith.constant 32 : i32
      %lt3A_321 = arith.cmpi slt, %add3A_319, %lt3A_320 : i32
      %jit3A_322 = arith.constant 0 : i32
      %select_n3A_323 = arith.select %lt3A_321, %add3A_319, %jit3A_322 : i32
      %jit3A_324 = arith.constant 16 : i32
      %div3A_325 = arith.divsi %select_n3A_323, %jit3A_324 : i32
      %sign3A_326 = arith.constant 0 : i32
      %sign3A_327 = arith.cmpi sgt, %select_n3A_323, %sign3A_326 : i32
      %sign3A_328 = arith.extui %sign3A_327 : i1 to i32
      %sign3A_329 = arith.constant 0 : i32
      %sign3A_330 = arith.cmpi slt, %select_n3A_323, %sign3A_329 : i32
      %sign3A_331 = arith.extui %sign3A_330 : i1 to i32
      %sign3A_332 = arith.subi %sign3A_328, %sign3A_331 : i32
      %sign3A_333 = arith.constant 0 : i32
      %sign3A_334 = arith.cmpi sgt, %jit3A_324, %sign3A_333 : i32
      %sign3A_335 = arith.extui %sign3A_334 : i1 to i32
      %sign3A_336 = arith.constant 0 : i32
      %sign3A_337 = arith.cmpi slt, %jit3A_324, %sign3A_336 : i32
      %sign3A_338 = arith.extui %sign3A_337 : i1 to i32
      %sign3A_339 = arith.subi %sign3A_335, %sign3A_338 : i32
      %ne3A_340 = arith.cmpi ne, %sign3A_332, %sign3A_339 : i32
      %rem3A_341 = arith.remsi %select_n3A_323, %jit3A_324 : i32
      %ne3A_342 = arith.constant 0 : i32
      %ne3A_343 = arith.cmpi ne, %rem3A_341, %ne3A_342 : i32
      %and3A_344 = arith.andi %ne3A_340, %ne3A_343 : i1
      %sub3A_345 = arith.constant 1 : i32
      %sub3A_346 = arith.subi %div3A_325, %sub3A_345 : i32
      %select_n3A_347 = arith.select %and3A_344, %sub3A_346, %div3A_325 : i32
      %dma_start3A_348 = arith.constant 0 : i32
      %dma_start3A_349 = tpu.memref_slice %arg5[%select_n3A_323, %dma_start3A_348] : memref<32x128xi32, #tpu.memory_space<vmem>> -> memref<1x128xi32, #tpu.memory_space<vmem>>
      %dma_start3A_350 = tpu.memref_squeeze %dma_start3A_349 : memref<1x128xi32, #tpu.memory_space<vmem>> -> memref<128xi32, #tpu.memory_space<vmem>>
      %dma_start3A_351 = arith.constant 0 : i32
      %dma_start3A_352 = arith.constant 0 : i32
      %dma_start3A_353 = tpu.memref_slice %arg2[%select_n3A_347, %dma_start3A_351, %dma_start3A_352] : memref<2x5120x128xf32, #tpu.memory_space<hbm>> -> memref<1x5120x128xf32, #tpu.memory_space<hbm>>
      %dma_start3A_354 = tpu.memref_squeeze %dma_start3A_353 : memref<1x5120x128xf32, #tpu.memory_space<hbm>> -> memref<5120x128xf32, #tpu.memory_space<hbm>>
      %dma_start3A_355 = arith.constant 0 : i32
      %dma_start3A_356 = arith.constant 0 : i32
      %dma_start3A_357 = tpu.memref_slice %dma_start3A_354[%dma_start3A_355, %dma_start3A_356] : memref<5120x128xf32, #tpu.memory_space<hbm>> -> memref<5120x128xf32, #tpu.memory_space<hbm>>
      tpu.enqueue_indirect_dma source(%dma_start3A_357 : memref<5120x128xf32, #tpu.memory_space<hbm>>) target(%arg9 : memref<128x128xf32, #tpu.memory_space<vmem>>) offsets(%dma_start3A_350 : memref<128xi32, #tpu.memory_space<vmem>>) semaphore(%arg13 : memref<!tpu.dma_semaphore, #tpu.memory_space<semaphore_mem>>)
      %add3A_358 = arith.constant 1 : i32
      %add3A_359 = arith.addi %mul3A_241, %add3A_358 : i32
      %lt3A_360 = arith.constant 32 : i32
      %lt3A_361 = arith.cmpi slt, %add3A_359, %lt3A_360 : i32
      %jit3A_362 = arith.constant 0 : i32
      %select_n3A_363 = arith.select %lt3A_361, %add3A_359, %jit3A_362 : i32
      %jit3A_364 = arith.constant 16 : i32
      %div3A_365 = arith.divsi %select_n3A_363, %jit3A_364 : i32
      %sign3A_366 = arith.constant 0 : i32
      %sign3A_367 = arith.cmpi sgt, %select_n3A_363, %sign3A_366 : i32
      %sign3A_368 = arith.extui %sign3A_367 : i1 to i32
      %sign3A_369 = arith.constant 0 : i32
      %sign3A_370 = arith.cmpi slt, %select_n3A_363, %sign3A_369 : i32
      %sign3A_371 = arith.extui %sign3A_370 : i1 to i32
      %sign3A_372 = arith.subi %sign3A_368, %sign3A_371 : i32
      %sign3A_373 = arith.constant 0 : i32
      %sign3A_374 = arith.cmpi sgt, %jit3A_364, %sign3A_373 : i32
      %sign3A_375 = arith.extui %sign3A_374 : i1 to i32
      %sign3A_376 = arith.constant 0 : i32
      %sign3A_377 = arith.cmpi slt, %jit3A_364, %sign3A_376 : i32
      %sign3A_378 = arith.extui %sign3A_377 : i1 to i32
      %sign3A_379 = arith.subi %sign3A_375, %sign3A_378 : i32
      %ne3A_380 = arith.cmpi ne, %sign3A_372, %sign3A_379 : i32
      %rem3A_381 = arith.remsi %select_n3A_363, %jit3A_364 : i32
      %ne3A_382 = arith.constant 0 : i32
      %ne3A_383 = arith.cmpi ne, %rem3A_381, %ne3A_382 : i32
      %and3A_384 = arith.andi %ne3A_380, %ne3A_383 : i1
      %sub3A_385 = arith.constant 1 : i32
      %sub3A_386 = arith.subi %div3A_365, %sub3A_385 : i32
      %select_n3A_387 = arith.select %and3A_384, %sub3A_386, %div3A_365 : i32
      %dma_wait3A_388 = arith.constant 0 : i32
      %dma_wait3A_389 = tpu.memref_slice %arg5[%select_n3A_363, %dma_wait3A_388] : memref<32x128xi32, #tpu.memory_space<vmem>> -> memref<1x128xi32, #tpu.memory_space<vmem>>
      %dma_wait3A_390 = tpu.memref_squeeze %dma_wait3A_389 : memref<1x128xi32, #tpu.memory_space<vmem>> -> memref<128xi32, #tpu.memory_space<vmem>>
      %dma_wait3A_391 = arith.constant 0 : i32
      %dma_wait3A_392 = arith.constant 0 : i32
      %dma_wait3A_393 = tpu.memref_slice %arg2[%select_n3A_387, %dma_wait3A_391, %dma_wait3A_392] : memref<2x5120x128xf32, #tpu.memory_space<hbm>> -> memref<1x5120x128xf32, #tpu.memory_space<hbm>>
      %dma_wait3A_394 = tpu.memref_squeeze %dma_wait3A_393 : memref<1x5120x128xf32, #tpu.memory_space<hbm>> -> memref<5120x128xf32, #tpu.memory_space<hbm>>
      %dma_wait3A_395 = arith.constant 0 : i32
      %dma_wait3A_396 = arith.constant 0 : i32
      %dma_wait3A_397 = tpu.memref_slice %dma_wait3A_394[%dma_wait3A_395, %dma_wait3A_396] : memref<5120x128xf32, #tpu.memory_space<hbm>> -> memref<5120x128xf32, #tpu.memory_space<hbm>>
      tpu.wait_indirect_dma semaphore(%arg11 : memref<!tpu.dma_semaphore, #tpu.memory_space<semaphore_mem>>) src(%dma_wait3A_397 : memref<5120x128xf32, #tpu.memory_space<hbm>>) dst(%arg7 : memref<128x128xf32, #tpu.memory_space<vmem>>)
      %add3A_398 = arith.constant 1 : i32
      %add3A_399 = arith.addi %mul3A_241, %add3A_398 : i32
      %jit3A_400 = arith.constant 16 : i32
      %div3A_401 = arith.divsi %add3A_399, %jit3A_400 : i32
      %sign3A_402 = arith.constant 0 : i32
      %sign3A_403 = arith.cmpi sgt, %add3A_399, %sign3A_402 : i32
      %sign3A_404 = arith.extui %sign3A_403 : i1 to i32
      %sign3A_405 = arith.constant 0 : i32
      %sign3A_406 = arith.cmpi slt, %add3A_399, %sign3A_405 : i32
      %sign3A_407 = arith.extui %sign3A_406 : i1 to i32
      %sign3A_408 = arith.subi %sign3A_404, %sign3A_407 : i32
      %sign3A_409 = arith.constant 0 : i32
      %sign3A_410 = arith.cmpi sgt, %jit3A_400, %sign3A_409 : i32
      %sign3A_411 = arith.extui %sign3A_410 : i1 to i32
      %sign3A_412 = arith.constant 0 : i32
      %sign3A_413 = arith.cmpi slt, %jit3A_400, %sign3A_412 : i32
      %sign3A_414 = arith.extui %sign3A_413 : i1 to i32
      %sign3A_415 = arith.subi %sign3A_411, %sign3A_414 : i32
      %ne3A_416 = arith.cmpi ne, %sign3A_408, %sign3A_415 : i32
      %rem3A_417 = arith.remsi %add3A_399, %jit3A_400 : i32
      %ne3A_418 = arith.constant 0 : i32
      %ne3A_419 = arith.cmpi ne, %rem3A_417, %ne3A_418 : i32
      %and3A_420 = arith.andi %ne3A_416, %ne3A_419 : i1
      %sub3A_421 = arith.constant 1 : i32
      %sub3A_422 = arith.subi %div3A_401, %sub3A_421 : i32
      %select_n3A_423 = arith.select %and3A_420, %sub3A_422, %div3A_401 : i32
      %mul3A_424 = arith.constant 2048 : i32
      %mul3A_425 = arith.muli %arg1, %mul3A_424 : i32
      %rem3A_426 = arith.constant 16 : i32
      %rem3A_427 = arith.remsi %add3A_399, %rem3A_426 : i32
      %mul3A_428 = arith.constant 128 : i32
      %mul3A_429 = arith.muli %rem3A_427, %mul3A_428 : i32
      %add3A_430 = arith.addi %mul3A_425, %mul3A_429 : i32
      %dma_start3A_431 = arith.constant 0 : i32
      %dma_start3A_432 = tpu.memref_slice %arg4[%arg0, %select_n3A_423, %add3A_430, %dma_start3A_431] : memref<2x2x32768x128xf32, #tpu.memory_space<hbm>> -> memref<1x1x128x128xf32, #tpu.memory_space<hbm>>
      %dma_start3A_433 = tpu.memref_squeeze %dma_start3A_432 : memref<1x1x128x128xf32, #tpu.memory_space<hbm>> -> memref<128x128xf32, #tpu.memory_space<hbm>>
      %dma_start3A_434 = arith.constant 0 : i32
      %dma_start3A_435 = tpu.memref_slice %arg4[%arg0, %select_n3A_423, %add3A_430, %dma_start3A_434] : memref<2x2x32768x128xf32, #tpu.memory_space<hbm>> -> memref<1x1x128x128xf32, #tpu.memory_space<hbm>>
      %dma_start3A_436 = tpu.memref_squeeze %dma_start3A_435 : memref<1x1x128x128xf32, #tpu.memory_space<hbm>> -> memref<128x128xf32, #tpu.memory_space<hbm>>
      tpu.enqueue_dma source(%arg7 : memref<128x128xf32, #tpu.memory_space<vmem>>) target(%dma_start3A_436 : memref<128x128xf32, #tpu.memory_space<hbm>>) target_semaphore(%arg15 : memref<!tpu.dma_semaphore, #tpu.memory_space<semaphore_mem>>)
      %jit3A_437 = arith.constant 16 : i32
      %div3A_438 = arith.divsi %mul3A_241, %jit3A_437 : i32
      %sign3A_439 = arith.constant 0 : i32
      %sign3A_440 = arith.cmpi sgt, %mul3A_241, %sign3A_439 : i32
      %sign3A_441 = arith.extui %sign3A_440 : i1 to i32
      %sign3A_442 = arith.constant 0 : i32
      %sign3A_443 = arith.cmpi slt, %mul3A_241, %sign3A_442 : i32
      %sign3A_444 = arith.extui %sign3A_443 : i1 to i32
      %sign3A_445 = arith.subi %sign3A_441, %sign3A_444 : i32
      %sign3A_446 = arith.constant 0 : i32
      %sign3A_447 = arith.cmpi sgt, %jit3A_437, %sign3A_446 : i32
      %sign3A_448 = arith.extui %sign3A_447 : i1 to i32
      %sign3A_449 = arith.constant 0 : i32
      %sign3A_450 = arith.cmpi slt, %jit3A_437, %sign3A_449 : i32
      %sign3A_451 = arith.extui %sign3A_450 : i1 to i32
      %sign3A_452 = arith.subi %sign3A_448, %sign3A_451 : i32
      %ne3A_453 = arith.cmpi ne, %sign3A_445, %sign3A_452 : i32
      %rem3A_454 = arith.remsi %mul3A_241, %jit3A_437 : i32
      %ne3A_455 = arith.constant 0 : i32
      %ne3A_456 = arith.cmpi ne, %rem3A_454, %ne3A_455 : i32
      %and3A_457 = arith.andi %ne3A_453, %ne3A_456 : i1
      %sub3A_458 = arith.constant 1 : i32
      %sub3A_459 = arith.subi %div3A_438, %sub3A_458 : i32
      %select_n3A_460 = arith.select %and3A_457, %sub3A_459, %div3A_438 : i32
      %mul3A_461 = arith.constant 2048 : i32
      %mul3A_462 = arith.muli %arg1, %mul3A_461 : i32
      %rem3A_463 = arith.constant 16 : i32
      %rem3A_464 = arith.remsi %mul3A_241, %rem3A_463 : i32
      %mul3A_465 = arith.constant 128 : i32
      %mul3A_466 = arith.muli %rem3A_464, %mul3A_465 : i32
      %add3A_467 = arith.addi %mul3A_462, %mul3A_466 : i32
      %dma_wait3A_468 = arith.constant 0 : i32
      %dma_wait3A_469 = tpu.memref_slice %arg4[%arg0, %select_n3A_460, %add3A_467, %dma_wait3A_468] : memref<2x2x32768x128xf32, #tpu.memory_space<hbm>> -> memref<1x1x128x128xf32, #tpu.memory_space<hbm>>
      %dma_wait3A_470 = tpu.memref_squeeze %dma_wait3A_469 : memref<1x1x128x128xf32, #tpu.memory_space<hbm>> -> memref<128x128xf32, #tpu.memory_space<hbm>>
      %dma_wait3A_471 = arith.constant 0 : i32
      %dma_wait3A_472 = tpu.memref_slice %arg4[%arg0, %select_n3A_460, %add3A_467, %dma_wait3A_471] : memref<2x2x32768x128xf32, #tpu.memory_space<hbm>> -> memref<1x1x128x128xf32, #tpu.memory_space<hbm>>
      %dma_wait3A_473 = tpu.memref_squeeze %dma_wait3A_472 : memref<1x1x128x128xf32, #tpu.memory_space<hbm>> -> memref<128x128xf32, #tpu.memory_space<hbm>>
      tpu.wait_dma2 semaphore(%arg14 : memref<!tpu.dma_semaphore, #tpu.memory_space<semaphore_mem>>) src(%arg6 : memref<128x128xf32, #tpu.memory_space<vmem>>) dst(%dma_wait3A_473 : memref<128x128xf32, #tpu.memory_space<hbm>>)
      %add3A_474 = arith.constant 4 : i32
      %add3A_475 = arith.addi %mul3A_241, %add3A_474 : i32
      %lt3A_476 = arith.constant 32 : i32
      %lt3A_477 = arith.cmpi slt, %add3A_475, %lt3A_476 : i32
      %jit3A_478 = arith.constant 0 : i32
      %select_n3A_479 = arith.select %lt3A_477, %add3A_475, %jit3A_478 : i32
      %jit3A_480 = arith.constant 16 : i32
      %div3A_481 = arith.divsi %select_n3A_479, %jit3A_480 : i32
      %sign3A_482 = arith.constant 0 : i32
      %sign3A_483 = arith.cmpi sgt, %select_n3A_479, %sign3A_482 : i32
      %sign3A_484 = arith.extui %sign3A_483 : i1 to i32
      %sign3A_485 = arith.constant 0 : i32
      %sign3A_486 = arith.cmpi slt, %select_n3A_479, %sign3A_485 : i32
      %sign3A_487 = arith.extui %sign3A_486 : i1 to i32
      %sign3A_488 = arith.subi %sign3A_484, %sign3A_487 : i32
      %sign3A_489 = arith.constant 0 : i32
      %sign3A_490 = arith.cmpi sgt, %jit3A_480, %sign3A_489 : i32
      %sign3A_491 = arith.extui %sign3A_490 : i1 to i32
      %sign3A_492 = arith.constant 0 : i32
      %sign3A_493 = arith.cmpi slt, %jit3A_480, %sign3A_492 : i32
      %sign3A_494 = arith.extui %sign3A_493 : i1 to i32
      %sign3A_495 = arith.subi %sign3A_491, %sign3A_494 : i32
      %ne3A_496 = arith.cmpi ne, %sign3A_488, %sign3A_495 : i32
      %rem3A_497 = arith.remsi %select_n3A_479, %jit3A_480 : i32
      %ne3A_498 = arith.constant 0 : i32
      %ne3A_499 = arith.cmpi ne, %rem3A_497, %ne3A_498 : i32
      %and3A_500 = arith.andi %ne3A_496, %ne3A_499 : i1
      %sub3A_501 = arith.constant 1 : i32
      %sub3A_502 = arith.subi %div3A_481, %sub3A_501 : i32
      %select_n3A_503 = arith.select %and3A_500, %sub3A_502, %div3A_481 : i32
      %dma_start3A_504 = arith.constant 0 : i32
      %dma_start3A_505 = tpu.memref_slice %arg5[%select_n3A_479, %dma_start3A_504] : memref<32x128xi32, #tpu.memory_space<vmem>> -> memref<1x128xi32, #tpu.memory_space<vmem>>
      %dma_start3A_506 = tpu.memref_squeeze %dma_start3A_505 : memref<1x128xi32, #tpu.memory_space<vmem>> -> memref<128xi32, #tpu.memory_space<vmem>>
      %dma_start3A_507 = arith.constant 0 : i32
      %dma_start3A_508 = arith.constant 0 : i32
      %dma_start3A_509 = tpu.memref_slice %arg2[%select_n3A_503, %dma_start3A_507, %dma_start3A_508] : memref<2x5120x128xf32, #tpu.memory_space<hbm>> -> memref<1x5120x128xf32, #tpu.memory_space<hbm>>
      %dma_start3A_510 = tpu.memref_squeeze %dma_start3A_509 : memref<1x5120x128xf32, #tpu.memory_space<hbm>> -> memref<5120x128xf32, #tpu.memory_space<hbm>>
      %dma_start3A_511 = arith.constant 0 : i32
      %dma_start3A_512 = arith.constant 0 : i32
      %dma_start3A_513 = tpu.memref_slice %dma_start3A_510[%dma_start3A_511, %dma_start3A_512] : memref<5120x128xf32, #tpu.memory_space<hbm>> -> memref<5120x128xf32, #tpu.memory_space<hbm>>
      tpu.enqueue_indirect_dma source(%dma_start3A_513 : memref<5120x128xf32, #tpu.memory_space<hbm>>) target(%arg6 : memref<128x128xf32, #tpu.memory_space<vmem>>) offsets(%dma_start3A_506 : memref<128xi32, #tpu.memory_space<vmem>>) semaphore(%arg10 : memref<!tpu.dma_semaphore, #tpu.memory_space<semaphore_mem>>)
      %add3A_514 = arith.constant 2 : i32
      %add3A_515 = arith.addi %mul3A_241, %add3A_514 : i32
      %lt3A_516 = arith.constant 32 : i32
      %lt3A_517 = arith.cmpi slt, %add3A_515, %lt3A_516 : i32
      %jit3A_518 = arith.constant 0 : i32
      %select_n3A_519 = arith.select %lt3A_517, %add3A_515, %jit3A_518 : i32
      %jit3A_520 = arith.constant 16 : i32
      %div3A_521 = arith.divsi %select_n3A_519, %jit3A_520 : i32
      %sign3A_522 = arith.constant 0 : i32
      %sign3A_523 = arith.cmpi sgt, %select_n3A_519, %sign3A_522 : i32
      %sign3A_524 = arith.extui %sign3A_523 : i1 to i32
      %sign3A_525 = arith.constant 0 : i32
      %sign3A_526 = arith.cmpi slt, %select_n3A_519, %sign3A_525 : i32
      %sign3A_527 = arith.extui %sign3A_526 : i1 to i32
      %sign3A_528 = arith.subi %sign3A_524, %sign3A_527 : i32
      %sign3A_529 = arith.constant 0 : i32
      %sign3A_530 = arith.cmpi sgt, %jit3A_520, %sign3A_529 : i32
      %sign3A_531 = arith.extui %sign3A_530 : i1 to i32
      %sign3A_532 = arith.constant 0 : i32
      %sign3A_533 = arith.cmpi slt, %jit3A_520, %sign3A_532 : i32
      %sign3A_534 = arith.extui %sign3A_533 : i1 to i32
      %sign3A_535 = arith.subi %sign3A_531, %sign3A_534 : i32
      %ne3A_536 = arith.cmpi ne, %sign3A_528, %sign3A_535 : i32
      %rem3A_537 = arith.remsi %select_n3A_519, %jit3A_520 : i32
      %ne3A_538 = arith.constant 0 : i32
      %ne3A_539 = arith.cmpi ne, %rem3A_537, %ne3A_538 : i32
      %and3A_540 = arith.andi %ne3A_536, %ne3A_539 : i1
      %sub3A_541 = arith.constant 1 : i32
      %sub3A_542 = arith.subi %div3A_521, %sub3A_541 : i32
      %select_n3A_543 = arith.select %and3A_540, %sub3A_542, %div3A_521 : i32
      %dma_wait3A_544 = arith.constant 0 : i32
      %dma_wait3A_545 = tpu.memref_slice %arg5[%select_n3A_519, %dma_wait3A_544] : memref<32x128xi32, #tpu.memory_space<vmem>> -> memref<1x128xi32, #tpu.memory_space<vmem>>
      %dma_wait3A_546 = tpu.memref_squeeze %dma_wait3A_545 : memref<1x128xi32, #tpu.memory_space<vmem>> -> memref<128xi32, #tpu.memory_space<vmem>>
      %dma_wait3A_547 = arith.constant 0 : i32
      %dma_wait3A_548 = arith.constant 0 : i32
      %dma_wait3A_549 = tpu.memref_slice %arg2[%select_n3A_543, %dma_wait3A_547, %dma_wait3A_548] : memref<2x5120x128xf32, #tpu.memory_space<hbm>> -> memref<1x5120x128xf32, #tpu.memory_space<hbm>>
      %dma_wait3A_550 = tpu.memref_squeeze %dma_wait3A_549 : memref<1x5120x128xf32, #tpu.memory_space<hbm>> -> memref<5120x128xf32, #tpu.memory_space<hbm>>
      %dma_wait3A_551 = arith.constant 0 : i32
      %dma_wait3A_552 = arith.constant 0 : i32
      %dma_wait3A_553 = tpu.memref_slice %dma_wait3A_550[%dma_wait3A_551, %dma_wait3A_552] : memref<5120x128xf32, #tpu.memory_space<hbm>> -> memref<5120x128xf32, #tpu.memory_space<hbm>>
      tpu.wait_indirect_dma semaphore(%arg12 : memref<!tpu.dma_semaphore, #tpu.memory_space<semaphore_mem>>) src(%dma_wait3A_553 : memref<5120x128xf32, #tpu.memory_space<hbm>>) dst(%arg8 : memref<128x128xf32, #tpu.memory_space<vmem>>)
      %add3A_554 = arith.constant 2 : i32
      %add3A_555 = arith.addi %mul3A_241, %add3A_554 : i32
      %jit3A_556 = arith.constant 16 : i32
      %div3A_557 = arith.divsi %add3A_555, %jit3A_556 : i32
      %sign3A_558 = arith.constant 0 : i32
      %sign3A_559 = arith.cmpi sgt, %add3A_555, %sign3A_558 : i32
      %sign3A_560 = arith.extui %sign3A_559 : i1 to i32
      %sign3A_561 = arith.constant 0 : i32
      %sign3A_562 = arith.cmpi slt, %add3A_555, %sign3A_561 : i32
      %sign3A_563 = arith.extui %sign3A_562 : i1 to i32
      %sign3A_564 = arith.subi %sign3A_560, %sign3A_563 : i32
      %sign3A_565 = arith.constant 0 : i32
      %sign3A_566 = arith.cmpi sgt, %jit3A_556, %sign3A_565 : i32
      %sign3A_567 = arith.extui %sign3A_566 : i1 to i32
      %sign3A_568 = arith.constant 0 : i32
      %sign3A_569 = arith.cmpi slt, %jit3A_556, %sign3A_568 : i32
      %sign3A_570 = arith.extui %sign3A_569 : i1 to i32
      %sign3A_571 = arith.subi %sign3A_567, %sign3A_570 : i32
      %ne3A_572 = arith.cmpi ne, %sign3A_564, %sign3A_571 : i32
      %rem3A_573 = arith.remsi %add3A_555, %jit3A_556 : i32
      %ne3A_574 = arith.constant 0 : i32
      %ne3A_575 = arith.cmpi ne, %rem3A_573, %ne3A_574 : i32
      %and3A_576 = arith.andi %ne3A_572, %ne3A_575 : i1
      %sub3A_577 = arith.constant 1 : i32
      %sub3A_578 = arith.subi %div3A_557, %sub3A_577 : i32
      %select_n3A_579 = arith.select %and3A_576, %sub3A_578, %div3A_557 : i32
      %mul3A_580 = arith.constant 2048 : i32
      %mul3A_581 = arith.muli %arg1, %mul3A_580 : i32
      %rem3A_582 = arith.constant 16 : i32
      %rem3A_583 = arith.remsi %add3A_555, %rem3A_582 : i32
      %mul3A_584 = arith.constant 128 : i32
      %mul3A_585 = arith.muli %rem3A_583, %mul3A_584 : i32
      %add3A_586 = arith.addi %mul3A_581, %mul3A_585 : i32
      %dma_start3A_587 = arith.constant 0 : i32
      %dma_start3A_588 = tpu.memref_slice %arg4[%arg0, %select_n3A_579, %add3A_586, %dma_start3A_587] : memref<2x2x32768x128xf32, #tpu.memory_space<hbm>> -> memref<1x1x128x128xf32, #tpu.memory_space<hbm>>
      %dma_start3A_589 = tpu.memref_squeeze %dma_start3A_588 : memref<1x1x128x128xf32, #tpu.memory_space<hbm>> -> memref<128x128xf32, #tpu.memory_space<hbm>>
      %dma_start3A_590 = arith.constant 0 : i32
      %dma_start3A_591 = tpu.memref_slice %arg4[%arg0, %select_n3A_579, %add3A_586, %dma_start3A_590] : memref<2x2x32768x128xf32, #tpu.memory_space<hbm>> -> memref<1x1x128x128xf32, #tpu.memory_space<hbm>>
      %dma_start3A_592 = tpu.memref_squeeze %dma_start3A_591 : memref<1x1x128x128xf32, #tpu.memory_space<hbm>> -> memref<128x128xf32, #tpu.memory_space<hbm>>
      tpu.enqueue_dma source(%arg8 : memref<128x128xf32, #tpu.memory_space<vmem>>) target(%dma_start3A_592 : memref<128x128xf32, #tpu.memory_space<hbm>>) target_semaphore(%arg16 : memref<!tpu.dma_semaphore, #tpu.memory_space<semaphore_mem>>)
      %add3A_593 = arith.constant 1 : i32
      %add3A_594 = arith.addi %mul3A_241, %add3A_593 : i32
      %jit3A_595 = arith.constant 16 : i32
      %div3A_596 = arith.divsi %add3A_594, %jit3A_595 : i32
      %sign3A_597 = arith.constant 0 : i32
      %sign3A_598 = arith.cmpi sgt, %add3A_594, %sign3A_597 : i32
      %sign3A_599 = arith.extui %sign3A_598 : i1 to i32
      %sign3A_600 = arith.constant 0 : i32
      %sign3A_601 = arith.cmpi slt, %add3A_594, %sign3A_600 : i32
      %sign3A_602 = arith.extui %sign3A_601 : i1 to i32
      %sign3A_603 = arith.subi %sign3A_599, %sign3A_602 : i32
      %sign3A_604 = arith.constant 0 : i32
      %sign3A_605 = arith.cmpi sgt, %jit3A_595, %sign3A_604 : i32
      %sign3A_606 = arith.extui %sign3A_605 : i1 to i32
      %sign3A_607 = arith.constant 0 : i32
      %sign3A_608 = arith.cmpi slt, %jit3A_595, %sign3A_607 : i32
      %sign3A_609 = arith.extui %sign3A_608 : i1 to i32
      %sign3A_610 = arith.subi %sign3A_606, %sign3A_609 : i32
      %ne3A_611 = arith.cmpi ne, %sign3A_603, %sign3A_610 : i32
      %rem3A_612 = arith.remsi %add3A_594, %jit3A_595 : i32
      %ne3A_613 = arith.constant 0 : i32
      %ne3A_614 = arith.cmpi ne, %rem3A_612, %ne3A_613 : i32
      %and3A_615 = arith.andi %ne3A_611, %ne3A_614 : i1
      %sub3A_616 = arith.constant 1 : i32
      %sub3A_617 = arith.subi %div3A_596, %sub3A_616 : i32
      %select_n3A_618 = arith.select %and3A_615, %sub3A_617, %div3A_596 : i32
      %mul3A_619 = arith.constant 2048 : i32
      %mul3A_620 = arith.muli %arg1, %mul3A_619 : i32
      %rem3A_621 = arith.constant 16 : i32
      %rem3A_622 = arith.remsi %add3A_594, %rem3A_621 : i32
      %mul3A_623 = arith.constant 128 : i32
      %mul3A_624 = arith.muli %rem3A_622, %mul3A_623 : i32
      %add3A_625 = arith.addi %mul3A_620, %mul3A_624 : i32
      %dma_wait3A_626 = arith.constant 0 : i32
      %dma_wait3A_627 = tpu.memref_slice %arg4[%arg0, %select_n3A_618, %add3A_625, %dma_wait3A_626] : memref<2x2x32768x128xf32, #tpu.memory_space<hbm>> -> memref<1x1x128x128xf32, #tpu.memory_space<hbm>>
      %dma_wait3A_628 = tpu.memref_squeeze %dma_wait3A_627 : memref<1x1x128x128xf32, #tpu.memory_space<hbm>> -> memref<128x128xf32, #tpu.memory_space<hbm>>
      %dma_wait3A_629 = arith.constant 0 : i32
      %dma_wait3A_630 = tpu.memref_slice %arg4[%arg0, %select_n3A_618, %add3A_625, %dma_wait3A_629] : memref<2x2x32768x128xf32, #tpu.memory_space<hbm>> -> memref<1x1x128x128xf32, #tpu.memory_space<hbm>>
      %dma_wait3A_631 = tpu.memref_squeeze %dma_wait3A_630 : memref<1x1x128x128xf32, #tpu.memory_space<hbm>> -> memref<128x128xf32, #tpu.memory_space<hbm>>
      tpu.wait_dma2 semaphore(%arg15 : memref<!tpu.dma_semaphore, #tpu.memory_space<semaphore_mem>>) src(%arg7 : memref<128x128xf32, #tpu.memory_space<vmem>>) dst(%dma_wait3A_631 : memref<128x128xf32, #tpu.memory_space<hbm>>)
      %add3A_632 = arith.constant 5 : i32
      %add3A_633 = arith.addi %mul3A_241, %add3A_632 : i32
      %lt3A_634 = arith.constant 32 : i32
      %lt3A_635 = arith.cmpi slt, %add3A_633, %lt3A_634 : i32
      %jit3A_636 = arith.constant 0 : i32
      %select_n3A_637 = arith.select %lt3A_635, %add3A_633, %jit3A_636 : i32
      %jit3A_638 = arith.constant 16 : i32
      %div3A_639 = arith.divsi %select_n3A_637, %jit3A_638 : i32
      %sign3A_640 = arith.constant 0 : i32
      %sign3A_641 = arith.cmpi sgt, %select_n3A_637, %sign3A_640 : i32
      %sign3A_642 = arith.extui %sign3A_641 : i1 to i32
      %sign3A_643 = arith.constant 0 : i32
      %sign3A_644 = arith.cmpi slt, %select_n3A_637, %sign3A_643 : i32
      %sign3A_645 = arith.extui %sign3A_644 : i1 to i32
      %sign3A_646 = arith.subi %sign3A_642, %sign3A_645 : i32
      %sign3A_647 = arith.constant 0 : i32
      %sign3A_648 = arith.cmpi sgt, %jit3A_638, %sign3A_647 : i32
      %sign3A_649 = arith.extui %sign3A_648 : i1 to i32
      %sign3A_650 = arith.constant 0 : i32
      %sign3A_651 = arith.cmpi slt, %jit3A_638, %sign3A_650 : i32
      %sign3A_652 = arith.extui %sign3A_651 : i1 to i32
      %sign3A_653 = arith.subi %sign3A_649, %sign3A_652 : i32
      %ne3A_654 = arith.cmpi ne, %sign3A_646, %sign3A_653 : i32
      %rem3A_655 = arith.remsi %select_n3A_637, %jit3A_638 : i32
      %ne3A_656 = arith.constant 0 : i32
      %ne3A_657 = arith.cmpi ne, %rem3A_655, %ne3A_656 : i32
      %and3A_658 = arith.andi %ne3A_654, %ne3A_657 : i1
      %sub3A_659 = arith.constant 1 : i32
      %sub3A_660 = arith.subi %div3A_639, %sub3A_659 : i32
      %select_n3A_661 = arith.select %and3A_658, %sub3A_660, %div3A_639 : i32
      %dma_start3A_662 = arith.constant 0 : i32
      %dma_start3A_663 = tpu.memref_slice %arg5[%select_n3A_637, %dma_start3A_662] : memref<32x128xi32, #tpu.memory_space<vmem>> -> memref<1x128xi32, #tpu.memory_space<vmem>>
      %dma_start3A_664 = tpu.memref_squeeze %dma_start3A_663 : memref<1x128xi32, #tpu.memory_space<vmem>> -> memref<128xi32, #tpu.memory_space<vmem>>
      %dma_start3A_665 = arith.constant 0 : i32
      %dma_start3A_666 = arith.constant 0 : i32
      %dma_start3A_667 = tpu.memref_slice %arg2[%select_n3A_661, %dma_start3A_665, %dma_start3A_666] : memref<2x5120x128xf32, #tpu.memory_space<hbm>> -> memref<1x5120x128xf32, #tpu.memory_space<hbm>>
      %dma_start3A_668 = tpu.memref_squeeze %dma_start3A_667 : memref<1x5120x128xf32, #tpu.memory_space<hbm>> -> memref<5120x128xf32, #tpu.memory_space<hbm>>
      %dma_start3A_669 = arith.constant 0 : i32
      %dma_start3A_670 = arith.constant 0 : i32
      %dma_start3A_671 = tpu.memref_slice %dma_start3A_668[%dma_start3A_669, %dma_start3A_670] : memref<5120x128xf32, #tpu.memory_space<hbm>> -> memref<5120x128xf32, #tpu.memory_space<hbm>>
      tpu.enqueue_indirect_dma source(%dma_start3A_671 : memref<5120x128xf32, #tpu.memory_space<hbm>>) target(%arg7 : memref<128x128xf32, #tpu.memory_space<vmem>>) offsets(%dma_start3A_664 : memref<128xi32, #tpu.memory_space<vmem>>) semaphore(%arg11 : memref<!tpu.dma_semaphore, #tpu.memory_space<semaphore_mem>>)
      %add3A_672 = arith.constant 3 : i32
      %add3A_673 = arith.addi %mul3A_241, %add3A_672 : i32
      %lt3A_674 = arith.constant 32 : i32
      %lt3A_675 = arith.cmpi slt, %add3A_673, %lt3A_674 : i32
      %jit3A_676 = arith.constant 0 : i32
      %select_n3A_677 = arith.select %lt3A_675, %add3A_673, %jit3A_676 : i32
      %jit3A_678 = arith.constant 16 : i32
      %div3A_679 = arith.divsi %select_n3A_677, %jit3A_678 : i32
      %sign3A_680 = arith.constant 0 : i32
      %sign3A_681 = arith.cmpi sgt, %select_n3A_677, %sign3A_680 : i32
      %sign3A_682 = arith.extui %sign3A_681 : i1 to i32
      %sign3A_683 = arith.constant 0 : i32
      %sign3A_684 = arith.cmpi slt, %select_n3A_677, %sign3A_683 : i32
      %sign3A_685 = arith.extui %sign3A_684 : i1 to i32
      %sign3A_686 = arith.subi %sign3A_682, %sign3A_685 : i32
      %sign3A_687 = arith.constant 0 : i32
      %sign3A_688 = arith.cmpi sgt, %jit3A_678, %sign3A_687 : i32
      %sign3A_689 = arith.extui %sign3A_688 : i1 to i32
      %sign3A_690 = arith.constant 0 : i32
      %sign3A_691 = arith.cmpi slt, %jit3A_678, %sign3A_690 : i32
      %sign3A_692 = arith.extui %sign3A_691 : i1 to i32
      %sign3A_693 = arith.subi %sign3A_689, %sign3A_692 : i32
      %ne3A_694 = arith.cmpi ne, %sign3A_686, %sign3A_693 : i32
      %rem3A_695 = arith.remsi %select_n3A_677, %jit3A_678 : i32
      %ne3A_696 = arith.constant 0 : i32
      %ne3A_697 = arith.cmpi ne, %rem3A_695, %ne3A_696 : i32
      %and3A_698 = arith.andi %ne3A_694, %ne3A_697 : i1
      %sub3A_699 = arith.constant 1 : i32
      %sub3A_700 = arith.subi %div3A_679, %sub3A_699 : i32
      %select_n3A_701 = arith.select %and3A_698, %sub3A_700, %div3A_679 : i32
      %dma_wait3A_702 = arith.constant 0 : i32
      %dma_wait3A_703 = tpu.memref_slice %arg5[%select_n3A_677, %dma_wait3A_702] : memref<32x128xi32, #tpu.memory_space<vmem>> -> memref<1x128xi32, #tpu.memory_space<vmem>>
      %dma_wait3A_704 = tpu.memref_squeeze %dma_wait3A_703 : memref<1x128xi32, #tpu.memory_space<vmem>> -> memref<128xi32, #tpu.memory_space<vmem>>
      %dma_wait3A_705 = arith.constant 0 : i32
      %dma_wait3A_706 = arith.constant 0 : i32
      %dma_wait3A_707 = tpu.memref_slice %arg2[%select_n3A_701, %dma_wait3A_705, %dma_wait3A_706] : memref<2x5120x128xf32, #tpu.memory_space<hbm>> -> memref<1x5120x128xf32, #tpu.memory_space<hbm>>
      %dma_wait3A_708 = tpu.memref_squeeze %dma_wait3A_707 : memref<1x5120x128xf32, #tpu.memory_space<hbm>> -> memref<5120x128xf32, #tpu.memory_space<hbm>>
      %dma_wait3A_709 = arith.constant 0 : i32
      %dma_wait3A_710 = arith.constant 0 : i32
      %dma_wait3A_711 = tpu.memref_slice %dma_wait3A_708[%dma_wait3A_709, %dma_wait3A_710] : memref<5120x128xf32, #tpu.memory_space<hbm>> -> memref<5120x128xf32, #tpu.memory_space<hbm>>
      tpu.wait_indirect_dma semaphore(%arg13 : memref<!tpu.dma_semaphore, #tpu.memory_space<semaphore_mem>>) src(%dma_wait3A_711 : memref<5120x128xf32, #tpu.memory_space<hbm>>) dst(%arg9 : memref<128x128xf32, #tpu.memory_space<vmem>>)
      %add3A_712 = arith.constant 3 : i32
      %add3A_713 = arith.addi %mul3A_241, %add3A_712 : i32
      %jit3A_714 = arith.constant 16 : i32
      %div3A_715 = arith.divsi %add3A_713, %jit3A_714 : i32
      %sign3A_716 = arith.constant 0 : i32
      %sign3A_717 = arith.cmpi sgt, %add3A_713, %sign3A_716 : i32
      %sign3A_718 = arith.extui %sign3A_717 : i1 to i32
      %sign3A_719 = arith.constant 0 : i32
      %sign3A_720 = arith.cmpi slt, %add3A_713, %sign3A_719 : i32
      %sign3A_721 = arith.extui %sign3A_720 : i1 to i32
      %sign3A_722 = arith.subi %sign3A_718, %sign3A_721 : i32
      %sign3A_723 = arith.constant 0 : i32
      %sign3A_724 = arith.cmpi sgt, %jit3A_714, %sign3A_723 : i32
      %sign3A_725 = arith.extui %sign3A_724 : i1 to i32
      %sign3A_726 = arith.constant 0 : i32
      %sign3A_727 = arith.cmpi slt, %jit3A_714, %sign3A_726 : i32
      %sign3A_728 = arith.extui %sign3A_727 : i1 to i32
      %sign3A_729 = arith.subi %sign3A_725, %sign3A_728 : i32
      %ne3A_730 = arith.cmpi ne, %sign3A_722, %sign3A_729 : i32
      %rem3A_731 = arith.remsi %add3A_713, %jit3A_714 : i32
      %ne3A_732 = arith.constant 0 : i32
      %ne3A_733 = arith.cmpi ne, %rem3A_731, %ne3A_732 : i32
      %and3A_734 = arith.andi %ne3A_730, %ne3A_733 : i1
      %sub3A_735 = arith.constant 1 : i32
      %sub3A_736 = arith.subi %div3A_715, %sub3A_735 : i32
      %select_n3A_737 = arith.select %and3A_734, %sub3A_736, %div3A_715 : i32
      %mul3A_738 = arith.constant 2048 : i32
      %mul3A_739 = arith.muli %arg1, %mul3A_738 : i32
      %rem3A_740 = arith.constant 16 : i32
      %rem3A_741 = arith.remsi %add3A_713, %rem3A_740 : i32
      %mul3A_742 = arith.constant 128 : i32
      %mul3A_743 = arith.muli %rem3A_741, %mul3A_742 : i32
      %add3A_744 = arith.addi %mul3A_739, %mul3A_743 : i32
      %dma_start3A_745 = arith.constant 0 : i32
      %dma_start3A_746 = tpu.memref_slice %arg4[%arg0, %select_n3A_737, %add3A_744, %dma_start3A_745] : memref<2x2x32768x128xf32, #tpu.memory_space<hbm>> -> memref<1x1x128x128xf32, #tpu.memory_space<hbm>>
      %dma_start3A_747 = tpu.memref_squeeze %dma_start3A_746 : memref<1x1x128x128xf32, #tpu.memory_space<hbm>> -> memref<128x128xf32, #tpu.memory_space<hbm>>
      %dma_start3A_748 = arith.constant 0 : i32
      %dma_start3A_749 = tpu.memref_slice %arg4[%arg0, %select_n3A_737, %add3A_744, %dma_start3A_748] : memref<2x2x32768x128xf32, #tpu.memory_space<hbm>> -> memref<1x1x128x128xf32, #tpu.memory_space<hbm>>
      %dma_start3A_750 = tpu.memref_squeeze %dma_start3A_749 : memref<1x1x128x128xf32, #tpu.memory_space<hbm>> -> memref<128x128xf32, #tpu.memory_space<hbm>>
      tpu.enqueue_dma source(%arg9 : memref<128x128xf32, #tpu.memory_space<vmem>>) target(%dma_start3A_750 : memref<128x128xf32, #tpu.memory_space<hbm>>) target_semaphore(%arg17 : memref<!tpu.dma_semaphore, #tpu.memory_space<semaphore_mem>>)
      %add3A_751 = arith.constant 2 : i32
      %add3A_752 = arith.addi %mul3A_241, %add3A_751 : i32
      %jit3A_753 = arith.constant 16 : i32
      %div3A_754 = arith.divsi %add3A_752, %jit3A_753 : i32
      %sign3A_755 = arith.constant 0 : i32
      %sign3A_756 = arith.cmpi sgt, %add3A_752, %sign3A_755 : i32
      %sign3A_757 = arith.extui %sign3A_756 : i1 to i32
      %sign3A_758 = arith.constant 0 : i32
      %sign3A_759 = arith.cmpi slt, %add3A_752, %sign3A_758 : i32
      %sign3A_760 = arith.extui %sign3A_759 : i1 to i32
      %sign3A_761 = arith.subi %sign3A_757, %sign3A_760 : i32
      %sign3A_762 = arith.constant 0 : i32
      %sign3A_763 = arith.cmpi sgt, %jit3A_753, %sign3A_762 : i32
      %sign3A_764 = arith.extui %sign3A_763 : i1 to i32
      %sign3A_765 = arith.constant 0 : i32
      %sign3A_766 = arith.cmpi slt, %jit3A_753, %sign3A_765 : i32
      %sign3A_767 = arith.extui %sign3A_766 : i1 to i32
      %sign3A_768 = arith.subi %sign3A_764, %sign3A_767 : i32
      %ne3A_769 = arith.cmpi ne, %sign3A_761, %sign3A_768 : i32
      %rem3A_770 = arith.remsi %add3A_752, %jit3A_753 : i32
      %ne3A_771 = arith.constant 0 : i32
      %ne3A_772 = arith.cmpi ne, %rem3A_770, %ne3A_771 : i32
      %and3A_773 = arith.andi %ne3A_769, %ne3A_772 : i1
      %sub3A_774 = arith.constant 1 : i32
      %sub3A_775 = arith.subi %div3A_754, %sub3A_774 : i32
      %select_n3A_776 = arith.select %and3A_773, %sub3A_775, %div3A_754 : i32
      %mul3A_777 = arith.constant 2048 : i32
      %mul3A_778 = arith.muli %arg1, %mul3A_777 : i32
      %rem3A_779 = arith.constant 16 : i32
      %rem3A_780 = arith.remsi %add3A_752, %rem3A_779 : i32
      %mul3A_781 = arith.constant 128 : i32
      %mul3A_782 = arith.muli %rem3A_780, %mul3A_781 : i32
      %add3A_783 = arith.addi %mul3A_778, %mul3A_782 : i32
      %dma_wait3A_784 = arith.constant 0 : i32
      %dma_wait3A_785 = tpu.memref_slice %arg4[%arg0, %select_n3A_776, %add3A_783, %dma_wait3A_784] : memref<2x2x32768x128xf32, #tpu.memory_space<hbm>> -> memref<1x1x128x128xf32, #tpu.memory_space<hbm>>
      %dma_wait3A_786 = tpu.memref_squeeze %dma_wait3A_785 : memref<1x1x128x128xf32, #tpu.memory_space<hbm>> -> memref<128x128xf32, #tpu.memory_space<hbm>>
      %dma_wait3A_787 = arith.constant 0 : i32
      %dma_wait3A_788 = tpu.memref_slice %arg4[%arg0, %select_n3A_776, %add3A_783, %dma_wait3A_787] : memref<2x2x32768x128xf32, #tpu.memory_space<hbm>> -> memref<1x1x128x128xf32, #tpu.memory_space<hbm>>
      %dma_wait3A_789 = tpu.memref_squeeze %dma_wait3A_788 : memref<1x1x128x128xf32, #tpu.memory_space<hbm>> -> memref<128x128xf32, #tpu.memory_space<hbm>>
      tpu.wait_dma2 semaphore(%arg16 : memref<!tpu.dma_semaphore, #tpu.memory_space<semaphore_mem>>) src(%arg8 : memref<128x128xf32, #tpu.memory_space<vmem>>) dst(%dma_wait3A_789 : memref<128x128xf32, #tpu.memory_space<hbm>>)
      %add3A_790 = arith.constant 6 : i32
      %add3A_791 = arith.addi %mul3A_241, %add3A_790 : i32
      %lt3A_792 = arith.constant 32 : i32
      %lt3A_793 = arith.cmpi slt, %add3A_791, %lt3A_792 : i32
      %jit3A_794 = arith.constant 0 : i32
      %select_n3A_795 = arith.select %lt3A_793, %add3A_791, %jit3A_794 : i32
      %jit3A_796 = arith.constant 16 : i32
      %div3A_797 = arith.divsi %select_n3A_795, %jit3A_796 : i32
      %sign3A_798 = arith.constant 0 : i32
      %sign3A_799 = arith.cmpi sgt, %select_n3A_795, %sign3A_798 : i32
      %sign3A_800 = arith.extui %sign3A_799 : i1 to i32
      %sign3A_801 = arith.constant 0 : i32
      %sign3A_802 = arith.cmpi slt, %select_n3A_795, %sign3A_801 : i32
      %sign3A_803 = arith.extui %sign3A_802 : i1 to i32
      %sign3A_804 = arith.subi %sign3A_800, %sign3A_803 : i32
      %sign3A_805 = arith.constant 0 : i32
      %sign3A_806 = arith.cmpi sgt, %jit3A_796, %sign3A_805 : i32
      %sign3A_807 = arith.extui %sign3A_806 : i1 to i32
      %sign3A_808 = arith.constant 0 : i32
      %sign3A_809 = arith.cmpi slt, %jit3A_796, %sign3A_808 : i32
      %sign3A_810 = arith.extui %sign3A_809 : i1 to i32
      %sign3A_811 = arith.subi %sign3A_807, %sign3A_810 : i32
      %ne3A_812 = arith.cmpi ne, %sign3A_804, %sign3A_811 : i32
      %rem3A_813 = arith.remsi %select_n3A_795, %jit3A_796 : i32
      %ne3A_814 = arith.constant 0 : i32
      %ne3A_815 = arith.cmpi ne, %rem3A_813, %ne3A_814 : i32
      %and3A_816 = arith.andi %ne3A_812, %ne3A_815 : i1
      %sub3A_817 = arith.constant 1 : i32
      %sub3A_818 = arith.subi %div3A_797, %sub3A_817 : i32
      %select_n3A_819 = arith.select %and3A_816, %sub3A_818, %div3A_797 : i32
      %dma_start3A_820 = arith.constant 0 : i32
      %dma_start3A_821 = tpu.memref_slice %arg5[%select_n3A_795, %dma_start3A_820] : memref<32x128xi32, #tpu.memory_space<vmem>> -> memref<1x128xi32, #tpu.memory_space<vmem>>
      %dma_start3A_822 = tpu.memref_squeeze %dma_start3A_821 : memref<1x128xi32, #tpu.memory_space<vmem>> -> memref<128xi32, #tpu.memory_space<vmem>>
      %dma_start3A_823 = arith.constant 0 : i32
      %dma_start3A_824 = arith.constant 0 : i32
      %dma_start3A_825 = tpu.memref_slice %arg2[%select_n3A_819, %dma_start3A_823, %dma_start3A_824] : memref<2x5120x128xf32, #tpu.memory_space<hbm>> -> memref<1x5120x128xf32, #tpu.memory_space<hbm>>
      %dma_start3A_826 = tpu.memref_squeeze %dma_start3A_825 : memref<1x5120x128xf32, #tpu.memory_space<hbm>> -> memref<5120x128xf32, #tpu.memory_space<hbm>>
      %dma_start3A_827 = arith.constant 0 : i32
      %dma_start3A_828 = arith.constant 0 : i32
      %dma_start3A_829 = tpu.memref_slice %dma_start3A_826[%dma_start3A_827, %dma_start3A_828] : memref<5120x128xf32, #tpu.memory_space<hbm>> -> memref<5120x128xf32, #tpu.memory_space<hbm>>
      tpu.enqueue_indirect_dma source(%dma_start3A_829 : memref<5120x128xf32, #tpu.memory_space<hbm>>) target(%arg8 : memref<128x128xf32, #tpu.memory_space<vmem>>) offsets(%dma_start3A_822 : memref<128xi32, #tpu.memory_space<vmem>>) semaphore(%arg12 : memref<!tpu.dma_semaphore, #tpu.memory_space<semaphore_mem>>)
      %scan3A_830 = arith.constant 0 : i32
      scf.yield %scan3A_830 : i32
    }
    %scan3A_111 = arith.constant 8 : i32
    %jit3A_112 = arith.constant true
    %jit3A_113 = arith.constant 0 : i32
    %jit3A_114 = arith.constant 0 : i32
    %select_n3A_115 = arith.select %jit3A_112, %jit3A_113, %jit3A_114 : i32
    %jit3A_116 = arith.constant 16 : i32
    %div3A_117 = arith.divsi %select_n3A_115, %jit3A_116 : i32
    %sign3A_118 = arith.constant 0 : i32
    %sign3A_119 = arith.cmpi sgt, %select_n3A_115, %sign3A_118 : i32
    %sign3A_120 = arith.extui %sign3A_119 : i1 to i32
    %sign3A_121 = arith.constant 0 : i32
    %sign3A_122 = arith.cmpi slt, %select_n3A_115, %sign3A_121 : i32
    %sign3A_123 = arith.extui %sign3A_122 : i1 to i32
    %sign3A_124 = arith.subi %sign3A_120, %sign3A_123 : i32
    %sign3A_125 = arith.constant 0 : i32
    %sign3A_126 = arith.cmpi sgt, %jit3A_116, %sign3A_125 : i32
    %sign3A_127 = arith.extui %sign3A_126 : i1 to i32
    %sign3A_128 = arith.constant 0 : i32
    %sign3A_129 = arith.cmpi slt, %jit3A_116, %sign3A_128 : i32
    %sign3A_130 = arith.extui %sign3A_129 : i1 to i32
    %sign3A_131 = arith.subi %sign3A_127, %sign3A_130 : i32
    %ne3A_132 = arith.cmpi ne, %sign3A_124, %sign3A_131 : i32
    %rem3A_133 = arith.remsi %select_n3A_115, %jit3A_116 : i32
    %ne3A_134 = arith.constant 0 : i32
    %ne3A_135 = arith.cmpi ne, %rem3A_133, %ne3A_134 : i32
    %and3A_136 = arith.andi %ne3A_132, %ne3A_135 : i1
    %sub3A_137 = arith.constant 1 : i32
    %sub3A_138 = arith.subi %div3A_117, %sub3A_137 : i32
    %select_n3A_139 = arith.select %and3A_136, %sub3A_138, %div3A_117 : i32
    %dma_wait3A = arith.constant 0 : i32
    %dma_wait3A_140 = tpu.memref_slice %arg5[%select_n3A_115, %dma_wait3A] : memref<32x128xi32, #tpu.memory_space<vmem>> -> memref<1x128xi32, #tpu.memory_space<vmem>>
    %dma_wait3A_141 = tpu.memref_squeeze %dma_wait3A_140 : memref<1x128xi32, #tpu.memory_space<vmem>> -> memref<128xi32, #tpu.memory_space<vmem>>
    %dma_wait3A_142 = arith.constant 0 : i32
    %dma_wait3A_143 = arith.constant 0 : i32
    %dma_wait3A_144 = tpu.memref_slice %arg2[%select_n3A_139, %dma_wait3A_142, %dma_wait3A_143] : memref<2x5120x128xf32, #tpu.memory_space<hbm>> -> memref<1x5120x128xf32, #tpu.memory_space<hbm>>
    %dma_wait3A_145 = tpu.memref_squeeze %dma_wait3A_144 : memref<1x5120x128xf32, #tpu.memory_space<hbm>> -> memref<5120x128xf32, #tpu.memory_space<hbm>>
    %dma_wait3A_146 = arith.constant 0 : i32
    %dma_wait3A_147 = arith.constant 0 : i32
    %dma_wait3A_148 = tpu.memref_slice %dma_wait3A_145[%dma_wait3A_146, %dma_wait3A_147] : memref<5120x128xf32, #tpu.memory_space<hbm>> -> memref<5120x128xf32, #tpu.memory_space<hbm>>
    tpu.wait_indirect_dma semaphore(%arg10 : memref<!tpu.dma_semaphore, #tpu.memory_space<semaphore_mem>>) src(%dma_wait3A_148 : memref<5120x128xf32, #tpu.memory_space<hbm>>) dst(%arg6 : memref<128x128xf32, #tpu.memory_space<vmem>>)
    %jit3A_149 = arith.constant true
    %jit3A_150 = arith.constant 0 : i32
    %jit3A_151 = arith.constant 0 : i32
    %select_n3A_152 = arith.select %jit3A_149, %jit3A_150, %jit3A_151 : i32
    %jit3A_153 = arith.constant 16 : i32
    %div3A_154 = arith.divsi %select_n3A_152, %jit3A_153 : i32
    %sign3A_155 = arith.constant 0 : i32
    %sign3A_156 = arith.cmpi sgt, %select_n3A_152, %sign3A_155 : i32
    %sign3A_157 = arith.extui %sign3A_156 : i1 to i32
    %sign3A_158 = arith.constant 0 : i32
    %sign3A_159 = arith.cmpi slt, %select_n3A_152, %sign3A_158 : i32
    %sign3A_160 = arith.extui %sign3A_159 : i1 to i32
    %sign3A_161 = arith.subi %sign3A_157, %sign3A_160 : i32
    %sign3A_162 = arith.constant 0 : i32
    %sign3A_163 = arith.cmpi sgt, %jit3A_153, %sign3A_162 : i32
    %sign3A_164 = arith.extui %sign3A_163 : i1 to i32
    %sign3A_165 = arith.constant 0 : i32
    %sign3A_166 = arith.cmpi slt, %jit3A_153, %sign3A_165 : i32
    %sign3A_167 = arith.extui %sign3A_166 : i1 to i32
    %sign3A_168 = arith.subi %sign3A_164, %sign3A_167 : i32
    %ne3A_169 = arith.cmpi ne, %sign3A_161, %sign3A_168 : i32
    %rem3A_170 = arith.remsi %select_n3A_152, %jit3A_153 : i32
    %ne3A_171 = arith.constant 0 : i32
    %ne3A_172 = arith.cmpi ne, %rem3A_170, %ne3A_171 : i32
    %and3A_173 = arith.andi %ne3A_169, %ne3A_172 : i1
    %sub3A_174 = arith.constant 1 : i32
    %sub3A_175 = arith.subi %div3A_154, %sub3A_174 : i32
    %select_n3A_176 = arith.select %and3A_173, %sub3A_175, %div3A_154 : i32
    %dma_wait3A_177 = arith.constant 0 : i32
    %dma_wait3A_178 = tpu.memref_slice %arg5[%select_n3A_152, %dma_wait3A_177] : memref<32x128xi32, #tpu.memory_space<vmem>> -> memref<1x128xi32, #tpu.memory_space<vmem>>
    %dma_wait3A_179 = tpu.memref_squeeze %dma_wait3A_178 : memref<1x128xi32, #tpu.memory_space<vmem>> -> memref<128xi32, #tpu.memory_space<vmem>>
    %dma_wait3A_180 = arith.constant 0 : i32
    %dma_wait3A_181 = arith.constant 0 : i32
    %dma_wait3A_182 = tpu.memref_slice %arg2[%select_n3A_176, %dma_wait3A_180, %dma_wait3A_181] : memref<2x5120x128xf32, #tpu.memory_space<hbm>> -> memref<1x5120x128xf32, #tpu.memory_space<hbm>>
    %dma_wait3A_183 = tpu.memref_squeeze %dma_wait3A_182 : memref<1x5120x128xf32, #tpu.memory_space<hbm>> -> memref<5120x128xf32, #tpu.memory_space<hbm>>
    %dma_wait3A_184 = arith.constant 0 : i32
    %dma_wait3A_185 = arith.constant 0 : i32
    %dma_wait3A_186 = tpu.memref_slice %dma_wait3A_183[%dma_wait3A_184, %dma_wait3A_185] : memref<5120x128xf32, #tpu.memory_space<hbm>> -> memref<5120x128xf32, #tpu.memory_space<hbm>>
    tpu.wait_indirect_dma semaphore(%arg11 : memref<!tpu.dma_semaphore, #tpu.memory_space<semaphore_mem>>) src(%dma_wait3A_186 : memref<5120x128xf32, #tpu.memory_space<hbm>>) dst(%arg7 : memref<128x128xf32, #tpu.memory_space<vmem>>)
    %jit3A_187 = arith.constant true
    %jit3A_188 = arith.constant 0 : i32
    %jit3A_189 = arith.constant 0 : i32
    %select_n3A_190 = arith.select %jit3A_187, %jit3A_188, %jit3A_189 : i32
    %jit3A_191 = arith.constant 16 : i32
    %div3A_192 = arith.divsi %select_n3A_190, %jit3A_191 : i32
    %sign3A_193 = arith.constant 0 : i32
    %sign3A_194 = arith.cmpi sgt, %select_n3A_190, %sign3A_193 : i32
    %sign3A_195 = arith.extui %sign3A_194 : i1 to i32
    %sign3A_196 = arith.constant 0 : i32
    %sign3A_197 = arith.cmpi slt, %select_n3A_190, %sign3A_196 : i32
    %sign3A_198 = arith.extui %sign3A_197 : i1 to i32
    %sign3A_199 = arith.subi %sign3A_195, %sign3A_198 : i32
    %sign3A_200 = arith.constant 0 : i32
    %sign3A_201 = arith.cmpi sgt, %jit3A_191, %sign3A_200 : i32
    %sign3A_202 = arith.extui %sign3A_201 : i1 to i32
    %sign3A_203 = arith.constant 0 : i32
    %sign3A_204 = arith.cmpi slt, %jit3A_191, %sign3A_203 : i32
    %sign3A_205 = arith.extui %sign3A_204 : i1 to i32
    %sign3A_206 = arith.subi %sign3A_202, %sign3A_205 : i32
    %ne3A_207 = arith.cmpi ne, %sign3A_199, %sign3A_206 : i32
    %rem3A_208 = arith.remsi %select_n3A_190, %jit3A_191 : i32
    %ne3A_209 = arith.constant 0 : i32
    %ne3A_210 = arith.cmpi ne, %rem3A_208, %ne3A_209 : i32
    %and3A_211 = arith.andi %ne3A_207, %ne3A_210 : i1
    %sub3A_212 = arith.constant 1 : i32
    %sub3A_213 = arith.subi %div3A_192, %sub3A_212 : i32
    %select_n3A_214 = arith.select %and3A_211, %sub3A_213, %div3A_192 : i32
    %dma_wait3A_215 = arith.constant 0 : i32
    %dma_wait3A_216 = tpu.memref_slice %arg5[%select_n3A_190, %dma_wait3A_215] : memref<32x128xi32, #tpu.memory_space<vmem>> -> memref<1x128xi32, #tpu.memory_space<vmem>>
    %dma_wait3A_217 = tpu.memref_squeeze %dma_wait3A_216 : memref<1x128xi32, #tpu.memory_space<vmem>> -> memref<128xi32, #tpu.memory_space<vmem>>
    %dma_wait3A_218 = arith.constant 0 : i32
    %dma_wait3A_219 = arith.constant 0 : i32
    %dma_wait3A_220 = tpu.memref_slice %arg2[%select_n3A_214, %dma_wait3A_218, %dma_wait3A_219] : memref<2x5120x128xf32, #tpu.memory_space<hbm>> -> memref<1x5120x128xf32, #tpu.memory_space<hbm>>
    %dma_wait3A_221 = tpu.memref_squeeze %dma_wait3A_220 : memref<1x5120x128xf32, #tpu.memory_space<hbm>> -> memref<5120x128xf32, #tpu.memory_space<hbm>>
    %dma_wait3A_222 = arith.constant 0 : i32
    %dma_wait3A_223 = arith.constant 0 : i32
    %dma_wait3A_224 = tpu.memref_slice %dma_wait3A_221[%dma_wait3A_222, %dma_wait3A_223] : memref<5120x128xf32, #tpu.memory_space<hbm>> -> memref<5120x128xf32, #tpu.memory_space<hbm>>
    tpu.wait_indirect_dma semaphore(%arg12 : memref<!tpu.dma_semaphore, #tpu.memory_space<semaphore_mem>>) src(%dma_wait3A_224 : memref<5120x128xf32, #tpu.memory_space<hbm>>) dst(%arg8 : memref<128x128xf32, #tpu.memory_space<vmem>>)
    %mul3A = arith.constant 2048 : i32
    %mul3A_225 = arith.muli %arg1, %mul3A : i32
    %rem3A_226 = arith.constant 31 : i32
    %rem3A_227 = arith.constant 16 : i32
    %rem3A_228 = arith.remsi %rem3A_226, %rem3A_227 : i32
    %mul3A_229 = arith.constant 128 : i32
    %mul3A_230 = arith.muli %rem3A_228, %mul3A_229 : i32
    %add3A = arith.addi %mul3A_225, %mul3A_230 : i32
    %dma_wait3A_231 = arith.constant 1 : i32
    %dma_wait3A_232 = arith.constant 0 : i32
    %dma_wait3A_233 = tpu.memref_slice %arg4[%arg0, %dma_wait3A_231, %add3A, %dma_wait3A_232] : memref<2x2x32768x128xf32, #tpu.memory_space<hbm>> -> memref<1x1x128x128xf32, #tpu.memory_space<hbm>>
    %dma_wait3A_234 = tpu.memref_squeeze %dma_wait3A_233 : memref<1x1x128x128xf32, #tpu.memory_space<hbm>> -> memref<128x128xf32, #tpu.memory_space<hbm>>
    %dma_wait3A_235 = arith.constant 0 : i32
    %dma_wait3A_236 = tpu.memref_slice %arg4[%arg0, %dma_wait3A_231, %add3A, %dma_wait3A_235] : memref<2x2x32768x128xf32, #tpu.memory_space<hbm>> -> memref<1x1x128x128xf32, #tpu.memory_space<hbm>>
    %dma_wait3A_237 = tpu.memref_squeeze %dma_wait3A_236 : memref<1x1x128x128xf32, #tpu.memory_space<hbm>> -> memref<128x128xf32, #tpu.memory_space<hbm>>
    tpu.wait_dma2 semaphore(%arg17 : memref<!tpu.dma_semaphore, #tpu.memory_space<semaphore_mem>>) src(%arg9 : memref<128x128xf32, #tpu.memory_space<vmem>>) dst(%dma_wait3A_237 : memref<128x128xf32, #tpu.memory_space<hbm>>)
    return
  }
}

module attributes {stable_mosaic.version = 14 : i64} {
  func.func @_prep_body(%arg0: i32, %arg1: i32, %arg2: memref<1x512x1xf32, #tpu.memory_space<vmem>>, %arg3: memref<1x512x128xf32, #tpu.memory_space<vmem>>, %arg4: memref<1x512x128xf32, #tpu.memory_space<vmem>>, %arg5: memref<1x512x128xf32, #tpu.memory_space<vmem>>, %arg6: memref<1x512x128xf32, #tpu.memory_space<vmem>>) attributes {dimension_semantics = [#tpu.dimension_semantics<arbitrary>, #tpu.dimension_semantics<arbitrary>], iteration_bounds = array<i64: 2, 10>, scalar_prefetch = 0 : i64, scratch_operands = 0 : i64, tpu.core_type = #tpu.core_type<tc>, window_params = [{transform_indices = @transform_0, window_bounds = array<i64: 1, 512, 1>}, {transform_indices = @transform_1, window_bounds = array<i64: 1, 512, 128>}, {transform_indices = @transform_2, window_bounds = array<i64: 1, 512, 128>}, {transform_indices = @transform_3, window_bounds = array<i64: 1, 512, 128>}, {transform_indices = @transform_4, window_bounds = array<i64: 1, 512, 128>}]} {
    %get3A = arith.constant 0 : index
    %get3A_0 = arith.constant 0 : index
    %get3A_1 = arith.constant 0 : index
    %get3A_2 = vector.load %arg2[%get3A, %get3A_0, %get3A_1] : memref<1x512x1xf32, #tpu.memory_space<vmem>>, vector<1x512x1xf32>
    %get3A_3 = vector.shape_cast %get3A_2 : vector<1x512x1xf32> to vector<512x1xf32>
    %max3A = arith.constant 1.000000e+00 : f32
    %max3A_4 = vector.broadcast %max3A : f32 to vector<512x1xf32>
    %max3A_5 = arith.maximumf %get3A_3, %max3A_4 : vector<512x1xf32>
    %rsqrt3A = math.rsqrt %max3A_5 : vector<512x1xf32>
    %div3A = arith.constant 1.000000e+00 : f32
    %div3A_6 = vector.broadcast %div3A : f32 to vector<512x1xf32>
    %div3A_7 = arith.divf %div3A_6, %max3A_5 : vector<512x1xf32>
    %get3A_8 = arith.constant 0 : index
    %get3A_9 = arith.constant 0 : index
    %get3A_10 = arith.constant 0 : index
    %get3A_11 = vector.load %arg3[%get3A_8, %get3A_9, %get3A_10] : memref<1x512x128xf32, #tpu.memory_space<vmem>>, vector<1x512x128xf32>
    %get3A_12 = vector.shape_cast %get3A_11 : vector<1x512x128xf32> to vector<512x128xf32>
    %mul3A = vector.broadcast %rsqrt3A : vector<512x1xf32> to vector<512x128xf32>
    %mul3A_13 = arith.mulf %get3A_12, %mul3A : vector<512x128xf32>
    %swap3A = arith.constant 0 : index
    %swap3A_14 = arith.constant 0 : index
    %swap3A_15 = arith.constant 0 : index
    %swap3A_16 = vector.load %arg4[%swap3A, %swap3A_14, %swap3A_15] : memref<1x512x128xf32, #tpu.memory_space<vmem>>, vector<1x512x128xf32>
    %swap3A_17 = vector.shape_cast %swap3A_16 : vector<1x512x128xf32> to vector<512x128xf32>
    %swap3A_18 = vector.shape_cast %mul3A_13 : vector<512x128xf32> to vector<1x512x128xf32>
    tpu.vector_store %arg4[%swap3A, %swap3A_14, %swap3A_15], %swap3A_18 {strides = array<i32>} : memref<1x512x128xf32, #tpu.memory_space<vmem>>, vector<1x512x128xf32>,
    %broadcast_in_dim3A = vector.shape_cast %div3A_7 : vector<512x1xf32> to vector<512x1xf32>
    %broadcast_in_dim3A_19 = vector.broadcast %broadcast_in_dim3A : vector<512x1xf32> to vector<512x128xf32>
    %swap3A_20 = arith.constant 0 : index
    %swap3A_21 = arith.constant 0 : index
    %swap3A_22 = arith.constant 0 : index
    %swap3A_23 = vector.load %arg5[%swap3A_20, %swap3A_21, %swap3A_22] : memref<1x512x128xf32, #tpu.memory_space<vmem>>, vector<1x512x128xf32>
    %swap3A_24 = vector.shape_cast %swap3A_23 : vector<1x512x128xf32> to vector<512x128xf32>
    %swap3A_25 = vector.shape_cast %broadcast_in_dim3A_19 : vector<512x128xf32> to vector<1x512x128xf32>
    tpu.vector_store %arg5[%swap3A_20, %swap3A_21, %swap3A_22], %swap3A_25 {strides = array<i32>} : memref<1x512x128xf32, #tpu.memory_space<vmem>>, vector<1x512x128xf32>,
    %broadcast_in_dim3A_26 = vector.shape_cast %rsqrt3A : vector<512x1xf32> to vector<512x1xf32>
    %broadcast_in_dim3A_27 = vector.broadcast %broadcast_in_dim3A_26 : vector<512x1xf32> to vector<512x128xf32>
    %swap3A_28 = arith.constant 0 : index
    %swap3A_29 = arith.constant 0 : index
    %swap3A_30 = arith.constant 0 : index
    %swap3A_31 = vector.load %arg6[%swap3A_28, %swap3A_29, %swap3A_30] : memref<1x512x128xf32, #tpu.memory_space<vmem>>, vector<1x512x128xf32>
    %swap3A_32 = vector.shape_cast %swap3A_31 : vector<1x512x128xf32> to vector<512x128xf32>
    %swap3A_33 = vector.shape_cast %broadcast_in_dim3A_27 : vector<512x128xf32> to vector<1x512x128xf32>
    tpu.vector_store %arg6[%swap3A_28, %swap3A_29, %swap3A_30], %swap3A_33 {strides = array<i32>} : memref<1x512x128xf32, #tpu.memory_space<vmem>>, vector<1x512x128xf32>,
    return
  }
  func.func @transform_0(%arg0: i32, %arg1: i32) -> (i32, i32, i32) {
    %c0_i32 = arith.constant 0 : i32
    %c0_i32_0 = arith.constant 0 : i32
    return %arg0, %arg1, %c0_i32 : i32, i32, i32
  }
  func.func @transform_1(%arg0: i32, %arg1: i32) -> (i32, i32, i32) {
    %c0_i32 = arith.constant 0 : i32
    %c0_i32_0 = arith.constant 0 : i32
    return %arg0, %arg1, %c0_i32 : i32, i32, i32
  }
  func.func @transform_2(%arg0: i32, %arg1: i32) -> (i32, i32, i32) {
    %c0_i32 = arith.constant 0 : i32
    %c0_i32_0 = arith.constant 0 : i32
    return %arg0, %arg1, %c0_i32 : i32, i32, i32
  }
  func.func @transform_3(%arg0: i32, %arg1: i32) -> (i32, i32, i32) {
    %c0_i32 = arith.constant 0 : i32
    %c0_i32_0 = arith.constant 0 : i32
    return %arg0, %arg1, %c0_i32 : i32, i32, i32
  }
  func.func @transform_4(%arg0: i32, %arg1: i32) -> (i32, i32, i32) {
    %c0_i32 = arith.constant 0 : i32
    %c0_i32_0 = arith.constant 0 : i32
    return %arg0, %arg1, %c0_i32 : i32, i32, i32
  }
}

module attributes {stable_mosaic.version = 14 : i64} {
  func.func @_dot_body(%arg0: i32, %arg1: i32, %arg2: memref<1x1x1024x128xf32, #tpu.memory_space<vmem>>, %arg3: memref<1x1x1024x128xf32, #tpu.memory_space<vmem>>, %arg4: memref<1x1024x1xf32, #tpu.memory_space<vmem>>) attributes {dimension_semantics = [#tpu.dimension_semantics<arbitrary>, #tpu.dimension_semantics<arbitrary>], iteration_bounds = array<i64: 2, 32>, scalar_prefetch = 0 : i64, scratch_operands = 0 : i64, tpu.core_type = #tpu.core_type<tc>, window_params = [{transform_indices = @transform_0, window_bounds = array<i64: 1, 1, 1024, 128>}, {transform_indices = @transform_1, window_bounds = array<i64: 1, 1, 1024, 128>}, {transform_indices = @transform_2, window_bounds = array<i64: 1, 1024, 1>}]} {
    %get3A = arith.constant 0 : index
    %get3A_0 = arith.constant 0 : index
    %get3A_1 = arith.constant 0 : index
    %get3A_2 = arith.constant 0 : index
    %get3A_3 = vector.load %arg2[%get3A, %get3A_0, %get3A_1, %get3A_2] : memref<1x1x1024x128xf32, #tpu.memory_space<vmem>>, vector<1x1x1024x128xf32>
    %get3A_4 = vector.shape_cast %get3A_3 : vector<1x1x1024x128xf32> to vector<1024x128xf32>
    %get3A_5 = arith.constant 0 : index
    %get3A_6 = arith.constant 0 : index
    %get3A_7 = arith.constant 0 : index
    %get3A_8 = arith.constant 0 : index
    %get3A_9 = vector.load %arg3[%get3A_5, %get3A_6, %get3A_7, %get3A_8] : memref<1x1x1024x128xf32, #tpu.memory_space<vmem>>, vector<1x1x1024x128xf32>
    %get3A_10 = vector.shape_cast %get3A_9 : vector<1x1x1024x128xf32> to vector<1024x128xf32>
    %mul3A = arith.mulf %get3A_4, %get3A_10 : vector<1024x128xf32>
    %reduce_sum3A = arith.constant dense<0.000000e+00> : vector<1024xf32>
    %reduce_sum3A_11 = vector.multi_reduction <add>, %mul3A, %reduce_sum3A [1] : vector<1024x128xf32> to vector<1024xf32>
    %broadcast_in_dim3A = vector.shape_cast %reduce_sum3A_11 : vector<1024xf32> to vector<1024x1xf32>
    %mul3A_12 = arith.constant 9.000000e+00 : f32
    %mul3A_13 = vector.broadcast %mul3A_12 : f32 to vector<1024x1xf32>
    %mul3A_14 = arith.mulf %mul3A_13, %broadcast_in_dim3A : vector<1024x1xf32>
    %swap3A = arith.constant 0 : index
    %swap3A_15 = arith.constant 0 : index
    %swap3A_16 = arith.constant 0 : index
    %swap3A_17 = vector.load %arg4[%swap3A, %swap3A_15, %swap3A_16] : memref<1x1024x1xf32, #tpu.memory_space<vmem>>, vector<1x1024x1xf32>
    %swap3A_18 = vector.shape_cast %swap3A_17 : vector<1x1024x1xf32> to vector<1024x1xf32>
    %swap3A_19 = vector.shape_cast %mul3A_14 : vector<1024x1xf32> to vector<1x1024x1xf32>
    tpu.vector_store %arg4[%swap3A, %swap3A_15, %swap3A_16], %swap3A_19 {strides = array<i32>} : memref<1x1024x1xf32, #tpu.memory_space<vmem>>, vector<1x1024x1xf32>,
    return
  }
  func.func @transform_0(%arg0: i32, %arg1: i32) -> (i32, i32, i32, i32) {
    %c0_i32 = arith.constant 0 : i32
    %c0_i32_0 = arith.constant 0 : i32
    %c0_i32_1 = arith.constant 0 : i32
    return %arg0, %c0_i32, %arg1, %c0_i32_0 : i32, i32, i32, i32
  }
  func.func @transform_1(%arg0: i32, %arg1: i32) -> (i32, i32, i32, i32) {
    %c1_i32 = arith.constant 1 : i32
    %c0_i32 = arith.constant 0 : i32
    %c0_i32_0 = arith.constant 0 : i32
    return %arg0, %c1_i32, %arg1, %c0_i32 : i32, i32, i32, i32
  }
  func.func @transform_2(%arg0: i32, %arg1: i32) -> (i32, i32, i32) {
    %c0_i32 = arith.constant 0 : i32
    %c0_i32_0 = arith.constant 0 : i32
    return %arg0, %arg1, %c0_i32 : i32, i32, i32
  }
}

</mosaic_0001>

<sc_bundles>
// kernel: kernel.12.cloned.1.call-start
scs
__scs_entry_jumppad:
0x0: {  	(pc) =	sbr.rel $0x88, $3  }
0x1: {  	(tag) =	ssettag $0x0;
	lr =	simm.s32 $0x1  }
0x2: {  	[smem:$0x3F9C] =	sst lr;
	_ =	strace $0xD0000000  }
0x3: {  	_ = 	snop  }
0x4: {  	_ = 	snop  }
0x5: {  	_ = 	snop  }
0x6: {  	_ = 	snop  }
0x7: {  	_ = 	snop  }
__scs_overlays_trampoline_lowered:
0x8: {  	[smem:$0x3FAB] =	sst s0  }
0x9: {  	[smem:$0x3FAC] =	sst s1  }
0xa: {  	[smem:$0x3FAD] =	sst s2  }
0xb: {  	[smem:$0x3FAE] =	sst s3  }
0xc: {  	[smem:$0x3FAF] =	sst s4  }
0xd: {  	[smem:$0x3FB0] =	sst s5  }
0xe: {  	[smem:$0x3FB1] =	sst s6  }
0xf: {  	[smem:$0x3FB2] =	sst s7  }
0x10: {  	[smem:$0x3FB3] =	sst s8  }
0x11: {  	[smem:$0x3FB4] =	sst s9;
	s0 =	simm.s32 @!p0 $0x0  }
0x12: {  	s1 =	sld [smem:$0x3F9A];
	s0 =	simm.s32 @p0 $0x1  }
0x13: {  	[smem:$0x3FB5] =	sst s0;
	s0 =	simm.s32 @!p1 $0x0  }
0x14: {  	s2 =	sld [smem:$0x3F99];
	s0 =	simm.s32 @p1 $0x1  }
0x15: {  	[smem:$0x3FB6] =	sst s0;
	s0 =	simm.s32 @!p2 $0x0  }
0x16: {  	s3 =	sld [smem:$0x3FDB];
	s0 =	simm.s32 @p2 $0x1  }
0x17: {  	s4 =	simm.s32 $0x1BF5;
	[smem:$0x3FB8] =	sst s0  }
0x18: {  	s0 =	sld [smem:$0x3F9B];
	_ =	swait.ge [sflag:s4], $0x0  }
0x19: {  	s7 =	sld [smem:$0x3F9C]  }
0x1a: {  	s8 =	sadd.s32 $0xFFFFE003, lr  }
0x1b: {  	s9 =	sadd.s32 $0xFFFFFEF7, lr;
	s5 =	simm.s32 $0xFFFFFFFF;
	p2 =	slt.u32 s8, $0xFFFFF086  }
0x1c: {  	p1 =	slt.u32 s9, $0xF7A;
	s5 =	simm.s32 @!p2 $0x0  }
0x1d: {  	s5 =	simm.s32 @p1 $0x1;
	p0 =	seq.s32 s7, s2  }
0x1e: {  	s7 =	smul.u32 @!p0 $0xF7A, s2;
	p2 =	seq.s32 @!p0 s5, $0x0  }
0x1f: {  	s9 =	smul.u32 $0xF7A, s1;
	s8 =	simm.s32 @!p0 $0x1BF5;
	p2 =	por !p2, p0  }
0x20: {  	[sflag:s8] =	ssyncset.s32 @!p0 $0xFFFFF086;
	s6 =	sadd.s32 @!p0 s3, s7;
	s7 =	simm.s32 @!p0 $0x108  }
0x21: {  	s3 =	sadd.s32 s3, s9;
	s6 =	sadd.s32 @!p0 $0x88, s6;
	s7 =	simm.s32 @p2 $0x1082  }
0x22: {  	[simem:s7], [sflag:s8] =	dma.local @!p0 [hbm:s6], $0xF7A  }
0x23: {  	s9 =	sor.u32 $0xD0000000, s2;
	s6 =	simm.s32 $0x108;
	_ =	swait.ge @!p0 [sflag:s8], $0x0  }
0x24: {  	s3 =	sadd.s32 $0x88, s3;
	s6 =	simm.s32 @!p1 $0x1082;
	[sflag:s4] =	ssyncset.s32 $0xFFFFF086  }
0x25: {  	[simem:s6], [sflag:s4] =	dma.local [hbm:s3], $0xF7A  }
0x26: {  	[smem:$0x3F9C] =	sst s1;
	(tag) =	ssettag s2;
	_ =	strace s9  }
0x27: {  	s1 =	sld [smem:$0x3FAC]  }
0x28: {  	s2 =	sld [smem:$0x3FAD]  }
0x29: {  	s4 =	sld [smem:$0x3FAF]  }
0x2a: {  	p0 =	seq.s32 s5, $0x0;
	s5 =	sld [smem:$0x3FB0]  }
0x2b: {  	s6 =	sld [smem:$0x3FB1]  }
0x2c: {  	s7 =	sld [smem:$0x3FB2]  }
0x2d: {  	s3 =	simm.s32 $0x108;
	s8 =	sld [smem:$0x3FB3]  }
0x2e: {  	s3 =	simm.s32 @!p0 $0x1082;
	s9 =	sld [smem:$0x3FB4]  }
0x2f: {  	lr =	sadd.s32 s0, s3;
	s0 =	sld [smem:$0x3FAB]  }
0x30: {  	s3 =	sld [smem:$0x3FAE]  }
0x31: {  	[smem:$0x3FB7] =	sst s10  }
0x32: {  	s10 =	sld [smem:$0x3FB5];
	_ =	sdelay $0x3  }
0x33: {  	p0 =	seq.s32 s10, $0x1;
	s10 =	sld [smem:$0x3FB7];
	_ =	sdelay $0x3  }
0x34: {  	[smem:$0x3FB7] =	sst s10  }
0x35: {  	s10 =	sld [smem:$0x3FB6];
	_ =	sdelay $0x3  }
0x36: {  	p1 =	seq.s32 s10, $0x1;
	s10 =	sld [smem:$0x3FB7];
	_ =	sdelay $0x3  }
0x37: {  	[smem:$0x3FB7] =	sst s10  }
0x38: {  	s10 =	sld [smem:$0x3FB8]  }
0x39: {  	_ = 	snop;
	(pc) =	sbr.ind lr, $3  }
0x3a: {  	_ = 	snop  }
0x3b: {  	_ = 	snop  }
0x3c: {  	p2 =	seq.s32 s10, $0x1;
	s10 =	sld [smem:$0x3FB7]  }
0x3d: {  	_ =	shalt  }
0x3e: {  	_ =	shalt  }
0x3f: {  	_ =	shalt  }
0x40: {  	_ =	shalt  }
0x41: {  	_ =	shalt  }
0x42: {  	_ =	shalt  }
0x43: {  	_ =	shalt  }
0x44: {  	_ =	shalt  }
0x45: {  	_ =	shalt  }
0x46: {  	_ =	shalt  }
0x47: {  	_ =	shalt  }
0x48: {  	_ =	shalt  }
0x49: {  	_ =	shalt  }
0x4a: {  	_ =	shalt  }
0x4b: {  	_ =	shalt  }
0x4c: {  	_ =	shalt  }
0x4d: {  	_ =	shalt  }
0x4e: {  	_ =	shalt  }
0x4f: {  	_ =	shalt  }
0x50: {  	_ =	shalt  }
0x51: {  	_ =	shalt  }
0x52: {  	_ =	shalt  }
0x53: {  	_ =	shalt  }
0x54: {  	_ =	shalt  }
0x55: {  	_ =	shalt  }
0x56: {  	_ =	shalt  }
0x57: {  	_ =	shalt  }
0x58: {  	_ =	shalt  }
0x59: {  	_ =	shalt  }
0x5a: {  	_ =	shalt  }
0x5b: {  	_ =	shalt  }
0x5c: {  	_ =	shalt  }
0x5d: {  	_ =	shalt  }
0x5e: {  	_ =	shalt  }
0x5f: {  	_ =	shalt  }
0x60: {  	_ =	shalt  }
0x61: {  	_ =	shalt  }
0x62: {  	_ =	shalt  }
0x63: {  	_ =	shalt  }
0x64: {  	_ =	shalt  }
0x65: {  	_ =	shalt  }
0x66: {  	_ =	shalt  }
0x67: {  	_ =	shalt  }
0x68: {  	_ =	shalt  }
0x69: {  	_ =	shalt  }
0x6a: {  	_ =	shalt  }
0x6b: {  	_ =	shalt  }
0x6c: {  	_ =	shalt  }
0x6d: {  	_ =	shalt  }
0x6e: {  	_ =	shalt  }
0x6f: {  	_ =	shalt  }
0x70: {  	_ =	shalt  }
0x71: {  	_ =	shalt  }
0x72: {  	_ =	shalt  }
0x73: {  	_ =	shalt  }
0x74: {  	_ =	shalt  }
0x75: {  	_ =	shalt  }
0x76: {  	_ =	shalt  }
0x77: {  	_ =	shalt  }
0x78: {  	_ =	shalt  }
0x79: {  	_ =	shalt  }
0x7a: {  	_ =	shalt  }
0x7b: {  	_ =	shalt  }
0x7c: {  	_ =	shalt  }
0x7d: {  	_ =	shalt  }
0x7e: {  	_ =	shalt  }
0x7f: {  	_ =	shalt  }
0x80: {  	_ =	shalt  }
0x81: {  	_ =	shalt  }
0x82: {  	_ =	shalt  }
0x83: {  	_ =	shalt  }
0x84: {  	_ =	shalt  }
0x85: {  	_ =	shalt  }
0x86: {  	_ =	shalt  }
0x87: {  	_ =	shalt  }
.Lfunc_end0:
.L_simem_size_0:
called_computation.1_lowered:
.L_overlay_start_0:
0x88: {  	s2 =	sld [smem:$0x3FD9]  }
0x89: {  	s3 =	sld [smem:$0x3FFE];
	_ =	sdelay $0x1  }
0x8a: {  	s1 =	srdreg.scid  }
0x8b: {  	s0 =	sand.u32 $0x1, s1  }
0x8c: {  	s16 =	sshll.u32 s0, $0xA;
	s2 =	sadd.s32 s3, s2  }
0x8d: {  	s2 =	sadd.s32 s2, s16  }
0x8e: {  	[smem:$0x3FC3] =	sst s2  }
0x8f: {  	_ = 	snop  }
0x90: {  	(tm) =	ssettm $0x1  }
0x91: {  	s17 =	sld [smem:$0x3FFB];
	_ =	sdelay $0x3  }
0x92: {  	_ =	strace s17  }
0x93: {  	s2 =	sld [smem:$0x3FFC];
	_ =	sdelay $0x3  }
0x94: {  	_ =	strace s2  }
0x95: {  	s2 =	sld [smem:$0x3FFD];
	_ =	sdelay $0x3  }
0x96: {  	_ =	strace s2  }
0x97: {  	_ =	strace $0x8FFFFFFF  }
0x98: {  	s18 =	sld [smem:$0x3FDB];
	_ =	sdelay $0x1  }
0x99: {  	s19 =	simm.s32 $_scs_section_size  }
0x9a: {  	s4 =	simm.s32 $_size__tile_overlayer_lowered;
	s5 =	simm.s32 $_tile_overlayer_lowered  }
0x9b: {  	s22 =	simm.s32 $0x1BFF;
	s21 =	sshll.u32 s5, $0x1;
	s2 =	sadd.s32 s19, s18  }
0x9c: {  	s6 =	simm.s32 $0x0;
	s20 =	sshll.u32 s4, $0x1;
	s4 =	sadd.s32 s21, s2  }
0x9d: {  	[timem:s6], [sflag:s22] =	dma.local [hbm:s4], s20  }
0x9e: {  	_ =	swait.ge [sflag:s22], s20  }
0x9f: {  	s3 =	ssub.s32 $0x0, s20;
	[sflag:s22] =	ssyncset.done $0x0  }
0xa0: {  	[sflag:s22] =	ssyncadd.s32 s3;
	_ =	sdelay $0x1  }
0xa1: {  	s23 =	simm.s32 $0x1B8B  }
0xa2: {  	_ =	swait.ge [sflag:s23], $0x1  }
0xa3: {  	[sflag:s23] =	ssyncset.done $0x0  }
0xa4: {  	s25 =	simm.s32 $0x1B8E;
	s24 =	sld [smem:$0x3FFE];
	[sflag:s23] =	ssyncadd.s32 $0xFFFFFFFF  }
0xa5: {  	s26 =	simm.s32 $execute0_lowered;
	[smem:$0x3FD2] =	sst s25  }
0xa6: {  	s4 =	sshll.u32 s26, $0x1;
	_ =	strace $0x80000049;
	[dreg:$0x1] =	wrdreg $0xFFFFFFFF  }
0xa7: {  	s28 =	simm.s32 $_size_execute0_lowered;
	s2 =	sadd.s32 s2, s4;
	[dreg:$0x0] =	wrdreg $0x0  }
0xa8: {  	s4 =	sshll.u32 s28, $0x1;
	[dreg:$0x2] =	wrdreg s2  }
0xa9: {  	[dreg:$0x3] =	wrdreg s4  }
0xaa: {  	[dreg:$0x4] =	wrdreg $0xC0  }
0xab: {  	_ =	task [dreg:s6], $0x5FFFF  }
0xac: {  	[dreg:$0x1] =	wrdreg $0xFFFFFFFF  }
0xad: {  	[dreg:$0x0] =	wrdreg $0x60  }
0xae: {  	[dreg:$0x2] =	wrdreg s24  }
0xaf: {  	[dreg:$0x3] =	wrdreg $0x160000  }
0xb0: {  	[dreg:$0x4] =	wrdreg $0x9  }
0xb1: {  	_ =	task.clear_ibuf [dreg:s6], $0x5FFFF;
	_ =	strace $0x90000049  }
0xb2: {  	s29 =	simm.s32 $0x9;
	_ =	strace $0x8000004B  }
0xb3: {  	_ =	swait.ge [sflag:s29], $0x1  }
0xb4: {  	[sflag:s29] =	ssyncadd.s32 $0xFFFFFFFF  }
0xb5: {  	_ =	strace $0x9000004B  }
0xb6: {  	_ =	sfence  }
0xb7: {  	s30 =	sld [smem:$0x0];
	_ =	sdelay $0x2  }
0xb8: {  	s31 =	sshll.u32 s1, $0xD;
	s1 =	sshrl.u32 s1, $0x2  }
0xb9: {  	s3 =	sand.u32 $0x4000, s31;
	s1 =	sadd.s32 s1, s30  }
0xba: {  	s0 =	sor.u32 s3, s0;
	s1 =	sshll.u32 s1, $0x11  }
0xbb: {  	s0 =	sor.u32 s1, s0  }
0xbc: {  	s0 =	sadd.s32 $0x8F2B, s0  }
0xbd: {  	[sflag:s0] =	ssyncadd.remote.s32 $0x1  }
0xbe: {  	_ =	sfence.sel $0xFFFF  }
0xbf: {  	[dreg:$0x0] =	wrdreg $0xFFFFFFFF;
	(pc) =	sbr.abs _section_cstart, $3  }
0xc0: {  	[dreg:$0x1] =	wrdreg $0xFFFFFFFF  }
0xc1: {  	_ =	task.clear_ibuf [dreg:s6], $0x2FFFF;
	_ =	strace $0x9FFFFFFF  }
0xc2: {  	(tm) =	ssettm $0x7FFFFFFF  }
0xc3: {  	_ =	shalt  }
tec
execute0_lowered:
.L_overlay_start_1:
0x0: {  	(tag) =	ssettag $0x1  }
0x1: {  	s0 =	rddreg [dreg:$0x0]  }
0x2: {  	s2 =	srdreg.scid;
	s1 =	rddreg [dreg:$0x1]  }
0x3: {  	s17 =	stileid.u32;
	s28 =	simm.s32 $0x7;
	s30 =	simm.s32 $0x70  }
0x4: {  	s31 =	simm.s32 $0x12800;
	s18 =	simm.s32 $0x0;
	s3 =	sand.u32 $0x1, s2  }
0x5: {  	s2 =	simm.s32 $0x0;
	s11 =	sadd.s32 $0x2A00, s0;
	s10 =	smul.u32 $0x28000, s17  }
0x6: {  	s5 =	sadd.s32 $0x41A00, s0;
	s6 =	sadd.s32 $0x69A00, s0;
	s14 =	smul.u32 $0x5C00, s17  }
0x7: {  	s8 =	sadd.s32 $0xB9A00, s0;
	s9 =	sadd.s32 $0xF5A00, s0;
	s4 =	smul.u32 $0x14000, s3  }
0x8: {  	[smem:$0x7FF] =	sst s2;
	s12 =	smul.u32 $0x5C000, s3;
	s13 =	ssub.s32 $0x2, s3  }
0x9: {  	s3 =	sxor.u32 $0x1, s3;
	_ =	strace $0x8000004A;
	[dreg:$0x3] =	wrdreg s8  }
0xa: {  	s15 =	sshrl.u32 s13, $0x1;
	s16 =	smul.u32 $0x5C000, s3;
	s8 =	sadd.s32 $0xCDA00, s0  }
0xb: {  	s10 =	sshrl.u32 s10, $0x2;
	s7 =	sadd.s32 s4, s0;
	s4 =	sadd.s32 $0x19A00, s0  }
0xc: {  	s19 =	ssub.s32 s13, s15;
	s12 =	sadd.s32 s14, s12;
	s10 =	sadd.s32 s10, s1  }
0xd: {  	s15 =	smul.u32 $0xA0000, s3;
	s3 =	simm.s32 $0x1;
	s0 =	smax.u32 s19, $0x1  }
0xe: {  	s20 =	sadd.s32 s14, s16;
	s21 =	sadd.s32 $0x1000, s10;
	[dreg:$0x6] =	wrdreg s0  }
0xf: {  	s12 =	sshrl.u32 s12, $0x3;
	s22 =	sadd.s32 $0x2000, s10;
	[dreg:$0x7] =	wrdreg s21  }
0x10: {  	s14 =	sadd.s32 $0x91A00, s7;
	s23 =	sadd.s32 $0x3000, s10;
	[dreg:$0x8] =	wrdreg s22  }
0x11: {  	s24 =	sadd.s32 $0x4000, s10;
	s25 =	sadd.s32 $0x5000, s10;
	[dreg:$0x9] =	wrdreg s23  }
0x12: {  	s26 =	sadd.s32 $0x6000, s10;
	s29 =	sadd.s32 $0x7000, s10;
	[dreg:$0xa] =	wrdreg s24  }
0x13: {  	s7 =	simm.s32 $0x2;
	s16 =	simm.s32 $0x5;
	[dreg:$0xb] =	wrdreg s25  }
0x14: {  	s13 =	sshrl.u32 s20, $0x3;
	s12 =	sadd.s32 s11, s12;
	[dreg:$0xc] =	wrdreg s26  }
0x15: {  	[dreg:$0xd] =	wrdreg s29;
	s24 =	sadd.s32 $0x8000, s10;
	s25 =	sadd.s32 $0x9000, s10  }
0x16: {  	s26 =	simm.s32 $0xB800;
	s0 =	simm.s32 $0xF000;
	[dreg:$0x4] =	wrdreg s12  }
0x17: {  	s11 =	sadd.s32 s11, s13;
	s13 =	smul.u32 $0x140, s17;
	s12 =	simm.s32 $0x3  }
0x18: {  	s17 =	simm.s32 $0x6;
	[dreg:$0x5] =	wrdreg s11;
	s11 =	simm.s32 $0x4  }
.LBB2_1:
0x19: {  	s19 =	rddreg [dreg:$0x3]  }
0x1a: {  	[tilespmem:s26], [sflag:$0x7] =	stream.linear.gather [hbm4b:s19+s2], $0x1000, $0x38;
	v63 =	vld [tilespmem:$0x0]  }
0x1b: {  	_ =	swait.ge [sflag:s28], $0x1000  }
0x1c: {  	[sflag:s28] =	ssyncset.done $0x0  }
0x1d: {  	[sflag:s28] =	ssyncadd.s32 $0xFFFFF000  }
0x1e: {  	[spmem:s10] =	stream.linear.scatter [tilespmem:s26], [sflag:$0x7], $0x1000, $0x38;
	v63 =	vld [tilespmem:$0x0]  }
0x1f: {  	_ =	swait.ge [sflag:s28], $0x1000  }
0x20: {  	[sflag:s28] =	ssyncset.done $0x0  }
0x21: {  	s20 =	rddreg [dreg:$0x7];
	[sflag:s28] =	ssyncadd.s32 $0xFFFFF000  }
0x22: {  	[spmem:s20] =	stream.linear.scatter [tilespmem:s26], [sflag:$0x7], $0x1000, $0x38;
	v63 =	vld [tilespmem:$0x0]  }
0x23: {  	_ =	swait.ge [sflag:s28], $0x1000  }
0x24: {  	[sflag:s28] =	ssyncset.done $0x0  }
0x25: {  	s21 =	rddreg [dreg:$0x8];
	[sflag:s28] =	ssyncadd.s32 $0xFFFFF000  }
0x26: {  	[spmem:s21] =	stream.linear.scatter [tilespmem:s26], [sflag:$0x7], $0x1000, $0x38;
	v63 =	vld [tilespmem:$0x0]  }
0x27: {  	_ =	swait.ge [sflag:s28], $0x1000  }
0x28: {  	[sflag:s28] =	ssyncset.done $0x0  }
0x29: {  	s22 =	rddreg [dreg:$0x9];
	[sflag:s28] =	ssyncadd.s32 $0xFFFFF000  }
0x2a: {  	[spmem:s22] =	stream.linear.scatter [tilespmem:s26], [sflag:$0x7], $0x1000, $0x38;
	v63 =	vld [tilespmem:$0x0]  }
0x2b: {  	_ =	swait.ge [sflag:s28], $0x1000  }
0x2c: {  	[sflag:s28] =	ssyncset.done $0x0  }
0x2d: {  	s23 =	rddreg [dreg:$0xa];
	[sflag:s28] =	ssyncadd.s32 $0xFFFFF000  }
0x2e: {  	[spmem:s23] =	stream.linear.scatter [tilespmem:s26], [sflag:$0x7], $0x1000, $0x38;
	v63 =	vld [tilespmem:$0x0]  }
0x2f: {  	_ =	swait.ge [sflag:s28], $0x1000  }
0x30: {  	[sflag:s28] =	ssyncset.done $0x0  }
0x31: {  	s29 =	rddreg [dreg:$0xb];
	[sflag:s28] =	ssyncadd.s32 $0xFFFFF000  }
0x32: {  	[spmem:s29] =	stream.linear.scatter [tilespmem:s26], [sflag:$0x7], $0x1000, $0x38;
	v63 =	vld [tilespmem:$0x0]  }
0x33: {  	_ =	swait.ge [sflag:s28], $0x1000  }
0x34: {  	[sflag:s28] =	ssyncset.done $0x0  }
0x35: {  	s20 =	rddreg [dreg:$0xc];
	[sflag:s28] =	ssyncadd.s32 $0xFFFFF000  }
0x36: {  	[spmem:s20] =	stream.linear.scatter [tilespmem:s26], [sflag:$0x7], $0x1000, $0x38;
	v63 =	vld [tilespmem:$0x0]  }
0x37: {  	_ =	swait.ge [sflag:s28], $0x1000  }
0x38: {  	[sflag:s28] =	ssyncset.done $0x0  }
0x39: {  	s21 =	rddreg [dreg:$0xd];
	[sflag:s28] =	ssyncadd.s32 $0xFFFFF000  }
0x3a: {  	[spmem:s21] =	stream.linear.scatter [tilespmem:s26], [sflag:$0x7], $0x1000, $0x38;
	v63 =	vld [tilespmem:$0x0]  }
0x3b: {  	_ =	swait.ge [sflag:s28], $0x1000  }
0x3c: {  	[sflag:s28] =	ssyncset.done $0x0  }
0x3d: {  	[sflag:s28] =	ssyncadd.s32 $0xFFFFF000  }
0x3e: {  	[spmem:s24] =	stream.linear.scatter [tilespmem:s26], [sflag:$0x7], $0x1000, $0x38;
	v63 =	vld [tilespmem:$0x0]  }
0x3f: {  	_ =	swait.ge [sflag:s28], $0x1000  }
0x40: {  	[sflag:s28] =	ssyncset.done $0x0  }
0x41: {  	[sflag:s28] =	ssyncadd.s32 $0xFFFFF000  }
0x42: {  	[spmem:s25] =	stream.linear.scatter [tilespmem:s26], [sflag:$0x7], $0x1000, $0x38;
	v63 =	vld [tilespmem:$0x0]  }
0x43: {  	_ =	swait.ge [sflag:s28], $0x1000  }
0x44: {  	[sflag:s28] =	ssyncset.done $0x0  }
0x45: {  	s22 =	rddreg [dreg:$0x4];
	[sflag:s28] =	ssyncadd.s32 $0xFFFFF000  }
0x46: {  	[tilespmem:s2], [sflag:$0x7] =	stream.linear.gather [hbm4b:s22+s2], $0x5A00, $0x38;
	v63 =	vld [tilespmem:$0x0]  }
0x47: {  	_ =	swait.ge [sflag:s28], $0x5A00  }
0x48: {  	[sflag:s28] =	ssyncset.done $0x0  }
0x49: {  	s20 =	simm.s32 $0x5C00;
	s23 =	rddreg [dreg:$0x5];
	[sflag:s28] =	ssyncadd.s32 $0xFFFFA600  }
0x4a: {  	[tilespmem:s20], [sflag:$0x7] =	stream.linear.gather [hbm4b:s23+s2], $0x5A00, $0x38;
	v63 =	vld [tilespmem:$0x0]  }
0x4b: {  	_ =	swait.ge [sflag:s28], $0x5A00  }
0x4c: {  	[sflag:s28] =	ssyncset.done $0x0  }
0x4d: {  	[sflag:s28] =	ssyncadd.s32 $0xFFFFA600  }
0x4e: {  	[bflag:$0x0] =	sbarrier.arrive $0xFFFF  }
0x4f: {  	[tilespmem:s26], [sflag:$0x1] =	stream.indirect.gather [hbm4b:s14+s30], $0x80, s2, s30, $0xb8;
	v63 =	vld [tilespmem:$0x0]  }
0x50: {  	s29 =	simm.s32 $0x80  }
0x51: {  	[tilespmem:s0], [sflag:$0x2] =	stream.indirect.gather [hbm4b:s14+s30], $0x80, s29, s30, $0xb8;
	v63 =	vld [tilespmem:$0x0]  }
0x52: {  	_ =	swait.ge [sflag:s3], $0x3800  }
0x53: {  	[sflag:s3] =	ssyncset.done $0x0  }
0x54: {  	[sflag:s3] =	ssyncadd.s32 $0xFFFFC800  }
0x55: {  	[spmem:s1] =	stream.indirect.scatter.add.f32 [tilespmem:s26], [sflag:$0x4], $0x80, s20, s30, $0xb8;
	v63 =	vld [tilespmem:$0x0]  }
0x56: {  	s20 =	simm.s32 $0x100  }
0x57: {  	[tilespmem:s31], [sflag:$0x3] =	stream.indirect.gather [hbm4b:s14+s30], $0x80, s20, s30, $0xb8;
	v63 =	vld [tilespmem:$0x0]  }
0x58: {  	_ =	swait.ge [sflag:s7], $0x3800  }
0x59: {  	[sflag:s7] =	ssyncset.done $0x0  }
0x5a: {  	s21 =	simm.s32 $0x5C80;
	[sflag:s7] =	ssyncadd.s32 $0xFFFFC800  }
0x5b: {  	[spmem:s1] =	stream.indirect.scatter.add.f32 [tilespmem:s0], [sflag:$0x5], $0x80, s21, s30, $0xb8;
	v63 =	vld [tilespmem:$0x0]  }
0x5c: {  	_ =	swait.ge [sflag:s11], $0x3800  }
0x5d: {  	[sflag:s11] =	ssyncset.done $0x0  }
0x5e: {  	s22 =	simm.s32 $0x180;
	[sflag:s11] =	ssyncadd.s32 $0xFFFFC800  }
0x5f: {  	[tilespmem:s26], [sflag:$0x1] =	stream.indirect.gather [hbm4b:s14+s30], $0x80, s22, s30, $0xb8;
	v63 =	vld [tilespmem:$0x0]  }
0x60: {  	_ =	swait.ge [sflag:s12], $0x3800  }
0x61: {  	[sflag:s12] =	ssyncset.done $0x0  }
0x62: {  	s23 =	simm.s32 $0x5D00;
	[sflag:s12] =	ssyncadd.s32 $0xFFFFC800  }
0x63: {  	[spmem:s1] =	stream.indirect.scatter.add.f32 [tilespmem:s31], [sflag:$0x6], $0x80, s23, s30, $0xb8;
	v63 =	vld [tilespmem:$0x0]  }
0x64: {  	_ =	swait.ge [sflag:s16], $0x3800  }
0x65: {  	[sflag:s16] =	ssyncset.done $0x0  }
0x66: {  	s29 =	simm.s32 $0x200;
	[sflag:s16] =	ssyncadd.s32 $0xFFFFC800  }
0x67: {  	[tilespmem:s0], [sflag:$0x2] =	stream.indirect.gather [hbm4b:s14+s30], $0x80, s29, s30, $0xb8;
	v63 =	vld [tilespmem:$0x0]  }
0x68: {  	_ =	swait.ge [sflag:s3], $0x3800  }
0x69: {  	[sflag:s3] =	ssyncset.done $0x0  }
0x6a: {  	s20 =	simm.s32 $0x5D80;
	[sflag:s3] =	ssyncadd.s32 $0xFFFFC800  }
0x6b: {  	[spmem:s1] =	stream.indirect.scatter.add.f32 [tilespmem:s26], [sflag:$0x4], $0x80, s20, s30, $0xb8;
	v63 =	vld [tilespmem:$0x0]  }
0x6c: {  	_ =	swait.ge [sflag:s17], $0x3800  }
0x6d: {  	[sflag:s17] =	ssyncset.done $0x0  }
0x6e: {  	s21 =	simm.s32 $0x280;
	[sflag:s17] =	ssyncadd.s32 $0xFFFFC800  }
0x6f: {  	[tilespmem:s31], [sflag:$0x3] =	stream.indirect.gather [hbm4b:s14+s30], $0x80, s21, s30, $0xb8;
	v63 =	vld [tilespmem:$0x0]  }
0x70: {  	_ =	swait.ge [sflag:s7], $0x3800  }
0x71: {  	[sflag:s7] =	ssyncset.done $0x0  }
0x72: {  	s22 =	simm.s32 $0x5E00;
	[sflag:s7] =	ssyncadd.s32 $0xFFFFC800  }
0x73: {  	[spmem:s1] =	stream.indirect.scatter.add.f32 [tilespmem:s0], [sflag:$0x5], $0x80, s22, s30, $0xb8;
	v63 =	vld [tilespmem:$0x0]  }
0x74: {  	_ =	swait.ge [sflag:s11], $0x3800  }
0x75: {  	[sflag:s11] =	ssyncset.done $0x0  }
0x76: {  	s23 =	simm.s32 $0x300;
	[sflag:s11] =	ssyncadd.s32 $0xFFFFC800  }
0x77: {  	[tilespmem:s26], [sflag:$0x1] =	stream.indirect.gather [hbm4b:s14+s30], $0x80, s23, s30, $0xb8;
	v63 =	vld [tilespmem:$0x0]  }
0x78: {  	_ =	swait.ge [sflag:s12], $0x3800  }
0x79: {  	[sflag:s12] =	ssyncset.done $0x0  }
0x7a: {  	s29 =	simm.s32 $0x5E80;
	[sflag:s12] =	ssyncadd.s32 $0xFFFFC800  }
0x7b: {  	[spmem:s1] =	stream.indirect.scatter.add.f32 [tilespmem:s31], [sflag:$0x6], $0x80, s29, s30, $0xb8;
	v63 =	vld [tilespmem:$0x0]  }
0x7c: {  	_ =	swait.ge [sflag:s16], $0x3800  }
0x7d: {  	[sflag:s16] =	ssyncset.done $0x0  }
0x7e: {  	s19 =	simm.s32 $0x600;
	s20 =	simm.s32 $0x380;
	[sflag:s16] =	ssyncadd.s32 $0xFFFFC800  }
.LBB2_2:
0x7f: {  	[tilespmem:s0], [sflag:$0x2] =	stream.indirect.gather [hbm4b:s14+s30], $0x80, s20, s30, $0xb8;
	v63 =	vld [tilespmem:$0x0]  }
0x80: {  	s20 =	smov.u32 s19;
	s19 =	sadd.s32 $0x600, s19;
	_ =	swait.ge [sflag:s3], $0x3800  }
0x81: {  	s20 =	sshra.s32 s20, $0x2;
	p0 =	sne.s32 s19, $0x15C00;
	[sflag:s3] =	ssyncset.done $0x0  }
0x82: {  	s21 =	sadd.s32 $0x5D80, s20;
	[sflag:s3] =	ssyncadd.s32 $0xFFFFC800  }
0x83: {  	[spmem:s1] =	stream.indirect.scatter.add.f32 [tilespmem:s26], [sflag:$0x4], $0x80, s21, s30, $0xb8;
	v63 =	vld [tilespmem:$0x0]  }
0x84: {  	_ =	swait.ge [sflag:s17], $0x3800  }
0x85: {  	[sflag:s17] =	ssyncset.done $0x0  }
0x86: {  	s21 =	sadd.s32 $0x280, s20;
	[sflag:s17] =	ssyncadd.s32 $0xFFFFC800  }
0x87: {  	[tilespmem:s31], [sflag:$0x3] =	stream.indirect.gather [hbm4b:s14+s30], $0x80, s21, s30, $0xb8;
	v63 =	vld [tilespmem:$0x0]  }
0x88: {  	_ =	swait.ge [sflag:s7], $0x3800  }
0x89: {  	[sflag:s7] =	ssyncset.done $0x0  }
0x8a: {  	s21 =	sadd.s32 $0x5E00, s20;
	[sflag:s7] =	ssyncadd.s32 $0xFFFFC800  }
0x8b: {  	[spmem:s1] =	stream.indirect.scatter.add.f32 [tilespmem:s0], [sflag:$0x5], $0x80, s21, s30, $0xb8;
	v63 =	vld [tilespmem:$0x0]  }
0x8c: {  	_ =	swait.ge [sflag:s11], $0x3800  }
0x8d: {  	[sflag:s11] =	ssyncset.done $0x0  }
0x8e: {  	s21 =	sadd.s32 $0x300, s20;
	[sflag:s11] =	ssyncadd.s32 $0xFFFFC800  }
0x8f: {  	[tilespmem:s26], [sflag:$0x1] =	stream.indirect.gather [hbm4b:s14+s30], $0x80, s21, s30, $0xb8;
	v63 =	vld [tilespmem:$0x0]  }
0x90: {  	_ =	swait.ge [sflag:s12], $0x3800  }
0x91: {  	[sflag:s12] =	ssyncset.done $0x0  }
.Ltmp0:
0x92: {  	s21 =	sadd.s32 $0x5E80, s20;
	[sflag:s12] =	ssyncadd.s32 $0xFFFFC800;
	(pc) =	sbr.rel @p0 .LBB2_2-.Ltmp0, $4  }
0x93: {  	[spmem:s1] =	stream.indirect.scatter.add.f32 [tilespmem:s31], [sflag:$0x6], $0x80, s21, s30, $0xb8;
	v63 =	vld [tilespmem:$0x0]  }
0x94: {  	_ =	swait.ge [sflag:s16], $0x3800  }
0x95: {  	[sflag:s16] =	ssyncset.done $0x0  }
0x96: {  	s20 =	sadd.s32 $0x380, s20;
	[sflag:s16] =	ssyncadd.s32 $0xFFFFC800  }
0x97: {  	[tilespmem:s0], [sflag:$0x2] =	stream.indirect.gather [hbm4b:s14+s30], $0x80, s20, s30, $0xb8;
	v63 =	vld [tilespmem:$0x0]  }
0x98: {  	_ =	swait.ge [sflag:s3], $0x3800  }
0x99: {  	s19 =	sshra.s32 s19, $0x2;
	[sflag:s3] =	ssyncset.done $0x0  }
0x9a: {  	s22 =	sadd.s32 $0x5D80, s19;
	[sflag:s3] =	ssyncadd.s32 $0xFFFFC800  }
0x9b: {  	[spmem:s1] =	stream.indirect.scatter.add.f32 [tilespmem:s26], [sflag:$0x4], $0x80, s22, s30, $0xb8;
	v63 =	vld [tilespmem:$0x0]  }
0x9c: {  	_ =	swait.ge [sflag:s17], $0x3800  }
0x9d: {  	[sflag:s17] =	ssyncset.done $0x0  }
0x9e: {  	s23 =	simm.s32 $0x5980;
	[sflag:s17] =	ssyncadd.s32 $0xFFFFC800  }
0x9f: {  	[tilespmem:s31], [sflag:$0x3] =	stream.indirect.gather [hbm4b:s14+s30], $0x80, s23, s30, $0xb8;
	v63 =	vld [tilespmem:$0x0]  }
0xa0: {  	_ =	swait.ge [sflag:s7], $0x3800  }
0xa1: {  	[sflag:s7] =	ssyncset.done $0x0  }
0xa2: {  	s19 =	sadd.s32 $0x5E00, s19;
	[sflag:s7] =	ssyncadd.s32 $0xFFFFC800  }
0xa3: {  	[spmem:s1] =	stream.indirect.scatter.add.f32 [tilespmem:s0], [sflag:$0x5], $0x80, s19, s30, $0xb8;
	v63 =	vld [tilespmem:$0x0]  }
0xa4: {  	_ =	swait.ge [sflag:s11], $0x3800  }
0xa5: {  	[sflag:s11] =	ssyncset.done $0x0  }
0xa6: {  	s19 =	simm.s32 $0x0;
	[sflag:s11] =	ssyncadd.s32 $0xFFFFC800  }
0xa7: {  	[tilespmem:s26], [sflag:$0x1] =	stream.indirect.gather [hbm4b:s14+s30], $0x80, s19, s30, $0xb8;
	v63 =	vld [tilespmem:$0x0]  }
0xa8: {  	_ =	swait.ge [sflag:s12], $0x3800  }
0xa9: {  	[sflag:s12] =	ssyncset.done $0x0  }
0xaa: {  	s29 =	simm.s32 $0xB580;
	[sflag:s12] =	ssyncadd.s32 $0xFFFFC800  }
0xab: {  	[spmem:s1] =	stream.indirect.scatter.add.f32 [tilespmem:s31], [sflag:$0x6], $0x80, s29, s30, $0xb8;
	v63 =	vld [tilespmem:$0x0]  }
0xac: {  	_ =	swait.ge [sflag:s16], $0x3800  }
0xad: {  	[sflag:s16] =	ssyncset.done $0x0  }
0xae: {  	[sflag:s16] =	ssyncadd.s32 $0xFFFFC800  }
0xaf: {  	[tilespmem:s0], [sflag:$0x2] =	stream.indirect.gather [hbm4b:s14+s30], $0x80, s19, s30, $0xb8;
	v63 =	vld [tilespmem:$0x0]  }
0xb0: {  	_ =	swait.ge [sflag:s3], $0x3800  }
0xb1: {  	[sflag:s3] =	ssyncset.done $0x0  }
0xb2: {  	[sflag:s3] =	ssyncadd.s32 $0xFFFFC800  }
0xb3: {  	_ =	swait.ge [sflag:s7], $0x3800  }
0xb4: {  	[sflag:s7] =	ssyncset.done $0x0  }
0xb5: {  	[sflag:s7] =	ssyncadd.s32 $0xFFFFC800  }
0xb6: {  	_ =	swait.ge [sflag:s17], $0x3800  }
0xb7: {  	[sflag:s17] =	ssyncset.done $0x0  }
0xb8: {  	[sflag:s17] =	ssyncadd.s32 $0xFFFFC800  }
0xb9: {  	s20 =	simm.s32 $0x0;
	[bflag:$0x0] =	sbarrier.arrive $0xFFFF  }
.LBB2_4:
0xba: {  	s21 =	sshll.u32 s20, $0x5  }
0xbb: {  	s21 =	sadd.s32 s13, s21  }
0xbc: {  	s21 =	sshll.u32 s21, $0x7  }
0xbd: {  	s22 =	sand.u32 $0x3FFFFF80, s21  }
0xbe: {  	s22 =	sadd.s32 s22, s1  }
0xbf: {  	[tilespmem:s26], [sflag:$0x7] =	stream.linear.gather [spmem:s22], $0x1000, $0x38;
	v63 =	vld [tilespmem:$0x0]  }
0xc0: {  	s21 =	sadd.s32 s15, s21;
	_ =	swait.ge [sflag:s28], $0x1000  }
0xc1: {  	s29 =	sshrl.u32 s21, $0x3;
	[sflag:s28] =	ssyncset.done $0x0  }
0xc2: {  	s21 =	sadd.s32 s5, s29;
	[sflag:s28] =	ssyncadd.s32 $0xFFFFF000  }
0xc3: {  	[tilespmem:s0], [sflag:$0x7] =	stream.linear.gather [hbm4b:s21+s19], $0x1000, $0x38;
	v63 =	vld [tilespmem:$0x0]  }
0xc4: {  	_ =	swait.ge [sflag:s28], $0x1000  }
0xc5: {  	[sflag:s28] =	ssyncset.done $0x0  }
0xc6: {  	s21 =	simm.s32 $0x0;
	[sflag:s28] =	ssyncadd.s32 $0xFFFFF000  }
0xc7: {  	v7 =	vld [tilespmem:s21+$0xB800]  }
0xc8: {  	v11 =	vld [tilespmem:s21+$0xB810]  }
0xc9: {  	v5 =	vld [tilespmem:s21+$0xB820]  }
0xca: {  	v4 =	vld [tilespmem:s21+$0xB830]  }
0xcb: {  	v3 =	vld [tilespmem:s21+$0xB840]  }
0xcc: {  	v2 =	vld [tilespmem:s21+$0xB850]  }
0xcd: {  	v1 =	vld [tilespmem:s21+$0xB860]  }
0xce: {  	v0 =	vld [tilespmem:s21+$0xB870]  }
0xcf: {  	v12 =	vld [tilespmem:s21+$0xF000]  }
0xd0: {  	v13 =	vld [tilespmem:s21+$0xF010]  }
0xd1: {  	v10 =	vld [tilespmem:s21+$0xF020]  }
0xd2: {  	v9 =	vld [tilespmem:s21+$0xF030]  }
0xd3: {  	v8 =	vld [tilespmem:s21+$0xF040]  }
0xd4: {  	v6 =	vld [tilespmem:s21+$0xF050];
	v12 =	vmul.f32 v12, v7  }
0xd5: {  	s22 =	simm.s32 $0x200;
	v11 =	vmul.f32 v13, v11;
	v7 =	vld [tilespmem:s21+$0xF060]  }
.LBB2_5:
0xd6: {  	s23 =	sshra.s32 s22, $0x2;
	p0 =	sne.s32 s22, $0x3E00;
	[tilespmem:s21+$0xF000] =	vst v12;
	v5 =	vmul.f32 v10, v5;
	v10 =	vld [tilespmem:s21+$0xF070]  }
0xd7: {  	v12 =	vld [tilespmem:s23+$0xB800];
	[tilespmem:s21+$0xF010] =	vst v11;
	v4 =	vmul.f32 v9, v4  }
0xd8: {  	v11 =	vld [tilespmem:s23+$0xB810];
	[tilespmem:s21+$0xF020] =	vst v5;
	v3 =	vmul.f32 v8, v3  }
0xd9: {  	v5 =	vld [tilespmem:s23+$0xB820];
	[tilespmem:s21+$0xF030] =	vst v4;
	v2 =	vmul.f32 v6, v2  }
0xda: {  	v4 =	vld [tilespmem:s23+$0xB830];
	[tilespmem:s21+$0xF040] =	vst v3;
	v1 =	vmul.f32 v7, v1  }
0xdb: {  	v3 =	vld [tilespmem:s23+$0xB840];
	[tilespmem:s21+$0xF050] =	vst v2;
	v0 =	vmul.f32 v10, v0  }
0xdc: {  	v2 =	vld [tilespmem:s23+$0xB850];
	[tilespmem:s21+$0xF060] =	vst v1  }
0xdd: {  	v1 =	vld [tilespmem:s23+$0xB860];
	[tilespmem:s21+$0xF070] =	vst v0;
	s21 =	smov.u32 s23  }
0xde: {  	v0 =	vld [tilespmem:s21+$0xB870]  }
0xdf: {  	v6 =	vld [tilespmem:s21+$0xF000]  }
0xe0: {  	v7 =	vld [tilespmem:s21+$0xF010]  }
.Ltmp1:
0xe1: {  	v10 =	vld [tilespmem:s21+$0xF020];
	(pc) =	sbr.rel @p0 .LBB2_5-.Ltmp1, $4  }
0xe2: {  	v9 =	vld [tilespmem:s21+$0xF030]  }
0xe3: {  	v8 =	vld [tilespmem:s21+$0xF040]  }
0xe4: {  	v12 =	vmul.f32 v6, v12;
	v6 =	vld [tilespmem:s21+$0xF050]  }
0xe5: {  	s22 =	sadd.s32 $0x200, s22;
	v11 =	vmul.f32 v7, v11;
	v7 =	vld [tilespmem:s21+$0xF060]  }
0xe6: {  	[tilespmem:s21+$0xF000] =	vst v12;
	v5 =	vmul.f32 v10, v5;
	v10 =	vld [tilespmem:s21+$0xF070]  }
0xe7: {  	[tilespmem:s21+$0xF010] =	vst v11;
	v4 =	vmul.f32 v9, v4  }
0xe8: {  	[tilespmem:s21+$0xF020] =	vst v5;
	v3 =	vmul.f32 v8, v3  }
0xe9: {  	[tilespmem:s21+$0xF030] =	vst v4;
	v2 =	vmul.f32 v6, v2  }
0xea: {  	[tilespmem:s21+$0xF040] =	vst v3;
	v1 =	vmul.f32 v7, v1  }
0xeb: {  	[tilespmem:s21+$0xF050] =	vst v2;
	v0 =	vmul.f32 v10, v0  }
0xec: {  	[tilespmem:s21+$0xF060] =	vst v1  }
0xed: {  	s23 =	sadd.s32 s8, s29;
	s22 =	simm.s32 $0x0;
	[tilespmem:s21+$0xF070] =	vst v0  }
0xee: {  	[hbm4b:s23+s22] =	stream.linear.scatter [tilespmem:s0], [sflag:$0x7], $0x1000, $0x38;
	v63 =	vld [tilespmem:$0x0]  }
0xef: {  	_ =	swait.ge [sflag:s28], $0x1000  }
0xf0: {  	[sflag:s28] =	ssyncset.done $0x0  }
0xf1: {  	s23 =	sadd.s32 s6, s29;
	[sflag:s28] =	ssyncadd.s32 $0xFFFFF000  }
0xf2: {  	[tilespmem:s0], [sflag:$0x7] =	stream.linear.gather [hbm4b:s23+s22], $0x1000, $0x38;
	v63 =	vld [tilespmem:$0x0]  }
0xf3: {  	_ =	swait.ge [sflag:s28], $0x1000  }
0xf4: {  	[sflag:s28] =	ssyncset.done $0x0  }
0xf5: {  	s23 =	sadd.s32 s4, s29;
	[sflag:s28] =	ssyncadd.s32 $0xFFFFF000  }
0xf6: {  	[tilespmem:s31], [sflag:$0x7] =	stream.linear.gather [hbm4b:s23+s22], $0x1000, $0x38;
	v63 =	vld [tilespmem:$0x0]  }
0xf7: {  	_ =	swait.ge [sflag:s28], $0x1000  }
0xf8: {  	[sflag:s28] =	ssyncset.done $0x0  }
0xf9: {  	s21 =	simm.s32 $0x0;
	[sflag:s28] =	ssyncadd.s32 $0xFFFFF000  }
0xfa: {  	v12 =	vld [tilespmem:s21+$0xB800]  }
0xfb: {  	v17 =	vld [tilespmem:s21+$0xF000]  }
0xfc: {  	v19 =	vld [tilespmem:s21+$0xB810]  }
0xfd: {  	v20 =	vld [tilespmem:s21+$0xF010]  }
0xfe: {  	v5 =	vld [tilespmem:s21+$0xB820]  }
0xff: {  	v10 =	vld [tilespmem:s21+$0xF020]  }
0x100: {  	v8 =	vld [tilespmem:s21+$0xB830]  }
0x101: {  	v11 =	vld [tilespmem:s21+$0xF030]  }
0x102: {  	v7 =	vld [tilespmem:s21+$0xB840]  }
0x103: {  	v9 =	vld [tilespmem:s21+$0xF040]  }
0x104: {  	v3 =	vld [tilespmem:s21+$0xB850]  }
0x105: {  	v6 =	vld [tilespmem:s21+$0xF050]  }
0x106: {  	v1 =	vld [tilespmem:s21+$0xB860]  }
0x107: {  	v4 =	vld [tilespmem:s21+$0xF060]  }
0x108: {  	v0 =	vld [tilespmem:s21+$0xB870]  }
0x109: {  	v2 =	vld [tilespmem:s21+$0xF070]  }
0x10a: {  	v16 =	vld [tilespmem:s21+$0x12800]  }
0x10b: {  	v15 =	vld [tilespmem:s21+$0x12810]  }
0x10c: {  	v14 =	vld [tilespmem:s21+$0x12820]  }
0x10d: {  	v13 =	vld [tilespmem:s21+$0x12830];
	v18 =	vmul.f32 v17, v12  }
0x10e: {  	s22 =	simm.s32 $0x200;
	v17 =	vmul.f32 v20, v19;
	v12 =	vld [tilespmem:s21+$0x12840]  }
.LBB2_7:
0x10f: {  	p0 =	sne.s32 s22, $0x3E00;
	v16 =	vadd.f32 v18, v16;
	v5 =	vmul.f32 v10, v5;
	v10 =	vld [tilespmem:s21+$0x12850]  }
0x110: {  	v8 =	vmul.f32 v11, v8;
	v15 =	vadd.f32 v17, v15;
	v11 =	vld [tilespmem:s21+$0x12860]  }
0x111: {  	s23 =	sshra.s32 s22, $0x2;
	v7 =	vmul.f32 v9, v7;
	[tilespmem:s21+$0x12800] =	vst v16;
	v5 =	vadd.f32 v5, v14;
	v9 =	vld [tilespmem:s21+$0x12870]  }
0x112: {  	v3 =	vmul.f32 v6, v3;
	v17 =	vld [tilespmem:s23+$0xB800];
	[tilespmem:s21+$0x12810] =	vst v15;
	v8 =	vadd.f32 v8, v13  }
0x113: {  	v1 =	vmul.f32 v4, v1;
	v13 =	vld [tilespmem:s23+$0xF000];
	[tilespmem:s21+$0x12820] =	vst v5;
	v5 =	vadd.f32 v7, v12  }
0x114: {  	v0 =	vmul.f32 v2, v0;
	v12 =	vld [tilespmem:s23+$0xB810];
	[tilespmem:s21+$0x12830] =	vst v8;
	v3 =	vadd.f32 v3, v10  }
0x115: {  	v19 =	vld [tilespmem:s23+$0xF010];
	[tilespmem:s21+$0x12840] =	vst v5;
	v1 =	vadd.f32 v1, v11  }
0x116: {  	v5 =	vld [tilespmem:s23+$0xB820];
	[tilespmem:s21+$0x12850] =	vst v3;
	v0 =	vadd.f32 v0, v9  }
0x117: {  	v10 =	vld [tilespmem:s23+$0xF020];
	[tilespmem:s21+$0x12860] =	vst v1  }
0x118: {  	v8 =	vld [tilespmem:s23+$0xB830];
	[tilespmem:s21+$0x12870] =	vst v0;
	s21 =	smov.u32 s23  }
0x119: {  	v11 =	vld [tilespmem:s21+$0xF030]  }
0x11a: {  	v7 =	vld [tilespmem:s21+$0xB840]  }
0x11b: {  	v9 =	vld [tilespmem:s21+$0xF040]  }
0x11c: {  	v3 =	vld [tilespmem:s21+$0xB850]  }
0x11d: {  	v6 =	vld [tilespmem:s21+$0xF050]  }
0x11e: {  	v1 =	vld [tilespmem:s21+$0xB860]  }
0x11f: {  	v4 =	vld [tilespmem:s21+$0xF060]  }
0x120: {  	v0 =	vld [tilespmem:s21+$0xB870]  }
0x121: {  	v2 =	vld [tilespmem:s21+$0xF070]  }
.Ltmp2:
0x122: {  	v16 =	vld [tilespmem:s21+$0x12800];
	(pc) =	sbr.rel @p0 .LBB2_7-.Ltmp2, $4  }
0x123: {  	v15 =	vld [tilespmem:s21+$0x12810]  }
0x124: {  	v14 =	vld [tilespmem:s21+$0x12820]  }
0x125: {  	v18 =	vmul.f32 v13, v17;
	v13 =	vld [tilespmem:s21+$0x12830]  }
0x126: {  	s22 =	sadd.s32 $0x200, s22;
	v17 =	vmul.f32 v19, v12;
	v12 =	vld [tilespmem:s21+$0x12840]  }
0x127: {  	v16 =	vadd.f32 v18, v16;
	v59 =	vld [tilespmem:s21+$0x12850];
	v5 =	vmul.f32 v10, v5  }
0x128: {  	v60 =	vld [tilespmem:s21+$0x12860];
	v8 =	vmul.f32 v11, v8;
	v15 =	vadd.f32 v17, v15  }
0x129: {  	v7 =	vmul.f32 v9, v7;
	v61 =	vld [tilespmem:s21+$0x12870];
	[tilespmem:s21+$0x12800] =	vst v16;
	v5 =	vadd.f32 v5, v14  }
0x12a: {  	v3 =	vmul.f32 v6, v3;
	[tilespmem:s21+$0x12810] =	vst v15;
	v8 =	vadd.f32 v8, v13  }
0x12b: {  	v1 =	vmul.f32 v4, v1;
	[tilespmem:s21+$0x12820] =	vst v5;
	v62 =	vadd.f32 v7, v12  }
0x12c: {  	v0 =	vmul.f32 v2, v0;
	[tilespmem:s21+$0x12830] =	vst v8;
	v3 =	vadd.f32 v3, v59  }
0x12d: {  	v1 =	vadd.f32 v1, v60;
	[tilespmem:s21+$0x12840] =	vst v62  }
0x12e: {  	s20 =	sadd.s32 $0x1, s20;
	v0 =	vadd.f32 v0, v61;
	[tilespmem:s21+$0x12850] =	vst v3  }
0x12f: {  	p0 =	sne.s32 s20, $0xA;
	[tilespmem:s21+$0x12860] =	vst v1  }
.Ltmp3:
0x130: {  	s29 =	sadd.s32 s9, s29;
	[tilespmem:s21+$0x12870] =	vst v0;
	(pc) =	sbr.rel @p0 .LBB2_4-.Ltmp3, $4  }
0x131: {  	[hbm4b:s29+s2] =	stream.linear.scatter [tilespmem:s31], [sflag:$0x7], $0x1000, $0x38;
	v63 =	vld [tilespmem:$0x0]  }
0x132: {  	_ =	swait.ge [sflag:s28], $0x1000  }
0x133: {  	[sflag:s28] =	ssyncset.done $0x0  }
0x134: {  	[sflag:s28] =	ssyncadd.s32 $0xFFFFF000  }
0x135: {  	s18 =	sadd.s32 $0x1, s18;
	s19 =	rddreg [dreg:$0x6]  }
0x136: {  	p0 =	sne.s32 s18, s19  }
.Ltmp4:
0x137: {  	_ = 	snop;
	(pc) =	sbr.rel @p0 .LBB2_1-.Ltmp4, $1  }
0x138: {  	_ =	sdelay $0x3  }
0x139: {  	_ =	sfence.sel $0x180000  }
0x13a: {  	[bflag:$0x0] =	sbarrier.arrive $0xFFFF  }
0x13b: {  	_ =	strace $0x9000004A  }
0x13c: {  	s0 =	stileid.u32;
	[bflag:$0x2] =	sbarrier.arrive $0xFFFF  }
0x13d: {  	p0 =	sne.s32 s0, $0x0;
	s0 =	rddreg [dreg:$0x2]  }
0x13e: {  	s0 =	sadd.s32 @!p0 $0x100000, s0  }
0x13f: {  	[sflag:s0] =	ssyncadd.tile.s32 @!p0 $0x1;
	_ =	shalt  }
.Lfunc_end2:
_tile_overlayer_lowered:
.L_overlay_start_2:
0x140: {  	(tag) =	ssettag $0x2  }
0x141: {  	s0 =	rddreg [dreg:$0x0];
	s2 =	stileid.u32  }
0x142: {  	s1 =	rddreg [dreg:$0x1];
	p0 =	sne.s32 s2, $0x0  }
0x143: {  	s3 =	rddreg [dreg:$0x2];
	[bflag:$0x3] =	sbarrier.arrive $0xFFFF;
	s2 =	simm.s32 @!p0 $0x1C07  }
0x144: {  	[timem:s3], [sflag:s2] =	dma.local @!p0 [hbm:s0], s1  }
0x145: {  	s0 =	simm.s32 @!p0 $0x7  }
0x146: {  	_ =	swait.ge @!p0 [sflag:s0], s1  }
0x147: {  	s1 =	ssub.s32 @!p0 $0x0, s1;
	[sflag:s0] =	ssyncset.done @!p0 $0x0  }
0x148: {  	[sflag:s0] =	ssyncadd.s32 @!p0 s1  }
0x149: {  	[bflag:$0x3] =	sbarrier.arrive $0xFFFF  }
0x14a: {  	_ =	shalt  }

// kernel: kernel.15.cloned.1.call-start
scs
__scs_entry_jumppad:
0x0: {  	(pc) =	sbr.rel $0x88, $3  }
0x1: {  	(tag) =	ssettag $0x0;
	lr =	simm.s32 $0x1  }
0x2: {  	[smem:$0x3F9C] =	sst lr;
	_ =	strace $0xD0000000  }
0x3: {  	_ = 	snop  }
0x4: {  	_ = 	snop  }
0x5: {  	_ = 	snop  }
0x6: {  	_ = 	snop  }
0x7: {  	_ = 	snop  }
__scs_overlays_trampoline_lowered:
0x8: {  	[smem:$0x3FAB] =	sst s0  }
0x9: {  	[smem:$0x3FAC] =	sst s1  }
0xa: {  	[smem:$0x3FAD] =	sst s2  }
0xb: {  	[smem:$0x3FAE] =	sst s3  }
0xc: {  	[smem:$0x3FAF] =	sst s4  }
0xd: {  	[smem:$0x3FB0] =	sst s5  }
0xe: {  	[smem:$0x3FB1] =	sst s6  }
0xf: {  	[smem:$0x3FB2] =	sst s7  }
0x10: {  	[smem:$0x3FB3] =	sst s8  }
0x11: {  	[smem:$0x3FB4] =	sst s9;
	s0 =	simm.s32 @!p0 $0x0  }
0x12: {  	s1 =	sld [smem:$0x3F9A];
	s0 =	simm.s32 @p0 $0x1  }
0x13: {  	[smem:$0x3FB5] =	sst s0;
	s0 =	simm.s32 @!p1 $0x0  }
0x14: {  	s2 =	sld [smem:$0x3F99];
	s0 =	simm.s32 @p1 $0x1  }
0x15: {  	[smem:$0x3FB6] =	sst s0;
	s0 =	simm.s32 @!p2 $0x0  }
0x16: {  	s3 =	sld [smem:$0x3FDB];
	s0 =	simm.s32 @p2 $0x1  }
0x17: {  	s4 =	simm.s32 $0x1BF5;
	[smem:$0x3FB8] =	sst s0  }
0x18: {  	s0 =	sld [smem:$0x3F9B];
	_ =	swait.ge [sflag:s4], $0x0  }
0x19: {  	s7 =	sld [smem:$0x3F9C]  }
0x1a: {  	s8 =	sadd.s32 $0xFFFFE003, lr  }
0x1b: {  	s9 =	sadd.s32 $0xFFFFFEF7, lr;
	s5 =	simm.s32 $0xFFFFFFFF;
	p2 =	slt.u32 s8, $0xFFFFF086  }
0x1c: {  	p1 =	slt.u32 s9, $0xF7A;
	s5 =	simm.s32 @!p2 $0x0  }
0x1d: {  	s5 =	simm.s32 @p1 $0x1;
	p0 =	seq.s32 s7, s2  }
0x1e: {  	s7 =	smul.u32 @!p0 $0xF7A, s2;
	p2 =	seq.s32 @!p0 s5, $0x0  }
0x1f: {  	s9 =	smul.u32 $0xF7A, s1;
	s8 =	simm.s32 @!p0 $0x1BF5;
	p2 =	por !p2, p0  }
0x20: {  	[sflag:s8] =	ssyncset.s32 @!p0 $0xFFFFF086;
	s6 =	sadd.s32 @!p0 s3, s7;
	s7 =	simm.s32 @!p0 $0x108  }
0x21: {  	s3 =	sadd.s32 s3, s9;
	s6 =	sadd.s32 @!p0 $0x88, s6;
	s7 =	simm.s32 @p2 $0x1082  }
0x22: {  	[simem:s7], [sflag:s8] =	dma.local @!p0 [hbm:s6], $0xF7A  }
0x23: {  	s9 =	sor.u32 $0xD0000000, s2;
	s6 =	simm.s32 $0x108;
	_ =	swait.ge @!p0 [sflag:s8], $0x0  }
0x24: {  	s3 =	sadd.s32 $0x88, s3;
	s6 =	simm.s32 @!p1 $0x1082;
	[sflag:s4] =	ssyncset.s32 $0xFFFFF086  }
0x25: {  	[simem:s6], [sflag:s4] =	dma.local [hbm:s3], $0xF7A  }
0x26: {  	[smem:$0x3F9C] =	sst s1;
	(tag) =	ssettag s2;
	_ =	strace s9  }
0x27: {  	s1 =	sld [smem:$0x3FAC]  }
0x28: {  	s2 =	sld [smem:$0x3FAD]  }
0x29: {  	s4 =	sld [smem:$0x3FAF]  }
0x2a: {  	p0 =	seq.s32 s5, $0x0;
	s5 =	sld [smem:$0x3FB0]  }
0x2b: {  	s6 =	sld [smem:$0x3FB1]  }
0x2c: {  	s7 =	sld [smem:$0x3FB2]  }
0x2d: {  	s3 =	simm.s32 $0x108;
	s8 =	sld [smem:$0x3FB3]  }
0x2e: {  	s3 =	simm.s32 @!p0 $0x1082;
	s9 =	sld [smem:$0x3FB4]  }
0x2f: {  	lr =	sadd.s32 s0, s3;
	s0 =	sld [smem:$0x3FAB]  }
0x30: {  	s3 =	sld [smem:$0x3FAE]  }
0x31: {  	[smem:$0x3FB7] =	sst s10  }
0x32: {  	s10 =	sld [smem:$0x3FB5];
	_ =	sdelay $0x3  }
0x33: {  	p0 =	seq.s32 s10, $0x1;
	s10 =	sld [smem:$0x3FB7];
	_ =	sdelay $0x3  }
0x34: {  	[smem:$0x3FB7] =	sst s10  }
0x35: {  	s10 =	sld [smem:$0x3FB6];
	_ =	sdelay $0x3  }
0x36: {  	p1 =	seq.s32 s10, $0x1;
	s10 =	sld [smem:$0x3FB7];
	_ =	sdelay $0x3  }
0x37: {  	[smem:$0x3FB7] =	sst s10  }
0x38: {  	s10 =	sld [smem:$0x3FB8]  }
0x39: {  	_ = 	snop;
	(pc) =	sbr.ind lr, $3  }
0x3a: {  	_ = 	snop  }
0x3b: {  	_ = 	snop  }
0x3c: {  	p2 =	seq.s32 s10, $0x1;
	s10 =	sld [smem:$0x3FB7]  }
0x3d: {  	_ =	shalt  }
0x3e: {  	_ =	shalt  }
0x3f: {  	_ =	shalt  }
0x40: {  	_ =	shalt  }
0x41: {  	_ =	shalt  }
0x42: {  	_ =	shalt  }
0x43: {  	_ =	shalt  }
0x44: {  	_ =	shalt  }
0x45: {  	_ =	shalt  }
0x46: {  	_ =	shalt  }
0x47: {  	_ =	shalt  }
0x48: {  	_ =	shalt  }
0x49: {  	_ =	shalt  }
0x4a: {  	_ =	shalt  }
0x4b: {  	_ =	shalt  }
0x4c: {  	_ =	shalt  }
0x4d: {  	_ =	shalt  }
0x4e: {  	_ =	shalt  }
0x4f: {  	_ =	shalt  }
0x50: {  	_ =	shalt  }
0x51: {  	_ =	shalt  }
0x52: {  	_ =	shalt  }
0x53: {  	_ =	shalt  }
0x54: {  	_ =	shalt  }
0x55: {  	_ =	shalt  }
0x56: {  	_ =	shalt  }
0x57: {  	_ =	shalt  }
0x58: {  	_ =	shalt  }
0x59: {  	_ =	shalt  }
0x5a: {  	_ =	shalt  }
0x5b: {  	_ =	shalt  }
0x5c: {  	_ =	shalt  }
0x5d: {  	_ =	shalt  }
0x5e: {  	_ =	shalt  }
0x5f: {  	_ =	shalt  }
0x60: {  	_ =	shalt  }
0x61: {  	_ =	shalt  }
0x62: {  	_ =	shalt  }
0x63: {  	_ =	shalt  }
0x64: {  	_ =	shalt  }
0x65: {  	_ =	shalt  }
0x66: {  	_ =	shalt  }
0x67: {  	_ =	shalt  }
0x68: {  	_ =	shalt  }
0x69: {  	_ =	shalt  }
0x6a: {  	_ =	shalt  }
0x6b: {  	_ =	shalt  }
0x6c: {  	_ =	shalt  }
0x6d: {  	_ =	shalt  }
0x6e: {  	_ =	shalt  }
0x6f: {  	_ =	shalt  }
0x70: {  	_ =	shalt  }
0x71: {  	_ =	shalt  }
0x72: {  	_ =	shalt  }
0x73: {  	_ =	shalt  }
0x74: {  	_ =	shalt  }
0x75: {  	_ =	shalt  }
0x76: {  	_ =	shalt  }
0x77: {  	_ =	shalt  }
0x78: {  	_ =	shalt  }
0x79: {  	_ =	shalt  }
0x7a: {  	_ =	shalt  }
0x7b: {  	_ =	shalt  }
0x7c: {  	_ =	shalt  }
0x7d: {  	_ =	shalt  }
0x7e: {  	_ =	shalt  }
0x7f: {  	_ =	shalt  }
0x80: {  	_ =	shalt  }
0x81: {  	_ =	shalt  }
0x82: {  	_ =	shalt  }
0x83: {  	_ =	shalt  }
0x84: {  	_ =	shalt  }
0x85: {  	_ =	shalt  }
0x86: {  	_ =	shalt  }
0x87: {  	_ =	shalt  }
.Lfunc_end0:
.L_simem_size_0:
called_computation.2_lowered:
.L_overlay_start_0:
0x88: {  	s2 =	sld [smem:$0x3FD9]  }
0x89: {  	s3 =	sld [smem:$0x3FFE];
	_ =	sdelay $0x1  }
0x8a: {  	s1 =	srdreg.scid  }
0x8b: {  	s0 =	sand.u32 $0x1, s1  }
0x8c: {  	s16 =	sshll.u32 s0, $0xA;
	s2 =	sadd.s32 s3, s2  }
0x8d: {  	s2 =	sadd.s32 s2, s16  }
0x8e: {  	[smem:$0x3FC3] =	sst s2  }
0x8f: {  	_ = 	snop  }
0x90: {  	(tm) =	ssettm $0x1  }
0x91: {  	s17 =	sld [smem:$0x3FFB];
	_ =	sdelay $0x3  }
0x92: {  	_ =	strace s17  }
0x93: {  	s2 =	sld [smem:$0x3FFC];
	_ =	sdelay $0x3  }
0x94: {  	_ =	strace s2  }
0x95: {  	s2 =	sld [smem:$0x3FFD];
	_ =	sdelay $0x3  }
0x96: {  	_ =	strace s2  }
0x97: {  	_ =	strace $0x8FFFFFFF  }
0x98: {  	s18 =	sld [smem:$0x3FDB];
	_ =	sdelay $0x1  }
0x99: {  	s19 =	simm.s32 $_scs_section_size  }
0x9a: {  	s4 =	simm.s32 $_size__tile_overlayer_lowered;
	s5 =	simm.s32 $_tile_overlayer_lowered  }
0x9b: {  	s22 =	simm.s32 $0x1BFF;
	s21 =	sshll.u32 s5, $0x1;
	s2 =	sadd.s32 s19, s18  }
0x9c: {  	s6 =	simm.s32 $0x0;
	s20 =	sshll.u32 s4, $0x1;
	s4 =	sadd.s32 s21, s2  }
0x9d: {  	[timem:s6], [sflag:s22] =	dma.local [hbm:s4], s20  }
0x9e: {  	_ =	swait.ge [sflag:s22], s20  }
0x9f: {  	s3 =	ssub.s32 $0x0, s20;
	[sflag:s22] =	ssyncset.done $0x0  }
0xa0: {  	[sflag:s22] =	ssyncadd.s32 s3;
	_ =	sdelay $0x1  }
0xa1: {  	s23 =	simm.s32 $0x1B8B  }
0xa2: {  	_ =	swait.ge [sflag:s23], $0x1  }
0xa3: {  	[sflag:s23] =	ssyncset.done $0x0  }
0xa4: {  	s25 =	simm.s32 $0x1B8E;
	s24 =	sld [smem:$0x3FFE];
	[sflag:s23] =	ssyncadd.s32 $0xFFFFFFFF  }
0xa5: {  	s26 =	simm.s32 $execute0_lowered;
	[smem:$0x3FD2] =	sst s25  }
0xa6: {  	s4 =	sshll.u32 s26, $0x1;
	_ =	strace $0x8000004C;
	[dreg:$0x1] =	wrdreg $0xFFFFFFFF  }
0xa7: {  	s28 =	simm.s32 $_size_execute0_lowered;
	s2 =	sadd.s32 s2, s4;
	[dreg:$0x0] =	wrdreg $0x0  }
0xa8: {  	s4 =	sshll.u32 s28, $0x1;
	[dreg:$0x2] =	wrdreg s2  }
0xa9: {  	[dreg:$0x3] =	wrdreg s4  }
0xaa: {  	[dreg:$0x4] =	wrdreg $0xC0  }
0xab: {  	_ =	task [dreg:s6], $0x5FFFF  }
0xac: {  	[dreg:$0x1] =	wrdreg $0xFFFFFFFF  }
0xad: {  	[dreg:$0x0] =	wrdreg $0x60  }
0xae: {  	[dreg:$0x2] =	wrdreg s24  }
0xaf: {  	[dreg:$0x3] =	wrdreg $0x160000  }
0xb0: {  	[dreg:$0x4] =	wrdreg $0x9  }
0xb1: {  	_ =	task.clear_ibuf [dreg:s6], $0x5FFFF;
	_ =	strace $0x9000004C  }
0xb2: {  	s29 =	simm.s32 $0x9;
	_ =	strace $0x8000004E  }
0xb3: {  	_ =	swait.ge [sflag:s29], $0x1  }
0xb4: {  	[sflag:s29] =	ssyncadd.s32 $0xFFFFFFFF  }
0xb5: {  	_ =	strace $0x9000004E  }
0xb6: {  	_ =	sfence  }
0xb7: {  	s30 =	sld [smem:$0x0];
	_ =	sdelay $0x2  }
0xb8: {  	s31 =	sshll.u32 s1, $0xD;
	s1 =	sshrl.u32 s1, $0x2  }
0xb9: {  	s3 =	sand.u32 $0x4000, s31;
	s1 =	sadd.s32 s1, s30  }
0xba: {  	s0 =	sor.u32 s3, s0;
	s1 =	sshll.u32 s1, $0x11  }
0xbb: {  	s0 =	sor.u32 s1, s0  }
0xbc: {  	s0 =	sadd.s32 $0x8F2B, s0  }
0xbd: {  	[sflag:s0] =	ssyncadd.remote.s32 $0x1  }
0xbe: {  	_ =	sfence.sel $0xFFFF  }
0xbf: {  	[dreg:$0x0] =	wrdreg $0xFFFFFFFF;
	(pc) =	sbr.abs _section_cstart, $3  }
0xc0: {  	[dreg:$0x1] =	wrdreg $0xFFFFFFFF  }
0xc1: {  	_ =	task.clear_ibuf [dreg:s6], $0x2FFFF;
	_ =	strace $0x9FFFFFFF  }
0xc2: {  	(tm) =	ssettm $0x7FFFFFFF  }
0xc3: {  	_ =	shalt  }
tec
execute0_lowered:
.L_overlay_start_1:
0x0: {  	(tag) =	ssettag $0x1  }
0x1: {  	s0 =	rddreg [dreg:$0x0]  }
0x2: {  	s2 =	srdreg.scid;
	s1 =	rddreg [dreg:$0x1]  }
0x3: {  	s17 =	stileid.u32;
	s28 =	simm.s32 $0x7;
	s30 =	simm.s32 $0x70  }
0x4: {  	s31 =	simm.s32 $0x12800;
	s18 =	simm.s32 $0x0;
	s3 =	sand.u32 $0x1, s2  }
0x5: {  	s2 =	simm.s32 $0x0;
	s11 =	sadd.s32 $0x2A00, s0;
	s10 =	smul.u32 $0x28000, s17  }
0x6: {  	s5 =	sadd.s32 $0x41A00, s0;
	s6 =	sadd.s32 $0x69A00, s0;
	s14 =	smul.u32 $0x5C00, s17  }
0x7: {  	s8 =	sadd.s32 $0xB9A00, s0;
	s9 =	sadd.s32 $0x91A00, s0;
	s4 =	smul.u32 $0x14000, s3  }
0x8: {  	[smem:$0x7FF] =	sst s2;
	s12 =	smul.u32 $0x5C000, s3;
	s13 =	ssub.s32 $0x2, s3  }
0x9: {  	s3 =	sxor.u32 $0x1, s3;
	_ =	strace $0x8000004D;
	[dreg:$0x3] =	wrdreg s8  }
0xa: {  	s15 =	sshrl.u32 s13, $0x1;
	s16 =	smul.u32 $0x5C000, s3;
	s8 =	sadd.s32 $0x19A00, s0  }
0xb: {  	s10 =	sshrl.u32 s10, $0x2;
	s7 =	sadd.s32 s4, s0;
	s4 =	sadd.s32 $0xF5A00, s0  }
0xc: {  	s19 =	ssub.s32 s13, s15;
	s12 =	sadd.s32 s14, s12;
	s10 =	sadd.s32 s10, s1  }
0xd: {  	s15 =	smul.u32 $0xA0000, s3;
	s3 =	simm.s32 $0x1;
	s0 =	smax.u32 s19, $0x1  }
0xe: {  	s20 =	sadd.s32 s14, s16;
	s21 =	sadd.s32 $0x1000, s10;
	[dreg:$0x6] =	wrdreg s0  }
0xf: {  	s12 =	sshrl.u32 s12, $0x3;
	s22 =	sadd.s32 $0x2000, s10;
	[dreg:$0x7] =	wrdreg s21  }
0x10: {  	s14 =	sadd.s32 $0xCDA00, s7;
	s23 =	sadd.s32 $0x3000, s10;
	[dreg:$0x8] =	wrdreg s22  }
0x11: {  	s24 =	sadd.s32 $0x4000, s10;
	s25 =	sadd.s32 $0x5000, s10;
	[dreg:$0x9] =	wrdreg s23  }
0x12: {  	s26 =	sadd.s32 $0x6000, s10;
	s29 =	sadd.s32 $0x7000, s10;
	[dreg:$0xa] =	wrdreg s24  }
0x13: {  	s7 =	simm.s32 $0x2;
	s16 =	simm.s32 $0x5;
	[dreg:$0xb] =	wrdreg s25  }
0x14: {  	s13 =	sshrl.u32 s20, $0x3;
	s12 =	sadd.s32 s11, s12;
	[dreg:$0xc] =	wrdreg s26  }
0x15: {  	[dreg:$0xd] =	wrdreg s29;
	s24 =	sadd.s32 $0x8000, s10;
	s25 =	sadd.s32 $0x9000, s10  }
0x16: {  	s26 =	simm.s32 $0xB800;
	s0 =	simm.s32 $0xF000;
	[dreg:$0x4] =	wrdreg s12  }
0x17: {  	s11 =	sadd.s32 s11, s13;
	s13 =	smul.u32 $0x140, s17;
	s12 =	simm.s32 $0x3  }
0x18: {  	s17 =	simm.s32 $0x6;
	[dreg:$0x5] =	wrdreg s11;
	s11 =	simm.s32 $0x4  }
.LBB2_1:
0x19: {  	s19 =	rddreg [dreg:$0x3]  }
0x1a: {  	[tilespmem:s26], [sflag:$0x7] =	stream.linear.gather [hbm4b:s19+s2], $0x1000, $0x38;
	v63 =	vld [tilespmem:$0x0]  }
0x1b: {  	_ =	swait.ge [sflag:s28], $0x1000  }
0x1c: {  	[sflag:s28] =	ssyncset.done $0x0  }
0x1d: {  	[sflag:s28] =	ssyncadd.s32 $0xFFFFF000  }
0x1e: {  	[spmem:s10] =	stream.linear.scatter [tilespmem:s26], [sflag:$0x7], $0x1000, $0x38;
	v63 =	vld [tilespmem:$0x0]  }
0x1f: {  	_ =	swait.ge [sflag:s28], $0x1000  }
0x20: {  	[sflag:s28] =	ssyncset.done $0x0  }
0x21: {  	s20 =	rddreg [dreg:$0x7];
	[sflag:s28] =	ssyncadd.s32 $0xFFFFF000  }
0x22: {  	[spmem:s20] =	stream.linear.scatter [tilespmem:s26], [sflag:$0x7], $0x1000, $0x38;
	v63 =	vld [tilespmem:$0x0]  }
0x23: {  	_ =	swait.ge [sflag:s28], $0x1000  }
0x24: {  	[sflag:s28] =	ssyncset.done $0x0  }
0x25: {  	s21 =	rddreg [dreg:$0x8];
	[sflag:s28] =	ssyncadd.s32 $0xFFFFF000  }
0x26: {  	[spmem:s21] =	stream.linear.scatter [tilespmem:s26], [sflag:$0x7], $0x1000, $0x38;
	v63 =	vld [tilespmem:$0x0]  }
0x27: {  	_ =	swait.ge [sflag:s28], $0x1000  }
0x28: {  	[sflag:s28] =	ssyncset.done $0x0  }
0x29: {  	s22 =	rddreg [dreg:$0x9];
	[sflag:s28] =	ssyncadd.s32 $0xFFFFF000  }
0x2a: {  	[spmem:s22] =	stream.linear.scatter [tilespmem:s26], [sflag:$0x7], $0x1000, $0x38;
	v63 =	vld [tilespmem:$0x0]  }
0x2b: {  	_ =	swait.ge [sflag:s28], $0x1000  }
0x2c: {  	[sflag:s28] =	ssyncset.done $0x0  }
0x2d: {  	s23 =	rddreg [dreg:$0xa];
	[sflag:s28] =	ssyncadd.s32 $0xFFFFF000  }
0x2e: {  	[spmem:s23] =	stream.linear.scatter [tilespmem:s26], [sflag:$0x7], $0x1000, $0x38;
	v63 =	vld [tilespmem:$0x0]  }
0x2f: {  	_ =	swait.ge [sflag:s28], $0x1000  }
0x30: {  	[sflag:s28] =	ssyncset.done $0x0  }
0x31: {  	s29 =	rddreg [dreg:$0xb];
	[sflag:s28] =	ssyncadd.s32 $0xFFFFF000  }
0x32: {  	[spmem:s29] =	stream.linear.scatter [tilespmem:s26], [sflag:$0x7], $0x1000, $0x38;
	v63 =	vld [tilespmem:$0x0]  }
0x33: {  	_ =	swait.ge [sflag:s28], $0x1000  }
0x34: {  	[sflag:s28] =	ssyncset.done $0x0  }
0x35: {  	s20 =	rddreg [dreg:$0xc];
	[sflag:s28] =	ssyncadd.s32 $0xFFFFF000  }
0x36: {  	[spmem:s20] =	stream.linear.scatter [tilespmem:s26], [sflag:$0x7], $0x1000, $0x38;
	v63 =	vld [tilespmem:$0x0]  }
0x37: {  	_ =	swait.ge [sflag:s28], $0x1000  }
0x38: {  	[sflag:s28] =	ssyncset.done $0x0  }
0x39: {  	s21 =	rddreg [dreg:$0xd];
	[sflag:s28] =	ssyncadd.s32 $0xFFFFF000  }
0x3a: {  	[spmem:s21] =	stream.linear.scatter [tilespmem:s26], [sflag:$0x7], $0x1000, $0x38;
	v63 =	vld [tilespmem:$0x0]  }
0x3b: {  	_ =	swait.ge [sflag:s28], $0x1000  }
0x3c: {  	[sflag:s28] =	ssyncset.done $0x0  }
0x3d: {  	[sflag:s28] =	ssyncadd.s32 $0xFFFFF000  }
0x3e: {  	[spmem:s24] =	stream.linear.scatter [tilespmem:s26], [sflag:$0x7], $0x1000, $0x38;
	v63 =	vld [tilespmem:$0x0]  }
0x3f: {  	_ =	swait.ge [sflag:s28], $0x1000  }
0x40: {  	[sflag:s28] =	ssyncset.done $0x0  }
0x41: {  	[sflag:s28] =	ssyncadd.s32 $0xFFFFF000  }
0x42: {  	[spmem:s25] =	stream.linear.scatter [tilespmem:s26], [sflag:$0x7], $0x1000, $0x38;
	v63 =	vld [tilespmem:$0x0]  }
0x43: {  	_ =	swait.ge [sflag:s28], $0x1000  }
0x44: {  	[sflag:s28] =	ssyncset.done $0x0  }
0x45: {  	s22 =	rddreg [dreg:$0x4];
	[sflag:s28] =	ssyncadd.s32 $0xFFFFF000  }
0x46: {  	[tilespmem:s2], [sflag:$0x7] =	stream.linear.gather [hbm4b:s22+s2], $0x5A00, $0x38;
	v63 =	vld [tilespmem:$0x0]  }
0x47: {  	_ =	swait.ge [sflag:s28], $0x5A00  }
0x48: {  	[sflag:s28] =	ssyncset.done $0x0  }
0x49: {  	s20 =	simm.s32 $0x5C00;
	s23 =	rddreg [dreg:$0x5];
	[sflag:s28] =	ssyncadd.s32 $0xFFFFA600  }
0x4a: {  	[tilespmem:s20], [sflag:$0x7] =	stream.linear.gather [hbm4b:s23+s2], $0x5A00, $0x38;
	v63 =	vld [tilespmem:$0x0]  }
0x4b: {  	_ =	swait.ge [sflag:s28], $0x5A00  }
0x4c: {  	[sflag:s28] =	ssyncset.done $0x0  }
0x4d: {  	[sflag:s28] =	ssyncadd.s32 $0xFFFFA600  }
0x4e: {  	[bflag:$0x0] =	sbarrier.arrive $0xFFFF  }
0x4f: {  	[tilespmem:s26], [sflag:$0x1] =	stream.indirect.gather [hbm4b:s14+s30], $0x80, s2, s30, $0xb8;
	v63 =	vld [tilespmem:$0x0]  }
0x50: {  	s29 =	simm.s32 $0x80  }
0x51: {  	[tilespmem:s0], [sflag:$0x2] =	stream.indirect.gather [hbm4b:s14+s30], $0x80, s29, s30, $0xb8;
	v63 =	vld [tilespmem:$0x0]  }
0x52: {  	_ =	swait.ge [sflag:s3], $0x3800  }
0x53: {  	[sflag:s3] =	ssyncset.done $0x0  }
0x54: {  	[sflag:s3] =	ssyncadd.s32 $0xFFFFC800  }
0x55: {  	[spmem:s1] =	stream.indirect.scatter.add.f32 [tilespmem:s26], [sflag:$0x4], $0x80, s20, s30, $0xb8;
	v63 =	vld [tilespmem:$0x0]  }
0x56: {  	s20 =	simm.s32 $0x100  }
0x57: {  	[tilespmem:s31], [sflag:$0x3] =	stream.indirect.gather [hbm4b:s14+s30], $0x80, s20, s30, $0xb8;
	v63 =	vld [tilespmem:$0x0]  }
0x58: {  	_ =	swait.ge [sflag:s7], $0x3800  }
0x59: {  	[sflag:s7] =	ssyncset.done $0x0  }
0x5a: {  	s21 =	simm.s32 $0x5C80;
	[sflag:s7] =	ssyncadd.s32 $0xFFFFC800  }
0x5b: {  	[spmem:s1] =	stream.indirect.scatter.add.f32 [tilespmem:s0], [sflag:$0x5], $0x80, s21, s30, $0xb8;
	v63 =	vld [tilespmem:$0x0]  }
0x5c: {  	_ =	swait.ge [sflag:s11], $0x3800  }
0x5d: {  	[sflag:s11] =	ssyncset.done $0x0  }
0x5e: {  	s22 =	simm.s32 $0x180;
	[sflag:s11] =	ssyncadd.s32 $0xFFFFC800  }
0x5f: {  	[tilespmem:s26], [sflag:$0x1] =	stream.indirect.gather [hbm4b:s14+s30], $0x80, s22, s30, $0xb8;
	v63 =	vld [tilespmem:$0x0]  }
0x60: {  	_ =	swait.ge [sflag:s12], $0x3800  }
0x61: {  	[sflag:s12] =	ssyncset.done $0x0  }
0x62: {  	s23 =	simm.s32 $0x5D00;
	[sflag:s12] =	ssyncadd.s32 $0xFFFFC800  }
0x63: {  	[spmem:s1] =	stream.indirect.scatter.add.f32 [tilespmem:s31], [sflag:$0x6], $0x80, s23, s30, $0xb8;
	v63 =	vld [tilespmem:$0x0]  }
0x64: {  	_ =	swait.ge [sflag:s16], $0x3800  }
0x65: {  	[sflag:s16] =	ssyncset.done $0x0  }
0x66: {  	s29 =	simm.s32 $0x200;
	[sflag:s16] =	ssyncadd.s32 $0xFFFFC800  }
0x67: {  	[tilespmem:s0], [sflag:$0x2] =	stream.indirect.gather [hbm4b:s14+s30], $0x80, s29, s30, $0xb8;
	v63 =	vld [tilespmem:$0x0]  }
0x68: {  	_ =	swait.ge [sflag:s3], $0x3800  }
0x69: {  	[sflag:s3] =	ssyncset.done $0x0  }
0x6a: {  	s20 =	simm.s32 $0x5D80;
	[sflag:s3] =	ssyncadd.s32 $0xFFFFC800  }
0x6b: {  	[spmem:s1] =	stream.indirect.scatter.add.f32 [tilespmem:s26], [sflag:$0x4], $0x80, s20, s30, $0xb8;
	v63 =	vld [tilespmem:$0x0]  }
0x6c: {  	_ =	swait.ge [sflag:s17], $0x3800  }
0x6d: {  	[sflag:s17] =	ssyncset.done $0x0  }
0x6e: {  	s21 =	simm.s32 $0x280;
	[sflag:s17] =	ssyncadd.s32 $0xFFFFC800  }
0x6f: {  	[tilespmem:s31], [sflag:$0x3] =	stream.indirect.gather [hbm4b:s14+s30], $0x80, s21, s30, $0xb8;
	v63 =	vld [tilespmem:$0x0]  }
0x70: {  	_ =	swait.ge [sflag:s7], $0x3800  }
0x71: {  	[sflag:s7] =	ssyncset.done $0x0  }
0x72: {  	s22 =	simm.s32 $0x5E00;
	[sflag:s7] =	ssyncadd.s32 $0xFFFFC800  }
0x73: {  	[spmem:s1] =	stream.indirect.scatter.add.f32 [tilespmem:s0], [sflag:$0x5], $0x80, s22, s30, $0xb8;
	v63 =	vld [tilespmem:$0x0]  }
0x74: {  	_ =	swait.ge [sflag:s11], $0x3800  }
0x75: {  	[sflag:s11] =	ssyncset.done $0x0  }
0x76: {  	s23 =	simm.s32 $0x300;
	[sflag:s11] =	ssyncadd.s32 $0xFFFFC800  }
0x77: {  	[tilespmem:s26], [sflag:$0x1] =	stream.indirect.gather [hbm4b:s14+s30], $0x80, s23, s30, $0xb8;
	v63 =	vld [tilespmem:$0x0]  }
0x78: {  	_ =	swait.ge [sflag:s12], $0x3800  }
0x79: {  	[sflag:s12] =	ssyncset.done $0x0  }
0x7a: {  	s29 =	simm.s32 $0x5E80;
	[sflag:s12] =	ssyncadd.s32 $0xFFFFC800  }
0x7b: {  	[spmem:s1] =	stream.indirect.scatter.add.f32 [tilespmem:s31], [sflag:$0x6], $0x80, s29, s30, $0xb8;
	v63 =	vld [tilespmem:$0x0]  }
0x7c: {  	_ =	swait.ge [sflag:s16], $0x3800  }
0x7d: {  	[sflag:s16] =	ssyncset.done $0x0  }
0x7e: {  	s19 =	simm.s32 $0x600;
	s20 =	simm.s32 $0x380;
	[sflag:s16] =	ssyncadd.s32 $0xFFFFC800  }
.LBB2_2:
0x7f: {  	[tilespmem:s0], [sflag:$0x2] =	stream.indirect.gather [hbm4b:s14+s30], $0x80, s20, s30, $0xb8;
	v63 =	vld [tilespmem:$0x0]  }
0x80: {  	s20 =	smov.u32 s19;
	s19 =	sadd.s32 $0x600, s19;
	_ =	swait.ge [sflag:s3], $0x3800  }
0x81: {  	s20 =	sshra.s32 s20, $0x2;
	p0 =	sne.s32 s19, $0x15C00;
	[sflag:s3] =	ssyncset.done $0x0  }
0x82: {  	s21 =	sadd.s32 $0x5D80, s20;
	[sflag:s3] =	ssyncadd.s32 $0xFFFFC800  }
0x83: {  	[spmem:s1] =	stream.indirect.scatter.add.f32 [tilespmem:s26], [sflag:$0x4], $0x80, s21, s30, $0xb8;
	v63 =	vld [tilespmem:$0x0]  }
0x84: {  	_ =	swait.ge [sflag:s17], $0x3800  }
0x85: {  	[sflag:s17] =	ssyncset.done $0x0  }
0x86: {  	s21 =	sadd.s32 $0x280, s20;
	[sflag:s17] =	ssyncadd.s32 $0xFFFFC800  }
0x87: {  	[tilespmem:s31], [sflag:$0x3] =	stream.indirect.gather [hbm4b:s14+s30], $0x80, s21, s30, $0xb8;
	v63 =	vld [tilespmem:$0x0]  }
0x88: {  	_ =	swait.ge [sflag:s7], $0x3800  }
0x89: {  	[sflag:s7] =	ssyncset.done $0x0  }
0x8a: {  	s21 =	sadd.s32 $0x5E00, s20;
	[sflag:s7] =	ssyncadd.s32 $0xFFFFC800  }
0x8b: {  	[spmem:s1] =	stream.indirect.scatter.add.f32 [tilespmem:s0], [sflag:$0x5], $0x80, s21, s30, $0xb8;
	v63 =	vld [tilespmem:$0x0]  }
0x8c: {  	_ =	swait.ge [sflag:s11], $0x3800  }
0x8d: {  	[sflag:s11] =	ssyncset.done $0x0  }
0x8e: {  	s21 =	sadd.s32 $0x300, s20;
	[sflag:s11] =	ssyncadd.s32 $0xFFFFC800  }
0x8f: {  	[tilespmem:s26], [sflag:$0x1] =	stream.indirect.gather [hbm4b:s14+s30], $0x80, s21, s30, $0xb8;
	v63 =	vld [tilespmem:$0x0]  }
0x90: {  	_ =	swait.ge [sflag:s12], $0x3800  }
0x91: {  	[sflag:s12] =	ssyncset.done $0x0  }
.Ltmp0:
0x92: {  	s21 =	sadd.s32 $0x5E80, s20;
	[sflag:s12] =	ssyncadd.s32 $0xFFFFC800;
	(pc) =	sbr.rel @p0 .LBB2_2-.Ltmp0, $4  }
0x93: {  	[spmem:s1] =	stream.indirect.scatter.add.f32 [tilespmem:s31], [sflag:$0x6], $0x80, s21, s30, $0xb8;
	v63 =	vld [tilespmem:$0x0]  }
0x94: {  	_ =	swait.ge [sflag:s16], $0x3800  }
0x95: {  	[sflag:s16] =	ssyncset.done $0x0  }
0x96: {  	s20 =	sadd.s32 $0x380, s20;
	[sflag:s16] =	ssyncadd.s32 $0xFFFFC800  }
0x97: {  	[tilespmem:s0], [sflag:$0x2] =	stream.indirect.gather [hbm4b:s14+s30], $0x80, s20, s30, $0xb8;
	v63 =	vld [tilespmem:$0x0]  }
0x98: {  	_ =	swait.ge [sflag:s3], $0x3800  }
0x99: {  	s19 =	sshra.s32 s19, $0x2;
	[sflag:s3] =	ssyncset.done $0x0  }
0x9a: {  	s22 =	sadd.s32 $0x5D80, s19;
	[sflag:s3] =	ssyncadd.s32 $0xFFFFC800  }
0x9b: {  	[spmem:s1] =	stream.indirect.scatter.add.f32 [tilespmem:s26], [sflag:$0x4], $0x80, s22, s30, $0xb8;
	v63 =	vld [tilespmem:$0x0]  }
0x9c: {  	_ =	swait.ge [sflag:s17], $0x3800  }
0x9d: {  	[sflag:s17] =	ssyncset.done $0x0  }
0x9e: {  	s23 =	simm.s32 $0x5980;
	[sflag:s17] =	ssyncadd.s32 $0xFFFFC800  }
0x9f: {  	[tilespmem:s31], [sflag:$0x3] =	stream.indirect.gather [hbm4b:s14+s30], $0x80, s23, s30, $0xb8;
	v63 =	vld [tilespmem:$0x0]  }
0xa0: {  	_ =	swait.ge [sflag:s7], $0x3800  }
0xa1: {  	[sflag:s7] =	ssyncset.done $0x0  }
0xa2: {  	s19 =	sadd.s32 $0x5E00, s19;
	[sflag:s7] =	ssyncadd.s32 $0xFFFFC800  }
0xa3: {  	[spmem:s1] =	stream.indirect.scatter.add.f32 [tilespmem:s0], [sflag:$0x5], $0x80, s19, s30, $0xb8;
	v63 =	vld [tilespmem:$0x0]  }
0xa4: {  	_ =	swait.ge [sflag:s11], $0x3800  }
0xa5: {  	[sflag:s11] =	ssyncset.done $0x0  }
0xa6: {  	s19 =	simm.s32 $0x0;
	[sflag:s11] =	ssyncadd.s32 $0xFFFFC800  }
0xa7: {  	[tilespmem:s26], [sflag:$0x1] =	stream.indirect.gather [hbm4b:s14+s30], $0x80, s19, s30, $0xb8;
	v63 =	vld [tilespmem:$0x0]  }
0xa8: {  	_ =	swait.ge [sflag:s12], $0x3800  }
0xa9: {  	[sflag:s12] =	ssyncset.done $0x0  }
0xaa: {  	s29 =	simm.s32 $0xB580;
	[sflag:s12] =	ssyncadd.s32 $0xFFFFC800  }
0xab: {  	[spmem:s1] =	stream.indirect.scatter.add.f32 [tilespmem:s31], [sflag:$0x6], $0x80, s29, s30, $0xb8;
	v63 =	vld [tilespmem:$0x0]  }
0xac: {  	_ =	swait.ge [sflag:s16], $0x3800  }
0xad: {  	[sflag:s16] =	ssyncset.done $0x0  }
0xae: {  	[sflag:s16] =	ssyncadd.s32 $0xFFFFC800  }
0xaf: {  	[tilespmem:s0], [sflag:$0x2] =	stream.indirect.gather [hbm4b:s14+s30], $0x80, s19, s30, $0xb8;
	v63 =	vld [tilespmem:$0x0]  }
0xb0: {  	_ =	swait.ge [sflag:s3], $0x3800  }
0xb1: {  	[sflag:s3] =	ssyncset.done $0x0  }
0xb2: {  	[sflag:s3] =	ssyncadd.s32 $0xFFFFC800  }
0xb3: {  	_ =	swait.ge [sflag:s7], $0x3800  }
0xb4: {  	[sflag:s7] =	ssyncset.done $0x0  }
0xb5: {  	[sflag:s7] =	ssyncadd.s32 $0xFFFFC800  }
0xb6: {  	_ =	swait.ge [sflag:s17], $0x3800  }
0xb7: {  	[sflag:s17] =	ssyncset.done $0x0  }
0xb8: {  	[sflag:s17] =	ssyncadd.s32 $0xFFFFC800  }
0xb9: {  	s20 =	simm.s32 $0x0;
	[bflag:$0x0] =	sbarrier.arrive $0xFFFF  }
.LBB2_4:
0xba: {  	s21 =	sshll.u32 s20, $0x5  }
0xbb: {  	s21 =	sadd.s32 s13, s21  }
0xbc: {  	s21 =	sshll.u32 s21, $0x7  }
0xbd: {  	s22 =	sand.u32 $0x3FFFFF80, s21  }
0xbe: {  	s22 =	sadd.s32 s22, s1  }
0xbf: {  	[tilespmem:s26], [sflag:$0x7] =	stream.linear.gather [spmem:s22], $0x1000, $0x38;
	v63 =	vld [tilespmem:$0x0]  }
0xc0: {  	s21 =	sadd.s32 s15, s21;
	_ =	swait.ge [sflag:s28], $0x1000  }
0xc1: {  	s29 =	sshrl.u32 s21, $0x3;
	[sflag:s28] =	ssyncset.done $0x0  }
0xc2: {  	s21 =	sadd.s32 s5, s29;
	[sflag:s28] =	ssyncadd.s32 $0xFFFFF000  }
0xc3: {  	[tilespmem:s0], [sflag:$0x7] =	stream.linear.gather [hbm4b:s21+s19], $0x1000, $0x38;
	v63 =	vld [tilespmem:$0x0]  }
0xc4: {  	_ =	swait.ge [sflag:s28], $0x1000  }
0xc5: {  	[sflag:s28] =	ssyncset.done $0x0  }
0xc6: {  	s21 =	simm.s32 $0x0;
	[sflag:s28] =	ssyncadd.s32 $0xFFFFF000  }
0xc7: {  	v7 =	vld [tilespmem:s21+$0xB800]  }
0xc8: {  	v11 =	vld [tilespmem:s21+$0xB810]  }
0xc9: {  	v5 =	vld [tilespmem:s21+$0xB820]  }
0xca: {  	v4 =	vld [tilespmem:s21+$0xB830]  }
0xcb: {  	v3 =	vld [tilespmem:s21+$0xB840]  }
0xcc: {  	v2 =	vld [tilespmem:s21+$0xB850]  }
0xcd: {  	v1 =	vld [tilespmem:s21+$0xB860]  }
0xce: {  	v0 =	vld [tilespmem:s21+$0xB870]  }
0xcf: {  	v12 =	vld [tilespmem:s21+$0xF000]  }
0xd0: {  	v13 =	vld [tilespmem:s21+$0xF010]  }
0xd1: {  	v10 =	vld [tilespmem:s21+$0xF020]  }
0xd2: {  	v9 =	vld [tilespmem:s21+$0xF030]  }
0xd3: {  	v8 =	vld [tilespmem:s21+$0xF040]  }
0xd4: {  	v6 =	vld [tilespmem:s21+$0xF050];
	v12 =	vmul.f32 v12, v7  }
0xd5: {  	s22 =	simm.s32 $0x200;
	v11 =	vmul.f32 v13, v11;
	v7 =	vld [tilespmem:s21+$0xF060]  }
.LBB2_5:
0xd6: {  	s23 =	sshra.s32 s22, $0x2;
	p0 =	sne.s32 s22, $0x3E00;
	[tilespmem:s21+$0xF000] =	vst v12;
	v5 =	vmul.f32 v10, v5;
	v10 =	vld [tilespmem:s21+$0xF070]  }
0xd7: {  	v12 =	vld [tilespmem:s23+$0xB800];
	[tilespmem:s21+$0xF010] =	vst v11;
	v4 =	vmul.f32 v9, v4  }
0xd8: {  	v11 =	vld [tilespmem:s23+$0xB810];
	[tilespmem:s21+$0xF020] =	vst v5;
	v3 =	vmul.f32 v8, v3  }
0xd9: {  	v5 =	vld [tilespmem:s23+$0xB820];
	[tilespmem:s21+$0xF030] =	vst v4;
	v2 =	vmul.f32 v6, v2  }
0xda: {  	v4 =	vld [tilespmem:s23+$0xB830];
	[tilespmem:s21+$0xF040] =	vst v3;
	v1 =	vmul.f32 v7, v1  }
0xdb: {  	v3 =	vld [tilespmem:s23+$0xB840];
	[tilespmem:s21+$0xF050] =	vst v2;
	v0 =	vmul.f32 v10, v0  }
0xdc: {  	v2 =	vld [tilespmem:s23+$0xB850];
	[tilespmem:s21+$0xF060] =	vst v1  }
0xdd: {  	v1 =	vld [tilespmem:s23+$0xB860];
	[tilespmem:s21+$0xF070] =	vst v0;
	s21 =	smov.u32 s23  }
0xde: {  	v0 =	vld [tilespmem:s21+$0xB870]  }
0xdf: {  	v6 =	vld [tilespmem:s21+$0xF000]  }
0xe0: {  	v7 =	vld [tilespmem:s21+$0xF010]  }
.Ltmp1:
0xe1: {  	v10 =	vld [tilespmem:s21+$0xF020];
	(pc) =	sbr.rel @p0 .LBB2_5-.Ltmp1, $4  }
0xe2: {  	v9 =	vld [tilespmem:s21+$0xF030]  }
0xe3: {  	v8 =	vld [tilespmem:s21+$0xF040]  }
0xe4: {  	v12 =	vmul.f32 v6, v12;
	v6 =	vld [tilespmem:s21+$0xF050]  }
0xe5: {  	s22 =	sadd.s32 $0x200, s22;
	v11 =	vmul.f32 v7, v11;
	v7 =	vld [tilespmem:s21+$0xF060]  }
0xe6: {  	[tilespmem:s21+$0xF000] =	vst v12;
	v5 =	vmul.f32 v10, v5;
	v10 =	vld [tilespmem:s21+$0xF070]  }
0xe7: {  	[tilespmem:s21+$0xF010] =	vst v11;
	v4 =	vmul.f32 v9, v4  }
0xe8: {  	[tilespmem:s21+$0xF020] =	vst v5;
	v3 =	vmul.f32 v8, v3  }
0xe9: {  	[tilespmem:s21+$0xF030] =	vst v4;
	v2 =	vmul.f32 v6, v2  }
0xea: {  	[tilespmem:s21+$0xF040] =	vst v3;
	v1 =	vmul.f32 v7, v1  }
0xeb: {  	[tilespmem:s21+$0xF050] =	vst v2;
	v0 =	vmul.f32 v10, v0  }
0xec: {  	[tilespmem:s21+$0xF060] =	vst v1  }
0xed: {  	s23 =	sadd.s32 s8, s29;
	s22 =	simm.s32 $0x0;
	[tilespmem:s21+$0xF070] =	vst v0  }
0xee: {  	[hbm4b:s23+s22] =	stream.linear.scatter [tilespmem:s0], [sflag:$0x7], $0x1000, $0x38;
	v63 =	vld [tilespmem:$0x0]  }
0xef: {  	_ =	swait.ge [sflag:s28], $0x1000  }
0xf0: {  	[sflag:s28] =	ssyncset.done $0x0  }
0xf1: {  	s23 =	sadd.s32 s6, s29;
	[sflag:s28] =	ssyncadd.s32 $0xFFFFF000  }
0xf2: {  	[tilespmem:s0], [sflag:$0x7] =	stream.linear.gather [hbm4b:s23+s22], $0x1000, $0x38;
	v63 =	vld [tilespmem:$0x0]  }
0xf3: {  	_ =	swait.ge [sflag:s28], $0x1000  }
0xf4: {  	[sflag:s28] =	ssyncset.done $0x0  }
0xf5: {  	s23 =	sadd.s32 s4, s29;
	[sflag:s28] =	ssyncadd.s32 $0xFFFFF000  }
0xf6: {  	[tilespmem:s31], [sflag:$0x7] =	stream.linear.gather [hbm4b:s23+s22], $0x1000, $0x38;
	v63 =	vld [tilespmem:$0x0]  }
0xf7: {  	_ =	swait.ge [sflag:s28], $0x1000  }
0xf8: {  	[sflag:s28] =	ssyncset.done $0x0  }
0xf9: {  	s21 =	simm.s32 $0x0;
	[sflag:s28] =	ssyncadd.s32 $0xFFFFF000  }
0xfa: {  	v12 =	vld [tilespmem:s21+$0xB800]  }
0xfb: {  	v17 =	vld [tilespmem:s21+$0xF000]  }
0xfc: {  	v19 =	vld [tilespmem:s21+$0xB810]  }
0xfd: {  	v20 =	vld [tilespmem:s21+$0xF010]  }
0xfe: {  	v5 =	vld [tilespmem:s21+$0xB820]  }
0xff: {  	v10 =	vld [tilespmem:s21+$0xF020]  }
0x100: {  	v8 =	vld [tilespmem:s21+$0xB830]  }
0x101: {  	v11 =	vld [tilespmem:s21+$0xF030]  }
0x102: {  	v7 =	vld [tilespmem:s21+$0xB840]  }
0x103: {  	v9 =	vld [tilespmem:s21+$0xF040]  }
0x104: {  	v3 =	vld [tilespmem:s21+$0xB850]  }
0x105: {  	v6 =	vld [tilespmem:s21+$0xF050]  }
0x106: {  	v1 =	vld [tilespmem:s21+$0xB860]  }
0x107: {  	v4 =	vld [tilespmem:s21+$0xF060]  }
0x108: {  	v0 =	vld [tilespmem:s21+$0xB870]  }
0x109: {  	v2 =	vld [tilespmem:s21+$0xF070]  }
0x10a: {  	v16 =	vld [tilespmem:s21+$0x12800]  }
0x10b: {  	v15 =	vld [tilespmem:s21+$0x12810]  }
0x10c: {  	v14 =	vld [tilespmem:s21+$0x12820]  }
0x10d: {  	v13 =	vld [tilespmem:s21+$0x12830];
	v18 =	vmul.f32 v17, v12  }
0x10e: {  	s22 =	simm.s32 $0x200;
	v17 =	vmul.f32 v20, v19;
	v12 =	vld [tilespmem:s21+$0x12840]  }
.LBB2_7:
0x10f: {  	p0 =	sne.s32 s22, $0x3E00;
	v16 =	vadd.f32 v18, v16;
	v5 =	vmul.f32 v10, v5;
	v10 =	vld [tilespmem:s21+$0x12850]  }
0x110: {  	v8 =	vmul.f32 v11, v8;
	v15 =	vadd.f32 v17, v15;
	v11 =	vld [tilespmem:s21+$0x12860]  }
0x111: {  	s23 =	sshra.s32 s22, $0x2;
	v7 =	vmul.f32 v9, v7;
	[tilespmem:s21+$0x12800] =	vst v16;
	v5 =	vadd.f32 v5, v14;
	v9 =	vld [tilespmem:s21+$0x12870]  }
0x112: {  	v3 =	vmul.f32 v6, v3;
	v17 =	vld [tilespmem:s23+$0xB800];
	[tilespmem:s21+$0x12810] =	vst v15;
	v8 =	vadd.f32 v8, v13  }
0x113: {  	v1 =	vmul.f32 v4, v1;
	v13 =	vld [tilespmem:s23+$0xF000];
	[tilespmem:s21+$0x12820] =	vst v5;
	v5 =	vadd.f32 v7, v12  }
0x114: {  	v0 =	vmul.f32 v2, v0;
	v12 =	vld [tilespmem:s23+$0xB810];
	[tilespmem:s21+$0x12830] =	vst v8;
	v3 =	vadd.f32 v3, v10  }
0x115: {  	v19 =	vld [tilespmem:s23+$0xF010];
	[tilespmem:s21+$0x12840] =	vst v5;
	v1 =	vadd.f32 v1, v11  }
0x116: {  	v5 =	vld [tilespmem:s23+$0xB820];
	[tilespmem:s21+$0x12850] =	vst v3;
	v0 =	vadd.f32 v0, v9  }
0x117: {  	v10 =	vld [tilespmem:s23+$0xF020];
	[tilespmem:s21+$0x12860] =	vst v1  }
0x118: {  	v8 =	vld [tilespmem:s23+$0xB830];
	[tilespmem:s21+$0x12870] =	vst v0;
	s21 =	smov.u32 s23  }
0x119: {  	v11 =	vld [tilespmem:s21+$0xF030]  }
0x11a: {  	v7 =	vld [tilespmem:s21+$0xB840]  }
0x11b: {  	v9 =	vld [tilespmem:s21+$0xF040]  }
0x11c: {  	v3 =	vld [tilespmem:s21+$0xB850]  }
0x11d: {  	v6 =	vld [tilespmem:s21+$0xF050]  }
0x11e: {  	v1 =	vld [tilespmem:s21+$0xB860]  }
0x11f: {  	v4 =	vld [tilespmem:s21+$0xF060]  }
0x120: {  	v0 =	vld [tilespmem:s21+$0xB870]  }
0x121: {  	v2 =	vld [tilespmem:s21+$0xF070]  }
.Ltmp2:
0x122: {  	v16 =	vld [tilespmem:s21+$0x12800];
	(pc) =	sbr.rel @p0 .LBB2_7-.Ltmp2, $4  }
0x123: {  	v15 =	vld [tilespmem:s21+$0x12810]  }
0x124: {  	v14 =	vld [tilespmem:s21+$0x12820]  }
0x125: {  	v18 =	vmul.f32 v13, v17;
	v13 =	vld [tilespmem:s21+$0x12830]  }
0x126: {  	s22 =	sadd.s32 $0x200, s22;
	v17 =	vmul.f32 v19, v12;
	v12 =	vld [tilespmem:s21+$0x12840]  }
0x127: {  	v16 =	vadd.f32 v18, v16;
	v59 =	vld [tilespmem:s21+$0x12850];
	v5 =	vmul.f32 v10, v5  }
0x128: {  	v60 =	vld [tilespmem:s21+$0x12860];
	v8 =	vmul.f32 v11, v8;
	v15 =	vadd.f32 v17, v15  }
0x129: {  	v7 =	vmul.f32 v9, v7;
	v61 =	vld [tilespmem:s21+$0x12870];
	[tilespmem:s21+$0x12800] =	vst v16;
	v5 =	vadd.f32 v5, v14  }
0x12a: {  	v3 =	vmul.f32 v6, v3;
	[tilespmem:s21+$0x12810] =	vst v15;
	v8 =	vadd.f32 v8, v13  }
0x12b: {  	v1 =	vmul.f32 v4, v1;
	[tilespmem:s21+$0x12820] =	vst v5;
	v62 =	vadd.f32 v7, v12  }
0x12c: {  	v0 =	vmul.f32 v2, v0;
	[tilespmem:s21+$0x12830] =	vst v8;
	v3 =	vadd.f32 v3, v59  }
0x12d: {  	v1 =	vadd.f32 v1, v60;
	[tilespmem:s21+$0x12840] =	vst v62  }
0x12e: {  	s20 =	sadd.s32 $0x1, s20;
	v0 =	vadd.f32 v0, v61;
	[tilespmem:s21+$0x12850] =	vst v3  }
0x12f: {  	p0 =	sne.s32 s20, $0xA;
	[tilespmem:s21+$0x12860] =	vst v1  }
.Ltmp3:
0x130: {  	s29 =	sadd.s32 s9, s29;
	[tilespmem:s21+$0x12870] =	vst v0;
	(pc) =	sbr.rel @p0 .LBB2_4-.Ltmp3, $4  }
0x131: {  	[hbm4b:s29+s2] =	stream.linear.scatter [tilespmem:s31], [sflag:$0x7], $0x1000, $0x38;
	v63 =	vld [tilespmem:$0x0]  }
0x132: {  	_ =	swait.ge [sflag:s28], $0x1000  }
0x133: {  	[sflag:s28] =	ssyncset.done $0x0  }
0x134: {  	[sflag:s28] =	ssyncadd.s32 $0xFFFFF000  }
0x135: {  	s18 =	sadd.s32 $0x1, s18;
	s19 =	rddreg [dreg:$0x6]  }
0x136: {  	p0 =	sne.s32 s18, s19  }
.Ltmp4:
0x137: {  	_ = 	snop;
	(pc) =	sbr.rel @p0 .LBB2_1-.Ltmp4, $1  }
0x138: {  	_ =	sdelay $0x3  }
0x139: {  	_ =	sfence.sel $0x180000  }
0x13a: {  	[bflag:$0x0] =	sbarrier.arrive $0xFFFF  }
0x13b: {  	_ =	strace $0x9000004D  }
0x13c: {  	s0 =	stileid.u32;
	[bflag:$0x2] =	sbarrier.arrive $0xFFFF  }
0x13d: {  	p0 =	sne.s32 s0, $0x0;
	s0 =	rddreg [dreg:$0x2]  }
0x13e: {  	s0 =	sadd.s32 @!p0 $0x100000, s0  }
0x13f: {  	[sflag:s0] =	ssyncadd.tile.s32 @!p0 $0x1;
	_ =	shalt  }
.Lfunc_end2:
_tile_overlayer_lowered:
.L_overlay_start_2:
0x140: {  	(tag) =	ssettag $0x2  }
0x141: {  	s0 =	rddreg [dreg:$0x0];
	s2 =	stileid.u32  }
0x142: {  	s1 =	rddreg [dreg:$0x1];
	p0 =	sne.s32 s2, $0x0  }
0x143: {  	s3 =	rddreg [dreg:$0x2];
	[bflag:$0x3] =	sbarrier.arrive $0xFFFF;
	s2 =	simm.s32 @!p0 $0x1C07  }
0x144: {  	[timem:s3], [sflag:s2] =	dma.local @!p0 [hbm:s0], s1  }
0x145: {  	s0 =	simm.s32 @!p0 $0x7  }
0x146: {  	_ =	swait.ge @!p0 [sflag:s0], s1  }
0x147: {  	s1 =	ssub.s32 @!p0 $0x0, s1;
	[sflag:s0] =	ssyncset.done @!p0 $0x0  }
0x148: {  	[sflag:s0] =	ssyncadd.s32 @!p0 s1  }
0x149: {  	[bflag:$0x3] =	sbarrier.arrive $0xFFFF  }
0x14a: {  	_ =	shalt  }

// kernel: kernel.18.cloned.1.call-start
scs
__scs_entry_jumppad:
0x0: {  	(pc) =	sbr.rel $0x88, $3  }
0x1: {  	(tag) =	ssettag $0x0;
	lr =	simm.s32 $0x1  }
0x2: {  	[smem:$0x3F9C] =	sst lr;
	_ =	strace $0xD0000000  }
0x3: {  	_ = 	snop  }
0x4: {  	_ = 	snop  }
0x5: {  	_ = 	snop  }
0x6: {  	_ = 	snop  }
0x7: {  	_ = 	snop  }
__scs_overlays_trampoline_lowered:
0x8: {  	[smem:$0x3FAB] =	sst s0  }
0x9: {  	[smem:$0x3FAC] =	sst s1  }
0xa: {  	[smem:$0x3FAD] =	sst s2  }
0xb: {  	[smem:$0x3FAE] =	sst s3  }
0xc: {  	[smem:$0x3FAF] =	sst s4  }
0xd: {  	[smem:$0x3FB0] =	sst s5  }
0xe: {  	[smem:$0x3FB1] =	sst s6  }
0xf: {  	[smem:$0x3FB2] =	sst s7  }
0x10: {  	[smem:$0x3FB3] =	sst s8  }
0x11: {  	[smem:$0x3FB4] =	sst s9;
	s0 =	simm.s32 @!p0 $0x0  }
0x12: {  	s1 =	sld [smem:$0x3F9A];
	s0 =	simm.s32 @p0 $0x1  }
0x13: {  	[smem:$0x3FB5] =	sst s0;
	s0 =	simm.s32 @!p1 $0x0  }
0x14: {  	s2 =	sld [smem:$0x3F99];
	s0 =	simm.s32 @p1 $0x1  }
0x15: {  	[smem:$0x3FB6] =	sst s0;
	s0 =	simm.s32 @!p2 $0x0  }
0x16: {  	s3 =	sld [smem:$0x3FDB];
	s0 =	simm.s32 @p2 $0x1  }
0x17: {  	s4 =	simm.s32 $0x1BF5;
	[smem:$0x3FB8] =	sst s0  }
0x18: {  	s0 =	sld [smem:$0x3F9B];
	_ =	swait.ge [sflag:s4], $0x0  }
0x19: {  	s7 =	sld [smem:$0x3F9C]  }
0x1a: {  	s8 =	sadd.s32 $0xFFFFE003, lr  }
0x1b: {  	s9 =	sadd.s32 $0xFFFFFEF7, lr;
	s5 =	simm.s32 $0xFFFFFFFF;
	p2 =	slt.u32 s8, $0xFFFFF086  }
0x1c: {  	p1 =	slt.u32 s9, $0xF7A;
	s5 =	simm.s32 @!p2 $0x0  }
0x1d: {  	s5 =	simm.s32 @p1 $0x1;
	p0 =	seq.s32 s7, s2  }
0x1e: {  	s7 =	smul.u32 @!p0 $0xF7A, s2;
	p2 =	seq.s32 @!p0 s5, $0x0  }
0x1f: {  	s9 =	smul.u32 $0xF7A, s1;
	s8 =	simm.s32 @!p0 $0x1BF5;
	p2 =	por !p2, p0  }
0x20: {  	[sflag:s8] =	ssyncset.s32 @!p0 $0xFFFFF086;
	s6 =	sadd.s32 @!p0 s3, s7;
	s7 =	simm.s32 @!p0 $0x108  }
0x21: {  	s3 =	sadd.s32 s3, s9;
	s6 =	sadd.s32 @!p0 $0x88, s6;
	s7 =	simm.s32 @p2 $0x1082  }
0x22: {  	[simem:s7], [sflag:s8] =	dma.local @!p0 [hbm:s6], $0xF7A  }
0x23: {  	s9 =	sor.u32 $0xD0000000, s2;
	s6 =	simm.s32 $0x108;
	_ =	swait.ge @!p0 [sflag:s8], $0x0  }
0x24: {  	s3 =	sadd.s32 $0x88, s3;
	s6 =	simm.s32 @!p1 $0x1082;
	[sflag:s4] =	ssyncset.s32 $0xFFFFF086  }
0x25: {  	[simem:s6], [sflag:s4] =	dma.local [hbm:s3], $0xF7A  }
0x26: {  	[smem:$0x3F9C] =	sst s1;
	(tag) =	ssettag s2;
	_ =	strace s9  }
0x27: {  	s1 =	sld [smem:$0x3FAC]  }
0x28: {  	s2 =	sld [smem:$0x3FAD]  }
0x29: {  	s4 =	sld [smem:$0x3FAF]  }
0x2a: {  	p0 =	seq.s32 s5, $0x0;
	s5 =	sld [smem:$0x3FB0]  }
0x2b: {  	s6 =	sld [smem:$0x3FB1]  }
0x2c: {  	s7 =	sld [smem:$0x3FB2]  }
0x2d: {  	s3 =	simm.s32 $0x108;
	s8 =	sld [smem:$0x3FB3]  }
0x2e: {  	s3 =	simm.s32 @!p0 $0x1082;
	s9 =	sld [smem:$0x3FB4]  }
0x2f: {  	lr =	sadd.s32 s0, s3;
	s0 =	sld [smem:$0x3FAB]  }
0x30: {  	s3 =	sld [smem:$0x3FAE]  }
0x31: {  	[smem:$0x3FB7] =	sst s10  }
0x32: {  	s10 =	sld [smem:$0x3FB5];
	_ =	sdelay $0x3  }
0x33: {  	p0 =	seq.s32 s10, $0x1;
	s10 =	sld [smem:$0x3FB7];
	_ =	sdelay $0x3  }
0x34: {  	[smem:$0x3FB7] =	sst s10  }
0x35: {  	s10 =	sld [smem:$0x3FB6];
	_ =	sdelay $0x3  }
0x36: {  	p1 =	seq.s32 s10, $0x1;
	s10 =	sld [smem:$0x3FB7];
	_ =	sdelay $0x3  }
0x37: {  	[smem:$0x3FB7] =	sst s10  }
0x38: {  	s10 =	sld [smem:$0x3FB8]  }
0x39: {  	_ = 	snop;
	(pc) =	sbr.ind lr, $3  }
0x3a: {  	_ = 	snop  }
0x3b: {  	_ = 	snop  }
0x3c: {  	p2 =	seq.s32 s10, $0x1;
	s10 =	sld [smem:$0x3FB7]  }
0x3d: {  	_ =	shalt  }
0x3e: {  	_ =	shalt  }
0x3f: {  	_ =	shalt  }
0x40: {  	_ =	shalt  }
0x41: {  	_ =	shalt  }
0x42: {  	_ =	shalt  }
0x43: {  	_ =	shalt  }
0x44: {  	_ =	shalt  }
0x45: {  	_ =	shalt  }
0x46: {  	_ =	shalt  }
0x47: {  	_ =	shalt  }
0x48: {  	_ =	shalt  }
0x49: {  	_ =	shalt  }
0x4a: {  	_ =	shalt  }
0x4b: {  	_ =	shalt  }
0x4c: {  	_ =	shalt  }
0x4d: {  	_ =	shalt  }
0x4e: {  	_ =	shalt  }
0x4f: {  	_ =	shalt  }
0x50: {  	_ =	shalt  }
0x51: {  	_ =	shalt  }
0x52: {  	_ =	shalt  }
0x53: {  	_ =	shalt  }
0x54: {  	_ =	shalt  }
0x55: {  	_ =	shalt  }
0x56: {  	_ =	shalt  }
0x57: {  	_ =	shalt  }
0x58: {  	_ =	shalt  }
0x59: {  	_ =	shalt  }
0x5a: {  	_ =	shalt  }
0x5b: {  	_ =	shalt  }
0x5c: {  	_ =	shalt  }
0x5d: {  	_ =	shalt  }
0x5e: {  	_ =	shalt  }
0x5f: {  	_ =	shalt  }
0x60: {  	_ =	shalt  }
0x61: {  	_ =	shalt  }
0x62: {  	_ =	shalt  }
0x63: {  	_ =	shalt  }
0x64: {  	_ =	shalt  }
0x65: {  	_ =	shalt  }
0x66: {  	_ =	shalt  }
0x67: {  	_ =	shalt  }
0x68: {  	_ =	shalt  }
0x69: {  	_ =	shalt  }
0x6a: {  	_ =	shalt  }
0x6b: {  	_ =	shalt  }
0x6c: {  	_ =	shalt  }
0x6d: {  	_ =	shalt  }
0x6e: {  	_ =	shalt  }
0x6f: {  	_ =	shalt  }
0x70: {  	_ =	shalt  }
0x71: {  	_ =	shalt  }
0x72: {  	_ =	shalt  }
0x73: {  	_ =	shalt  }
0x74: {  	_ =	shalt  }
0x75: {  	_ =	shalt  }
0x76: {  	_ =	shalt  }
0x77: {  	_ =	shalt  }
0x78: {  	_ =	shalt  }
0x79: {  	_ =	shalt  }
0x7a: {  	_ =	shalt  }
0x7b: {  	_ =	shalt  }
0x7c: {  	_ =	shalt  }
0x7d: {  	_ =	shalt  }
0x7e: {  	_ =	shalt  }
0x7f: {  	_ =	shalt  }
0x80: {  	_ =	shalt  }
0x81: {  	_ =	shalt  }
0x82: {  	_ =	shalt  }
0x83: {  	_ =	shalt  }
0x84: {  	_ =	shalt  }
0x85: {  	_ =	shalt  }
0x86: {  	_ =	shalt  }
0x87: {  	_ =	shalt  }
.Lfunc_end0:
.L_simem_size_0:
called_computation.3_lowered:
.L_overlay_start_0:
0x88: {  	s2 =	sld [smem:$0x3FD9]  }
0x89: {  	s3 =	sld [smem:$0x3FFE];
	_ =	sdelay $0x1  }
0x8a: {  	s1 =	srdreg.scid  }
0x8b: {  	s0 =	sand.u32 $0x1, s1  }
0x8c: {  	s16 =	sshll.u32 s0, $0xA;
	s2 =	sadd.s32 s3, s2  }
0x8d: {  	s2 =	sadd.s32 s2, s16  }
0x8e: {  	[smem:$0x3FC3] =	sst s2  }
0x8f: {  	_ = 	snop  }
0x90: {  	(tm) =	ssettm $0x1  }
0x91: {  	s17 =	sld [smem:$0x3FFB];
	_ =	sdelay $0x3  }
0x92: {  	_ =	strace s17  }
0x93: {  	s2 =	sld [smem:$0x3FFC];
	_ =	sdelay $0x3  }
0x94: {  	_ =	strace s2  }
0x95: {  	s2 =	sld [smem:$0x3FFD];
	_ =	sdelay $0x3  }
0x96: {  	_ =	strace s2  }
0x97: {  	_ =	strace $0x8FFFFFFF  }
0x98: {  	s18 =	sld [smem:$0x3FDB];
	_ =	sdelay $0x1  }
0x99: {  	s19 =	simm.s32 $_scs_section_size  }
0x9a: {  	s4 =	simm.s32 $_size__tile_overlayer_lowered;
	s5 =	simm.s32 $_tile_overlayer_lowered  }
0x9b: {  	s22 =	simm.s32 $0x1BFF;
	s21 =	sshll.u32 s5, $0x1;
	s2 =	sadd.s32 s19, s18  }
0x9c: {  	s6 =	simm.s32 $0x0;
	s20 =	sshll.u32 s4, $0x1;
	s4 =	sadd.s32 s21, s2  }
0x9d: {  	[timem:s6], [sflag:s22] =	dma.local [hbm:s4], s20  }
0x9e: {  	_ =	swait.ge [sflag:s22], s20  }
0x9f: {  	s3 =	ssub.s32 $0x0, s20;
	[sflag:s22] =	ssyncset.done $0x0  }
0xa0: {  	[sflag:s22] =	ssyncadd.s32 s3;
	_ =	sdelay $0x1  }
0xa1: {  	s23 =	simm.s32 $0x1B8B  }
0xa2: {  	_ =	swait.ge [sflag:s23], $0x1  }
0xa3: {  	[sflag:s23] =	ssyncset.done $0x0  }
0xa4: {  	s25 =	simm.s32 $0x1B8E;
	s24 =	sld [smem:$0x3FFE];
	[sflag:s23] =	ssyncadd.s32 $0xFFFFFFFF  }
0xa5: {  	s26 =	simm.s32 $execute0_lowered;
	[smem:$0x3FD2] =	sst s25  }
0xa6: {  	s4 =	sshll.u32 s26, $0x1;
	_ =	strace $0x8000004F;
	[dreg:$0x1] =	wrdreg $0xFFFFFFFF  }
0xa7: {  	s28 =	simm.s32 $_size_execute0_lowered;
	s2 =	sadd.s32 s2, s4;
	[dreg:$0x0] =	wrdreg $0x0  }
0xa8: {  	s4 =	sshll.u32 s28, $0x1;
	[dreg:$0x2] =	wrdreg s2  }
0xa9: {  	[dreg:$0x3] =	wrdreg s4  }
0xaa: {  	[dreg:$0x4] =	wrdreg $0xC0  }
0xab: {  	_ =	task [dreg:s6], $0x5FFFF  }
0xac: {  	[dreg:$0x1] =	wrdreg $0xFFFFFFFF  }
0xad: {  	[dreg:$0x0] =	wrdreg $0x60  }
0xae: {  	[dreg:$0x2] =	wrdreg s24  }
0xaf: {  	[dreg:$0x3] =	wrdreg $0x160000  }
0xb0: {  	[dreg:$0x4] =	wrdreg $0x9  }
0xb1: {  	_ =	task.clear_ibuf [dreg:s6], $0x5FFFF;
	_ =	strace $0x9000004F  }
0xb2: {  	s29 =	simm.s32 $0x9;
	_ =	strace $0x80000051  }
0xb3: {  	_ =	swait.ge [sflag:s29], $0x1  }
0xb4: {  	[sflag:s29] =	ssyncadd.s32 $0xFFFFFFFF  }
0xb5: {  	_ =	strace $0x90000051  }
0xb6: {  	_ =	sfence  }
0xb7: {  	s30 =	sld [smem:$0x0];
	_ =	sdelay $0x2  }
0xb8: {  	s31 =	sshll.u32 s1, $0xD;
	s1 =	sshrl.u32 s1, $0x2  }
0xb9: {  	s3 =	sand.u32 $0x4000, s31;
	s1 =	sadd.s32 s1, s30  }
0xba: {  	s0 =	sor.u32 s3, s0;
	s1 =	sshll.u32 s1, $0x11  }
0xbb: {  	s0 =	sor.u32 s1, s0  }
0xbc: {  	s0 =	sadd.s32 $0x8F2B, s0  }
0xbd: {  	[sflag:s0] =	ssyncadd.remote.s32 $0x1  }
0xbe: {  	_ =	sfence.sel $0xFFFF  }
0xbf: {  	[dreg:$0x0] =	wrdreg $0xFFFFFFFF;
	(pc) =	sbr.abs _section_cstart, $3  }
0xc0: {  	[dreg:$0x1] =	wrdreg $0xFFFFFFFF  }
0xc1: {  	_ =	task.clear_ibuf [dreg:s6], $0x2FFFF;
	_ =	strace $0x9FFFFFFF  }
0xc2: {  	(tm) =	ssettm $0x7FFFFFFF  }
0xc3: {  	_ =	shalt  }
tec
execute0_lowered:
.L_overlay_start_1:
0x0: {  	(tag) =	ssettag $0x1  }
0x1: {  	s0 =	rddreg [dreg:$0x0]  }
0x2: {  	s2 =	srdreg.scid;
	s1 =	rddreg [dreg:$0x1]  }
0x3: {  	s17 =	stileid.u32;
	s28 =	simm.s32 $0x7;
	s30 =	simm.s32 $0x70  }
0x4: {  	s31 =	simm.s32 $0x12800;
	s18 =	simm.s32 $0x0;
	s3 =	sand.u32 $0x1, s2  }
0x5: {  	s2 =	simm.s32 $0x0;
	s11 =	sadd.s32 $0x2A00, s0;
	s10 =	smul.u32 $0x28000, s17  }
0x6: {  	s5 =	sadd.s32 $0x41A00, s0;
	s6 =	sadd.s32 $0x69A00, s0;
	s14 =	smul.u32 $0x5C00, s17  }
0x7: {  	s8 =	sadd.s32 $0xB9A00, s0;
	s9 =	sadd.s32 $0xF5A00, s0;
	s4 =	smul.u32 $0x14000, s3  }
0x8: {  	[smem:$0x7FF] =	sst s2;
	s12 =	smul.u32 $0x5C000, s3;
	s13 =	ssub.s32 $0x2, s3  }
0x9: {  	s3 =	sxor.u32 $0x1, s3;
	_ =	strace $0x80000050;
	[dreg:$0x3] =	wrdreg s8  }
0xa: {  	s15 =	sshrl.u32 s13, $0x1;
	s16 =	smul.u32 $0x5C000, s3;
	s8 =	sadd.s32 $0xCDA00, s0  }
0xb: {  	s10 =	sshrl.u32 s10, $0x2;
	s7 =	sadd.s32 s4, s0;
	s4 =	sadd.s32 $0x91A00, s0  }
0xc: {  	s19 =	ssub.s32 s13, s15;
	s12 =	sadd.s32 s14, s12;
	s10 =	sadd.s32 s10, s1  }
0xd: {  	s15 =	smul.u32 $0xA0000, s3;
	s3 =	simm.s32 $0x1;
	s0 =	smax.u32 s19, $0x1  }
0xe: {  	s20 =	sadd.s32 s14, s16;
	s21 =	sadd.s32 $0x1000, s10;
	[dreg:$0x6] =	wrdreg s0  }
0xf: {  	s12 =	sshrl.u32 s12, $0x3;
	s22 =	sadd.s32 $0x2000, s10;
	[dreg:$0x7] =	wrdreg s21  }
0x10: {  	s14 =	sadd.s32 $0x19A00, s7;
	s23 =	sadd.s32 $0x3000, s10;
	[dreg:$0x8] =	wrdreg s22  }
0x11: {  	s24 =	sadd.s32 $0x4000, s10;
	s25 =	sadd.s32 $0x5000, s10;
	[dreg:$0x9] =	wrdreg s23  }
0x12: {  	s26 =	sadd.s32 $0x6000, s10;
	s29 =	sadd.s32 $0x7000, s10;
	[dreg:$0xa] =	wrdreg s24  }
0x13: {  	s7 =	simm.s32 $0x2;
	s16 =	simm.s32 $0x5;
	[dreg:$0xb] =	wrdreg s25  }
0x14: {  	s13 =	sshrl.u32 s20, $0x3;
	s12 =	sadd.s32 s11, s12;
	[dreg:$0xc] =	wrdreg s26  }
0x15: {  	[dreg:$0xd] =	wrdreg s29;
	s24 =	sadd.s32 $0x8000, s10;
	s25 =	sadd.s32 $0x9000, s10  }
0x16: {  	s26 =	simm.s32 $0xB800;
	s0 =	simm.s32 $0xF000;
	[dreg:$0x4] =	wrdreg s12  }
0x17: {  	s11 =	sadd.s32 s11, s13;
	s13 =	smul.u32 $0x140, s17;
	s12 =	simm.s32 $0x3  }
0x18: {  	s17 =	simm.s32 $0x6;
	[dreg:$0x5] =	wrdreg s11;
	s11 =	simm.s32 $0x4  }
.LBB2_1:
0x19: {  	s19 =	rddreg [dreg:$0x3]  }
0x1a: {  	[tilespmem:s26], [sflag:$0x7] =	stream.linear.gather [hbm4b:s19+s2], $0x1000, $0x38;
	v63 =	vld [tilespmem:$0x0]  }
0x1b: {  	_ =	swait.ge [sflag:s28], $0x1000  }
0x1c: {  	[sflag:s28] =	ssyncset.done $0x0  }
0x1d: {  	[sflag:s28] =	ssyncadd.s32 $0xFFFFF000  }
0x1e: {  	[spmem:s10] =	stream.linear.scatter [tilespmem:s26], [sflag:$0x7], $0x1000, $0x38;
	v63 =	vld [tilespmem:$0x0]  }
0x1f: {  	_ =	swait.ge [sflag:s28], $0x1000  }
0x20: {  	[sflag:s28] =	ssyncset.done $0x0  }
0x21: {  	s20 =	rddreg [dreg:$0x7];
	[sflag:s28] =	ssyncadd.s32 $0xFFFFF000  }
0x22: {  	[spmem:s20] =	stream.linear.scatter [tilespmem:s26], [sflag:$0x7], $0x1000, $0x38;
	v63 =	vld [tilespmem:$0x0]  }
0x23: {  	_ =	swait.ge [sflag:s28], $0x1000  }
0x24: {  	[sflag:s28] =	ssyncset.done $0x0  }
0x25: {  	s21 =	rddreg [dreg:$0x8];
	[sflag:s28] =	ssyncadd.s32 $0xFFFFF000  }
0x26: {  	[spmem:s21] =	stream.linear.scatter [tilespmem:s26], [sflag:$0x7], $0x1000, $0x38;
	v63 =	vld [tilespmem:$0x0]  }
0x27: {  	_ =	swait.ge [sflag:s28], $0x1000  }
0x28: {  	[sflag:s28] =	ssyncset.done $0x0  }
0x29: {  	s22 =	rddreg [dreg:$0x9];
	[sflag:s28] =	ssyncadd.s32 $0xFFFFF000  }
0x2a: {  	[spmem:s22] =	stream.linear.scatter [tilespmem:s26], [sflag:$0x7], $0x1000, $0x38;
	v63 =	vld [tilespmem:$0x0]  }
0x2b: {  	_ =	swait.ge [sflag:s28], $0x1000  }
0x2c: {  	[sflag:s28] =	ssyncset.done $0x0  }
0x2d: {  	s23 =	rddreg [dreg:$0xa];
	[sflag:s28] =	ssyncadd.s32 $0xFFFFF000  }
0x2e: {  	[spmem:s23] =	stream.linear.scatter [tilespmem:s26], [sflag:$0x7], $0x1000, $0x38;
	v63 =	vld [tilespmem:$0x0]  }
0x2f: {  	_ =	swait.ge [sflag:s28], $0x1000  }
0x30: {  	[sflag:s28] =	ssyncset.done $0x0  }
0x31: {  	s29 =	rddreg [dreg:$0xb];
	[sflag:s28] =	ssyncadd.s32 $0xFFFFF000  }
0x32: {  	[spmem:s29] =	stream.linear.scatter [tilespmem:s26], [sflag:$0x7], $0x1000, $0x38;
	v63 =	vld [tilespmem:$0x0]  }
0x33: {  	_ =	swait.ge [sflag:s28], $0x1000  }
0x34: {  	[sflag:s28] =	ssyncset.done $0x0  }
0x35: {  	s20 =	rddreg [dreg:$0xc];
	[sflag:s28] =	ssyncadd.s32 $0xFFFFF000  }
0x36: {  	[spmem:s20] =	stream.linear.scatter [tilespmem:s26], [sflag:$0x7], $0x1000, $0x38;
	v63 =	vld [tilespmem:$0x0]  }
0x37: {  	_ =	swait.ge [sflag:s28], $0x1000  }
0x38: {  	[sflag:s28] =	ssyncset.done $0x0  }
0x39: {  	s21 =	rddreg [dreg:$0xd];
	[sflag:s28] =	ssyncadd.s32 $0xFFFFF000  }
0x3a: {  	[spmem:s21] =	stream.linear.scatter [tilespmem:s26], [sflag:$0x7], $0x1000, $0x38;
	v63 =	vld [tilespmem:$0x0]  }
0x3b: {  	_ =	swait.ge [sflag:s28], $0x1000  }
0x3c: {  	[sflag:s28] =	ssyncset.done $0x0  }
0x3d: {  	[sflag:s28] =	ssyncadd.s32 $0xFFFFF000  }
0x3e: {  	[spmem:s24] =	stream.linear.scatter [tilespmem:s26], [sflag:$0x7], $0x1000, $0x38;
	v63 =	vld [tilespmem:$0x0]  }
0x3f: {  	_ =	swait.ge [sflag:s28], $0x1000  }
0x40: {  	[sflag:s28] =	ssyncset.done $0x0  }
0x41: {  	[sflag:s28] =	ssyncadd.s32 $0xFFFFF000  }
0x42: {  	[spmem:s25] =	stream.linear.scatter [tilespmem:s26], [sflag:$0x7], $0x1000, $0x38;
	v63 =	vld [tilespmem:$0x0]  }
0x43: {  	_ =	swait.ge [sflag:s28], $0x1000  }
0x44: {  	[sflag:s28] =	ssyncset.done $0x0  }
0x45: {  	s22 =	rddreg [dreg:$0x4];
	[sflag:s28] =	ssyncadd.s32 $0xFFFFF000  }
0x46: {  	[tilespmem:s2], [sflag:$0x7] =	stream.linear.gather [hbm4b:s22+s2], $0x5A00, $0x38;
	v63 =	vld [tilespmem:$0x0]  }
0x47: {  	_ =	swait.ge [sflag:s28], $0x5A00  }
0x48: {  	[sflag:s28] =	ssyncset.done $0x0  }
0x49: {  	s20 =	simm.s32 $0x5C00;
	s23 =	rddreg [dreg:$0x5];
	[sflag:s28] =	ssyncadd.s32 $0xFFFFA600  }
0x4a: {  	[tilespmem:s20], [sflag:$0x7] =	stream.linear.gather [hbm4b:s23+s2], $0x5A00, $0x38;
	v63 =	vld [tilespmem:$0x0]  }
0x4b: {  	_ =	swait.ge [sflag:s28], $0x5A00  }
0x4c: {  	[sflag:s28] =	ssyncset.done $0x0  }
0x4d: {  	[sflag:s28] =	ssyncadd.s32 $0xFFFFA600  }
0x4e: {  	[bflag:$0x0] =	sbarrier.arrive $0xFFFF  }
0x4f: {  	[tilespmem:s26], [sflag:$0x1] =	stream.indirect.gather [hbm4b:s14+s30], $0x80, s2, s30, $0xb8;
	v63 =	vld [tilespmem:$0x0]  }
0x50: {  	s29 =	simm.s32 $0x80  }
0x51: {  	[tilespmem:s0], [sflag:$0x2] =	stream.indirect.gather [hbm4b:s14+s30], $0x80, s29, s30, $0xb8;
	v63 =	vld [tilespmem:$0x0]  }
0x52: {  	_ =	swait.ge [sflag:s3], $0x3800  }
0x53: {  	[sflag:s3] =	ssyncset.done $0x0  }
0x54: {  	[sflag:s3] =	ssyncadd.s32 $0xFFFFC800  }
0x55: {  	[spmem:s1] =	stream.indirect.scatter.add.f32 [tilespmem:s26], [sflag:$0x4], $0x80, s20, s30, $0xb8;
	v63 =	vld [tilespmem:$0x0]  }
0x56: {  	s20 =	simm.s32 $0x100  }
0x57: {  	[tilespmem:s31], [sflag:$0x3] =	stream.indirect.gather [hbm4b:s14+s30], $0x80, s20, s30, $0xb8;
	v63 =	vld [tilespmem:$0x0]  }
0x58: {  	_ =	swait.ge [sflag:s7], $0x3800  }
0x59: {  	[sflag:s7] =	ssyncset.done $0x0  }
0x5a: {  	s21 =	simm.s32 $0x5C80;
	[sflag:s7] =	ssyncadd.s32 $0xFFFFC800  }
0x5b: {  	[spmem:s1] =	stream.indirect.scatter.add.f32 [tilespmem:s0], [sflag:$0x5], $0x80, s21, s30, $0xb8;
	v63 =	vld [tilespmem:$0x0]  }
0x5c: {  	_ =	swait.ge [sflag:s11], $0x3800  }
0x5d: {  	[sflag:s11] =	ssyncset.done $0x0  }
0x5e: {  	s22 =	simm.s32 $0x180;
	[sflag:s11] =	ssyncadd.s32 $0xFFFFC800  }
0x5f: {  	[tilespmem:s26], [sflag:$0x1] =	stream.indirect.gather [hbm4b:s14+s30], $0x80, s22, s30, $0xb8;
	v63 =	vld [tilespmem:$0x0]  }
0x60: {  	_ =	swait.ge [sflag:s12], $0x3800  }
0x61: {  	[sflag:s12] =	ssyncset.done $0x0  }
0x62: {  	s23 =	simm.s32 $0x5D00;
	[sflag:s12] =	ssyncadd.s32 $0xFFFFC800  }
0x63: {  	[spmem:s1] =	stream.indirect.scatter.add.f32 [tilespmem:s31], [sflag:$0x6], $0x80, s23, s30, $0xb8;
	v63 =	vld [tilespmem:$0x0]  }
0x64: {  	_ =	swait.ge [sflag:s16], $0x3800  }
0x65: {  	[sflag:s16] =	ssyncset.done $0x0  }
0x66: {  	s29 =	simm.s32 $0x200;
	[sflag:s16] =	ssyncadd.s32 $0xFFFFC800  }
0x67: {  	[tilespmem:s0], [sflag:$0x2] =	stream.indirect.gather [hbm4b:s14+s30], $0x80, s29, s30, $0xb8;
	v63 =	vld [tilespmem:$0x0]  }
0x68: {  	_ =	swait.ge [sflag:s3], $0x3800  }
0x69: {  	[sflag:s3] =	ssyncset.done $0x0  }
0x6a: {  	s20 =	simm.s32 $0x5D80;
	[sflag:s3] =	ssyncadd.s32 $0xFFFFC800  }
0x6b: {  	[spmem:s1] =	stream.indirect.scatter.add.f32 [tilespmem:s26], [sflag:$0x4], $0x80, s20, s30, $0xb8;
	v63 =	vld [tilespmem:$0x0]  }
0x6c: {  	_ =	swait.ge [sflag:s17], $0x3800  }
0x6d: {  	[sflag:s17] =	ssyncset.done $0x0  }
0x6e: {  	s21 =	simm.s32 $0x280;
	[sflag:s17] =	ssyncadd.s32 $0xFFFFC800  }
0x6f: {  	[tilespmem:s31], [sflag:$0x3] =	stream.indirect.gather [hbm4b:s14+s30], $0x80, s21, s30, $0xb8;
	v63 =	vld [tilespmem:$0x0]  }
0x70: {  	_ =	swait.ge [sflag:s7], $0x3800  }
0x71: {  	[sflag:s7] =	ssyncset.done $0x0  }
0x72: {  	s22 =	simm.s32 $0x5E00;
	[sflag:s7] =	ssyncadd.s32 $0xFFFFC800  }
0x73: {  	[spmem:s1] =	stream.indirect.scatter.add.f32 [tilespmem:s0], [sflag:$0x5], $0x80, s22, s30, $0xb8;
	v63 =	vld [tilespmem:$0x0]  }
0x74: {  	_ =	swait.ge [sflag:s11], $0x3800  }
0x75: {  	[sflag:s11] =	ssyncset.done $0x0  }
0x76: {  	s23 =	simm.s32 $0x300;
	[sflag:s11] =	ssyncadd.s32 $0xFFFFC800  }
0x77: {  	[tilespmem:s26], [sflag:$0x1] =	stream.indirect.gather [hbm4b:s14+s30], $0x80, s23, s30, $0xb8;
	v63 =	vld [tilespmem:$0x0]  }
0x78: {  	_ =	swait.ge [sflag:s12], $0x3800  }
0x79: {  	[sflag:s12] =	ssyncset.done $0x0  }
0x7a: {  	s29 =	simm.s32 $0x5E80;
	[sflag:s12] =	ssyncadd.s32 $0xFFFFC800  }
0x7b: {  	[spmem:s1] =	stream.indirect.scatter.add.f32 [tilespmem:s31], [sflag:$0x6], $0x80, s29, s30, $0xb8;
	v63 =	vld [tilespmem:$0x0]  }
0x7c: {  	_ =	swait.ge [sflag:s16], $0x3800  }
0x7d: {  	[sflag:s16] =	ssyncset.done $0x0  }
0x7e: {  	s19 =	simm.s32 $0x600;
	s20 =	simm.s32 $0x380;
	[sflag:s16] =	ssyncadd.s32 $0xFFFFC800  }
.LBB2_2:
0x7f: {  	[tilespmem:s0], [sflag:$0x2] =	stream.indirect.gather [hbm4b:s14+s30], $0x80, s20, s30, $0xb8;
	v63 =	vld [tilespmem:$0x0]  }
0x80: {  	s20 =	smov.u32 s19;
	s19 =	sadd.s32 $0x600, s19;
	_ =	swait.ge [sflag:s3], $0x3800  }
0x81: {  	s20 =	sshra.s32 s20, $0x2;
	p0 =	sne.s32 s19, $0x15C00;
	[sflag:s3] =	ssyncset.done $0x0  }
0x82: {  	s21 =	sadd.s32 $0x5D80, s20;
	[sflag:s3] =	ssyncadd.s32 $0xFFFFC800  }
0x83: {  	[spmem:s1] =	stream.indirect.scatter.add.f32 [tilespmem:s26], [sflag:$0x4], $0x80, s21, s30, $0xb8;
	v63 =	vld [tilespmem:$0x0]  }
0x84: {  	_ =	swait.ge [sflag:s17], $0x3800  }
0x85: {  	[sflag:s17] =	ssyncset.done $0x0  }
0x86: {  	s21 =	sadd.s32 $0x280, s20;
	[sflag:s17] =	ssyncadd.s32 $0xFFFFC800  }
0x87: {  	[tilespmem:s31], [sflag:$0x3] =	stream.indirect.gather [hbm4b:s14+s30], $0x80, s21, s30, $0xb8;
	v63 =	vld [tilespmem:$0x0]  }
0x88: {  	_ =	swait.ge [sflag:s7], $0x3800  }
0x89: {  	[sflag:s7] =	ssyncset.done $0x0  }
0x8a: {  	s21 =	sadd.s32 $0x5E00, s20;
	[sflag:s7] =	ssyncadd.s32 $0xFFFFC800  }
0x8b: {  	[spmem:s1] =	stream.indirect.scatter.add.f32 [tilespmem:s0], [sflag:$0x5], $0x80, s21, s30, $0xb8;
	v63 =	vld [tilespmem:$0x0]  }
0x8c: {  	_ =	swait.ge [sflag:s11], $0x3800  }
0x8d: {  	[sflag:s11] =	ssyncset.done $0x0  }
0x8e: {  	s21 =	sadd.s32 $0x300, s20;
	[sflag:s11] =	ssyncadd.s32 $0xFFFFC800  }
0x8f: {  	[tilespmem:s26], [sflag:$0x1] =	stream.indirect.gather [hbm4b:s14+s30], $0x80, s21, s30, $0xb8;
	v63 =	vld [tilespmem:$0x0]  }
0x90: {  	_ =	swait.ge [sflag:s12], $0x3800  }
0x91: {  	[sflag:s12] =	ssyncset.done $0x0  }
.Ltmp0:
0x92: {  	s21 =	sadd.s32 $0x5E80, s20;
	[sflag:s12] =	ssyncadd.s32 $0xFFFFC800;
	(pc) =	sbr.rel @p0 .LBB2_2-.Ltmp0, $4  }
0x93: {  	[spmem:s1] =	stream.indirect.scatter.add.f32 [tilespmem:s31], [sflag:$0x6], $0x80, s21, s30, $0xb8;
	v63 =	vld [tilespmem:$0x0]  }
0x94: {  	_ =	swait.ge [sflag:s16], $0x3800  }
0x95: {  	[sflag:s16] =	ssyncset.done $0x0  }
0x96: {  	s20 =	sadd.s32 $0x380, s20;
	[sflag:s16] =	ssyncadd.s32 $0xFFFFC800  }
0x97: {  	[tilespmem:s0], [sflag:$0x2] =	stream.indirect.gather [hbm4b:s14+s30], $0x80, s20, s30, $0xb8;
	v63 =	vld [tilespmem:$0x0]  }
0x98: {  	_ =	swait.ge [sflag:s3], $0x3800  }
0x99: {  	s19 =	sshra.s32 s19, $0x2;
	[sflag:s3] =	ssyncset.done $0x0  }
0x9a: {  	s22 =	sadd.s32 $0x5D80, s19;
	[sflag:s3] =	ssyncadd.s32 $0xFFFFC800  }
0x9b: {  	[spmem:s1] =	stream.indirect.scatter.add.f32 [tilespmem:s26], [sflag:$0x4], $0x80, s22, s30, $0xb8;
	v63 =	vld [tilespmem:$0x0]  }
0x9c: {  	_ =	swait.ge [sflag:s17], $0x3800  }
0x9d: {  	[sflag:s17] =	ssyncset.done $0x0  }
0x9e: {  	s23 =	simm.s32 $0x5980;
	[sflag:s17] =	ssyncadd.s32 $0xFFFFC800  }
0x9f: {  	[tilespmem:s31], [sflag:$0x3] =	stream.indirect.gather [hbm4b:s14+s30], $0x80, s23, s30, $0xb8;
	v63 =	vld [tilespmem:$0x0]  }
0xa0: {  	_ =	swait.ge [sflag:s7], $0x3800  }
0xa1: {  	[sflag:s7] =	ssyncset.done $0x0  }
0xa2: {  	s19 =	sadd.s32 $0x5E00, s19;
	[sflag:s7] =	ssyncadd.s32 $0xFFFFC800  }
0xa3: {  	[spmem:s1] =	stream.indirect.scatter.add.f32 [tilespmem:s0], [sflag:$0x5], $0x80, s19, s30, $0xb8;
	v63 =	vld [tilespmem:$0x0]  }
0xa4: {  	_ =	swait.ge [sflag:s11], $0x3800  }
0xa5: {  	[sflag:s11] =	ssyncset.done $0x0  }
0xa6: {  	s19 =	simm.s32 $0x0;
	[sflag:s11] =	ssyncadd.s32 $0xFFFFC800  }
0xa7: {  	[tilespmem:s26], [sflag:$0x1] =	stream.indirect.gather [hbm4b:s14+s30], $0x80, s19, s30, $0xb8;
	v63 =	vld [tilespmem:$0x0]  }
0xa8: {  	_ =	swait.ge [sflag:s12], $0x3800  }
0xa9: {  	[sflag:s12] =	ssyncset.done $0x0  }
0xaa: {  	s29 =	simm.s32 $0xB580;
	[sflag:s12] =	ssyncadd.s32 $0xFFFFC800  }
0xab: {  	[spmem:s1] =	stream.indirect.scatter.add.f32 [tilespmem:s31], [sflag:$0x6], $0x80, s29, s30, $0xb8;
	v63 =	vld [tilespmem:$0x0]  }
0xac: {  	_ =	swait.ge [sflag:s16], $0x3800  }
0xad: {  	[sflag:s16] =	ssyncset.done $0x0  }
0xae: {  	[sflag:s16] =	ssyncadd.s32 $0xFFFFC800  }
0xaf: {  	[tilespmem:s0], [sflag:$0x2] =	stream.indirect.gather [hbm4b:s14+s30], $0x80, s19, s30, $0xb8;
	v63 =	vld [tilespmem:$0x0]  }
0xb0: {  	_ =	swait.ge [sflag:s3], $0x3800  }
0xb1: {  	[sflag:s3] =	ssyncset.done $0x0  }
0xb2: {  	[sflag:s3] =	ssyncadd.s32 $0xFFFFC800  }
0xb3: {  	_ =	swait.ge [sflag:s7], $0x3800  }
0xb4: {  	[sflag:s7] =	ssyncset.done $0x0  }
0xb5: {  	[sflag:s7] =	ssyncadd.s32 $0xFFFFC800  }
0xb6: {  	_ =	swait.ge [sflag:s17], $0x3800  }
0xb7: {  	[sflag:s17] =	ssyncset.done $0x0  }
0xb8: {  	[sflag:s17] =	ssyncadd.s32 $0xFFFFC800  }
0xb9: {  	s20 =	simm.s32 $0x0;
	[bflag:$0x0] =	sbarrier.arrive $0xFFFF  }
.LBB2_4:
0xba: {  	s21 =	sshll.u32 s20, $0x5  }
0xbb: {  	s21 =	sadd.s32 s13, s21  }
0xbc: {  	s21 =	sshll.u32 s21, $0x7  }
0xbd: {  	s22 =	sand.u32 $0x3FFFFF80, s21  }
0xbe: {  	s22 =	sadd.s32 s22, s1  }
0xbf: {  	[tilespmem:s26], [sflag:$0x7] =	stream.linear.gather [spmem:s22], $0x1000, $0x38;
	v63 =	vld [tilespmem:$0x0]  }
0xc0: {  	s21 =	sadd.s32 s15, s21;
	_ =	swait.ge [sflag:s28], $0x1000  }
0xc1: {  	s29 =	sshrl.u32 s21, $0x3;
	[sflag:s28] =	ssyncset.done $0x0  }
0xc2: {  	s21 =	sadd.s32 s5, s29;
	[sflag:s28] =	ssyncadd.s32 $0xFFFFF000  }
0xc3: {  	[tilespmem:s0], [sflag:$0x7] =	stream.linear.gather [hbm4b:s21+s19], $0x1000, $0x38;
	v63 =	vld [tilespmem:$0x0]  }
0xc4: {  	_ =	swait.ge [sflag:s28], $0x1000  }
0xc5: {  	[sflag:s28] =	ssyncset.done $0x0  }
0xc6: {  	s21 =	simm.s32 $0x0;
	[sflag:s28] =	ssyncadd.s32 $0xFFFFF000  }
0xc7: {  	v7 =	vld [tilespmem:s21+$0xB800]  }
0xc8: {  	v11 =	vld [tilespmem:s21+$0xB810]  }
0xc9: {  	v5 =	vld [tilespmem:s21+$0xB820]  }
0xca: {  	v4 =	vld [tilespmem:s21+$0xB830]  }
0xcb: {  	v3 =	vld [tilespmem:s21+$0xB840]  }
0xcc: {  	v2 =	vld [tilespmem:s21+$0xB850]  }
0xcd: {  	v1 =	vld [tilespmem:s21+$0xB860]  }
0xce: {  	v0 =	vld [tilespmem:s21+$0xB870]  }
0xcf: {  	v12 =	vld [tilespmem:s21+$0xF000]  }
0xd0: {  	v13 =	vld [tilespmem:s21+$0xF010]  }
0xd1: {  	v10 =	vld [tilespmem:s21+$0xF020]  }
0xd2: {  	v9 =	vld [tilespmem:s21+$0xF030]  }
0xd3: {  	v8 =	vld [tilespmem:s21+$0xF040]  }
0xd4: {  	v6 =	vld [tilespmem:s21+$0xF050];
	v12 =	vmul.f32 v12, v7  }
0xd5: {  	s22 =	simm.s32 $0x200;
	v11 =	vmul.f32 v13, v11;
	v7 =	vld [tilespmem:s21+$0xF060]  }
.LBB2_5:
0xd6: {  	s23 =	sshra.s32 s22, $0x2;
	p0 =	sne.s32 s22, $0x3E00;
	[tilespmem:s21+$0xF000] =	vst v12;
	v5 =	vmul.f32 v10, v5;
	v10 =	vld [tilespmem:s21+$0xF070]  }
0xd7: {  	v12 =	vld [tilespmem:s23+$0xB800];
	[tilespmem:s21+$0xF010] =	vst v11;
	v4 =	vmul.f32 v9, v4  }
0xd8: {  	v11 =	vld [tilespmem:s23+$0xB810];
	[tilespmem:s21+$0xF020] =	vst v5;
	v3 =	vmul.f32 v8, v3  }
0xd9: {  	v5 =	vld [tilespmem:s23+$0xB820];
	[tilespmem:s21+$0xF030] =	vst v4;
	v2 =	vmul.f32 v6, v2  }
0xda: {  	v4 =	vld [tilespmem:s23+$0xB830];
	[tilespmem:s21+$0xF040] =	vst v3;
	v1 =	vmul.f32 v7, v1  }
0xdb: {  	v3 =	vld [tilespmem:s23+$0xB840];
	[tilespmem:s21+$0xF050] =	vst v2;
	v0 =	vmul.f32 v10, v0  }
0xdc: {  	v2 =	vld [tilespmem:s23+$0xB850];
	[tilespmem:s21+$0xF060] =	vst v1  }
0xdd: {  	v1 =	vld [tilespmem:s23+$0xB860];
	[tilespmem:s21+$0xF070] =	vst v0;
	s21 =	smov.u32 s23  }
0xde: {  	v0 =	vld [tilespmem:s21+$0xB870]  }
0xdf: {  	v6 =	vld [tilespmem:s21+$0xF000]  }
0xe0: {  	v7 =	vld [tilespmem:s21+$0xF010]  }
.Ltmp1:
0xe1: {  	v10 =	vld [tilespmem:s21+$0xF020];
	(pc) =	sbr.rel @p0 .LBB2_5-.Ltmp1, $4  }
0xe2: {  	v9 =	vld [tilespmem:s21+$0xF030]  }
0xe3: {  	v8 =	vld [tilespmem:s21+$0xF040]  }
0xe4: {  	v12 =	vmul.f32 v6, v12;
	v6 =	vld [tilespmem:s21+$0xF050]  }
0xe5: {  	s22 =	sadd.s32 $0x200, s22;
	v11 =	vmul.f32 v7, v11;
	v7 =	vld [tilespmem:s21+$0xF060]  }
0xe6: {  	[tilespmem:s21+$0xF000] =	vst v12;
	v5 =	vmul.f32 v10, v5;
	v10 =	vld [tilespmem:s21+$0xF070]  }
0xe7: {  	[tilespmem:s21+$0xF010] =	vst v11;
	v4 =	vmul.f32 v9, v4  }
0xe8: {  	[tilespmem:s21+$0xF020] =	vst v5;
	v3 =	vmul.f32 v8, v3  }
0xe9: {  	[tilespmem:s21+$0xF030] =	vst v4;
	v2 =	vmul.f32 v6, v2  }
0xea: {  	[tilespmem:s21+$0xF040] =	vst v3;
	v1 =	vmul.f32 v7, v1  }
0xeb: {  	[tilespmem:s21+$0xF050] =	vst v2;
	v0 =	vmul.f32 v10, v0  }
0xec: {  	[tilespmem:s21+$0xF060] =	vst v1  }
0xed: {  	s23 =	sadd.s32 s8, s29;
	s22 =	simm.s32 $0x0;
	[tilespmem:s21+$0xF070] =	vst v0  }
0xee: {  	[hbm4b:s23+s22] =	stream.linear.scatter [tilespmem:s0], [sflag:$0x7], $0x1000, $0x38;
	v63 =	vld [tilespmem:$0x0]  }
0xef: {  	_ =	swait.ge [sflag:s28], $0x1000  }
0xf0: {  	[sflag:s28] =	ssyncset.done $0x0  }
0xf1: {  	s23 =	sadd.s32 s6, s29;
	[sflag:s28] =	ssyncadd.s32 $0xFFFFF000  }
0xf2: {  	[tilespmem:s0], [sflag:$0x7] =	stream.linear.gather [hbm4b:s23+s22], $0x1000, $0x38;
	v63 =	vld [tilespmem:$0x0]  }
0xf3: {  	_ =	swait.ge [sflag:s28], $0x1000  }
0xf4: {  	[sflag:s28] =	ssyncset.done $0x0  }
0xf5: {  	s23 =	sadd.s32 s4, s29;
	[sflag:s28] =	ssyncadd.s32 $0xFFFFF000  }
0xf6: {  	[tilespmem:s31], [sflag:$0x7] =	stream.linear.gather [hbm4b:s23+s22], $0x1000, $0x38;
	v63 =	vld [tilespmem:$0x0]  }
0xf7: {  	_ =	swait.ge [sflag:s28], $0x1000  }
0xf8: {  	[sflag:s28] =	ssyncset.done $0x0  }
0xf9: {  	s21 =	simm.s32 $0x0;
	[sflag:s28] =	ssyncadd.s32 $0xFFFFF000  }
0xfa: {  	v12 =	vld [tilespmem:s21+$0xB800]  }
0xfb: {  	v17 =	vld [tilespmem:s21+$0xF000]  }
0xfc: {  	v19 =	vld [tilespmem:s21+$0xB810]  }
0xfd: {  	v20 =	vld [tilespmem:s21+$0xF010]  }
0xfe: {  	v5 =	vld [tilespmem:s21+$0xB820]  }
0xff: {  	v10 =	vld [tilespmem:s21+$0xF020]  }
0x100: {  	v8 =	vld [tilespmem:s21+$0xB830]  }
0x101: {  	v11 =	vld [tilespmem:s21+$0xF030]  }
0x102: {  	v7 =	vld [tilespmem:s21+$0xB840]  }
0x103: {  	v9 =	vld [tilespmem:s21+$0xF040]  }
0x104: {  	v3 =	vld [tilespmem:s21+$0xB850]  }
0x105: {  	v6 =	vld [tilespmem:s21+$0xF050]  }
0x106: {  	v1 =	vld [tilespmem:s21+$0xB860]  }
0x107: {  	v4 =	vld [tilespmem:s21+$0xF060]  }
0x108: {  	v0 =	vld [tilespmem:s21+$0xB870]  }
0x109: {  	v2 =	vld [tilespmem:s21+$0xF070]  }
0x10a: {  	v16 =	vld [tilespmem:s21+$0x12800]  }
0x10b: {  	v15 =	vld [tilespmem:s21+$0x12810]  }
0x10c: {  	v14 =	vld [tilespmem:s21+$0x12820]  }
0x10d: {  	v13 =	vld [tilespmem:s21+$0x12830];
	v18 =	vmul.f32 v17, v12  }
0x10e: {  	s22 =	simm.s32 $0x200;
	v17 =	vmul.f32 v20, v19;
	v12 =	vld [tilespmem:s21+$0x12840]  }
.LBB2_7:
0x10f: {  	p0 =	sne.s32 s22, $0x3E00;
	v16 =	vadd.f32 v18, v16;
	v5 =	vmul.f32 v10, v5;
	v10 =	vld [tilespmem:s21+$0x12850]  }
0x110: {  	v8 =	vmul.f32 v11, v8;
	v15 =	vadd.f32 v17, v15;
	v11 =	vld [tilespmem:s21+$0x12860]  }
0x111: {  	s23 =	sshra.s32 s22, $0x2;
	v7 =	vmul.f32 v9, v7;
	[tilespmem:s21+$0x12800] =	vst v16;
	v5 =	vadd.f32 v5, v14;
	v9 =	vld [tilespmem:s21+$0x12870]  }
0x112: {  	v3 =	vmul.f32 v6, v3;
	v17 =	vld [tilespmem:s23+$0xB800];
	[tilespmem:s21+$0x12810] =	vst v15;
	v8 =	vadd.f32 v8, v13  }
0x113: {  	v1 =	vmul.f32 v4, v1;
	v13 =	vld [tilespmem:s23+$0xF000];
	[tilespmem:s21+$0x12820] =	vst v5;
	v5 =	vadd.f32 v7, v12  }
0x114: {  	v0 =	vmul.f32 v2, v0;
	v12 =	vld [tilespmem:s23+$0xB810];
	[tilespmem:s21+$0x12830] =	vst v8;
	v3 =	vadd.f32 v3, v10  }
0x115: {  	v19 =	vld [tilespmem:s23+$0xF010];
	[tilespmem:s21+$0x12840] =	vst v5;
	v1 =	vadd.f32 v1, v11  }
0x116: {  	v5 =	vld [tilespmem:s23+$0xB820];
	[tilespmem:s21+$0x12850] =	vst v3;
	v0 =	vadd.f32 v0, v9  }
0x117: {  	v10 =	vld [tilespmem:s23+$0xF020];
	[tilespmem:s21+$0x12860] =	vst v1  }
0x118: {  	v8 =	vld [tilespmem:s23+$0xB830];
	[tilespmem:s21+$0x12870] =	vst v0;
	s21 =	smov.u32 s23  }
0x119: {  	v11 =	vld [tilespmem:s21+$0xF030]  }
0x11a: {  	v7 =	vld [tilespmem:s21+$0xB840]  }
0x11b: {  	v9 =	vld [tilespmem:s21+$0xF040]  }
0x11c: {  	v3 =	vld [tilespmem:s21+$0xB850]  }
0x11d: {  	v6 =	vld [tilespmem:s21+$0xF050]  }
0x11e: {  	v1 =	vld [tilespmem:s21+$0xB860]  }
0x11f: {  	v4 =	vld [tilespmem:s21+$0xF060]  }
0x120: {  	v0 =	vld [tilespmem:s21+$0xB870]  }
0x121: {  	v2 =	vld [tilespmem:s21+$0xF070]  }
.Ltmp2:
0x122: {  	v16 =	vld [tilespmem:s21+$0x12800];
	(pc) =	sbr.rel @p0 .LBB2_7-.Ltmp2, $4  }
0x123: {  	v15 =	vld [tilespmem:s21+$0x12810]  }
0x124: {  	v14 =	vld [tilespmem:s21+$0x12820]  }
0x125: {  	v18 =	vmul.f32 v13, v17;
	v13 =	vld [tilespmem:s21+$0x12830]  }
0x126: {  	s22 =	sadd.s32 $0x200, s22;
	v17 =	vmul.f32 v19, v12;
	v12 =	vld [tilespmem:s21+$0x12840]  }
0x127: {  	v16 =	vadd.f32 v18, v16;
	v59 =	vld [tilespmem:s21+$0x12850];
	v5 =	vmul.f32 v10, v5  }
0x128: {  	v60 =	vld [tilespmem:s21+$0x12860];
	v8 =	vmul.f32 v11, v8;
	v15 =	vadd.f32 v17, v15  }
0x129: {  	v7 =	vmul.f32 v9, v7;
	v61 =	vld [tilespmem:s21+$0x12870];
	[tilespmem:s21+$0x12800] =	vst v16;
	v5 =	vadd.f32 v5, v14  }
0x12a: {  	v3 =	vmul.f32 v6, v3;
	[tilespmem:s21+$0x12810] =	vst v15;
	v8 =	vadd.f32 v8, v13  }
0x12b: {  	v1 =	vmul.f32 v4, v1;
	[tilespmem:s21+$0x12820] =	vst v5;
	v62 =	vadd.f32 v7, v12  }
0x12c: {  	v0 =	vmul.f32 v2, v0;
	[tilespmem:s21+$0x12830] =	vst v8;
	v3 =	vadd.f32 v3, v59  }
0x12d: {  	v1 =	vadd.f32 v1, v60;
	[tilespmem:s21+$0x12840] =	vst v62  }
0x12e: {  	s20 =	sadd.s32 $0x1, s20;
	v0 =	vadd.f32 v0, v61;
	[tilespmem:s21+$0x12850] =	vst v3  }
0x12f: {  	p0 =	sne.s32 s20, $0xA;
	[tilespmem:s21+$0x12860] =	vst v1  }
.Ltmp3:
0x130: {  	s29 =	sadd.s32 s9, s29;
	[tilespmem:s21+$0x12870] =	vst v0;
	(pc) =	sbr.rel @p0 .LBB2_4-.Ltmp3, $4  }
0x131: {  	[hbm4b:s29+s2] =	stream.linear.scatter [tilespmem:s31], [sflag:$0x7], $0x1000, $0x38;
	v63 =	vld [tilespmem:$0x0]  }
0x132: {  	_ =	swait.ge [sflag:s28], $0x1000  }
0x133: {  	[sflag:s28] =	ssyncset.done $0x0  }
0x134: {  	[sflag:s28] =	ssyncadd.s32 $0xFFFFF000  }
0x135: {  	s18 =	sadd.s32 $0x1, s18;
	s19 =	rddreg [dreg:$0x6]  }
0x136: {  	p0 =	sne.s32 s18, s19  }
.Ltmp4:
0x137: {  	_ = 	snop;
	(pc) =	sbr.rel @p0 .LBB2_1-.Ltmp4, $1  }
0x138: {  	_ =	sdelay $0x3  }
0x139: {  	_ =	sfence.sel $0x180000  }
0x13a: {  	[bflag:$0x0] =	sbarrier.arrive $0xFFFF  }
0x13b: {  	_ =	strace $0x90000050  }
0x13c: {  	s0 =	stileid.u32;
	[bflag:$0x2] =	sbarrier.arrive $0xFFFF  }
0x13d: {  	p0 =	sne.s32 s0, $0x0;
	s0 =	rddreg [dreg:$0x2]  }
0x13e: {  	s0 =	sadd.s32 @!p0 $0x100000, s0  }
0x13f: {  	[sflag:s0] =	ssyncadd.tile.s32 @!p0 $0x1;
	_ =	shalt  }
.Lfunc_end2:
_tile_overlayer_lowered:
.L_overlay_start_2:
0x140: {  	(tag) =	ssettag $0x2  }
0x141: {  	s0 =	rddreg [dreg:$0x0];
	s2 =	stileid.u32  }
0x142: {  	s1 =	rddreg [dreg:$0x1];
	p0 =	sne.s32 s2, $0x0  }
0x143: {  	s3 =	rddreg [dreg:$0x2];
	[bflag:$0x3] =	sbarrier.arrive $0xFFFF;
	s2 =	simm.s32 @!p0 $0x1C07  }
0x144: {  	[timem:s3], [sflag:s2] =	dma.local @!p0 [hbm:s0], s1  }
0x145: {  	s0 =	simm.s32 @!p0 $0x7  }
0x146: {  	_ =	swait.ge @!p0 [sflag:s0], s1  }
0x147: {  	s1 =	ssub.s32 @!p0 $0x0, s1;
	[sflag:s0] =	ssyncset.done @!p0 $0x0  }
0x148: {  	[sflag:s0] =	ssyncadd.s32 @!p0 s1  }
0x149: {  	[bflag:$0x3] =	sbarrier.arrive $0xFFFF  }
0x14a: {  	_ =	shalt  }

// kernel: kernel.21.cloned.1.call-start
scs
__scs_entry_jumppad:
0x0: {  	(pc) =	sbr.rel $0x88, $3  }
0x1: {  	(tag) =	ssettag $0x0;
	lr =	simm.s32 $0x1  }
0x2: {  	[smem:$0x3F9C] =	sst lr;
	_ =	strace $0xD0000000  }
0x3: {  	_ = 	snop  }
0x4: {  	_ = 	snop  }
0x5: {  	_ = 	snop  }
0x6: {  	_ = 	snop  }
0x7: {  	_ = 	snop  }
__scs_overlays_trampoline_lowered:
0x8: {  	[smem:$0x3FAB] =	sst s0  }
0x9: {  	[smem:$0x3FAC] =	sst s1  }
0xa: {  	[smem:$0x3FAD] =	sst s2  }
0xb: {  	[smem:$0x3FAE] =	sst s3  }
0xc: {  	[smem:$0x3FAF] =	sst s4  }
0xd: {  	[smem:$0x3FB0] =	sst s5  }
0xe: {  	[smem:$0x3FB1] =	sst s6  }
0xf: {  	[smem:$0x3FB2] =	sst s7  }
0x10: {  	[smem:$0x3FB3] =	sst s8  }
0x11: {  	[smem:$0x3FB4] =	sst s9;
	s0 =	simm.s32 @!p0 $0x0  }
0x12: {  	s1 =	sld [smem:$0x3F9A];
	s0 =	simm.s32 @p0 $0x1  }
0x13: {  	[smem:$0x3FB5] =	sst s0;
	s0 =	simm.s32 @!p1 $0x0  }
0x14: {  	s2 =	sld [smem:$0x3F99];
	s0 =	simm.s32 @p1 $0x1  }
0x15: {  	[smem:$0x3FB6] =	sst s0;
	s0 =	simm.s32 @!p2 $0x0  }
0x16: {  	s3 =	sld [smem:$0x3FDB];
	s0 =	simm.s32 @p2 $0x1  }
0x17: {  	s4 =	simm.s32 $0x1BF5;
	[smem:$0x3FB8] =	sst s0  }
0x18: {  	s0 =	sld [smem:$0x3F9B];
	_ =	swait.ge [sflag:s4], $0x0  }
0x19: {  	s7 =	sld [smem:$0x3F9C]  }
0x1a: {  	s8 =	sadd.s32 $0xFFFFE003, lr  }
0x1b: {  	s9 =	sadd.s32 $0xFFFFFEF7, lr;
	s5 =	simm.s32 $0xFFFFFFFF;
	p2 =	slt.u32 s8, $0xFFFFF086  }
0x1c: {  	p1 =	slt.u32 s9, $0xF7A;
	s5 =	simm.s32 @!p2 $0x0  }
0x1d: {  	s5 =	simm.s32 @p1 $0x1;
	p0 =	seq.s32 s7, s2  }
0x1e: {  	s7 =	smul.u32 @!p0 $0xF7A, s2;
	p2 =	seq.s32 @!p0 s5, $0x0  }
0x1f: {  	s9 =	smul.u32 $0xF7A, s1;
	s8 =	simm.s32 @!p0 $0x1BF5;
	p2 =	por !p2, p0  }
0x20: {  	[sflag:s8] =	ssyncset.s32 @!p0 $0xFFFFF086;
	s6 =	sadd.s32 @!p0 s3, s7;
	s7 =	simm.s32 @!p0 $0x108  }
0x21: {  	s3 =	sadd.s32 s3, s9;
	s6 =	sadd.s32 @!p0 $0x88, s6;
	s7 =	simm.s32 @p2 $0x1082  }
0x22: {  	[simem:s7], [sflag:s8] =	dma.local @!p0 [hbm:s6], $0xF7A  }
0x23: {  	s9 =	sor.u32 $0xD0000000, s2;
	s6 =	simm.s32 $0x108;
	_ =	swait.ge @!p0 [sflag:s8], $0x0  }
0x24: {  	s3 =	sadd.s32 $0x88, s3;
	s6 =	simm.s32 @!p1 $0x1082;
	[sflag:s4] =	ssyncset.s32 $0xFFFFF086  }
0x25: {  	[simem:s6], [sflag:s4] =	dma.local [hbm:s3], $0xF7A  }
0x26: {  	[smem:$0x3F9C] =	sst s1;
	(tag) =	ssettag s2;
	_ =	strace s9  }
0x27: {  	s1 =	sld [smem:$0x3FAC]  }
0x28: {  	s2 =	sld [smem:$0x3FAD]  }
0x29: {  	s4 =	sld [smem:$0x3FAF]  }
0x2a: {  	p0 =	seq.s32 s5, $0x0;
	s5 =	sld [smem:$0x3FB0]  }
0x2b: {  	s6 =	sld [smem:$0x3FB1]  }
0x2c: {  	s7 =	sld [smem:$0x3FB2]  }
0x2d: {  	s3 =	simm.s32 $0x108;
	s8 =	sld [smem:$0x3FB3]  }
0x2e: {  	s3 =	simm.s32 @!p0 $0x1082;
	s9 =	sld [smem:$0x3FB4]  }
0x2f: {  	lr =	sadd.s32 s0, s3;
	s0 =	sld [smem:$0x3FAB]  }
0x30: {  	s3 =	sld [smem:$0x3FAE]  }
0x31: {  	[smem:$0x3FB7] =	sst s10  }
0x32: {  	s10 =	sld [smem:$0x3FB5];
	_ =	sdelay $0x3  }
0x33: {  	p0 =	seq.s32 s10, $0x1;
	s10 =	sld [smem:$0x3FB7];
	_ =	sdelay $0x3  }
0x34: {  	[smem:$0x3FB7] =	sst s10  }
0x35: {  	s10 =	sld [smem:$0x3FB6];
	_ =	sdelay $0x3  }
0x36: {  	p1 =	seq.s32 s10, $0x1;
	s10 =	sld [smem:$0x3FB7];
	_ =	sdelay $0x3  }
0x37: {  	[smem:$0x3FB7] =	sst s10  }
0x38: {  	s10 =	sld [smem:$0x3FB8]  }
0x39: {  	_ = 	snop;
	(pc) =	sbr.ind lr, $3  }
0x3a: {  	_ = 	snop  }
0x3b: {  	_ = 	snop  }
0x3c: {  	p2 =	seq.s32 s10, $0x1;
	s10 =	sld [smem:$0x3FB7]  }
0x3d: {  	_ =	shalt  }
0x3e: {  	_ =	shalt  }
0x3f: {  	_ =	shalt  }
0x40: {  	_ =	shalt  }
0x41: {  	_ =	shalt  }
0x42: {  	_ =	shalt  }
0x43: {  	_ =	shalt  }
0x44: {  	_ =	shalt  }
0x45: {  	_ =	shalt  }
0x46: {  	_ =	shalt  }
0x47: {  	_ =	shalt  }
0x48: {  	_ =	shalt  }
0x49: {  	_ =	shalt  }
0x4a: {  	_ =	shalt  }
0x4b: {  	_ =	shalt  }
0x4c: {  	_ =	shalt  }
0x4d: {  	_ =	shalt  }
0x4e: {  	_ =	shalt  }
0x4f: {  	_ =	shalt  }
0x50: {  	_ =	shalt  }
0x51: {  	_ =	shalt  }
0x52: {  	_ =	shalt  }
0x53: {  	_ =	shalt  }
0x54: {  	_ =	shalt  }
0x55: {  	_ =	shalt  }
0x56: {  	_ =	shalt  }
0x57: {  	_ =	shalt  }
0x58: {  	_ =	shalt  }
0x59: {  	_ =	shalt  }
0x5a: {  	_ =	shalt  }
0x5b: {  	_ =	shalt  }
0x5c: {  	_ =	shalt  }
0x5d: {  	_ =	shalt  }
0x5e: {  	_ =	shalt  }
0x5f: {  	_ =	shalt  }
0x60: {  	_ =	shalt  }
0x61: {  	_ =	shalt  }
0x62: {  	_ =	shalt  }
0x63: {  	_ =	shalt  }
0x64: {  	_ =	shalt  }
0x65: {  	_ =	shalt  }
0x66: {  	_ =	shalt  }
0x67: {  	_ =	shalt  }
0x68: {  	_ =	shalt  }
0x69: {  	_ =	shalt  }
0x6a: {  	_ =	shalt  }
0x6b: {  	_ =	shalt  }
0x6c: {  	_ =	shalt  }
0x6d: {  	_ =	shalt  }
0x6e: {  	_ =	shalt  }
0x6f: {  	_ =	shalt  }
0x70: {  	_ =	shalt  }
0x71: {  	_ =	shalt  }
0x72: {  	_ =	shalt  }
0x73: {  	_ =	shalt  }
0x74: {  	_ =	shalt  }
0x75: {  	_ =	shalt  }
0x76: {  	_ =	shalt  }
0x77: {  	_ =	shalt  }
0x78: {  	_ =	shalt  }
0x79: {  	_ =	shalt  }
0x7a: {  	_ =	shalt  }
0x7b: {  	_ =	shalt  }
0x7c: {  	_ =	shalt  }
0x7d: {  	_ =	shalt  }
0x7e: {  	_ =	shalt  }
0x7f: {  	_ =	shalt  }
0x80: {  	_ =	shalt  }
0x81: {  	_ =	shalt  }
0x82: {  	_ =	shalt  }
0x83: {  	_ =	shalt  }
0x84: {  	_ =	shalt  }
0x85: {  	_ =	shalt  }
0x86: {  	_ =	shalt  }
0x87: {  	_ =	shalt  }
.Lfunc_end0:
.L_simem_size_0:
called_computation.4_lowered:
.L_overlay_start_0:
0x88: {  	s2 =	sld [smem:$0x3FD9]  }
0x89: {  	s3 =	sld [smem:$0x3FFE];
	_ =	sdelay $0x1  }
0x8a: {  	s1 =	srdreg.scid  }
0x8b: {  	s0 =	sand.u32 $0x1, s1  }
0x8c: {  	s16 =	sshll.u32 s0, $0xA;
	s2 =	sadd.s32 s3, s2  }
0x8d: {  	s2 =	sadd.s32 s2, s16  }
0x8e: {  	[smem:$0x3FC3] =	sst s2  }
0x8f: {  	_ = 	snop  }
0x90: {  	(tm) =	ssettm $0x1  }
0x91: {  	s17 =	sld [smem:$0x3FFB];
	_ =	sdelay $0x3  }
0x92: {  	_ =	strace s17  }
0x93: {  	s2 =	sld [smem:$0x3FFC];
	_ =	sdelay $0x3  }
0x94: {  	_ =	strace s2  }
0x95: {  	s2 =	sld [smem:$0x3FFD];
	_ =	sdelay $0x3  }
0x96: {  	_ =	strace s2  }
0x97: {  	_ =	strace $0x8FFFFFFF  }
0x98: {  	s18 =	sld [smem:$0x3FDB];
	_ =	sdelay $0x1  }
0x99: {  	s19 =	simm.s32 $_scs_section_size  }
0x9a: {  	s4 =	simm.s32 $_size__tile_overlayer_lowered;
	s5 =	simm.s32 $_tile_overlayer_lowered  }
0x9b: {  	s22 =	simm.s32 $0x1BFF;
	s21 =	sshll.u32 s5, $0x1;
	s2 =	sadd.s32 s19, s18  }
0x9c: {  	s6 =	simm.s32 $0x0;
	s20 =	sshll.u32 s4, $0x1;
	s4 =	sadd.s32 s21, s2  }
0x9d: {  	[timem:s6], [sflag:s22] =	dma.local [hbm:s4], s20  }
0x9e: {  	_ =	swait.ge [sflag:s22], s20  }
0x9f: {  	s3 =	ssub.s32 $0x0, s20;
	[sflag:s22] =	ssyncset.done $0x0  }
0xa0: {  	[sflag:s22] =	ssyncadd.s32 s3;
	_ =	sdelay $0x1  }
0xa1: {  	s23 =	simm.s32 $0x1B8B  }
0xa2: {  	_ =	swait.ge [sflag:s23], $0x1  }
0xa3: {  	[sflag:s23] =	ssyncset.done $0x0  }
0xa4: {  	s25 =	simm.s32 $0x1B8E;
	s24 =	sld [smem:$0x3FFE];
	[sflag:s23] =	ssyncadd.s32 $0xFFFFFFFF  }
0xa5: {  	s26 =	simm.s32 $execute0_lowered;
	[smem:$0x3FD2] =	sst s25  }
0xa6: {  	s4 =	sshll.u32 s26, $0x1;
	_ =	strace $0x80000052;
	[dreg:$0x1] =	wrdreg $0xFFFFFFFF  }
0xa7: {  	s28 =	simm.s32 $_size_execute0_lowered;
	s2 =	sadd.s32 s2, s4;
	[dreg:$0x0] =	wrdreg $0x0  }
0xa8: {  	s4 =	sshll.u32 s28, $0x1;
	[dreg:$0x2] =	wrdreg s2  }
0xa9: {  	[dreg:$0x3] =	wrdreg s4  }
0xaa: {  	[dreg:$0x4] =	wrdreg $0xC0  }
0xab: {  	_ =	task [dreg:s6], $0x5FFFF  }
0xac: {  	[dreg:$0x1] =	wrdreg $0xFFFFFFFF  }
0xad: {  	[dreg:$0x0] =	wrdreg $0x60  }
0xae: {  	[dreg:$0x2] =	wrdreg s24  }
0xaf: {  	[dreg:$0x3] =	wrdreg $0x9  }
0xb0: {  	_ =	task.clear_ibuf [dreg:s6], $0x4FFFF;
	_ =	strace $0x90000052  }
0xb1: {  	s29 =	simm.s32 $0x9;
	_ =	strace $0x80000054  }
0xb2: {  	_ =	swait.ge [sflag:s29], $0x1  }
0xb3: {  	[sflag:s29] =	ssyncadd.s32 $0xFFFFFFFF  }
0xb4: {  	_ =	strace $0x90000054  }
0xb5: {  	_ =	sfence  }
0xb6: {  	s30 =	sld [smem:$0x0];
	_ =	sdelay $0x2  }
0xb7: {  	s31 =	sshll.u32 s1, $0xD;
	s1 =	sshrl.u32 s1, $0x2  }
0xb8: {  	s3 =	sand.u32 $0x4000, s31;
	s1 =	sadd.s32 s1, s30  }
0xb9: {  	s0 =	sor.u32 s3, s0;
	s1 =	sshll.u32 s1, $0x11  }
0xba: {  	s0 =	sor.u32 s1, s0  }
0xbb: {  	s0 =	sadd.s32 $0x8F2B, s0  }
0xbc: {  	[sflag:s0] =	ssyncadd.remote.s32 $0x1  }
0xbd: {  	_ =	sfence.sel $0xFFFF  }
0xbe: {  	[dreg:$0x0] =	wrdreg $0xFFFFFFFF;
	(pc) =	sbr.abs _section_cstart, $3  }
0xbf: {  	[dreg:$0x1] =	wrdreg $0xFFFFFFFF  }
0xc0: {  	_ =	task.clear_ibuf [dreg:s6], $0x2FFFF;
	_ =	strace $0x9FFFFFFF  }
0xc1: {  	(tm) =	ssettm $0x7FFFFFFF  }
tec
execute0_lowered:
.L_overlay_start_1:
0x0: {  	(tag) =	ssettag $0x1  }
0x1: {  	s0 =	rddreg [dreg:$0x0];
	s2 =	simm.s32 $0x0  }
0x2: {  	s1 =	srdreg.scid;
	s9 =	stileid.u32;
	s12 =	simm.s32 $0x80  }
0x3: {  	s21 =	simm.s32 $0xD000;
	s22 =	simm.s32 $0x3;
	s1 =	sand.u32 $0x1, s1  }
0x4: {  	s24 =	simm.s32 $0x6;
	s5 =	sshll.u32 s9, $0x8;
	s4 =	sshll.u32 s1, $0xD  }
0x5: {  	s23 =	simm.s32 $0x3;
	[smem:$0x7FF] =	sst s2;
	s4 =	sor.u32 s5, s4  }
0x6: {  	s3 =	sadd.s32 $0xF5A00, s0;
	_ =	strace $0x80000053;
	s7 =	sadd.s32 s4, s0  }
0x7: {  	s6 =	ssub.s32 $0x2, s1;
	s4 =	sshll.u32 s1, $0x17;
	s29 =	sadd.s32 $0x11DA00, s7  }
0x8: {  	s8 =	sshrl.u32 s6, $0x1;
	s1 =	sor.u32 $0x4000, s4;
	[dreg:$0x4] =	wrdreg s29  }
0x9: {  	s5 =	sadd.s32 $0x121A00, s0;
	s31 =	sadd.s32 $0x11EA00, s7;
	[dreg:$0x2] =	wrdreg s1  }
0xa: {  	s28 =	ssub.s32 s6, s8;
	s30 =	sor.u32 $0x8000, s4;
	[dreg:$0x5] =	wrdreg s31  }
0xb: {  	s8 =	sshll.u32 s9, $0x12;
	s0 =	smax.u32 s28, $0x1;
	[dreg:$0x3] =	wrdreg s30  }
0xc: {  	s6 =	simm.s32 $0x0;
	s7 =	simm.s32 $0x9000;
	[dreg:$0x6] =	wrdreg s0  }
.LBB2_1:
0xd: {  	[dreg:$0x7] =	wrdreg s6  }
0xe: {  	s0 =	rddreg [dreg:$0x4]  }
0xf: {  	s1 =	simm.s32 $0x9;
	s19 =	simm.s32 $0x800;
	s20 =	simm.s32 $0x100  }
0x10: {  	s25 =	simm.s32 $0xC000;
	s26 =	simm.s32 $0x180;
	s13 =	simm.s32 $0x0  }
0x11: {  	s31 =	sand.u32 $0x400000, s2;
	s28 =	simm.s32 $0xA;
	s9 =	simm.s32 $0x100000  }
0x12: {  	[tilespmem:s2], [sflag:$0x9] =	stream.linear.gather [hbm4b:s0+s2], $0x800, $0x38;
	[tilespmem:$0x11000] =	vst v63  }
0x13: {  	s15 =	simm.s32 $0x0;
	s30 =	simm.s32 $0x380;
	_ =	swait.ge [sflag:s1], $0x800  }
0x14: {  	p1 =	por $0x1, $0x1;
	s11 =	simm.s32 $0x5;
	[sflag:s1] =	ssyncset.done $0x0  }
0x15: {  	p0 =	por $0x0, $0x0;
	s18 =	rddreg [dreg:$0x5];
	[sflag:s1] =	ssyncadd.s32 $0xFFFFF800  }
0x16: {  	[tilespmem:s19], [sflag:$0x9] =	stream.linear.gather [hbm4b:s18+s2], $0x800, $0x38;
	[tilespmem:$0x11000] =	vst v63  }
0x17: {  	s10 =	sor.u32 s4, s31;
	s29 =	sand.u32 $0x400000, s9;
	_ =	swait.ge [sflag:s1], $0x800  }
0x18: {  	s0 =	simm.s32 $0xE;
	s11 =	simm.s32 @p0 $0x0;
	[sflag:s1] =	ssyncset.done $0x0  }
0x19: {  	s18 =	simm.s32 $0x1000;
	[sflag:s1] =	ssyncadd.s32 $0xFFFFF800;
	s1 =	sand.u32 $0x30000, s13  }
0x1a: {  	[tilespmem:s18], [sflag:$0x1] =	stream.indirect.gather [hbm4b:s3+s12], $0x80, s2, s12, $0xb8;
	[tilespmem:$0x11000] =	vst v63  }
0x1b: {  	s19 =	simm.s32 $0x5000;
	s13 =	simm.s32 @!p1 $0x8;
	s1 =	sor.u32 s8, s1  }
0x1c: {  	s14 =	sor.u32 s1, s10;
	s10 =	smul.u32 $0x14000, s15;
	s15 =	simm.s32 $0x6  }
0x1d: {  	[tilespmem:s19], [sflag:$0x2] =	stream.indirect.gather [hbm4b:s3+s12], $0x80, s12, s12, $0xb8;
	[tilespmem:$0x11000] =	vst v63  }
0x1e: {  	s9 =	sshrl.u32 s14, $0x3;
	s14 =	simm.s32 $0x4;
	s15 =	simm.s32 @p0 $0x0  }
0x1f: {  	s9 =	sadd.s32 s5, s9;
	s14 =	simm.s32 @p0 $0x0;
	s17 =	sand.u32 $0xE, s15  }
0x20: {  	[tilespmem:s7], [sflag:$0x3] =	stream.indirect.gather [hbm4b:s3+s12], $0x80, s20, s12, $0xb8;
	[tilespmem:$0x11000] =	vst v63  }
0x21: {  	s7 =	sand.u32 $0x3C000, s25;
	s20 =	simm.s32 $0x1;
	s16 =	sand.u32 $0xC, s14  }
0x22: {  	p4 =	sne.s32 s17, $0x0;
	s25 =	sshrl.u32 s14, $0x4;
	s17 =	simm.s32 $0x2  }
0x23: {  	_ =	swait.ge [sflag:s20], $0x4000;
	p2 =	sne.s32 s16, $0x0;
	s16 =	sand.u32 $0xD, s11  }
0x24: {  	[sflag:s20] =	ssyncset.done $0x0;
	p2 =	por !p0, !p2;
	p3 =	sne.s32 s16, $0x0  }
0x25: {  	s16 =	simm.s32 $0x1;
	[sflag:s20] =	ssyncadd.s32 $0xFFFFC000;
	s20 =	sadd.s32 s3, s10  }
0x26: {  	p2 =	por !p2, !p2;
	p6 =	por !p0, !p3;
	p0 =	por !p0, !p4  }
0x27: {  	[hbm4b:s9+s2] =	stream.linear.scatter [tilespmem:s18], [sflag:$0x5], $0x4000, $0x38;
	[tilespmem:$0x11000] =	vst v63  }
0x28: {  	s9 =	simm.s32 $0x1;
	p0 =	por !p0, !p0;
	_ =	swait.ge @!p1 [sflag:s13], $0x4000  }
0x29: {  	s9 =	simm.s32 @!p2 $0x0;
	s16 =	simm.s32 @!p0 $0x0;
	[sflag:s13] =	ssyncset.done @!p1 $0x0  }
0x2a: {  	s6 =	ssub.s32 s25, s9;
	s9 =	simm.s32 $0x1;
	[sflag:s13] =	ssyncadd.s32 @!p1 $0xFFFFC000  }
0x2b: {  	[tilespmem:s21], [sflag:$0x4] =	stream.indirect.gather [hbm4b:s20+s12], $0x80, s26, s12, $0xb8;
	[tilespmem:$0x11000] =	vst v63  }
0x2c: {  	p1 =	por !p6, !p6;
	s6 =	smul.u32 $0xA0000, s6;
	s20 =	sshrl.u32 s11, $0x4  }
0x2d: {  	s9 =	simm.s32 @!p1 $0x0;
	s21 =	sshrl.u32 s15, $0x4;
	_ =	swait.ge [sflag:s17], $0x4000  }
0x2e: {  	s9 =	ssub.s32 s20, s9;
	s6 =	sshrl.u32 s6, $0x3;
	s13 =	ssub.s32 s21, s16  }
0x2f: {  	s21 =	simm.s32 $0x10000;
	s26 =	rddreg [dreg:$0x2];
	[sflag:s17] =	ssyncset.done $0x0  }
0x30: {  	s9 =	smul.u32 $0xA0000, s9;
	s6 =	sadd.s32 s3, s6;
	s10 =	sor.u32 s26, s31  }
0x31: {  	s26 =	smul.u32 $0xA0000, s13;
	[sflag:s17] =	ssyncadd.s32 $0xFFFFC000;
	s25 =	sor.u32 s1, s10  }
0x32: {  	s17 =	simm.s32 $0x5;
	s10 =	sshll.u32 s11, $0x7;
	s16 =	sshrl.u32 s25, $0x3  }
0x33: {  	s11 =	simm.s32 $0x1;
	s25 =	sshrl.u32 s26, $0x3;
	s13 =	sadd.s32 s5, s16  }
0x34: {  	[hbm4b:s13+s2] =	stream.linear.scatter [tilespmem:s19], [sflag:$0x6], $0x4000, $0x38;
	[tilespmem:$0x11000] =	vst v63  }
0x35: {  	s26 =	sand.u32 $0x30000, s21;
	s16 =	sshrl.u32 s9, $0x3;
	_ =	swait.ge [sflag:s17], $0x4000  }
0x36: {  	s19 =	sshll.u32 s14, $0x7;
	s13 =	sshll.u32 s15, $0x7;
	[sflag:s17] =	ssyncset.done $0x0  }
0x37: {  	s15 =	simm.s32 $0x1C000;
	s20 =	sand.u32 $0x3FFFFF80, s19;
	[sflag:s17] =	ssyncadd.s32 $0xFFFFC000  }
0x38: {  	[tilespmem:s18], [sflag:$0x1] =	stream.indirect.gather [hbm4b:s6+s12], $0x80, s20, s12, $0xb8;
	[tilespmem:$0x11000] =	vst v63  }
0x39: {  	s6 =	sand.u32 $0x3C000, s15;
	_ =	swait.ge [sflag:s22], $0x4000;
	s22 =	sor.u32 s7, s8  }
0x3a: {  	s7 =	simm.s32 $0x200000;
	s17 =	rddreg [dreg:$0x3];
	s18 =	sor.u32 s4, s22  }
.LBB2_2:
0x3b: {  	s19 =	sand.u32 $0x400000, s7  }
0x3c: {  	s20 =	sor.u32 s4, s29;
	s9 =	smov.u32 s28;
	s28 =	smov.u32 s0  }
0x3d: {  	s0 =	sadd.s32 $0x4, s0;
	s14 =	smov.u32 s30;
	s26 =	sor.u32 s8, s26  }
0x3e: {  	s17 =	sor.u32 s17, s31;
	s18 =	sor.u32 s31, s18;
	[sflag:s23] =	ssyncset.done $0x0  }
0x3f: {  	s31 =	smov.u32 s29;
	s22 =	sshrl.u32 s11, $0x2;
	s10 =	sand.u32 $0x3FFFFF80, s10  }
0x40: {  	s16 =	sadd.s32 s3, s16;
	s21 =	simm.s32 $0x5000;
	s30 =	sadd.s32 $0x200, s30  }
0x41: {  	s13 =	sand.u32 $0x3FFFFF80, s13;
	s20 =	sor.u32 s26, s20;
	s1 =	sor.u32 s1, s17  }
0x42: {  	s17 =	sshrl.u32 s18, $0x3;
	[sflag:s23] =	ssyncadd.s32 $0xFFFFC000;
	s1 =	sshrl.u32 s1, $0x3  }
0x43: {  	s18 =	sshrl.u32 s20, $0x3;
	s20 =	simm.s32 $0x9000;
	s1 =	sadd.s32 s5, s1  }
0x44: {  	[hbm4b:s1+s2] =	stream.linear.scatter [tilespmem:s20], [sflag:$0x7], $0x4000, $0x38;
	[tilespmem:$0x11000] =	vst v63  }
0x45: {  	s25 =	sadd.s32 s3, s25;
	s15 =	sadd.s32 $0x10000, s15;
	_ =	swait.ge [sflag:s24], $0x4000  }
0x46: {  	s11 =	sadd.s32 $0x1, s11;
	s7 =	sadd.s32 $0x100000, s7;
	[sflag:s24] =	ssyncset.done $0x0  }
0x47: {  	p0 =	sne.s32 s0, $0x26;
	s29 =	smov.u32 s19;
	[sflag:s24] =	ssyncadd.s32 $0xFFFFC000  }
0x48: {  	[tilespmem:s21], [sflag:$0x2] =	stream.indirect.gather [hbm4b:s16+s12], $0x80, s10, s12, $0xb8;
	[tilespmem:$0x11000] =	vst v63  }
0x49: {  	s19 =	simm.s32 $0x7;
	s16 =	smul.u32 $0x14000, s22;
	s22 =	simm.s32 $0x4  }
0x4a: {  	p1 =	seq.s32 s9, $0x22;
	s17 =	sadd.s32 s5, s17;
	_ =	swait.ge [sflag:s22], $0x4000  }
0x4b: {  	s1 =	smov.u32 s26;
	s26 =	smov.u32 s6;
	[sflag:s22] =	ssyncset.done $0x0  }
0x4c: {  	s6 =	sadd.s32 $0xFFFFFFFE, s9;
	[sflag:s22] =	ssyncadd.s32 $0xFFFFC000;
	s22 =	simm.s32 $0xD000  }
0x4d: {  	[hbm4b:s17+s2] =	stream.linear.scatter [tilespmem:s22], [sflag:$0x8], $0x4000, $0x38;
	[tilespmem:$0x11000] =	vst v63  }
0x4e: {  	p2 =	seq.s32 s9, $0x6;
	s6 =	simm.s32 @p1 $0x0;
	_ =	swait.ge [sflag:s19], $0x4000  }
0x4f: {  	s10 =	sadd.s32 $0xFFFFFFFF, s9;
	s9 =	simm.s32 @p1 $0x0;
	[sflag:s19] =	ssyncset.done $0x0  }
0x50: {  	s10 =	simm.s32 @p1 $0x0;
	s17 =	sadd.s32 s5, s18;
	[sflag:s19] =	ssyncadd.s32 $0xFFFFC000  }
0x51: {  	[tilespmem:s20], [sflag:$0x3] =	stream.indirect.gather [hbm4b:s25+s12], $0x80, s13, s12, $0xb8;
	[tilespmem:$0x11000] =	vst v63  }
0x52: {  	s18 =	simm.s32 @!p2 $0x8;
	s19 =	sand.u32 $0xE, s9;
	s20 =	simm.s32 $0x1  }
0x53: {  	s25 =	sand.u32 $0xC, s6;
	p6 =	sne.s32 s19, $0x0;
	s19 =	simm.s32 $0x2  }
0x54: {  	s13 =	simm.s32 $0x1;
	_ =	swait.ge [sflag:s20], $0x4000;
	p3 =	sne.s32 s25, $0x0  }
0x55: {  	s25 =	sand.u32 $0xD, s10;
	[sflag:s20] =	ssyncset.done $0x0;
	p4 =	por !p1, !p3  }
0x56: {  	p5 =	sne.s32 s25, $0x0;
	s25 =	sshrl.u32 s9, $0x4;
	[sflag:s20] =	ssyncadd.s32 $0xFFFFC000  }
0x57: {  	s20 =	simm.s32 $0x1000;
	p4 =	por !p4, !p4;
	p5 =	por !p1, !p5  }
0x58: {  	[hbm4b:s17+s2] =	stream.linear.scatter [tilespmem:s20], [sflag:$0x5], $0x4000, $0x38;
	[tilespmem:$0x11000] =	vst v63  }
0x59: {  	p1 =	por !p1, !p6;
	s17 =	sadd.s32 s3, s16;
	_ =	swait.ge @!p2 [sflag:s18], $0x4000  }
0x5a: {  	s13 =	simm.s32 @!p4 $0x0;
	p1 =	por !p1, !p1;
	[sflag:s18] =	ssyncset.done @!p2 $0x0  }
0x5b: {  	[sflag:s18] =	ssyncadd.s32 @!p2 $0xFFFFC000;
	s18 =	sshrl.u32 s6, $0x4;
	p2 =	por !p5, !p5  }
0x5c: {  	[tilespmem:s22], [sflag:$0x4] =	stream.indirect.gather [hbm4b:s17+s12], $0x80, s14, s12, $0xb8;
	[tilespmem:$0x11000] =	vst v63  }
0x5d: {  	s6 =	sshll.u32 s6, $0x7;
	s13 =	ssub.s32 s18, s13;
	s22 =	sshrl.u32 s10, $0x4  }
0x5e: {  	s17 =	simm.s32 $0x1;
	s18 =	simm.s32 $0x1;
	s10 =	sshll.u32 s10, $0x7  }
0x5f: {  	s6 =	sand.u32 $0x3FFFFF80, s6;
	_ =	swait.ge [sflag:s19], $0x4000;
	s13 =	smul.u32 $0xA0000, s13  }
0x60: {  	s17 =	simm.s32 @!p2 $0x0;
	s18 =	simm.s32 @!p1 $0x0;
	s14 =	rddreg [dreg:$0x2]  }
0x61: {  	s16 =	ssub.s32 s22, s17;
	s17 =	ssub.s32 s25, s18;
	s14 =	sor.u32 s14, s31  }
0x62: {  	[sflag:s19] =	ssyncset.done $0x0;
	s18 =	simm.s32 $0x5;
	s14 =	sor.u32 s1, s14  }
0x63: {  	s22 =	sor.u32 s26, s8;
	s13 =	sshrl.u32 s13, $0x3;
	s14 =	sshrl.u32 s14, $0x3  }
0x64: {  	s17 =	smul.u32 $0xA0000, s17;
	[sflag:s19] =	ssyncadd.s32 $0xFFFFC000;
	s14 =	sadd.s32 s5, s14  }
0x65: {  	[hbm4b:s14+s2] =	stream.linear.scatter [tilespmem:s21], [sflag:$0x6], $0x4000, $0x38;
	[tilespmem:$0x11000] =	vst v63  }
0x66: {  	s16 =	smul.u32 $0xA0000, s16;
	s19 =	sadd.s32 s3, s13;
	_ =	swait.ge [sflag:s18], $0x4000  }
.Ltmp0:
0x67: {  	s13 =	sshll.u32 s9, $0x7;
	[sflag:s18] =	ssyncset.done $0x0;
	(pc) =	sbr.rel @p0 .LBB2_2-.Ltmp0, $4  }
0x68: {  	s25 =	sshrl.u32 s17, $0x3;
	s21 =	sadd.s32 $0xFFFF4000, s15;
	[sflag:s18] =	ssyncadd.s32 $0xFFFFC000  }
0x69: {  	[tilespmem:s20], [sflag:$0x1] =	stream.indirect.gather [hbm4b:s19+s12], $0x80, s6, s12, $0xb8;
	[tilespmem:$0x11000] =	vst v63  }
0x6a: {  	s16 =	sshrl.u32 s16, $0x3;
	s26 =	sand.u32 $0x30000, s21;
	_ =	swait.ge [sflag:s23], $0x4000  }
0x6b: {  	s18 =	sor.u32 s4, s22;
	s6 =	sand.u32 $0x3C000, s15;
	s17 =	rddreg [dreg:$0x3]  }
0x6c: {  	s0 =	sor.u32 s17, s31  }
0x6d: {  	s19 =	simm.s32 $0x3;
	s0 =	sor.u32 s1, s0  }
0x6e: {  	[sflag:s19] =	ssyncset.done $0x0;
	s0 =	sshrl.u32 s0, $0x3  }
0x6f: {  	s15 =	simm.s32 $0x9000;
	[sflag:s19] =	ssyncadd.s32 $0xFFFFC000;
	s0 =	sadd.s32 s5, s0  }
0x70: {  	[hbm4b:s0+s2] =	stream.linear.scatter [tilespmem:s15], [sflag:$0x7], $0x4000, $0x38;
	[tilespmem:$0x11000] =	vst v63  }
0x71: {  	_ =	swait.ge [sflag:s24], $0x4000  }
0x72: {  	s10 =	sand.u32 $0x3FFFFF80, s10;
	s17 =	sadd.s32 s3, s16;
	[sflag:s24] =	ssyncset.done $0x0  }
0x73: {  	s14 =	simm.s32 $0x5000;
	s20 =	simm.s32 $0x4;
	[sflag:s24] =	ssyncadd.s32 $0xFFFFC000  }
0x74: {  	[tilespmem:s14], [sflag:$0x2] =	stream.indirect.gather [hbm4b:s17+s12], $0x80, s10, s12, $0xb8;
	[tilespmem:$0x11000] =	vst v63  }
0x75: {  	s18 =	sor.u32 s31, s18;
	s16 =	simm.s32 $0xD000;
	_ =	swait.ge [sflag:s20], $0x4000  }
0x76: {  	s21 =	sand.u32 $0x3FFFFF80, s13;
	s0 =	sshrl.u32 s18, $0x3;
	[sflag:s20] =	ssyncset.done $0x0  }
0x77: {  	s18 =	simm.s32 $0x7;
	s0 =	sadd.s32 s5, s0;
	[sflag:s20] =	ssyncadd.s32 $0xFFFFC000  }
0x78: {  	[hbm4b:s0+s2] =	stream.linear.scatter [tilespmem:s16], [sflag:$0x8], $0x4000, $0x38;
	[tilespmem:$0x11000] =	vst v63  }
0x79: {  	s22 =	sadd.s32 s3, s25;
	s25 =	sor.u32 s4, s29;
	_ =	swait.ge [sflag:s18], $0x4000  }
0x7a: {  	s13 =	simm.s32 $0x1;
	s7 =	sshrl.u32 s11, $0x2;
	[sflag:s18] =	ssyncset.done $0x0  }
0x7b: {  	p1 =	seq.s32 s28, $0x6;
	s1 =	sor.u32 s8, s26;
	[sflag:s18] =	ssyncadd.s32 $0xFFFFC000  }
0x7c: {  	[tilespmem:s15], [sflag:$0x3] =	stream.indirect.gather [hbm4b:s22+s12], $0x80, s21, s12, $0xb8;
	[tilespmem:$0x11000] =	vst v63  }
0x7d: {  	p0 =	seq.s32 s28, $0x22;
	s0 =	sor.u32 s1, s25;
	_ =	swait.ge [sflag:s13], $0x4000  }
0x7e: {  	s9 =	simm.s32 @!p1 $0x8;
	s0 =	sshrl.u32 s0, $0x3;
	[sflag:s13] =	ssyncset.done $0x0  }
0x7f: {  	s26 =	simm.s32 $0x1000;
	s0 =	sadd.s32 s5, s0;
	[sflag:s13] =	ssyncadd.s32 $0xFFFFC000  }
0x80: {  	[hbm4b:s0+s2] =	stream.linear.scatter [tilespmem:s26], [sflag:$0x5], $0x4000, $0x38;
	[tilespmem:$0x11000] =	vst v63  }
0x81: {  	s31 =	smul.u32 $0x14000, s7;
	s7 =	sadd.s32 $0xFFFFFFFE, s28;
	_ =	swait.ge @!p1 [sflag:s9], $0x4000  }
0x82: {  	s7 =	simm.s32 @p0 $0x0;
	s17 =	simm.s32 $0x2;
	[sflag:s9] =	ssyncset.done @!p1 $0x0  }
0x83: {  	s0 =	sadd.s32 s3, s31;
	[sflag:s9] =	ssyncadd.s32 @!p1 $0xFFFFC000;
	s9 =	sand.u32 $0xC, s7  }
0x84: {  	[tilespmem:s16], [sflag:$0x4] =	stream.indirect.gather [hbm4b:s0+s12], $0x80, s30, s12, $0xb8;
	[tilespmem:$0x11000] =	vst v63  }
0x85: {  	s21 =	sshrl.u32 s7, $0x4;
	p4 =	sne.s32 s9, $0x0;
	_ =	swait.ge [sflag:s17], $0x4000  }
0x86: {  	s22 =	simm.s32 $0x5;
	p1 =	por !p0, !p4;
	s10 =	rddreg [dreg:$0x2]  }
0x87: {  	s0 =	simm.s32 $0x1;
	p1 =	por !p1, !p1;
	s9 =	sor.u32 s10, s29  }
0x88: {  	s7 =	sshll.u32 s7, $0x7;
	s0 =	simm.s32 @!p1 $0x0;
	s9 =	sor.u32 s1, s9  }
0x89: {  	[sflag:s17] =	ssyncset.done $0x0;
	s0 =	ssub.s32 s21, s0;
	s9 =	sshrl.u32 s9, $0x3  }
0x8a: {  	[sflag:s17] =	ssyncadd.s32 $0xFFFFC000;
	s0 =	smul.u32 $0xA0000, s0;
	s9 =	sadd.s32 s5, s9  }
0x8b: {  	[hbm4b:s9+s2] =	stream.linear.scatter [tilespmem:s14], [sflag:$0x6], $0x4000, $0x38;
	[tilespmem:$0x11000] =	vst v63  }
0x8c: {  	s7 =	sand.u32 $0x3FFFFF80, s7;
	_ =	swait.ge [sflag:s22], $0x4000  }
0x8d: {  	s9 =	sadd.s32 $0xFFFFFFFF, s28;
	s0 =	sshrl.u32 s0, $0x3;
	[sflag:s22] =	ssyncset.done $0x0  }
0x8e: {  	s0 =	sadd.s32 s3, s0;
	s9 =	simm.s32 @p0 $0x0;
	[sflag:s22] =	ssyncadd.s32 $0xFFFFC000  }
0x8f: {  	[tilespmem:s26], [sflag:$0x1] =	stream.indirect.gather [hbm4b:s0+s12], $0x80, s7, s12, $0xb8;
	[tilespmem:$0x11000] =	vst v63  }
0x90: {  	s28 =	simm.s32 @p0 $0x0;
	s25 =	sand.u32 $0xD, s9;
	_ =	swait.ge [sflag:s19], $0x4000  }
0x91: {  	s21 =	sand.u32 $0xE, s28;
	p5 =	sne.s32 s25, $0x0;
	s26 =	rddreg [dreg:$0x3]  }
0x92: {  	s31 =	sshrl.u32 s9, $0x4;
	p1 =	por !p0, !p5;
	s30 =	sor.u32 s26, s29  }
0x93: {  	p1 =	por !p1, !p1;
	s0 =	sor.u32 s1, s30;
	s1 =	simm.s32 $0x1  }
0x94: {  	[sflag:s19] =	ssyncset.done $0x0;
	s1 =	simm.s32 @!p1 $0x0;
	s0 =	sshrl.u32 s0, $0x3  }
0x95: {  	[sflag:s19] =	ssyncadd.s32 $0xFFFFC000;
	s1 =	ssub.s32 s31, s1;
	s0 =	sadd.s32 s5, s0  }
0x96: {  	[hbm4b:s0+s2] =	stream.linear.scatter [tilespmem:s15], [sflag:$0x7], $0x4000, $0x38;
	[tilespmem:$0x11000] =	vst v63  }
0x97: {  	s11 =	sshll.u32 s9, $0x7;
	p6 =	sne.s32 s21, $0x0;
	s10 =	smul.u32 $0xA0000, s1  }
0x98: {  	s22 =	sor.u32 s6, s8;
	s25 =	sshrl.u32 s28, $0x4;
	_ =	swait.ge [sflag:s24], $0x4000  }
0x99: {  	p0 =	por !p0, !p6;
	s0 =	sshrl.u32 s10, $0x3;
	[sflag:s24] =	ssyncset.done $0x0  }
0x9a: {  	s1 =	sand.u32 $0x3FFFFF80, s11;
	[sflag:s24] =	ssyncadd.s32 $0xFFFFC000;
	s0 =	sadd.s32 s3, s0  }
0x9b: {  	[tilespmem:s14], [sflag:$0x2] =	stream.indirect.gather [hbm4b:s0+s12], $0x80, s1, s12, $0xb8;
	[tilespmem:$0x11000] =	vst v63  }
0x9c: {  	s6 =	simm.s32 $0x1;
	p0 =	por !p0, !p0;
	s0 =	sor.u32 s4, s22  }
0x9d: {  	s6 =	simm.s32 @!p0 $0x0;
	s0 =	sor.u32 s29, s0;
	_ =	swait.ge [sflag:s20], $0x4000  }
0x9e: {  	s1 =	ssub.s32 s25, s6;
	s0 =	sshrl.u32 s0, $0x3;
	[sflag:s20] =	ssyncset.done $0x0  }
0x9f: {  	s26 =	smul.u32 $0xA0000, s1;
	s0 =	sadd.s32 s5, s0;
	[sflag:s20] =	ssyncadd.s32 $0xFFFFC000  }
0xa0: {  	[hbm4b:s0+s2] =	stream.linear.scatter [tilespmem:s16], [sflag:$0x8], $0x4000, $0x38;
	[tilespmem:$0x11000] =	vst v63  }
0xa1: {  	_ =	swait.ge [sflag:s18], $0x4000  }
0xa2: {  	s28 =	sshll.u32 s28, $0x7;
	s0 =	sshrl.u32 s26, $0x3;
	[sflag:s18] =	ssyncset.done $0x0  }
0xa3: {  	s1 =	sand.u32 $0x3FFFFF80, s28;
	s0 =	sadd.s32 s3, s0;
	[sflag:s18] =	ssyncadd.s32 $0xFFFFC000  }
0xa4: {  	[tilespmem:s15], [sflag:$0x3] =	stream.indirect.gather [hbm4b:s0+s12], $0x80, s1, s12, $0xb8;
	[tilespmem:$0x11000] =	vst v63  }
0xa5: {  	_ =	swait.ge [sflag:s13], $0x4000  }
0xa6: {  	[sflag:s13] =	ssyncset.done $0x0  }
0xa7: {  	[sflag:s13] =	ssyncadd.s32 $0xFFFFC000  }
0xa8: {  	_ =	swait.ge [sflag:s17], $0x4000  }
0xa9: {  	[sflag:s17] =	ssyncset.done $0x0  }
0xaa: {  	[sflag:s17] =	ssyncadd.s32 $0xFFFFC000  }
0xab: {  	_ =	swait.ge [sflag:s19], $0x4000  }
0xac: {  	[sflag:s19] =	ssyncset.done $0x0  }
0xad: {  	s29 =	simm.s32 $0x8;
	[sflag:s19] =	ssyncadd.s32 $0xFFFFC000  }
0xae: {  	_ =	swait.ge [sflag:s29], $0x4000  }
0xaf: {  	s30 =	rddreg [dreg:$0x7]  }
0xb0: {  	s31 =	rddreg [dreg:$0x6];
	s6 =	sadd.s32 $0x1, s30  }
0xb1: {  	p0 =	sne.s32 s6, s31  }
.Ltmp1:
0xb2: {  	_ = 	snop;
	(pc) =	sbr.rel @p0 .LBB2_1-.Ltmp1, $3  }
0xb3: {  	_ =	sdelay $0x1  }
0xb4: {  	s21 =	simm.s32 $0xD000;
	[sflag:s29] =	ssyncset.done $0x0  }
0xb5: {  	s7 =	simm.s32 $0x9000;
	s22 =	simm.s32 $0x3;
	[sflag:s29] =	ssyncadd.s32 $0xFFFFC000  }
0xb6: {  	_ =	sfence.sel $0x180000  }
0xb7: {  	[bflag:$0x0] =	sbarrier.arrive $0xFFFF  }
0xb8: {  	_ =	strace $0x90000053  }
0xb9: {  	s0 =	stileid.u32;
	[bflag:$0x2] =	sbarrier.arrive $0xFFFF  }
0xba: {  	p0 =	sne.s32 s0, $0x0;
	s0 =	rddreg [dreg:$0x1]  }
0xbb: {  	s0 =	sadd.s32 @!p0 $0x100000, s0  }
0xbc: {  	[sflag:s0] =	ssyncadd.tile.s32 @!p0 $0x1;
	_ =	shalt  }
.Lfunc_end2:
_tile_overlayer_lowered:
.L_overlay_start_2:
0xbd: {  	(tag) =	ssettag $0x2  }
0xbe: {  	s0 =	rddreg [dreg:$0x0];
	s2 =	stileid.u32  }
0xbf: {  	s1 =	rddreg [dreg:$0x1];
	p0 =	sne.s32 s2, $0x0  }
0xc0: {  	s3 =	rddreg [dreg:$0x2];
	[bflag:$0x3] =	sbarrier.arrive $0xFFFF;
	s2 =	simm.s32 @!p0 $0x1C09  }
0xc1: {  	[timem:s3], [sflag:s2] =	dma.local @!p0 [hbm:s0], s1  }
0xc2: {  	s0 =	simm.s32 @!p0 $0x9  }
0xc3: {  	_ =	swait.ge @!p0 [sflag:s0], s1  }
0xc4: {  	s1 =	ssub.s32 @!p0 $0x0, s1;
	[sflag:s0] =	ssyncset.done @!p0 $0x0  }
0xc5: {  	[sflag:s0] =	ssyncadd.s32 @!p0 s1  }
0xc6: {  	[bflag:$0x3] =	sbarrier.arrive $0xFFFF  }
0xc7: {  	_ =	shalt  }

// kernel: kernel.9.cloned.1.call-start
scs
__scs_entry_jumppad:
0x0: {  	(pc) =	sbr.rel $0x88, $3  }
0x1: {  	(tag) =	ssettag $0x0;
	lr =	simm.s32 $0x1  }
0x2: {  	[smem:$0x3F9C] =	sst lr;
	_ =	strace $0xD0000000  }
0x3: {  	_ = 	snop  }
0x4: {  	_ = 	snop  }
0x5: {  	_ = 	snop  }
0x6: {  	_ = 	snop  }
0x7: {  	_ = 	snop  }
__scs_overlays_trampoline_lowered:
0x8: {  	[smem:$0x3FAB] =	sst s0  }
0x9: {  	[smem:$0x3FAC] =	sst s1  }
0xa: {  	[smem:$0x3FAD] =	sst s2  }
0xb: {  	[smem:$0x3FAE] =	sst s3  }
0xc: {  	[smem:$0x3FAF] =	sst s4  }
0xd: {  	[smem:$0x3FB0] =	sst s5  }
0xe: {  	[smem:$0x3FB1] =	sst s6  }
0xf: {  	[smem:$0x3FB2] =	sst s7  }
0x10: {  	[smem:$0x3FB3] =	sst s8  }
0x11: {  	[smem:$0x3FB4] =	sst s9;
	s0 =	simm.s32 @!p0 $0x0  }
0x12: {  	s1 =	sld [smem:$0x3F9A];
	s0 =	simm.s32 @p0 $0x1  }
0x13: {  	[smem:$0x3FB5] =	sst s0;
	s0 =	simm.s32 @!p1 $0x0  }
0x14: {  	s2 =	sld [smem:$0x3F99];
	s0 =	simm.s32 @p1 $0x1  }
0x15: {  	[smem:$0x3FB6] =	sst s0;
	s0 =	simm.s32 @!p2 $0x0  }
0x16: {  	s3 =	sld [smem:$0x3FDB];
	s0 =	simm.s32 @p2 $0x1  }
0x17: {  	s4 =	simm.s32 $0x1BF5;
	[smem:$0x3FB8] =	sst s0  }
0x18: {  	s0 =	sld [smem:$0x3F9B];
	_ =	swait.ge [sflag:s4], $0x0  }
0x19: {  	s7 =	sld [smem:$0x3F9C]  }
0x1a: {  	s8 =	sadd.s32 $0xFFFFE003, lr  }
0x1b: {  	s9 =	sadd.s32 $0xFFFFFEF7, lr;
	s5 =	simm.s32 $0xFFFFFFFF;
	p2 =	slt.u32 s8, $0xFFFFF086  }
0x1c: {  	p1 =	slt.u32 s9, $0xF7A;
	s5 =	simm.s32 @!p2 $0x0  }
0x1d: {  	s5 =	simm.s32 @p1 $0x1;
	p0 =	seq.s32 s7, s2  }
0x1e: {  	s7 =	smul.u32 @!p0 $0xF7A, s2;
	p2 =	seq.s32 @!p0 s5, $0x0  }
0x1f: {  	s9 =	smul.u32 $0xF7A, s1;
	s8 =	simm.s32 @!p0 $0x1BF5;
	p2 =	por !p2, p0  }
0x20: {  	[sflag:s8] =	ssyncset.s32 @!p0 $0xFFFFF086;
	s6 =	sadd.s32 @!p0 s3, s7;
	s7 =	simm.s32 @!p0 $0x108  }
0x21: {  	s3 =	sadd.s32 s3, s9;
	s6 =	sadd.s32 @!p0 $0x88, s6;
	s7 =	simm.s32 @p2 $0x1082  }
0x22: {  	[simem:s7], [sflag:s8] =	dma.local @!p0 [hbm:s6], $0xF7A  }
0x23: {  	s9 =	sor.u32 $0xD0000000, s2;
	s6 =	simm.s32 $0x108;
	_ =	swait.ge @!p0 [sflag:s8], $0x0  }
0x24: {  	s3 =	sadd.s32 $0x88, s3;
	s6 =	simm.s32 @!p1 $0x1082;
	[sflag:s4] =	ssyncset.s32 $0xFFFFF086  }
0x25: {  	[simem:s6], [sflag:s4] =	dma.local [hbm:s3], $0xF7A  }
0x26: {  	[smem:$0x3F9C] =	sst s1;
	(tag) =	ssettag s2;
	_ =	strace s9  }
0x27: {  	s1 =	sld [smem:$0x3FAC]  }
0x28: {  	s2 =	sld [smem:$0x3FAD]  }
0x29: {  	s4 =	sld [smem:$0x3FAF]  }
0x2a: {  	p0 =	seq.s32 s5, $0x0;
	s5 =	sld [smem:$0x3FB0]  }
0x2b: {  	s6 =	sld [smem:$0x3FB1]  }
0x2c: {  	s7 =	sld [smem:$0x3FB2]  }
0x2d: {  	s3 =	simm.s32 $0x108;
	s8 =	sld [smem:$0x3FB3]  }
0x2e: {  	s3 =	simm.s32 @!p0 $0x1082;
	s9 =	sld [smem:$0x3FB4]  }
0x2f: {  	lr =	sadd.s32 s0, s3;
	s0 =	sld [smem:$0x3FAB]  }
0x30: {  	s3 =	sld [smem:$0x3FAE]  }
0x31: {  	[smem:$0x3FB7] =	sst s10  }
0x32: {  	s10 =	sld [smem:$0x3FB5];
	_ =	sdelay $0x3  }
0x33: {  	p0 =	seq.s32 s10, $0x1;
	s10 =	sld [smem:$0x3FB7];
	_ =	sdelay $0x3  }
0x34: {  	[smem:$0x3FB7] =	sst s10  }
0x35: {  	s10 =	sld [smem:$0x3FB6];
	_ =	sdelay $0x3  }
0x36: {  	p1 =	seq.s32 s10, $0x1;
	s10 =	sld [smem:$0x3FB7];
	_ =	sdelay $0x3  }
0x37: {  	[smem:$0x3FB7] =	sst s10  }
0x38: {  	s10 =	sld [smem:$0x3FB8]  }
0x39: {  	_ = 	snop;
	(pc) =	sbr.ind lr, $3  }
0x3a: {  	_ = 	snop  }
0x3b: {  	_ = 	snop  }
0x3c: {  	p2 =	seq.s32 s10, $0x1;
	s10 =	sld [smem:$0x3FB7]  }
0x3d: {  	_ =	shalt  }
0x3e: {  	_ =	shalt  }
0x3f: {  	_ =	shalt  }
0x40: {  	_ =	shalt  }
0x41: {  	_ =	shalt  }
0x42: {  	_ =	shalt  }
0x43: {  	_ =	shalt  }
0x44: {  	_ =	shalt  }
0x45: {  	_ =	shalt  }
0x46: {  	_ =	shalt  }
0x47: {  	_ =	shalt  }
0x48: {  	_ =	shalt  }
0x49: {  	_ =	shalt  }
0x4a: {  	_ =	shalt  }
0x4b: {  	_ =	shalt  }
0x4c: {  	_ =	shalt  }
0x4d: {  	_ =	shalt  }
0x4e: {  	_ =	shalt  }
0x4f: {  	_ =	shalt  }
0x50: {  	_ =	shalt  }
0x51: {  	_ =	shalt  }
0x52: {  	_ =	shalt  }
0x53: {  	_ =	shalt  }
0x54: {  	_ =	shalt  }
0x55: {  	_ =	shalt  }
0x56: {  	_ =	shalt  }
0x57: {  	_ =	shalt  }
0x58: {  	_ =	shalt  }
0x59: {  	_ =	shalt  }
0x5a: {  	_ =	shalt  }
0x5b: {  	_ =	shalt  }
0x5c: {  	_ =	shalt  }
0x5d: {  	_ =	shalt  }
0x5e: {  	_ =	shalt  }
0x5f: {  	_ =	shalt  }
0x60: {  	_ =	shalt  }
0x61: {  	_ =	shalt  }
0x62: {  	_ =	shalt  }
0x63: {  	_ =	shalt  }
0x64: {  	_ =	shalt  }
0x65: {  	_ =	shalt  }
0x66: {  	_ =	shalt  }
0x67: {  	_ =	shalt  }
0x68: {  	_ =	shalt  }
0x69: {  	_ =	shalt  }
0x6a: {  	_ =	shalt  }
0x6b: {  	_ =	shalt  }
0x6c: {  	_ =	shalt  }
0x6d: {  	_ =	shalt  }
0x6e: {  	_ =	shalt  }
0x6f: {  	_ =	shalt  }
0x70: {  	_ =	shalt  }
0x71: {  	_ =	shalt  }
0x72: {  	_ =	shalt  }
0x73: {  	_ =	shalt  }
0x74: {  	_ =	shalt  }
0x75: {  	_ =	shalt  }
0x76: {  	_ =	shalt  }
0x77: {  	_ =	shalt  }
0x78: {  	_ =	shalt  }
0x79: {  	_ =	shalt  }
0x7a: {  	_ =	shalt  }
0x7b: {  	_ =	shalt  }
0x7c: {  	_ =	shalt  }
0x7d: {  	_ =	shalt  }
0x7e: {  	_ =	shalt  }
0x7f: {  	_ =	shalt  }
0x80: {  	_ =	shalt  }
0x81: {  	_ =	shalt  }
0x82: {  	_ =	shalt  }
0x83: {  	_ =	shalt  }
0x84: {  	_ =	shalt  }
0x85: {  	_ =	shalt  }
0x86: {  	_ =	shalt  }
0x87: {  	_ =	shalt  }
.Lfunc_end0:
.L_simem_size_0:
called_computation_lowered:
.L_overlay_start_0:
0x88: {  	s2 =	sld [smem:$0x3FD9]  }
0x89: {  	s3 =	sld [smem:$0x3FFE];
	_ =	sdelay $0x1  }
0x8a: {  	s1 =	srdreg.scid  }
0x8b: {  	s0 =	sand.u32 $0x1, s1  }
0x8c: {  	s14 =	sshll.u32 s0, $0xA;
	s2 =	sadd.s32 s3, s2  }
0x8d: {  	s2 =	sadd.s32 s2, s14  }
0x8e: {  	[smem:$0x3FC3] =	sst s2  }
0x8f: {  	_ = 	snop  }
0x90: {  	s2 =	sld [smem:$0x3FD0];
	_ =	sdelay $0x2  }
0x91: {  	s15 =	simm.s32 $0xA;
	s4 =	simm.s32 $0x10  }
0x92: {  	[smem:s4], [sflag:s15] =	dma.local [hbm:s2], $0x1  }
0x93: {  	_ =	swait.eq [sflag:s15], $0x1  }
0x94: {  	[sflag:s15] =	ssyncset.done $0x0  }
0x95: {  	[sflag:s15] =	ssyncadd.s32 $0xFFFFFFFF  }
0x96: {  	s16 =	sld [smem:$0x10];
	(tm) =	ssettm $0x1  }
0x97: {  	s17 =	sld [smem:$0x3FFB];
	_ =	sdelay $0x3  }
0x98: {  	_ =	strace s17  }
0x99: {  	s3 =	sld [smem:$0x3FFC];
	_ =	sdelay $0x3  }
0x9a: {  	_ =	strace s3  }
0x9b: {  	s3 =	sld [smem:$0x3FFD];
	_ =	sdelay $0x3  }
0x9c: {  	_ =	strace s3  }
0x9d: {  	_ =	strace $0x8FFFFFFF  }
0x9e: {  	s18 =	sld [smem:$0x3FDB];
	_ =	sdelay $0x1  }
0x9f: {  	s19 =	simm.s32 $_scs_section_size  }
0xa0: {  	s5 =	simm.s32 $_size__tile_overlayer_lowered;
	s6 =	simm.s32 $_tile_overlayer_lowered  }
0xa1: {  	s22 =	simm.s32 $0x1BFF;
	s21 =	sshll.u32 s6, $0x1;
	s3 =	sadd.s32 s19, s18  }
0xa2: {  	s7 =	simm.s32 $0x0;
	s20 =	sshll.u32 s5, $0x1;
	s5 =	sadd.s32 s21, s3  }
0xa3: {  	[timem:s7], [sflag:s22] =	dma.local [hbm:s5], s20  }
0xa4: {  	_ =	swait.ge [sflag:s22], s20  }
0xa5: {  	s4 =	ssub.s32 $0x0, s20;
	[sflag:s22] =	ssyncset.done $0x0  }
0xa6: {  	[sflag:s22] =	ssyncadd.s32 s4;
	_ =	sdelay $0x1  }
0xa7: {  	s23 =	simm.s32 $0x1B8B  }
0xa8: {  	_ =	swait.ge [sflag:s23], $0x1  }
0xa9: {  	[sflag:s23] =	ssyncset.done $0x0  }
0xaa: {  	s25 =	simm.s32 $0x1B8E;
	s24 =	sld [smem:$0x3FFE];
	[sflag:s23] =	ssyncadd.s32 $0xFFFFFFFF  }
0xab: {  	s26 =	simm.s32 $execute0_lowered;
	[smem:$0x3FD2] =	sst s25  }
0xac: {  	s5 =	sshll.u32 s26, $0x1;
	_ =	strace $0x80000046;
	[dreg:$0x1] =	wrdreg $0xFFFFFFFF  }
0xad: {  	s28 =	simm.s32 $_size_execute0_lowered;
	s3 =	sadd.s32 s3, s5;
	[dreg:$0x0] =	wrdreg $0x0  }
0xae: {  	s5 =	sshll.u32 s28, $0x1;
	[dreg:$0x2] =	wrdreg s3  }
0xaf: {  	[dreg:$0x3] =	wrdreg s5  }
0xb0: {  	[dreg:$0x4] =	wrdreg $0xC0  }
0xb1: {  	_ =	task [dreg:s7], $0x5FFFF  }
0xb2: {  	[dreg:$0x1] =	wrdreg $0xFFFFFFFF  }
0xb3: {  	[dreg:$0x0] =	wrdreg $0x60  }
0xb4: {  	[dreg:$0x2] =	wrdreg s24  }
0xb5: {  	[dreg:$0x3] =	wrdreg s16  }
0xb6: {  	[dreg:$0x4] =	wrdreg $0x5E000  }
0xb7: {  	[dreg:$0x5] =	wrdreg $0x9  }
0xb8: {  	_ =	task.clear_ibuf [dreg:s7], $0x6FFFF;
	_ =	strace $0x90000046  }
0xb9: {  	s29 =	simm.s32 $0x9;
	_ =	strace $0x80000048  }
0xba: {  	_ =	swait.ge [sflag:s29], $0x1  }
0xbb: {  	[sflag:s29] =	ssyncadd.s32 $0xFFFFFFFF  }
0xbc: {  	_ =	strace $0x90000048  }
0xbd: {  	_ =	sfence  }
0xbe: {  	s30 =	sld [smem:$0x0];
	_ =	sdelay $0x2  }
0xbf: {  	s31 =	sshll.u32 s1, $0xD;
	s1 =	sshrl.u32 s1, $0x2  }
0xc0: {  	s3 =	sand.u32 $0x4000, s31;
	s1 =	sadd.s32 s1, s30  }
0xc1: {  	s0 =	sor.u32 s3, s0;
	s1 =	sshll.u32 s1, $0x11  }
0xc2: {  	s0 =	sor.u32 s1, s0  }
0xc3: {  	s0 =	sadd.s32 $0x8F2B, s0  }
0xc4: {  	[sflag:s0] =	ssyncadd.remote.s32 $0x1  }
0xc5: {  	_ =	sfence.sel $0xFFFF  }
0xc6: {  	[dreg:$0x0] =	wrdreg $0xFFFFFFFF;
	(pc) =	sbr.abs _section_cstart, $3  }
0xc7: {  	[dreg:$0x1] =	wrdreg $0xFFFFFFFF  }
0xc8: {  	_ =	task.clear_ibuf [dreg:s7], $0x2FFFF;
	_ =	strace $0x9FFFFFFF  }
0xc9: {  	(tm) =	ssettm $0x7FFFFFFF  }
tec
execute0_lowered:
.L_overlay_start_1:
0x0: {  	(tag) =	ssettag $0x1  }
0x1: {  	s4 =	rddreg [dreg:$0x0]  }
0x2: {  	s0 =	srdreg.scid;
	s6 =	rddreg [dreg:$0x1]  }
0x3: {  	s2 =	rddreg [dreg:$0x2];
	s5 =	sand.u32 $0x1, s0  }
0x4: {  	s0 =	stileid.u32;
	s7 =	smul.u32 $0x5C000, s5  }
0x5: {  	s1 =	rddreg [dreg:$0x3];
	s3 =	simm.s32 $0x0;
	s8 =	smul.u32 $0x5C00, s0  }
0x6: {  	s11 =	simm.s32 $0x5C00;
	s12 =	simm.s32 $0x0;
	s9 =	smul.u32 $0x140, s0  }
0x7: {  	[smem:$0x7FF] =	sst s3;
	s10 =	smul.u32 $0x1400, s5;
	s5 =	ssub.s32 $0x2, s5  }
0x8: {  	_ =	strace $0x80000047;
	s31 =	sshrl.u32 s5, $0x1;
	s7 =	sadd.s32 s8, s7  }
0x9: {  	s10 =	sadd.s32 s9, s10;
	s8 =	ssub.s32 s5, s31;
	s7 =	sshrl.u32 s7, $0x3  }
0xa: {  	s10 =	sshrl.u32 s10, $0x3;
	s7 =	sadd.s32 s7, s4;
	s4 =	sadd.s32 s9, s2  }
0xb: {  	s6 =	sadd.s32 s6, s10;
	s9 =	simm.s32 $0x1;
	s10 =	simm.s32 $0x70  }
0xc: {  	v0 =	vimm.f32 $1.000000000e+00;
	v1 =	vimm.f32 $0.0e+00;
	s5 =	sadd.s32 $0x2A00, s7;
	s7 =	smax.u32 s8, $0x1;
	s8 =	simm.s32 $0x5C80  }
.LBB2_1:
0xd: {  	[tilespmem:$0x5C00] =	vst v0  }
0xe: {  	[tilespmem:$0x5C10] =	vst v0  }
0xf: {  	[tilespmem:$0x5C20] =	vst v0  }
0x10: {  	[tilespmem:$0x5C30] =	vst v0  }
0x11: {  	[tilespmem:$0x5C40] =	vst v0  }
0x12: {  	[tilespmem:$0x5C50] =	vst v0  }
0x13: {  	[tilespmem:$0x5C60] =	vst v0  }
0x14: {  	[tilespmem:$0x5C80] =	vst v1  }
0x15: {  	[tilespmem:$0x5C90] =	vst v1  }
0x16: {  	[tilespmem:$0x5CA0] =	vst v1  }
0x17: {  	[tilespmem:$0x5CB0] =	vst v1  }
0x18: {  	[tilespmem:$0x5CC0] =	vst v1  }
0x19: {  	[tilespmem:$0x5CD0] =	vst v1  }
0x1a: {  	[tilespmem:$0x5CE0] =	vst v1  }
0x1b: {  	[tilespmem:$0x5CF0] =	vst v1  }
0x1c: {  	[tilespmem:$0x5D00] =	vst v1  }
0x1d: {  	[tilespmem:$0x5D10] =	vst v1  }
0x1e: {  	[tilespmem:$0x5D20] =	vst v1  }
0x1f: {  	[tilespmem:$0x5D30] =	vst v1  }
0x20: {  	[tilespmem:$0x5D40] =	vst v1  }
0x21: {  	[tilespmem:$0x5D50] =	vst v1  }
0x22: {  	[tilespmem:$0x5D60] =	vst v1  }
0x23: {  	[tilespmem:$0x5D70] =	vst v1  }
0x24: {  	[tilespmem:$0x5D80] =	vst v1  }
0x25: {  	[tilespmem:$0x5D90] =	vst v1  }
0x26: {  	[tilespmem:$0x5DA0] =	vst v1  }
0x27: {  	[tilespmem:$0x5DB0] =	vst v1  }
0x28: {  	[spmem:s4] =	stream.linear.scatter [tilespmem:s8], [sflag:$0x1], $0x140, $0x38;
	[tilespmem:$0x5F40] =	vst v63  }
0x29: {  	_ =	swait.ge [sflag:s9], $0x140  }
0x2a: {  	[sflag:s9] =	ssyncset.done $0x0  }
0x2b: {  	[sflag:s9] =	ssyncadd.s32 $0xFFFFFEC0  }
0x2c: {  	[tilespmem:s3], [sflag:$0x1] =	stream.linear.gather [hbm4b:s5+s3], $0x5A00, $0x38;
	[tilespmem:$0x5F40] =	vst v63  }
0x2d: {  	_ =	swait.ge [sflag:s9], $0x5A00  }
0x2e: {  	[sflag:s9] =	ssyncset.done $0x0  }
0x2f: {  	[sflag:s9] =	ssyncadd.s32 $0xFFFFA600  }
0x30: {  	s13 =	simm.s32 $0x0;
	[bflag:$0x0] =	sbarrier.arrive $0xFFFF  }
0x31: {  	[spmem:s2] =	stream.indirect.scatter.add.f32 [tilespmem:s11], [sflag:$0x1], $0x1, s13, s10, $0xb8;
	[tilespmem:$0x5F40] =	vst v63  }
0x32: {  	_ =	swait.ge [sflag:s9], $0x70  }
0x33: {  	s13 =	simm.s32 $0x200;
	[sflag:s9] =	ssyncset.done $0x0  }
.LBB2_2:
0x34: {  	s14 =	sshra.s32 s13, $0x2;
	[sflag:s9] =	ssyncadd.s32 $0xFFFFFF90;
	p0 =	sne.s32 s13, $0x16600  }
0x35: {  	[spmem:s2] =	stream.indirect.scatter.add.f32 [tilespmem:s11], [sflag:$0x1], $0x1, s14, s10, $0xb8;
	[tilespmem:$0x5F40] =	vst v63  }
.Ltmp0:
0x36: {  	_ = 	snop;
	(pc) =	sbr.rel @p0 .LBB2_2-.Ltmp0, $4  }
0x37: {  	_ = 	snop  }
0x38: {  	s13 =	sadd.s32 $0x200, s13  }
0x39: {  	_ =	swait.ge [sflag:s9], $0x70  }
0x3a: {  	[sflag:s9] =	ssyncset.done $0x0  }
0x3b: {  	[sflag:s9] =	ssyncadd.s32 $0xFFFFFF90  }
0x3c: {  	[bflag:$0x0] =	sbarrier.arrive $0xFFFF  }
0x3d: {  	[tilespmem:s8], [sflag:$0x1] =	stream.linear.gather [spmem:s4], $0x140, $0x38;
	[tilespmem:$0x5F40] =	vst v63  }
0x3e: {  	s12 =	sadd.s32 $0x1, s12;
	_ =	swait.ge [sflag:s9], $0x140  }
0x3f: {  	p0 =	sne.s32 s12, s7;
	[sflag:s9] =	ssyncset.done $0x0  }
.Ltmp1:
0x40: {  	[sflag:s9] =	ssyncadd.s32 $0xFFFFFEC0;
	(pc) =	sbr.rel @p0 .LBB2_1-.Ltmp1, $4  }
0x41: {  	[hbm4b:s6+s3] =	stream.linear.scatter [tilespmem:s8], [sflag:$0x1], $0x140, $0x38;
	[tilespmem:$0x5F40] =	vst v63  }
0x42: {  	_ =	swait.ge [sflag:s9], $0x140  }
0x43: {  	[sflag:s9] =	ssyncset.done $0x0  }
0x44: {  	[sflag:s9] =	ssyncadd.s32 $0xFFFFFEC0  }
0x45: {  	_ =	sfence.sel $0x180000  }
0x46: {  	[bflag:$0x0] =	sbarrier.arrive $0xFFFF  }
0x47: {  	p0 =	sne.s32 s0, $0x0;
	_ =	strace $0x90000047  }
0x48: {  	s0 =	sadd.s32 @!p0 $0x100000, s1;
	[bflag:$0x2] =	sbarrier.arrive $0xFFFF  }
0x49: {  	[sflag:s0] =	ssyncadd.tile.s32 @!p0 $0x1;
	_ =	shalt  }
.Lfunc_end2:
_tile_overlayer_lowered:
.L_overlay_start_2:
0x4a: {  	(tag) =	ssettag $0x2  }
0x4b: {  	s0 =	rddreg [dreg:$0x0];
	s2 =	stileid.u32  }
0x4c: {  	s1 =	rddreg [dreg:$0x1];
	p0 =	sne.s32 s2, $0x0  }
0x4d: {  	s3 =	rddreg [dreg:$0x2];
	[bflag:$0x3] =	sbarrier.arrive $0xFFFF;
	s2 =	simm.s32 @!p0 $0x1C01  }
0x4e: {  	[timem:s3], [sflag:s2] =	dma.local @!p0 [hbm:s0], s1  }
0x4f: {  	s0 =	simm.s32 @!p0 $0x1  }
0x50: {  	_ =	swait.ge @!p0 [sflag:s0], s1  }
0x51: {  	s1 =	ssub.s32 @!p0 $0x0, s1;
	[sflag:s0] =	ssyncset.done @!p0 $0x0  }
0x52: {  	[sflag:s0] =	ssyncadd.s32 @!p0 s1  }
0x53: {  	[bflag:$0x3] =	sbarrier.arrive $0xFFFF  }
0x54: {  	_ =	shalt  }

</sc_bundles>
